<compile_context>
chip_gen: v7x
topology: tpu7x:2x2x1
jax: 0.10.2.dev20260603
libtpu: 0.0.44.dev20260713+nightly
codegen_flags: <defaults>
</compile_context>

<pallas_src>
import functools

import jax
import jax.numpy as jnp
from jax import lax
from jax.experimental import pallas as pl
from jax.experimental.pallas import tpu as pltpu
from jax.experimental.pallas import tpu_sc as plsc

B = 64
H = 768
L = 24576
K = 64

ENC_BL = 4096
DEC_BL = 4096

NV = L // 16
SPAN = 96
NSP = NV // SPAN
CAP = L + 16

_u32 = jnp.uint32
_i32 = jnp.int32


def _sortable(v):
    ub = lax.bitcast_convert_type(v, _u32)
    return jnp.where((ub >> 31) == 1, ~ub, ub | _u32(0x80000000))



def _encode_body(x_ref, pb_ref, w_ref, lb_ref, out_ref):
    xm = x_ref[...] - pb_ref[...]
    acc = lax.dot_general(
        xm, w_ref[...], (((1,), (1,)), ((), ())),
        preferred_element_type=jnp.float32)
    out_ref[...] = acc + lb_ref[...]



def _ssum(v_i32):
    return lax.reduce_sum(v_i32, axes=(0,))


def _sc_topk_fn():
    mesh = plsc.VectorSubcoreMesh(core_axis_name="c", subcore_axis_name="s")

    @functools.partial(
        pl.kernel, mesh=mesh,
        compiler_params=pltpu.CompilerParams(needs_layout_passes=False),
        out_type=(jax.ShapeDtypeStruct((B, 16), _i32),
                  jax.ShapeDtypeStruct((B, 16), _i32)),
        scratch_types=[
            pltpu.VMEM((L,), jnp.float32),
            pltpu.VMEM((L,), _u32),
            pltpu.VMEM((NSP * 16,), _u32),
            pltpu.VMEM((CAP,), _u32),
            pltpu.VMEM((CAP,), _i32),
            pltpu.VMEM((16,), _i32),
            pltpu.VMEM((16,), _i32),
            pltpu.SemaphoreType.DMA,
        ],
    )
    def sc_topk(pre_hbm, t_hbm, c_hbm, row_v, keys_v, m2_v,
                ck_v, ci_v, to_v, co_v, sem):
        c = lax.axis_index("c")
        s = lax.axis_index("s")
        wid = s * 2 + c
        r0 = wid * 2

        lanes = lax.iota(_i32, 16)

        def popcnt(mask):
            return plsc.all_reduce_population_count(mask)[0]

        pltpu.async_copy(pre_hbm.at[r0], row_v, sem).wait()

        def do_row(rr, next_r, prefetch):
            def p1_span(sp, _):
                def p1_v(i, ms):
                    m2a, m2b = ms
                    j = sp * SPAN + i * 2
                    ka = _sortable(row_v[pl.ds(j * 16, 16)])
                    kb = _sortable(row_v[pl.ds((j + 1) * 16, 16)])
                    keys_v[pl.ds(j * 16, 16)] = ka
                    keys_v[pl.ds((j + 1) * 16, 16)] = kb
                    return (jnp.maximum(m2a, ka), jnp.maximum(m2b, kb))
                z = jnp.zeros((16,), _u32)
                m2a, m2b = lax.fori_loop(0, SPAN // 2, p1_v, (z, z),
                                         unroll=4)
                m2_v[pl.ds(sp * 16, 16)] = jnp.maximum(m2a, m2b)
                return 0

            lax.fori_loop(0, NSP, p1_span, 0)

            nxt = (pltpu.async_copy(pre_hbm.at[next_r], row_v, sem)
                   if prefetch else None)

            def t0_bit(i, T):
                cand = T | (_u32(1) << (_u32(31) - i.astype(_u32)))

                def acc(j, cv):
                    return cv + (m2_v[pl.ds(j * 16, 16)] >= cand).astype(_i32)

                cnt = _ssum(lax.fori_loop(0, NSP, acc,
                                          jnp.zeros((16,), _i32), unroll=4))
                return jnp.where(cnt >= K, cand, T)

            t0 = lax.fori_loop(0, 32, t0_bit, _u32(0))

            PB = 16

            def p2(jb, off):
                kks = []
                ms = []
                pcs = []
                for t in range(PB):
                    kk = keys_v[pl.ds((jb * PB + t) * 16, 16)]
                    m = kk >= t0
                    kks.append(kk)
                    ms.append(m)
                    pcs.append(popcnt(m))
                for t in range(PB):
                    plsc.store_compressed(ck_v.at[pl.ds(off, 16)], kks[t],
                                          mask=ms[t])
                    plsc.store_compressed(ci_v.at[pl.ds(off, 16)],
                                          lanes + (jb * PB + t) * 16,
                                          mask=ms[t])
                    off = off + pcs[t]
                return off

            ncand = lax.fori_loop(0, NV // PB, p2, _i32(0))

            ck_v[pl.ds(ncand, 16)] = jnp.zeros((16,), _u32)
            ci_v[pl.ds(ncand, 16)] = jnp.full((16,), L, _i32)
            nv = (ncand + 15) // 16

            def p3_bit(i, T):
                cand = T | (_u32(1) << (_u32(31) - i.astype(_u32)))

                def acc(j, cv):
                    return cv + (ck_v[pl.ds(j * 16, 16)] >= cand).astype(_i32)

                cnt = _ssum(lax.fori_loop(0, nv, acc,
                                          jnp.zeros((16,), _i32)))
                return jnp.where(cnt >= K, cand, T)

            tkey = lax.fori_loop(0, 32, p3_bit, _u32(0))

            def acc_gt(j, cv):
                return cv + (ck_v[pl.ds(j * 16, 16)] > tkey).astype(_i32)

            cnt_gt = _ssum(lax.fori_loop(0, nv, acc_gt,
                                         jnp.zeros((16,), _i32)))
            need = K - cnt_gt

            def p4(j, st):
                acc2, cidx = st
                tie = (ck_v[pl.ds(j * 16, 16)] == tkey)
                ti = tie.astype(_i32)
                cnt = _ssum(ti)
                cs = plsc.cumsum(ti)
                want = need - acc2
                m = tie & (cs == want)
                lane = lax.reduce_min(jnp.where(m, lanes, 16), axes=(0,))
                hit = (acc2 < need) & (lane < 16)
                idxv = _ssum(jnp.where(lanes == lane,
                                       ci_v[pl.ds(j * 16, 16)], 0))
                cidx = jnp.where(hit, idxv + 1, cidx)
                return (acc2 + cnt, cidx)

            _, cfin = lax.fori_loop(0, nv, p4, (_i32(0), _i32(0)))

            to_v[...] = jnp.full((16,), lax.bitcast_convert_type(tkey, _i32),
                                 _i32)
            co_v[...] = jnp.full((16,), cfin, _i32)
            pltpu.sync_copy(to_v, t_hbm.at[rr])
            pltpu.sync_copy(co_v, c_hbm.at[rr])
            return nxt

        nxt = do_row(r0, r0 + 1, True)
        nxt.wait()
        do_row(r0 + 1, r0 + 1, False)

    return sc_topk




def _decode_body(pre_ref, w_ref, t_ref, c_ref, pb_ref, lat_ref, xhat_ref):
    j = pl.program_id(0)
    pre = pre_ref[...]
    key = _sortable(pre)
    T = lax.bitcast_convert_type(t_ref[:, :1], _u32)
    C = c_ref[:, :1]
    idx = lax.broadcasted_iota(_i32, (B, DEC_BL), 1) + j * DEC_BL
    keep = (key > T) | ((key == T) & (idx < C))
    lat = jnp.where(keep, pre, 0.0)
    lat_ref[:, 0, :] = lat
    part = lax.dot_general(
        lat, w_ref[...], (((1,), (1,)), ((), ())),
        preferred_element_type=jnp.float32)

    @pl.when(j == 0)
    def _():
        xhat_ref[:, 0, :] = jnp.broadcast_to(pb_ref[...], (B, H))

    xhat_ref[:, 0, :] += part


@jax.jit
def kernel(x, W_enc, W_dec, pre_bias, latent_bias):
    x2d = x.reshape(B, H)
    pb = pre_bias.reshape(1, H)
    lb = latent_bias.reshape(1, L)

    pre = pl.pallas_call(
        _encode_body,
        grid=(L // ENC_BL,),
        in_specs=[
            pl.BlockSpec((B, H), lambda j: (0, 0)),
            pl.BlockSpec((1, H), lambda j: (0, 0)),
            pl.BlockSpec((ENC_BL, H), lambda j: (j, 0)),
            pl.BlockSpec((1, ENC_BL), lambda j: (0, j)),
        ],
        out_specs=pl.BlockSpec((B, ENC_BL), lambda j: (0, j)),
        out_shape=jax.ShapeDtypeStruct((B, L), jnp.float32),
    )(x2d, pb, W_enc, lb)

    T, C = _sc_topk_fn()(pre)

    latents, x_hat = pl.pallas_call(
        _decode_body,
        grid=(L // DEC_BL,),
        in_specs=[
            pl.BlockSpec((B, DEC_BL), lambda j: (0, j)),
            pl.BlockSpec((H, DEC_BL), lambda j: (0, j)),
            pl.BlockSpec((B, 16), lambda j: (0, 0)),
            pl.BlockSpec((B, 16), lambda j: (0, 0)),
            pl.BlockSpec((1, H), lambda j: (0, 0)),
        ],
        out_specs=(pl.BlockSpec((B, 1, DEC_BL), lambda j: (0, 0, j)),
                   pl.BlockSpec((B, 1, H), lambda j: (0, 0, 0))),
        out_shape=(jax.ShapeDtypeStruct((B, 1, L), jnp.float32),
                   jax.ShapeDtypeStruct((B, 1, H), jnp.float32)),
    )(pre, W_dec, T, C, pb)

    return latents, x_hat

# --- scband reference (transcript-rebuilt; emitter-appended) ---
"""Pipeline reference for scband-topk-sae-48498770706813 (READ-ONLY COPY).

The authoritative reference and input builder live on the scoring server;
editing this copy changes nothing except your own understanding.
"""

import jax, jax.numpy as jnp
import numpy as np

H = 768
L = 24576
K = 64

def setup_inputs(seed: int = 0) -> dict:
    key = jax.random.key(seed)
    k1, k2, k3, k4, k5 = jax.random.split(key, 5)
    x = jax.random.normal(k1, (64, 1, H), dtype=jnp.float32)
    W_enc = jax.random.normal(k2, (L, H), dtype=jnp.float32) * 0.02
    W_dec = jax.random.normal(k3, (H, L), dtype=jnp.float32) * 0.02
    pre_bias = jax.random.normal(k4, (H,), dtype=jnp.float32) * 0.02
    latent_bias = jax.random.normal(k5, (L,), dtype=jnp.float32) * 0.02
    return {"x": x, "W_enc": W_enc, "W_dec": W_dec, "pre_bias": pre_bias, "latent_bias": latent_bias}

def reference(x, W_enc, W_dec, pre_bias, latent_bias):
    # pre_acts: z_pre = encoder(x - pre_bias) + latent_bias
    pre = jnp.einsum('bsh,lh->bsl', x - pre_bias, W_enc) + latent_bias
    B, S, Ld = pre.shape
    flat = pre.reshape(B * S, Ld)
    vals, idx = jax.lax.top_k(flat, K)
    rows = jnp.arange(B * S)[:, None]
    latents = jnp.zeros_like(flat).at[rows, idx].set(vals).reshape(B, S, Ld)
    # decode: x_hat = decoder(latents) + pre_bias
    x_hat = jnp.einsum('bsl,hl->bsh', latents, W_dec) + pre_bias
    return (latents, x_hat)

if __name__ == "__main__":
    import jax
    _d = setup_inputs()
    print(jax.jit(kernel)(*tuple(_d.values())))

</pallas_src>

<mosaic_0001>
#map = affine_map<(d0, d1) -> (0, 0)>
module attributes {stable_mosaic.version = 14 : i64} {
  func.func @sc_topk(%arg0: i32, %arg1: i32, %arg2: memref<64x24576xf32, #tpu.memory_space<hbm>>, %arg3: memref<64x16xi32, #tpu.memory_space<hbm>>, %arg4: memref<64x16xi32, #tpu.memory_space<hbm>>, %arg5: memref<24576xf32, #tpu.memory_space<vmem>>, %arg6: memref<24576xi32, #tpu.memory_space<vmem>>, %arg7: memref<256xi32, #tpu.memory_space<vmem>>, %arg8: memref<24592xi32, #tpu.memory_space<vmem>>, %arg9: memref<24592xi32, #tpu.memory_space<vmem>>, %arg10: memref<16xi32, #tpu.memory_space<vmem>>, %arg11: memref<16xi32, #tpu.memory_space<vmem>>, %arg12: memref<!tpu.dma_semaphore, #tpu.memory_space<semaphore_mem>>) attributes {dimension_semantics = [#tpu.dimension_semantics<core_parallel>, #tpu.dimension_semantics<subcore_parallel>], iteration_bounds = array<i64: 2, 16>, scalar_prefetch = 0 : i64, scratch_operands = 8 : i64, tpu.core_type = #tpu.core_type<sc_vector_subcore>, window_params = [{transform_indices = #map}, {transform_indices = #map}, {transform_indices = #map}]} {
    %mul3A = arith.constant 2 : i32
    %mul3A_0 = arith.muli %arg1, %mul3A : i32
    %add3A = arith.addi %mul3A_0, %arg0 : i32
    %mul3A_1 = arith.constant 2 : i32
    %mul3A_2 = arith.muli %add3A, %mul3A_1 : i32
    %iota3A = tpu.iota {dimensions = array<i32: 0>} : vector<16xi32>
    %dma_start3A = arith.constant 0 : i32
    %dma_start3A_3 = tpu.memref_slice %arg2[%mul3A_2, %dma_start3A] : memref<64x24576xf32, #tpu.memory_space<hbm>> -> memref<1x24576xf32, #tpu.memory_space<hbm>>
    %dma_start3A_4 = tpu.memref_squeeze %dma_start3A_3 : memref<1x24576xf32, #tpu.memory_space<hbm>> -> memref<24576xf32, #tpu.memory_space<hbm>>
    %dma_start3A_5 = arith.constant 0 : i32
    %dma_start3A_6 = tpu.memref_slice %arg2[%mul3A_2, %dma_start3A_5] : memref<64x24576xf32, #tpu.memory_space<hbm>> -> memref<1x24576xf32, #tpu.memory_space<hbm>>
    %dma_start3A_7 = tpu.memref_squeeze %dma_start3A_6 : memref<1x24576xf32, #tpu.memory_space<hbm>> -> memref<24576xf32, #tpu.memory_space<hbm>>
    tpu.enqueue_dma source(%dma_start3A_7 : memref<24576xf32, #tpu.memory_space<hbm>>) target(%arg5 : memref<24576xf32, #tpu.memory_space<vmem>>) target_semaphore(%arg12 : memref<!tpu.dma_semaphore, #tpu.memory_space<semaphore_mem>>)
    %dma_wait3A = arith.constant 0 : i32
    %dma_wait3A_8 = tpu.memref_slice %arg2[%mul3A_2, %dma_wait3A] : memref<64x24576xf32, #tpu.memory_space<hbm>> -> memref<1x24576xf32, #tpu.memory_space<hbm>>
    %dma_wait3A_9 = tpu.memref_squeeze %dma_wait3A_8 : memref<1x24576xf32, #tpu.memory_space<hbm>> -> memref<24576xf32, #tpu.memory_space<hbm>>
    %dma_wait3A_10 = arith.constant 0 : i32
    %dma_wait3A_11 = tpu.memref_slice %arg2[%mul3A_2, %dma_wait3A_10] : memref<64x24576xf32, #tpu.memory_space<hbm>> -> memref<1x24576xf32, #tpu.memory_space<hbm>>
    %dma_wait3A_12 = tpu.memref_squeeze %dma_wait3A_11 : memref<1x24576xf32, #tpu.memory_space<hbm>> -> memref<24576xf32, #tpu.memory_space<hbm>>
    tpu.wait_dma2 semaphore(%arg12 : memref<!tpu.dma_semaphore, #tpu.memory_space<semaphore_mem>>) src(%dma_wait3A_12 : memref<24576xf32, #tpu.memory_space<hbm>>) dst(%arg5 : memref<24576xf32, #tpu.memory_space<vmem>>)
    %add3A_13 = arith.constant 1 : i32
    %add3A_14 = arith.addi %mul3A_2, %add3A_13 : i32
    %scan3A = arith.constant 0 : i32
    %scan3A_15 = arith.constant 0 : i32
    %scan3A_16 = arith.constant 16 : i32
    %scan3A_17 = arith.addi %scan3A_15, %scan3A_16 : i32
    %scan3A_18 = arith.constant 1 : i32
    %scan3A_19 = scf.for %scan3A_219 = %scan3A_15 to %scan3A_17 step %scan3A_18 iter_args(%scan3A_220 = %scan3A) -> (i32)  : i32 {
      %broadcast_in_dim3A_221 = arith.constant 0 : i32
      %broadcast_in_dim3A_222 = vector.broadcast %broadcast_in_dim3A_221 : i32 to vector<16xi32>
      %scan3A_223 = arith.constant 0 : i32
      %scan3A_224 = arith.constant 48 : i32
      %scan3A_225 = arith.addi %scan3A_223, %scan3A_224 : i32
      %scan3A_226 = arith.constant 4 : i32
      %scan3A_227:2 = scf.for %scan3A_234 = %scan3A_223 to %scan3A_225 step %scan3A_226 iter_args(%scan3A_235 = %broadcast_in_dim3A_222, %scan3A_236 = %broadcast_in_dim3A_222) -> (vector<16xi32>, vector<16xi32>)  : i32 {
        %mul3A_237 = arith.constant 96 : i32
        %mul3A_238 = arith.muli %scan3A_219, %mul3A_237 : i32
        %mul3A_239 = arith.constant 2 : i32
        %mul3A_240 = arith.muli %scan3A_234, %mul3A_239 : i32
        %add3A_241 = arith.addi %mul3A_238, %mul3A_240 : i32
        %mul3A_242 = arith.constant 16 : i32
        %mul3A_243 = arith.muli %add3A_241, %mul3A_242 : i32
        %get3A = arith.index_cast %mul3A_243 : i32 to index
        %get3A_244 = tpu.vector_load %arg5[%get3A] {strides = array<i32>} : memref<24576xf32, #tpu.memory_space<vmem>>, vector<16xf32>,
        %bitcast_convert_type3A_245 = tpu.bitcast %get3A_244 : vector<16xf32> -> vector<16xi32>
        %shift_right_logical3A = arith.constant 31 : i32
        %shift_right_logical3A_246 = vector.broadcast %shift_right_logical3A : i32 to vector<16xi32>
        %shift_right_logical3A_247 = arith.shrui %bitcast_convert_type3A_245, %shift_right_logical3A_246 : vector<16xi32>
        %eq3A = arith.constant 1 : i32
        %eq3A_248 = vector.broadcast %eq3A : i32 to vector<16xi32>
        %eq3A_249 = arith.cmpi eq, %shift_right_logical3A_247, %eq3A_248 : vector<16xi32>
        %not3A = arith.constant dense<-1> : vector<16xi32>
        %not3A_250 = arith.xori %bitcast_convert_type3A_245, %not3A : vector<16xi32>
        %or3A = arith.constant -2147483648 : i32
        %or3A_251 = vector.broadcast %or3A : i32 to vector<16xi32>
        %or3A_252 = arith.ori %bitcast_convert_type3A_245, %or3A_251 : vector<16xi32>
        %select_n3A_253 = arith.select %eq3A_249, %not3A_250, %or3A_252 : vector<16xi1>, vector<16xi32>
        %add3A_254 = arith.constant 1 : i32
        %add3A_255 = arith.addi %add3A_241, %add3A_254 : i32
        %mul3A_256 = arith.constant 16 : i32
        %mul3A_257 = arith.muli %add3A_255, %mul3A_256 : i32
        %get3A_258 = arith.index_cast %mul3A_257 : i32 to index
        %get3A_259 = tpu.vector_load %arg5[%get3A_258] {strides = array<i32>} : memref<24576xf32, #tpu.memory_space<vmem>>, vector<16xf32>,
        %bitcast_convert_type3A_260 = tpu.bitcast %get3A_259 : vector<16xf32> -> vector<16xi32>
        %shift_right_logical3A_261 = arith.constant 31 : i32
        %shift_right_logical3A_262 = vector.broadcast %shift_right_logical3A_261 : i32 to vector<16xi32>
        %shift_right_logical3A_263 = arith.shrui %bitcast_convert_type3A_260, %shift_right_logical3A_262 : vector<16xi32>
        %eq3A_264 = arith.constant 1 : i32
        %eq3A_265 = vector.broadcast %eq3A_264 : i32 to vector<16xi32>
        %eq3A_266 = arith.cmpi eq, %shift_right_logical3A_263, %eq3A_265 : vector<16xi32>
        %not3A_267 = arith.constant dense<-1> : vector<16xi32>
        %not3A_268 = arith.xori %bitcast_convert_type3A_260, %not3A_267 : vector<16xi32>
        %or3A_269 = arith.constant -2147483648 : i32
        %or3A_270 = vector.broadcast %or3A_269 : i32 to vector<16xi32>
        %or3A_271 = arith.ori %bitcast_convert_type3A_260, %or3A_270 : vector<16xi32>
        %select_n3A_272 = arith.select %eq3A_266, %not3A_268, %or3A_271 : vector<16xi1>, vector<16xi32>
        %mul3A_273 = arith.constant 16 : i32
        %mul3A_274 = arith.muli %add3A_241, %mul3A_273 : i32
        %swap3A_275 = arith.index_cast %mul3A_274 : i32 to index
        %swap3A_276 = tpu.vector_load %arg6[%swap3A_275] {strides = array<i32>} : memref<24576xi32, #tpu.memory_space<vmem>>, vector<16xi32>,
        tpu.vector_store %arg6[%swap3A_275], %select_n3A_253 {strides = array<i32>} : memref<24576xi32, #tpu.memory_space<vmem>>, vector<16xi32>,
        %add3A_277 = arith.constant 1 : i32
        %add3A_278 = arith.addi %add3A_241, %add3A_277 : i32
        %mul3A_279 = arith.constant 16 : i32
        %mul3A_280 = arith.muli %add3A_278, %mul3A_279 : i32
        %swap3A_281 = arith.index_cast %mul3A_280 : i32 to index
        %swap3A_282 = tpu.vector_load %arg6[%swap3A_281] {strides = array<i32>} : memref<24576xi32, #tpu.memory_space<vmem>>, vector<16xi32>,
        tpu.vector_store %arg6[%swap3A_281], %select_n3A_272 {strides = array<i32>} : memref<24576xi32, #tpu.memory_space<vmem>>, vector<16xi32>,
        %max3A_283 = arith.maxui %scan3A_235, %select_n3A_253 : vector<16xi32>
        %max3A_284 = arith.maxui %scan3A_236, %select_n3A_272 : vector<16xi32>
        %scan3A_285 = arith.constant 1 : i32
        %scan3A_286 = arith.addi %scan3A_234, %scan3A_285 : i32
        %mul3A_287 = arith.constant 96 : i32
        %mul3A_288 = arith.muli %scan3A_219, %mul3A_287 : i32
        %mul3A_289 = arith.constant 2 : i32
        %mul3A_290 = arith.muli %scan3A_286, %mul3A_289 : i32
        %add3A_291 = arith.addi %mul3A_288, %mul3A_290 : i32
        %mul3A_292 = arith.constant 16 : i32
        %mul3A_293 = arith.muli %add3A_291, %mul3A_292 : i32
        %get3A_294 = arith.index_cast %mul3A_293 : i32 to index
        %get3A_295 = tpu.vector_load %arg5[%get3A_294] {strides = array<i32>} : memref<24576xf32, #tpu.memory_space<vmem>>, vector<16xf32>,
        %bitcast_convert_type3A_296 = tpu.bitcast %get3A_295 : vector<16xf32> -> vector<16xi32>
        %shift_right_logical3A_297 = arith.constant 31 : i32
        %shift_right_logical3A_298 = vector.broadcast %shift_right_logical3A_297 : i32 to vector<16xi32>
        %shift_right_logical3A_299 = arith.shrui %bitcast_convert_type3A_296, %shift_right_logical3A_298 : vector<16xi32>
        %eq3A_300 = arith.constant 1 : i32
        %eq3A_301 = vector.broadcast %eq3A_300 : i32 to vector<16xi32>
        %eq3A_302 = arith.cmpi eq, %shift_right_logical3A_299, %eq3A_301 : vector<16xi32>
        %not3A_303 = arith.constant dense<-1> : vector<16xi32>
        %not3A_304 = arith.xori %bitcast_convert_type3A_296, %not3A_303 : vector<16xi32>
        %or3A_305 = arith.constant -2147483648 : i32
        %or3A_306 = vector.broadcast %or3A_305 : i32 to vector<16xi32>
        %or3A_307 = arith.ori %bitcast_convert_type3A_296, %or3A_306 : vector<16xi32>
        %select_n3A_308 = arith.select %eq3A_302, %not3A_304, %or3A_307 : vector<16xi1>, vector<16xi32>
        %add3A_309 = arith.constant 1 : i32
        %add3A_310 = arith.addi %add3A_291, %add3A_309 : i32
        %mul3A_311 = arith.constant 16 : i32
        %mul3A_312 = arith.muli %add3A_310, %mul3A_311 : i32
        %get3A_313 = arith.index_cast %mul3A_312 : i32 to index
        %get3A_314 = tpu.vector_load %arg5[%get3A_313] {strides = array<i32>} : memref<24576xf32, #tpu.memory_space<vmem>>, vector<16xf32>,
        %bitcast_convert_type3A_315 = tpu.bitcast %get3A_314 : vector<16xf32> -> vector<16xi32>
        %shift_right_logical3A_316 = arith.constant 31 : i32
        %shift_right_logical3A_317 = vector.broadcast %shift_right_logical3A_316 : i32 to vector<16xi32>
        %shift_right_logical3A_318 = arith.shrui %bitcast_convert_type3A_315, %shift_right_logical3A_317 : vector<16xi32>
        %eq3A_319 = arith.constant 1 : i32
        %eq3A_320 = vector.broadcast %eq3A_319 : i32 to vector<16xi32>
        %eq3A_321 = arith.cmpi eq, %shift_right_logical3A_318, %eq3A_320 : vector<16xi32>
        %not3A_322 = arith.constant dense<-1> : vector<16xi32>
        %not3A_323 = arith.xori %bitcast_convert_type3A_315, %not3A_322 : vector<16xi32>
        %or3A_324 = arith.constant -2147483648 : i32
        %or3A_325 = vector.broadcast %or3A_324 : i32 to vector<16xi32>
        %or3A_326 = arith.ori %bitcast_convert_type3A_315, %or3A_325 : vector<16xi32>
        %select_n3A_327 = arith.select %eq3A_321, %not3A_323, %or3A_326 : vector<16xi1>, vector<16xi32>
        %mul3A_328 = arith.constant 16 : i32
        %mul3A_329 = arith.muli %add3A_291, %mul3A_328 : i32
        %swap3A_330 = arith.index_cast %mul3A_329 : i32 to index
        %swap3A_331 = tpu.vector_load %arg6[%swap3A_330] {strides = array<i32>} : memref<24576xi32, #tpu.memory_space<vmem>>, vector<16xi32>,
        tpu.vector_store %arg6[%swap3A_330], %select_n3A_308 {strides = array<i32>} : memref<24576xi32, #tpu.memory_space<vmem>>, vector<16xi32>,
        %add3A_332 = arith.constant 1 : i32
        %add3A_333 = arith.addi %add3A_291, %add3A_332 : i32
        %mul3A_334 = arith.constant 16 : i32
        %mul3A_335 = arith.muli %add3A_333, %mul3A_334 : i32
        %swap3A_336 = arith.index_cast %mul3A_335 : i32 to index
        %swap3A_337 = tpu.vector_load %arg6[%swap3A_336] {strides = array<i32>} : memref<24576xi32, #tpu.memory_space<vmem>>, vector<16xi32>,
        tpu.vector_store %arg6[%swap3A_336], %select_n3A_327 {strides = array<i32>} : memref<24576xi32, #tpu.memory_space<vmem>>, vector<16xi32>,
        %max3A_338 = arith.maxui %max3A_283, %select_n3A_308 : vector<16xi32>
        %max3A_339 = arith.maxui %max3A_284, %select_n3A_327 : vector<16xi32>
        %scan3A_340 = arith.constant 2 : i32
        %scan3A_341 = arith.addi %scan3A_234, %scan3A_340 : i32
        %mul3A_342 = arith.constant 96 : i32
        %mul3A_343 = arith.muli %scan3A_219, %mul3A_342 : i32
        %mul3A_344 = arith.constant 2 : i32
        %mul3A_345 = arith.muli %scan3A_341, %mul3A_344 : i32
        %add3A_346 = arith.addi %mul3A_343, %mul3A_345 : i32
        %mul3A_347 = arith.constant 16 : i32
        %mul3A_348 = arith.muli %add3A_346, %mul3A_347 : i32
        %get3A_349 = arith.index_cast %mul3A_348 : i32 to index
        %get3A_350 = tpu.vector_load %arg5[%get3A_349] {strides = array<i32>} : memref<24576xf32, #tpu.memory_space<vmem>>, vector<16xf32>,
        %bitcast_convert_type3A_351 = tpu.bitcast %get3A_350 : vector<16xf32> -> vector<16xi32>
        %shift_right_logical3A_352 = arith.constant 31 : i32
        %shift_right_logical3A_353 = vector.broadcast %shift_right_logical3A_352 : i32 to vector<16xi32>
        %shift_right_logical3A_354 = arith.shrui %bitcast_convert_type3A_351, %shift_right_logical3A_353 : vector<16xi32>
        %eq3A_355 = arith.constant 1 : i32
        %eq3A_356 = vector.broadcast %eq3A_355 : i32 to vector<16xi32>
        %eq3A_357 = arith.cmpi eq, %shift_right_logical3A_354, %eq3A_356 : vector<16xi32>
        %not3A_358 = arith.constant dense<-1> : vector<16xi32>
        %not3A_359 = arith.xori %bitcast_convert_type3A_351, %not3A_358 : vector<16xi32>
        %or3A_360 = arith.constant -2147483648 : i32
        %or3A_361 = vector.broadcast %or3A_360 : i32 to vector<16xi32>
        %or3A_362 = arith.ori %bitcast_convert_type3A_351, %or3A_361 : vector<16xi32>
        %select_n3A_363 = arith.select %eq3A_357, %not3A_359, %or3A_362 : vector<16xi1>, vector<16xi32>
        %add3A_364 = arith.constant 1 : i32
        %add3A_365 = arith.addi %add3A_346, %add3A_364 : i32
        %mul3A_366 = arith.constant 16 : i32
        %mul3A_367 = arith.muli %add3A_365, %mul3A_366 : i32
        %get3A_368 = arith.index_cast %mul3A_367 : i32 to index
        %get3A_369 = tpu.vector_load %arg5[%get3A_368] {strides = array<i32>} : memref<24576xf32, #tpu.memory_space<vmem>>, vector<16xf32>,
        %bitcast_convert_type3A_370 = tpu.bitcast %get3A_369 : vector<16xf32> -> vector<16xi32>
        %shift_right_logical3A_371 = arith.constant 31 : i32
        %shift_right_logical3A_372 = vector.broadcast %shift_right_logical3A_371 : i32 to vector<16xi32>
        %shift_right_logical3A_373 = arith.shrui %bitcast_convert_type3A_370, %shift_right_logical3A_372 : vector<16xi32>
        %eq3A_374 = arith.constant 1 : i32
        %eq3A_375 = vector.broadcast %eq3A_374 : i32 to vector<16xi32>
        %eq3A_376 = arith.cmpi eq, %shift_right_logical3A_373, %eq3A_375 : vector<16xi32>
        %not3A_377 = arith.constant dense<-1> : vector<16xi32>
        %not3A_378 = arith.xori %bitcast_convert_type3A_370, %not3A_377 : vector<16xi32>
        %or3A_379 = arith.constant -2147483648 : i32
        %or3A_380 = vector.broadcast %or3A_379 : i32 to vector<16xi32>
        %or3A_381 = arith.ori %bitcast_convert_type3A_370, %or3A_380 : vector<16xi32>
        %select_n3A_382 = arith.select %eq3A_376, %not3A_378, %or3A_381 : vector<16xi1>, vector<16xi32>
        %mul3A_383 = arith.constant 16 : i32
        %mul3A_384 = arith.muli %add3A_346, %mul3A_383 : i32
        %swap3A_385 = arith.index_cast %mul3A_384 : i32 to index
        %swap3A_386 = tpu.vector_load %arg6[%swap3A_385] {strides = array<i32>} : memref<24576xi32, #tpu.memory_space<vmem>>, vector<16xi32>,
        tpu.vector_store %arg6[%swap3A_385], %select_n3A_363 {strides = array<i32>} : memref<24576xi32, #tpu.memory_space<vmem>>, vector<16xi32>,
        %add3A_387 = arith.constant 1 : i32
        %add3A_388 = arith.addi %add3A_346, %add3A_387 : i32
        %mul3A_389 = arith.constant 16 : i32
        %mul3A_390 = arith.muli %add3A_388, %mul3A_389 : i32
        %swap3A_391 = arith.index_cast %mul3A_390 : i32 to index
        %swap3A_392 = tpu.vector_load %arg6[%swap3A_391] {strides = array<i32>} : memref<24576xi32, #tpu.memory_space<vmem>>, vector<16xi32>,
        tpu.vector_store %arg6[%swap3A_391], %select_n3A_382 {strides = array<i32>} : memref<24576xi32, #tpu.memory_space<vmem>>, vector<16xi32>,
        %max3A_393 = arith.maxui %max3A_338, %select_n3A_363 : vector<16xi32>
        %max3A_394 = arith.maxui %max3A_339, %select_n3A_382 : vector<16xi32>
        %scan3A_395 = arith.constant 3 : i32
        %scan3A_396 = arith.addi %scan3A_234, %scan3A_395 : i32
        %mul3A_397 = arith.constant 96 : i32
        %mul3A_398 = arith.muli %scan3A_219, %mul3A_397 : i32
        %mul3A_399 = arith.constant 2 : i32
        %mul3A_400 = arith.muli %scan3A_396, %mul3A_399 : i32
        %add3A_401 = arith.addi %mul3A_398, %mul3A_400 : i32
        %mul3A_402 = arith.constant 16 : i32
        %mul3A_403 = arith.muli %add3A_401, %mul3A_402 : i32
        %get3A_404 = arith.index_cast %mul3A_403 : i32 to index
        %get3A_405 = tpu.vector_load %arg5[%get3A_404] {strides = array<i32>} : memref<24576xf32, #tpu.memory_space<vmem>>, vector<16xf32>,
        %bitcast_convert_type3A_406 = tpu.bitcast %get3A_405 : vector<16xf32> -> vector<16xi32>
        %shift_right_logical3A_407 = arith.constant 31 : i32
        %shift_right_logical3A_408 = vector.broadcast %shift_right_logical3A_407 : i32 to vector<16xi32>
        %shift_right_logical3A_409 = arith.shrui %bitcast_convert_type3A_406, %shift_right_logical3A_408 : vector<16xi32>
        %eq3A_410 = arith.constant 1 : i32
        %eq3A_411 = vector.broadcast %eq3A_410 : i32 to vector<16xi32>
        %eq3A_412 = arith.cmpi eq, %shift_right_logical3A_409, %eq3A_411 : vector<16xi32>
        %not3A_413 = arith.constant dense<-1> : vector<16xi32>
        %not3A_414 = arith.xori %bitcast_convert_type3A_406, %not3A_413 : vector<16xi32>
        %or3A_415 = arith.constant -2147483648 : i32
        %or3A_416 = vector.broadcast %or3A_415 : i32 to vector<16xi32>
        %or3A_417 = arith.ori %bitcast_convert_type3A_406, %or3A_416 : vector<16xi32>
        %select_n3A_418 = arith.select %eq3A_412, %not3A_414, %or3A_417 : vector<16xi1>, vector<16xi32>
        %add3A_419 = arith.constant 1 : i32
        %add3A_420 = arith.addi %add3A_401, %add3A_419 : i32
        %mul3A_421 = arith.constant 16 : i32
        %mul3A_422 = arith.muli %add3A_420, %mul3A_421 : i32
        %get3A_423 = arith.index_cast %mul3A_422 : i32 to index
        %get3A_424 = tpu.vector_load %arg5[%get3A_423] {strides = array<i32>} : memref<24576xf32, #tpu.memory_space<vmem>>, vector<16xf32>,
        %bitcast_convert_type3A_425 = tpu.bitcast %get3A_424 : vector<16xf32> -> vector<16xi32>
        %shift_right_logical3A_426 = arith.constant 31 : i32
        %shift_right_logical3A_427 = vector.broadcast %shift_right_logical3A_426 : i32 to vector<16xi32>
        %shift_right_logical3A_428 = arith.shrui %bitcast_convert_type3A_425, %shift_right_logical3A_427 : vector<16xi32>
        %eq3A_429 = arith.constant 1 : i32
        %eq3A_430 = vector.broadcast %eq3A_429 : i32 to vector<16xi32>
        %eq3A_431 = arith.cmpi eq, %shift_right_logical3A_428, %eq3A_430 : vector<16xi32>
        %not3A_432 = arith.constant dense<-1> : vector<16xi32>
        %not3A_433 = arith.xori %bitcast_convert_type3A_425, %not3A_432 : vector<16xi32>
        %or3A_434 = arith.constant -2147483648 : i32
        %or3A_435 = vector.broadcast %or3A_434 : i32 to vector<16xi32>
        %or3A_436 = arith.ori %bitcast_convert_type3A_425, %or3A_435 : vector<16xi32>
        %select_n3A_437 = arith.select %eq3A_431, %not3A_433, %or3A_436 : vector<16xi1>, vector<16xi32>
        %mul3A_438 = arith.constant 16 : i32
        %mul3A_439 = arith.muli %add3A_401, %mul3A_438 : i32
        %swap3A_440 = arith.index_cast %mul3A_439 : i32 to index
        %swap3A_441 = tpu.vector_load %arg6[%swap3A_440] {strides = array<i32>} : memref<24576xi32, #tpu.memory_space<vmem>>, vector<16xi32>,
        tpu.vector_store %arg6[%swap3A_440], %select_n3A_418 {strides = array<i32>} : memref<24576xi32, #tpu.memory_space<vmem>>, vector<16xi32>,
        %add3A_442 = arith.constant 1 : i32
        %add3A_443 = arith.addi %add3A_401, %add3A_442 : i32
        %mul3A_444 = arith.constant 16 : i32
        %mul3A_445 = arith.muli %add3A_443, %mul3A_444 : i32
        %swap3A_446 = arith.index_cast %mul3A_445 : i32 to index
        %swap3A_447 = tpu.vector_load %arg6[%swap3A_446] {strides = array<i32>} : memref<24576xi32, #tpu.memory_space<vmem>>, vector<16xi32>,
        tpu.vector_store %arg6[%swap3A_446], %select_n3A_437 {strides = array<i32>} : memref<24576xi32, #tpu.memory_space<vmem>>, vector<16xi32>,
        %max3A_448 = arith.maxui %max3A_393, %select_n3A_418 : vector<16xi32>
        %max3A_449 = arith.maxui %max3A_394, %select_n3A_437 : vector<16xi32>
        scf.yield %max3A_448, %max3A_449 : vector<16xi32>, vector<16xi32>
      }
      %scan3A_228 = arith.constant 48 : i32
      %max3A = arith.maxui %scan3A_227#0, %scan3A_227#1 : vector<16xi32>
      %mul3A_229 = arith.constant 16 : i32
      %mul3A_230 = arith.muli %scan3A_219, %mul3A_229 : i32
      %swap3A_231 = arith.index_cast %mul3A_230 : i32 to index
      %swap3A_232 = tpu.vector_load %arg7[%swap3A_231] {strides = array<i32>} : memref<256xi32, #tpu.memory_space<vmem>>, vector<16xi32>,
      tpu.vector_store %arg7[%swap3A_231], %max3A {strides = array<i32>} : memref<256xi32, #tpu.memory_space<vmem>>, vector<16xi32>,
      %scan3A_233 = arith.constant 0 : i32
      scf.yield %scan3A_233 : i32
    }
    %scan3A_20 = arith.constant 16 : i32
    %dma_start3A_21 = arith.constant 0 : i32
    %dma_start3A_22 = tpu.memref_slice %arg2[%add3A_14, %dma_start3A_21] : memref<64x24576xf32, #tpu.memory_space<hbm>> -> memref<1x24576xf32, #tpu.memory_space<hbm>>
    %dma_start3A_23 = tpu.memref_squeeze %dma_start3A_22 : memref<1x24576xf32, #tpu.memory_space<hbm>> -> memref<24576xf32, #tpu.memory_space<hbm>>
    %dma_start3A_24 = arith.constant 0 : i32
    %dma_start3A_25 = tpu.memref_slice %arg2[%add3A_14, %dma_start3A_24] : memref<64x24576xf32, #tpu.memory_space<hbm>> -> memref<1x24576xf32, #tpu.memory_space<hbm>>
    %dma_start3A_26 = tpu.memref_squeeze %dma_start3A_25 : memref<1x24576xf32, #tpu.memory_space<hbm>> -> memref<24576xf32, #tpu.memory_space<hbm>>
    tpu.enqueue_dma source(%dma_start3A_26 : memref<24576xf32, #tpu.memory_space<hbm>>) target(%arg5 : memref<24576xf32, #tpu.memory_space<vmem>>) target_semaphore(%arg12 : memref<!tpu.dma_semaphore, #tpu.memory_space<semaphore_mem>>)
    %scan3A_27 = arith.constant 0 : i32
    %scan3A_28 = arith.constant 0 : i32
    %scan3A_29 = arith.constant 32 : i32
    %scan3A_30 = arith.addi %scan3A_28, %scan3A_29 : i32
    %scan3A_31 = arith.constant 1 : i32
    %scan3A_32 = scf.for %scan3A_219 = %scan3A_28 to %scan3A_30 step %scan3A_31 iter_args(%scan3A_220 = %scan3A_27) -> (i32)  : i32 {
      %sub3A_221 = arith.constant 31 : i32
      %sub3A_222 = arith.subi %sub3A_221, %scan3A_219 : i32
      %shift_left3A = arith.constant 1 : i32
      %shift_left3A_223 = arith.shli %shift_left3A, %sub3A_222 : i32
      %or3A = arith.ori %scan3A_220, %shift_left3A_223 : i32
      %broadcast_in_dim3A_224 = arith.constant 0 : i32
      %broadcast_in_dim3A_225 = vector.broadcast %broadcast_in_dim3A_224 : i32 to vector<16xi32>
      %scan3A_226 = arith.constant 0 : i32
      %scan3A_227 = arith.constant 16 : i32
      %scan3A_228 = arith.addi %scan3A_226, %scan3A_227 : i32
      %scan3A_229 = arith.constant 4 : i32
      %scan3A_230 = scf.for %scan3A_238 = %scan3A_226 to %scan3A_228 step %scan3A_229 iter_args(%scan3A_239 = %broadcast_in_dim3A_225) -> (vector<16xi32>)  : i32 {
        %mul3A_240 = arith.constant 16 : i32
        %mul3A_241 = arith.muli %scan3A_238, %mul3A_240 : i32
        %get3A = arith.index_cast %mul3A_241 : i32 to index
        %get3A_242 = tpu.vector_load %arg7[%get3A] {strides = array<i32>} : memref<256xi32, #tpu.memory_space<vmem>>, vector<16xi32>,
        %ge3A_243 = vector.broadcast %or3A : i32 to vector<16xi32>
        %ge3A_244 = arith.cmpi uge, %get3A_242, %ge3A_243 : vector<16xi32>
        %convert_element_type3A = arith.extui %ge3A_244 : vector<16xi1> to vector<16xi32>
        %add3A_245 = arith.addi %scan3A_239, %convert_element_type3A : vector<16xi32>
        %scan3A_246 = arith.constant 1 : i32
        %scan3A_247 = arith.addi %scan3A_238, %scan3A_246 : i32
        %mul3A_248 = arith.constant 16 : i32
        %mul3A_249 = arith.muli %scan3A_247, %mul3A_248 : i32
        %get3A_250 = arith.index_cast %mul3A_249 : i32 to index
        %get3A_251 = tpu.vector_load %arg7[%get3A_250] {strides = array<i32>} : memref<256xi32, #tpu.memory_space<vmem>>, vector<16xi32>,
        %ge3A_252 = vector.broadcast %or3A : i32 to vector<16xi32>
        %ge3A_253 = arith.cmpi uge, %get3A_251, %ge3A_252 : vector<16xi32>
        %convert_element_type3A_254 = arith.extui %ge3A_253 : vector<16xi1> to vector<16xi32>
        %add3A_255 = arith.addi %add3A_245, %convert_element_type3A_254 : vector<16xi32>
        %scan3A_256 = arith.constant 2 : i32
        %scan3A_257 = arith.addi %scan3A_238, %scan3A_256 : i32
        %mul3A_258 = arith.constant 16 : i32
        %mul3A_259 = arith.muli %scan3A_257, %mul3A_258 : i32
        %get3A_260 = arith.index_cast %mul3A_259 : i32 to index
        %get3A_261 = tpu.vector_load %arg7[%get3A_260] {strides = array<i32>} : memref<256xi32, #tpu.memory_space<vmem>>, vector<16xi32>,
        %ge3A_262 = vector.broadcast %or3A : i32 to vector<16xi32>
        %ge3A_263 = arith.cmpi uge, %get3A_261, %ge3A_262 : vector<16xi32>
        %convert_element_type3A_264 = arith.extui %ge3A_263 : vector<16xi1> to vector<16xi32>
        %add3A_265 = arith.addi %add3A_255, %convert_element_type3A_264 : vector<16xi32>
        %scan3A_266 = arith.constant 3 : i32
        %scan3A_267 = arith.addi %scan3A_238, %scan3A_266 : i32
        %mul3A_268 = arith.constant 16 : i32
        %mul3A_269 = arith.muli %scan3A_267, %mul3A_268 : i32
        %get3A_270 = arith.index_cast %mul3A_269 : i32 to index
        %get3A_271 = tpu.vector_load %arg7[%get3A_270] {strides = array<i32>} : memref<256xi32, #tpu.memory_space<vmem>>, vector<16xi32>,
        %ge3A_272 = vector.broadcast %or3A : i32 to vector<16xi32>
        %ge3A_273 = arith.cmpi uge, %get3A_271, %ge3A_272 : vector<16xi32>
        %convert_element_type3A_274 = arith.extui %ge3A_273 : vector<16xi1> to vector<16xi32>
        %add3A_275 = arith.addi %add3A_265, %convert_element_type3A_274 : vector<16xi32>
        scf.yield %add3A_275 : vector<16xi32>
      }
      %scan3A_231 = arith.constant 16 : i32
      %reduce_sum3A_232 = arith.constant true
      %reduce_sum3A_233 = vector.broadcast %reduce_sum3A_232 : i1 to vector<16xi1>
      %reduce_sum3A_234 = tpu.scan <sum>, %scan3A_230 masked %reduce_sum3A_233 : vector<16xi32>, vector<16xi1> -> vector<16xi32>
      %reduce_sum3A_235 = vector.extract %reduce_sum3A_234[15] : i32 from vector<16xi32>
      %ge3A = arith.constant 64 : i32
      %ge3A_236 = arith.cmpi sge, %reduce_sum3A_235, %ge3A : i32
      %select_n3A_237 = arith.select %ge3A_236, %or3A, %scan3A_220 : i32
      scf.yield %select_n3A_237 : i32
    }
    %scan3A_33 = arith.constant 32 : i32
    %scan3A_34 = arith.constant 0 : i32
    %scan3A_35 = arith.constant 0 : i32
    %scan3A_36 = arith.constant 96 : i32
    %scan3A_37 = arith.addi %scan3A_35, %scan3A_36 : i32
    %scan3A_38 = arith.constant 1 : i32
    %scan3A_39 = scf.for %scan3A_219 = %scan3A_35 to %scan3A_37 step %scan3A_38 iter_args(%scan3A_220 = %scan3A_34) -> (i32)  : i32 {
      %mul3A_221 = arith.constant 16 : i32
      %mul3A_222 = arith.muli %scan3A_219, %mul3A_221 : i32
      %add3A_223 = arith.constant 0 : i32
      %add3A_224 = arith.addi %mul3A_222, %add3A_223 : i32
      %mul3A_225 = arith.constant 16 : i32
      %mul3A_226 = arith.muli %add3A_224, %mul3A_225 : i32
      %get3A = arith.index_cast %mul3A_226 : i32 to index
      %get3A_227 = tpu.vector_load %arg6[%get3A] {strides = array<i32>} : memref<24576xi32, #tpu.memory_space<vmem>>, vector<16xi32>,
      %ge3A = vector.broadcast %scan3A_32 : i32 to vector<16xi32>
      %ge3A_228 = arith.cmpi uge, %get3A_227, %ge3A : vector<16xi32>
      %all_reduce_population_count3A = tpu.all_reduce %ge3A_228 {dim = 0 : i64, kind = #tpu.reduction_kind<sum>} : vector<16xi1> -> vector<16xi32>
      %slice3A = vector.extract_strided_slice %all_reduce_population_count3A {offsets = [0], sizes = [1], strides = [1]} : vector<16xi32> to vector<1xi32>
      %squeeze3A = vector.extract %slice3A[0] : i32 from vector<1xi32>
      %mul3A_229 = arith.constant 16 : i32
      %mul3A_230 = arith.muli %scan3A_219, %mul3A_229 : i32
      %add3A_231 = arith.constant 1 : i32
      %add3A_232 = arith.addi %mul3A_230, %add3A_231 : i32
      %mul3A_233 = arith.constant 16 : i32
      %mul3A_234 = arith.muli %add3A_232, %mul3A_233 : i32
      %get3A_235 = arith.index_cast %mul3A_234 : i32 to index
      %get3A_236 = tpu.vector_load %arg6[%get3A_235] {strides = array<i32>} : memref<24576xi32, #tpu.memory_space<vmem>>, vector<16xi32>,
      %ge3A_237 = vector.broadcast %scan3A_32 : i32 to vector<16xi32>
      %ge3A_238 = arith.cmpi uge, %get3A_236, %ge3A_237 : vector<16xi32>
      %all_reduce_population_count3A_239 = tpu.all_reduce %ge3A_238 {dim = 0 : i64, kind = #tpu.reduction_kind<sum>} : vector<16xi1> -> vector<16xi32>
      %slice3A_240 = vector.extract_strided_slice %all_reduce_population_count3A_239 {offsets = [0], sizes = [1], strides = [1]} : vector<16xi32> to vector<1xi32>
      %squeeze3A_241 = vector.extract %slice3A_240[0] : i32 from vector<1xi32>
      %mul3A_242 = arith.constant 16 : i32
      %mul3A_243 = arith.muli %scan3A_219, %mul3A_242 : i32
      %add3A_244 = arith.constant 2 : i32
      %add3A_245 = arith.addi %mul3A_243, %add3A_244 : i32
      %mul3A_246 = arith.constant 16 : i32
      %mul3A_247 = arith.muli %add3A_245, %mul3A_246 : i32
      %get3A_248 = arith.index_cast %mul3A_247 : i32 to index
      %get3A_249 = tpu.vector_load %arg6[%get3A_248] {strides = array<i32>} : memref<24576xi32, #tpu.memory_space<vmem>>, vector<16xi32>,
      %ge3A_250 = vector.broadcast %scan3A_32 : i32 to vector<16xi32>
      %ge3A_251 = arith.cmpi uge, %get3A_249, %ge3A_250 : vector<16xi32>
      %all_reduce_population_count3A_252 = tpu.all_reduce %ge3A_251 {dim = 0 : i64, kind = #tpu.reduction_kind<sum>} : vector<16xi1> -> vector<16xi32>
      %slice3A_253 = vector.extract_strided_slice %all_reduce_population_count3A_252 {offsets = [0], sizes = [1], strides = [1]} : vector<16xi32> to vector<1xi32>
      %squeeze3A_254 = vector.extract %slice3A_253[0] : i32 from vector<1xi32>
      %mul3A_255 = arith.constant 16 : i32
      %mul3A_256 = arith.muli %scan3A_219, %mul3A_255 : i32
      %add3A_257 = arith.constant 3 : i32
      %add3A_258 = arith.addi %mul3A_256, %add3A_257 : i32
      %mul3A_259 = arith.constant 16 : i32
      %mul3A_260 = arith.muli %add3A_258, %mul3A_259 : i32
      %get3A_261 = arith.index_cast %mul3A_260 : i32 to index
      %get3A_262 = tpu.vector_load %arg6[%get3A_261] {strides = array<i32>} : memref<24576xi32, #tpu.memory_space<vmem>>, vector<16xi32>,
      %ge3A_263 = vector.broadcast %scan3A_32 : i32 to vector<16xi32>
      %ge3A_264 = arith.cmpi uge, %get3A_262, %ge3A_263 : vector<16xi32>
      %all_reduce_population_count3A_265 = tpu.all_reduce %ge3A_264 {dim = 0 : i64, kind = #tpu.reduction_kind<sum>} : vector<16xi1> -> vector<16xi32>
      %slice3A_266 = vector.extract_strided_slice %all_reduce_population_count3A_265 {offsets = [0], sizes = [1], strides = [1]} : vector<16xi32> to vector<1xi32>
      %squeeze3A_267 = vector.extract %slice3A_266[0] : i32 from vector<1xi32>
      %mul3A_268 = arith.constant 16 : i32
      %mul3A_269 = arith.muli %scan3A_219, %mul3A_268 : i32
      %add3A_270 = arith.constant 4 : i32
      %add3A_271 = arith.addi %mul3A_269, %add3A_270 : i32
      %mul3A_272 = arith.constant 16 : i32
      %mul3A_273 = arith.muli %add3A_271, %mul3A_272 : i32
      %get3A_274 = arith.index_cast %mul3A_273 : i32 to index
      %get3A_275 = tpu.vector_load %arg6[%get3A_274] {strides = array<i32>} : memref<24576xi32, #tpu.memory_space<vmem>>, vector<16xi32>,
      %ge3A_276 = vector.broadcast %scan3A_32 : i32 to vector<16xi32>
      %ge3A_277 = arith.cmpi uge, %get3A_275, %ge3A_276 : vector<16xi32>
      %all_reduce_population_count3A_278 = tpu.all_reduce %ge3A_277 {dim = 0 : i64, kind = #tpu.reduction_kind<sum>} : vector<16xi1> -> vector<16xi32>
      %slice3A_279 = vector.extract_strided_slice %all_reduce_population_count3A_278 {offsets = [0], sizes = [1], strides = [1]} : vector<16xi32> to vector<1xi32>
      %squeeze3A_280 = vector.extract %slice3A_279[0] : i32 from vector<1xi32>
      %mul3A_281 = arith.constant 16 : i32
      %mul3A_282 = arith.muli %scan3A_219, %mul3A_281 : i32
      %add3A_283 = arith.constant 5 : i32
      %add3A_284 = arith.addi %mul3A_282, %add3A_283 : i32
      %mul3A_285 = arith.constant 16 : i32
      %mul3A_286 = arith.muli %add3A_284, %mul3A_285 : i32
      %get3A_287 = arith.index_cast %mul3A_286 : i32 to index
      %get3A_288 = tpu.vector_load %arg6[%get3A_287] {strides = array<i32>} : memref<24576xi32, #tpu.memory_space<vmem>>, vector<16xi32>,
      %ge3A_289 = vector.broadcast %scan3A_32 : i32 to vector<16xi32>
      %ge3A_290 = arith.cmpi uge, %get3A_288, %ge3A_289 : vector<16xi32>
      %all_reduce_population_count3A_291 = tpu.all_reduce %ge3A_290 {dim = 0 : i64, kind = #tpu.reduction_kind<sum>} : vector<16xi1> -> vector<16xi32>
      %slice3A_292 = vector.extract_strided_slice %all_reduce_population_count3A_291 {offsets = [0], sizes = [1], strides = [1]} : vector<16xi32> to vector<1xi32>
      %squeeze3A_293 = vector.extract %slice3A_292[0] : i32 from vector<1xi32>
      %mul3A_294 = arith.constant 16 : i32
      %mul3A_295 = arith.muli %scan3A_219, %mul3A_294 : i32
      %add3A_296 = arith.constant 6 : i32
      %add3A_297 = arith.addi %mul3A_295, %add3A_296 : i32
      %mul3A_298 = arith.constant 16 : i32
      %mul3A_299 = arith.muli %add3A_297, %mul3A_298 : i32
      %get3A_300 = arith.index_cast %mul3A_299 : i32 to index
      %get3A_301 = tpu.vector_load %arg6[%get3A_300] {strides = array<i32>} : memref<24576xi32, #tpu.memory_space<vmem>>, vector<16xi32>,
      %ge3A_302 = vector.broadcast %scan3A_32 : i32 to vector<16xi32>
      %ge3A_303 = arith.cmpi uge, %get3A_301, %ge3A_302 : vector<16xi32>
      %all_reduce_population_count3A_304 = tpu.all_reduce %ge3A_303 {dim = 0 : i64, kind = #tpu.reduction_kind<sum>} : vector<16xi1> -> vector<16xi32>
      %slice3A_305 = vector.extract_strided_slice %all_reduce_population_count3A_304 {offsets = [0], sizes = [1], strides = [1]} : vector<16xi32> to vector<1xi32>
      %squeeze3A_306 = vector.extract %slice3A_305[0] : i32 from vector<1xi32>
      %mul3A_307 = arith.constant 16 : i32
      %mul3A_308 = arith.muli %scan3A_219, %mul3A_307 : i32
      %add3A_309 = arith.constant 7 : i32
      %add3A_310 = arith.addi %mul3A_308, %add3A_309 : i32
      %mul3A_311 = arith.constant 16 : i32
      %mul3A_312 = arith.muli %add3A_310, %mul3A_311 : i32
      %get3A_313 = arith.index_cast %mul3A_312 : i32 to index
      %get3A_314 = tpu.vector_load %arg6[%get3A_313] {strides = array<i32>} : memref<24576xi32, #tpu.memory_space<vmem>>, vector<16xi32>,
      %ge3A_315 = vector.broadcast %scan3A_32 : i32 to vector<16xi32>
      %ge3A_316 = arith.cmpi uge, %get3A_314, %ge3A_315 : vector<16xi32>
      %all_reduce_population_count3A_317 = tpu.all_reduce %ge3A_316 {dim = 0 : i64, kind = #tpu.reduction_kind<sum>} : vector<16xi1> -> vector<16xi32>
      %slice3A_318 = vector.extract_strided_slice %all_reduce_population_count3A_317 {offsets = [0], sizes = [1], strides = [1]} : vector<16xi32> to vector<1xi32>
      %squeeze3A_319 = vector.extract %slice3A_318[0] : i32 from vector<1xi32>
      %mul3A_320 = arith.constant 16 : i32
      %mul3A_321 = arith.muli %scan3A_219, %mul3A_320 : i32
      %add3A_322 = arith.constant 8 : i32
      %add3A_323 = arith.addi %mul3A_321, %add3A_322 : i32
      %mul3A_324 = arith.constant 16 : i32
      %mul3A_325 = arith.muli %add3A_323, %mul3A_324 : i32
      %get3A_326 = arith.index_cast %mul3A_325 : i32 to index
      %get3A_327 = tpu.vector_load %arg6[%get3A_326] {strides = array<i32>} : memref<24576xi32, #tpu.memory_space<vmem>>, vector<16xi32>,
      %ge3A_328 = vector.broadcast %scan3A_32 : i32 to vector<16xi32>
      %ge3A_329 = arith.cmpi uge, %get3A_327, %ge3A_328 : vector<16xi32>
      %all_reduce_population_count3A_330 = tpu.all_reduce %ge3A_329 {dim = 0 : i64, kind = #tpu.reduction_kind<sum>} : vector<16xi1> -> vector<16xi32>
      %slice3A_331 = vector.extract_strided_slice %all_reduce_population_count3A_330 {offsets = [0], sizes = [1], strides = [1]} : vector<16xi32> to vector<1xi32>
      %squeeze3A_332 = vector.extract %slice3A_331[0] : i32 from vector<1xi32>
      %mul3A_333 = arith.constant 16 : i32
      %mul3A_334 = arith.muli %scan3A_219, %mul3A_333 : i32
      %add3A_335 = arith.constant 9 : i32
      %add3A_336 = arith.addi %mul3A_334, %add3A_335 : i32
      %mul3A_337 = arith.constant 16 : i32
      %mul3A_338 = arith.muli %add3A_336, %mul3A_337 : i32
      %get3A_339 = arith.index_cast %mul3A_338 : i32 to index
      %get3A_340 = tpu.vector_load %arg6[%get3A_339] {strides = array<i32>} : memref<24576xi32, #tpu.memory_space<vmem>>, vector<16xi32>,
      %ge3A_341 = vector.broadcast %scan3A_32 : i32 to vector<16xi32>
      %ge3A_342 = arith.cmpi uge, %get3A_340, %ge3A_341 : vector<16xi32>
      %all_reduce_population_count3A_343 = tpu.all_reduce %ge3A_342 {dim = 0 : i64, kind = #tpu.reduction_kind<sum>} : vector<16xi1> -> vector<16xi32>
      %slice3A_344 = vector.extract_strided_slice %all_reduce_population_count3A_343 {offsets = [0], sizes = [1], strides = [1]} : vector<16xi32> to vector<1xi32>
      %squeeze3A_345 = vector.extract %slice3A_344[0] : i32 from vector<1xi32>
      %mul3A_346 = arith.constant 16 : i32
      %mul3A_347 = arith.muli %scan3A_219, %mul3A_346 : i32
      %add3A_348 = arith.constant 10 : i32
      %add3A_349 = arith.addi %mul3A_347, %add3A_348 : i32
      %mul3A_350 = arith.constant 16 : i32
      %mul3A_351 = arith.muli %add3A_349, %mul3A_350 : i32
      %get3A_352 = arith.index_cast %mul3A_351 : i32 to index
      %get3A_353 = tpu.vector_load %arg6[%get3A_352] {strides = array<i32>} : memref<24576xi32, #tpu.memory_space<vmem>>, vector<16xi32>,
      %ge3A_354 = vector.broadcast %scan3A_32 : i32 to vector<16xi32>
      %ge3A_355 = arith.cmpi uge, %get3A_353, %ge3A_354 : vector<16xi32>
      %all_reduce_population_count3A_356 = tpu.all_reduce %ge3A_355 {dim = 0 : i64, kind = #tpu.reduction_kind<sum>} : vector<16xi1> -> vector<16xi32>
      %slice3A_357 = vector.extract_strided_slice %all_reduce_population_count3A_356 {offsets = [0], sizes = [1], strides = [1]} : vector<16xi32> to vector<1xi32>
      %squeeze3A_358 = vector.extract %slice3A_357[0] : i32 from vector<1xi32>
      %mul3A_359 = arith.constant 16 : i32
      %mul3A_360 = arith.muli %scan3A_219, %mul3A_359 : i32
      %add3A_361 = arith.constant 11 : i32
      %add3A_362 = arith.addi %mul3A_360, %add3A_361 : i32
      %mul3A_363 = arith.constant 16 : i32
      %mul3A_364 = arith.muli %add3A_362, %mul3A_363 : i32
      %get3A_365 = arith.index_cast %mul3A_364 : i32 to index
      %get3A_366 = tpu.vector_load %arg6[%get3A_365] {strides = array<i32>} : memref<24576xi32, #tpu.memory_space<vmem>>, vector<16xi32>,
      %ge3A_367 = vector.broadcast %scan3A_32 : i32 to vector<16xi32>
      %ge3A_368 = arith.cmpi uge, %get3A_366, %ge3A_367 : vector<16xi32>
      %all_reduce_population_count3A_369 = tpu.all_reduce %ge3A_368 {dim = 0 : i64, kind = #tpu.reduction_kind<sum>} : vector<16xi1> -> vector<16xi32>
      %slice3A_370 = vector.extract_strided_slice %all_reduce_population_count3A_369 {offsets = [0], sizes = [1], strides = [1]} : vector<16xi32> to vector<1xi32>
      %squeeze3A_371 = vector.extract %slice3A_370[0] : i32 from vector<1xi32>
      %mul3A_372 = arith.constant 16 : i32
      %mul3A_373 = arith.muli %scan3A_219, %mul3A_372 : i32
      %add3A_374 = arith.constant 12 : i32
      %add3A_375 = arith.addi %mul3A_373, %add3A_374 : i32
      %mul3A_376 = arith.constant 16 : i32
      %mul3A_377 = arith.muli %add3A_375, %mul3A_376 : i32
      %get3A_378 = arith.index_cast %mul3A_377 : i32 to index
      %get3A_379 = tpu.vector_load %arg6[%get3A_378] {strides = array<i32>} : memref<24576xi32, #tpu.memory_space<vmem>>, vector<16xi32>,
      %ge3A_380 = vector.broadcast %scan3A_32 : i32 to vector<16xi32>
      %ge3A_381 = arith.cmpi uge, %get3A_379, %ge3A_380 : vector<16xi32>
      %all_reduce_population_count3A_382 = tpu.all_reduce %ge3A_381 {dim = 0 : i64, kind = #tpu.reduction_kind<sum>} : vector<16xi1> -> vector<16xi32>
      %slice3A_383 = vector.extract_strided_slice %all_reduce_population_count3A_382 {offsets = [0], sizes = [1], strides = [1]} : vector<16xi32> to vector<1xi32>
      %squeeze3A_384 = vector.extract %slice3A_383[0] : i32 from vector<1xi32>
      %mul3A_385 = arith.constant 16 : i32
      %mul3A_386 = arith.muli %scan3A_219, %mul3A_385 : i32
      %add3A_387 = arith.constant 13 : i32
      %add3A_388 = arith.addi %mul3A_386, %add3A_387 : i32
      %mul3A_389 = arith.constant 16 : i32
      %mul3A_390 = arith.muli %add3A_388, %mul3A_389 : i32
      %get3A_391 = arith.index_cast %mul3A_390 : i32 to index
      %get3A_392 = tpu.vector_load %arg6[%get3A_391] {strides = array<i32>} : memref<24576xi32, #tpu.memory_space<vmem>>, vector<16xi32>,
      %ge3A_393 = vector.broadcast %scan3A_32 : i32 to vector<16xi32>
      %ge3A_394 = arith.cmpi uge, %get3A_392, %ge3A_393 : vector<16xi32>
      %all_reduce_population_count3A_395 = tpu.all_reduce %ge3A_394 {dim = 0 : i64, kind = #tpu.reduction_kind<sum>} : vector<16xi1> -> vector<16xi32>
      %slice3A_396 = vector.extract_strided_slice %all_reduce_population_count3A_395 {offsets = [0], sizes = [1], strides = [1]} : vector<16xi32> to vector<1xi32>
      %squeeze3A_397 = vector.extract %slice3A_396[0] : i32 from vector<1xi32>
      %mul3A_398 = arith.constant 16 : i32
      %mul3A_399 = arith.muli %scan3A_219, %mul3A_398 : i32
      %add3A_400 = arith.constant 14 : i32
      %add3A_401 = arith.addi %mul3A_399, %add3A_400 : i32
      %mul3A_402 = arith.constant 16 : i32
      %mul3A_403 = arith.muli %add3A_401, %mul3A_402 : i32
      %get3A_404 = arith.index_cast %mul3A_403 : i32 to index
      %get3A_405 = tpu.vector_load %arg6[%get3A_404] {strides = array<i32>} : memref<24576xi32, #tpu.memory_space<vmem>>, vector<16xi32>,
      %ge3A_406 = vector.broadcast %scan3A_32 : i32 to vector<16xi32>
      %ge3A_407 = arith.cmpi uge, %get3A_405, %ge3A_406 : vector<16xi32>
      %all_reduce_population_count3A_408 = tpu.all_reduce %ge3A_407 {dim = 0 : i64, kind = #tpu.reduction_kind<sum>} : vector<16xi1> -> vector<16xi32>
      %slice3A_409 = vector.extract_strided_slice %all_reduce_population_count3A_408 {offsets = [0], sizes = [1], strides = [1]} : vector<16xi32> to vector<1xi32>
      %squeeze3A_410 = vector.extract %slice3A_409[0] : i32 from vector<1xi32>
      %mul3A_411 = arith.constant 16 : i32
      %mul3A_412 = arith.muli %scan3A_219, %mul3A_411 : i32
      %add3A_413 = arith.constant 15 : i32
      %add3A_414 = arith.addi %mul3A_412, %add3A_413 : i32
      %mul3A_415 = arith.constant 16 : i32
      %mul3A_416 = arith.muli %add3A_414, %mul3A_415 : i32
      %get3A_417 = arith.index_cast %mul3A_416 : i32 to index
      %get3A_418 = tpu.vector_load %arg6[%get3A_417] {strides = array<i32>} : memref<24576xi32, #tpu.memory_space<vmem>>, vector<16xi32>,
      %ge3A_419 = vector.broadcast %scan3A_32 : i32 to vector<16xi32>
      %ge3A_420 = arith.cmpi uge, %get3A_418, %ge3A_419 : vector<16xi32>
      %all_reduce_population_count3A_421 = tpu.all_reduce %ge3A_420 {dim = 0 : i64, kind = #tpu.reduction_kind<sum>} : vector<16xi1> -> vector<16xi32>
      %slice3A_422 = vector.extract_strided_slice %all_reduce_population_count3A_421 {offsets = [0], sizes = [1], strides = [1]} : vector<16xi32> to vector<1xi32>
      %squeeze3A_423 = vector.extract %slice3A_422[0] : i32 from vector<1xi32>
      %swap3A_424 = arith.index_cast %scan3A_220 : i32 to index
      %swap3A_425 = tpu.vector_load %arg8[%swap3A_424] masked %ge3A_228 {strides = array<i32>} : memref<24592xi32, #tpu.memory_space<vmem>>, vector<16xi32>, vector<16xi1>
      tpu.vector_store %arg8[%swap3A_424], %get3A_227 masked %ge3A_228 {strides = array<i32>} : memref<24592xi32, #tpu.memory_space<vmem>>, vector<16xi32>, vector<16xi1>
      %mul3A_426 = arith.constant 16 : i32
      %mul3A_427 = arith.muli %scan3A_219, %mul3A_426 : i32
      %add3A_428 = arith.constant 0 : i32
      %add3A_429 = arith.addi %mul3A_427, %add3A_428 : i32
      %mul3A_430 = arith.constant 16 : i32
      %mul3A_431 = arith.muli %add3A_429, %mul3A_430 : i32
      %add3A_432 = vector.broadcast %mul3A_431 : i32 to vector<16xi32>
      %add3A_433 = arith.addi %iota3A, %add3A_432 : vector<16xi32>
      %swap3A_434 = arith.index_cast %scan3A_220 : i32 to index
      %swap3A_435 = tpu.vector_load %arg9[%swap3A_434] masked %ge3A_228 {strides = array<i32>} : memref<24592xi32, #tpu.memory_space<vmem>>, vector<16xi32>, vector<16xi1>
      tpu.vector_store %arg9[%swap3A_434], %add3A_433 masked %ge3A_228 {strides = array<i32>} : memref<24592xi32, #tpu.memory_space<vmem>>, vector<16xi32>, vector<16xi1>
      %add3A_436 = arith.addi %scan3A_220, %squeeze3A : i32
      %swap3A_437 = arith.index_cast %add3A_436 : i32 to index
      %swap3A_438 = tpu.vector_load %arg8[%swap3A_437] masked %ge3A_238 {strides = array<i32>} : memref<24592xi32, #tpu.memory_space<vmem>>, vector<16xi32>, vector<16xi1>
      tpu.vector_store %arg8[%swap3A_437], %get3A_236 masked %ge3A_238 {strides = array<i32>} : memref<24592xi32, #tpu.memory_space<vmem>>, vector<16xi32>, vector<16xi1>
      %mul3A_439 = arith.constant 16 : i32
      %mul3A_440 = arith.muli %scan3A_219, %mul3A_439 : i32
      %add3A_441 = arith.constant 1 : i32
      %add3A_442 = arith.addi %mul3A_440, %add3A_441 : i32
      %mul3A_443 = arith.constant 16 : i32
      %mul3A_444 = arith.muli %add3A_442, %mul3A_443 : i32
      %add3A_445 = vector.broadcast %mul3A_444 : i32 to vector<16xi32>
      %add3A_446 = arith.addi %iota3A, %add3A_445 : vector<16xi32>
      %swap3A_447 = arith.index_cast %add3A_436 : i32 to index
      %swap3A_448 = tpu.vector_load %arg9[%swap3A_447] masked %ge3A_238 {strides = array<i32>} : memref<24592xi32, #tpu.memory_space<vmem>>, vector<16xi32>, vector<16xi1>
      tpu.vector_store %arg9[%swap3A_447], %add3A_446 masked %ge3A_238 {strides = array<i32>} : memref<24592xi32, #tpu.memory_space<vmem>>, vector<16xi32>, vector<16xi1>
      %add3A_449 = arith.addi %add3A_436, %squeeze3A_241 : i32
      %swap3A_450 = arith.index_cast %add3A_449 : i32 to index
      %swap3A_451 = tpu.vector_load %arg8[%swap3A_450] masked %ge3A_251 {strides = array<i32>} : memref<24592xi32, #tpu.memory_space<vmem>>, vector<16xi32>, vector<16xi1>
      tpu.vector_store %arg8[%swap3A_450], %get3A_249 masked %ge3A_251 {strides = array<i32>} : memref<24592xi32, #tpu.memory_space<vmem>>, vector<16xi32>, vector<16xi1>
      %mul3A_452 = arith.constant 16 : i32
      %mul3A_453 = arith.muli %scan3A_219, %mul3A_452 : i32
      %add3A_454 = arith.constant 2 : i32
      %add3A_455 = arith.addi %mul3A_453, %add3A_454 : i32
      %mul3A_456 = arith.constant 16 : i32
      %mul3A_457 = arith.muli %add3A_455, %mul3A_456 : i32
      %add3A_458 = vector.broadcast %mul3A_457 : i32 to vector<16xi32>
      %add3A_459 = arith.addi %iota3A, %add3A_458 : vector<16xi32>
      %swap3A_460 = arith.index_cast %add3A_449 : i32 to index
      %swap3A_461 = tpu.vector_load %arg9[%swap3A_460] masked %ge3A_251 {strides = array<i32>} : memref<24592xi32, #tpu.memory_space<vmem>>, vector<16xi32>, vector<16xi1>
      tpu.vector_store %arg9[%swap3A_460], %add3A_459 masked %ge3A_251 {strides = array<i32>} : memref<24592xi32, #tpu.memory_space<vmem>>, vector<16xi32>, vector<16xi1>
      %add3A_462 = arith.addi %add3A_449, %squeeze3A_254 : i32
      %swap3A_463 = arith.index_cast %add3A_462 : i32 to index
      %swap3A_464 = tpu.vector_load %arg8[%swap3A_463] masked %ge3A_264 {strides = array<i32>} : memref<24592xi32, #tpu.memory_space<vmem>>, vector<16xi32>, vector<16xi1>
      tpu.vector_store %arg8[%swap3A_463], %get3A_262 masked %ge3A_264 {strides = array<i32>} : memref<24592xi32, #tpu.memory_space<vmem>>, vector<16xi32>, vector<16xi1>
      %mul3A_465 = arith.constant 16 : i32
      %mul3A_466 = arith.muli %scan3A_219, %mul3A_465 : i32
      %add3A_467 = arith.constant 3 : i32
      %add3A_468 = arith.addi %mul3A_466, %add3A_467 : i32
      %mul3A_469 = arith.constant 16 : i32
      %mul3A_470 = arith.muli %add3A_468, %mul3A_469 : i32
      %add3A_471 = vector.broadcast %mul3A_470 : i32 to vector<16xi32>
      %add3A_472 = arith.addi %iota3A, %add3A_471 : vector<16xi32>
      %swap3A_473 = arith.index_cast %add3A_462 : i32 to index
      %swap3A_474 = tpu.vector_load %arg9[%swap3A_473] masked %ge3A_264 {strides = array<i32>} : memref<24592xi32, #tpu.memory_space<vmem>>, vector<16xi32>, vector<16xi1>
      tpu.vector_store %arg9[%swap3A_473], %add3A_472 masked %ge3A_264 {strides = array<i32>} : memref<24592xi32, #tpu.memory_space<vmem>>, vector<16xi32>, vector<16xi1>
      %add3A_475 = arith.addi %add3A_462, %squeeze3A_267 : i32
      %swap3A_476 = arith.index_cast %add3A_475 : i32 to index
      %swap3A_477 = tpu.vector_load %arg8[%swap3A_476] masked %ge3A_277 {strides = array<i32>} : memref<24592xi32, #tpu.memory_space<vmem>>, vector<16xi32>, vector<16xi1>
      tpu.vector_store %arg8[%swap3A_476], %get3A_275 masked %ge3A_277 {strides = array<i32>} : memref<24592xi32, #tpu.memory_space<vmem>>, vector<16xi32>, vector<16xi1>
      %mul3A_478 = arith.constant 16 : i32
      %mul3A_479 = arith.muli %scan3A_219, %mul3A_478 : i32
      %add3A_480 = arith.constant 4 : i32
      %add3A_481 = arith.addi %mul3A_479, %add3A_480 : i32
      %mul3A_482 = arith.constant 16 : i32
      %mul3A_483 = arith.muli %add3A_481, %mul3A_482 : i32
      %add3A_484 = vector.broadcast %mul3A_483 : i32 to vector<16xi32>
      %add3A_485 = arith.addi %iota3A, %add3A_484 : vector<16xi32>
      %swap3A_486 = arith.index_cast %add3A_475 : i32 to index
      %swap3A_487 = tpu.vector_load %arg9[%swap3A_486] masked %ge3A_277 {strides = array<i32>} : memref<24592xi32, #tpu.memory_space<vmem>>, vector<16xi32>, vector<16xi1>
      tpu.vector_store %arg9[%swap3A_486], %add3A_485 masked %ge3A_277 {strides = array<i32>} : memref<24592xi32, #tpu.memory_space<vmem>>, vector<16xi32>, vector<16xi1>
      %add3A_488 = arith.addi %add3A_475, %squeeze3A_280 : i32
      %swap3A_489 = arith.index_cast %add3A_488 : i32 to index
      %swap3A_490 = tpu.vector_load %arg8[%swap3A_489] masked %ge3A_290 {strides = array<i32>} : memref<24592xi32, #tpu.memory_space<vmem>>, vector<16xi32>, vector<16xi1>
      tpu.vector_store %arg8[%swap3A_489], %get3A_288 masked %ge3A_290 {strides = array<i32>} : memref<24592xi32, #tpu.memory_space<vmem>>, vector<16xi32>, vector<16xi1>
      %mul3A_491 = arith.constant 16 : i32
      %mul3A_492 = arith.muli %scan3A_219, %mul3A_491 : i32
      %add3A_493 = arith.constant 5 : i32
      %add3A_494 = arith.addi %mul3A_492, %add3A_493 : i32
      %mul3A_495 = arith.constant 16 : i32
      %mul3A_496 = arith.muli %add3A_494, %mul3A_495 : i32
      %add3A_497 = vector.broadcast %mul3A_496 : i32 to vector<16xi32>
      %add3A_498 = arith.addi %iota3A, %add3A_497 : vector<16xi32>
      %swap3A_499 = arith.index_cast %add3A_488 : i32 to index
      %swap3A_500 = tpu.vector_load %arg9[%swap3A_499] masked %ge3A_290 {strides = array<i32>} : memref<24592xi32, #tpu.memory_space<vmem>>, vector<16xi32>, vector<16xi1>
      tpu.vector_store %arg9[%swap3A_499], %add3A_498 masked %ge3A_290 {strides = array<i32>} : memref<24592xi32, #tpu.memory_space<vmem>>, vector<16xi32>, vector<16xi1>
      %add3A_501 = arith.addi %add3A_488, %squeeze3A_293 : i32
      %swap3A_502 = arith.index_cast %add3A_501 : i32 to index
      %swap3A_503 = tpu.vector_load %arg8[%swap3A_502] masked %ge3A_303 {strides = array<i32>} : memref<24592xi32, #tpu.memory_space<vmem>>, vector<16xi32>, vector<16xi1>
      tpu.vector_store %arg8[%swap3A_502], %get3A_301 masked %ge3A_303 {strides = array<i32>} : memref<24592xi32, #tpu.memory_space<vmem>>, vector<16xi32>, vector<16xi1>
      %mul3A_504 = arith.constant 16 : i32
      %mul3A_505 = arith.muli %scan3A_219, %mul3A_504 : i32
      %add3A_506 = arith.constant 6 : i32
      %add3A_507 = arith.addi %mul3A_505, %add3A_506 : i32
      %mul3A_508 = arith.constant 16 : i32
      %mul3A_509 = arith.muli %add3A_507, %mul3A_508 : i32
      %add3A_510 = vector.broadcast %mul3A_509 : i32 to vector<16xi32>
      %add3A_511 = arith.addi %iota3A, %add3A_510 : vector<16xi32>
      %swap3A_512 = arith.index_cast %add3A_501 : i32 to index
      %swap3A_513 = tpu.vector_load %arg9[%swap3A_512] masked %ge3A_303 {strides = array<i32>} : memref<24592xi32, #tpu.memory_space<vmem>>, vector<16xi32>, vector<16xi1>
      tpu.vector_store %arg9[%swap3A_512], %add3A_511 masked %ge3A_303 {strides = array<i32>} : memref<24592xi32, #tpu.memory_space<vmem>>, vector<16xi32>, vector<16xi1>
      %add3A_514 = arith.addi %add3A_501, %squeeze3A_306 : i32
      %swap3A_515 = arith.index_cast %add3A_514 : i32 to index
      %swap3A_516 = tpu.vector_load %arg8[%swap3A_515] masked %ge3A_316 {strides = array<i32>} : memref<24592xi32, #tpu.memory_space<vmem>>, vector<16xi32>, vector<16xi1>
      tpu.vector_store %arg8[%swap3A_515], %get3A_314 masked %ge3A_316 {strides = array<i32>} : memref<24592xi32, #tpu.memory_space<vmem>>, vector<16xi32>, vector<16xi1>
      %mul3A_517 = arith.constant 16 : i32
      %mul3A_518 = arith.muli %scan3A_219, %mul3A_517 : i32
      %add3A_519 = arith.constant 7 : i32
      %add3A_520 = arith.addi %mul3A_518, %add3A_519 : i32
      %mul3A_521 = arith.constant 16 : i32
      %mul3A_522 = arith.muli %add3A_520, %mul3A_521 : i32
      %add3A_523 = vector.broadcast %mul3A_522 : i32 to vector<16xi32>
      %add3A_524 = arith.addi %iota3A, %add3A_523 : vector<16xi32>
      %swap3A_525 = arith.index_cast %add3A_514 : i32 to index
      %swap3A_526 = tpu.vector_load %arg9[%swap3A_525] masked %ge3A_316 {strides = array<i32>} : memref<24592xi32, #tpu.memory_space<vmem>>, vector<16xi32>, vector<16xi1>
      tpu.vector_store %arg9[%swap3A_525], %add3A_524 masked %ge3A_316 {strides = array<i32>} : memref<24592xi32, #tpu.memory_space<vmem>>, vector<16xi32>, vector<16xi1>
      %add3A_527 = arith.addi %add3A_514, %squeeze3A_319 : i32
      %swap3A_528 = arith.index_cast %add3A_527 : i32 to index
      %swap3A_529 = tpu.vector_load %arg8[%swap3A_528] masked %ge3A_329 {strides = array<i32>} : memref<24592xi32, #tpu.memory_space<vmem>>, vector<16xi32>, vector<16xi1>
      tpu.vector_store %arg8[%swap3A_528], %get3A_327 masked %ge3A_329 {strides = array<i32>} : memref<24592xi32, #tpu.memory_space<vmem>>, vector<16xi32>, vector<16xi1>
      %mul3A_530 = arith.constant 16 : i32
      %mul3A_531 = arith.muli %scan3A_219, %mul3A_530 : i32
      %add3A_532 = arith.constant 8 : i32
      %add3A_533 = arith.addi %mul3A_531, %add3A_532 : i32
      %mul3A_534 = arith.constant 16 : i32
      %mul3A_535 = arith.muli %add3A_533, %mul3A_534 : i32
      %add3A_536 = vector.broadcast %mul3A_535 : i32 to vector<16xi32>
      %add3A_537 = arith.addi %iota3A, %add3A_536 : vector<16xi32>
      %swap3A_538 = arith.index_cast %add3A_527 : i32 to index
      %swap3A_539 = tpu.vector_load %arg9[%swap3A_538] masked %ge3A_329 {strides = array<i32>} : memref<24592xi32, #tpu.memory_space<vmem>>, vector<16xi32>, vector<16xi1>
      tpu.vector_store %arg9[%swap3A_538], %add3A_537 masked %ge3A_329 {strides = array<i32>} : memref<24592xi32, #tpu.memory_space<vmem>>, vector<16xi32>, vector<16xi1>
      %add3A_540 = arith.addi %add3A_527, %squeeze3A_332 : i32
      %swap3A_541 = arith.index_cast %add3A_540 : i32 to index
      %swap3A_542 = tpu.vector_load %arg8[%swap3A_541] masked %ge3A_342 {strides = array<i32>} : memref<24592xi32, #tpu.memory_space<vmem>>, vector<16xi32>, vector<16xi1>
      tpu.vector_store %arg8[%swap3A_541], %get3A_340 masked %ge3A_342 {strides = array<i32>} : memref<24592xi32, #tpu.memory_space<vmem>>, vector<16xi32>, vector<16xi1>
      %mul3A_543 = arith.constant 16 : i32
      %mul3A_544 = arith.muli %scan3A_219, %mul3A_543 : i32
      %add3A_545 = arith.constant 9 : i32
      %add3A_546 = arith.addi %mul3A_544, %add3A_545 : i32
      %mul3A_547 = arith.constant 16 : i32
      %mul3A_548 = arith.muli %add3A_546, %mul3A_547 : i32
      %add3A_549 = vector.broadcast %mul3A_548 : i32 to vector<16xi32>
      %add3A_550 = arith.addi %iota3A, %add3A_549 : vector<16xi32>
      %swap3A_551 = arith.index_cast %add3A_540 : i32 to index
      %swap3A_552 = tpu.vector_load %arg9[%swap3A_551] masked %ge3A_342 {strides = array<i32>} : memref<24592xi32, #tpu.memory_space<vmem>>, vector<16xi32>, vector<16xi1>
      tpu.vector_store %arg9[%swap3A_551], %add3A_550 masked %ge3A_342 {strides = array<i32>} : memref<24592xi32, #tpu.memory_space<vmem>>, vector<16xi32>, vector<16xi1>
      %add3A_553 = arith.addi %add3A_540, %squeeze3A_345 : i32
      %swap3A_554 = arith.index_cast %add3A_553 : i32 to index
      %swap3A_555 = tpu.vector_load %arg8[%swap3A_554] masked %ge3A_355 {strides = array<i32>} : memref<24592xi32, #tpu.memory_space<vmem>>, vector<16xi32>, vector<16xi1>
      tpu.vector_store %arg8[%swap3A_554], %get3A_353 masked %ge3A_355 {strides = array<i32>} : memref<24592xi32, #tpu.memory_space<vmem>>, vector<16xi32>, vector<16xi1>
      %mul3A_556 = arith.constant 16 : i32
      %mul3A_557 = arith.muli %scan3A_219, %mul3A_556 : i32
      %add3A_558 = arith.constant 10 : i32
      %add3A_559 = arith.addi %mul3A_557, %add3A_558 : i32
      %mul3A_560 = arith.constant 16 : i32
      %mul3A_561 = arith.muli %add3A_559, %mul3A_560 : i32
      %add3A_562 = vector.broadcast %mul3A_561 : i32 to vector<16xi32>
      %add3A_563 = arith.addi %iota3A, %add3A_562 : vector<16xi32>
      %swap3A_564 = arith.index_cast %add3A_553 : i32 to index
      %swap3A_565 = tpu.vector_load %arg9[%swap3A_564] masked %ge3A_355 {strides = array<i32>} : memref<24592xi32, #tpu.memory_space<vmem>>, vector<16xi32>, vector<16xi1>
      tpu.vector_store %arg9[%swap3A_564], %add3A_563 masked %ge3A_355 {strides = array<i32>} : memref<24592xi32, #tpu.memory_space<vmem>>, vector<16xi32>, vector<16xi1>
      %add3A_566 = arith.addi %add3A_553, %squeeze3A_358 : i32
      %swap3A_567 = arith.index_cast %add3A_566 : i32 to index
      %swap3A_568 = tpu.vector_load %arg8[%swap3A_567] masked %ge3A_368 {strides = array<i32>} : memref<24592xi32, #tpu.memory_space<vmem>>, vector<16xi32>, vector<16xi1>
      tpu.vector_store %arg8[%swap3A_567], %get3A_366 masked %ge3A_368 {strides = array<i32>} : memref<24592xi32, #tpu.memory_space<vmem>>, vector<16xi32>, vector<16xi1>
      %mul3A_569 = arith.constant 16 : i32
      %mul3A_570 = arith.muli %scan3A_219, %mul3A_569 : i32
      %add3A_571 = arith.constant 11 : i32
      %add3A_572 = arith.addi %mul3A_570, %add3A_571 : i32
      %mul3A_573 = arith.constant 16 : i32
      %mul3A_574 = arith.muli %add3A_572, %mul3A_573 : i32
      %add3A_575 = vector.broadcast %mul3A_574 : i32 to vector<16xi32>
      %add3A_576 = arith.addi %iota3A, %add3A_575 : vector<16xi32>
      %swap3A_577 = arith.index_cast %add3A_566 : i32 to index
      %swap3A_578 = tpu.vector_load %arg9[%swap3A_577] masked %ge3A_368 {strides = array<i32>} : memref<24592xi32, #tpu.memory_space<vmem>>, vector<16xi32>, vector<16xi1>
      tpu.vector_store %arg9[%swap3A_577], %add3A_576 masked %ge3A_368 {strides = array<i32>} : memref<24592xi32, #tpu.memory_space<vmem>>, vector<16xi32>, vector<16xi1>
      %add3A_579 = arith.addi %add3A_566, %squeeze3A_371 : i32
      %swap3A_580 = arith.index_cast %add3A_579 : i32 to index
      %swap3A_581 = tpu.vector_load %arg8[%swap3A_580] masked %ge3A_381 {strides = array<i32>} : memref<24592xi32, #tpu.memory_space<vmem>>, vector<16xi32>, vector<16xi1>
      tpu.vector_store %arg8[%swap3A_580], %get3A_379 masked %ge3A_381 {strides = array<i32>} : memref<24592xi32, #tpu.memory_space<vmem>>, vector<16xi32>, vector<16xi1>
      %mul3A_582 = arith.constant 16 : i32
      %mul3A_583 = arith.muli %scan3A_219, %mul3A_582 : i32
      %add3A_584 = arith.constant 12 : i32
      %add3A_585 = arith.addi %mul3A_583, %add3A_584 : i32
      %mul3A_586 = arith.constant 16 : i32
      %mul3A_587 = arith.muli %add3A_585, %mul3A_586 : i32
      %add3A_588 = vector.broadcast %mul3A_587 : i32 to vector<16xi32>
      %add3A_589 = arith.addi %iota3A, %add3A_588 : vector<16xi32>
      %swap3A_590 = arith.index_cast %add3A_579 : i32 to index
      %swap3A_591 = tpu.vector_load %arg9[%swap3A_590] masked %ge3A_381 {strides = array<i32>} : memref<24592xi32, #tpu.memory_space<vmem>>, vector<16xi32>, vector<16xi1>
      tpu.vector_store %arg9[%swap3A_590], %add3A_589 masked %ge3A_381 {strides = array<i32>} : memref<24592xi32, #tpu.memory_space<vmem>>, vector<16xi32>, vector<16xi1>
      %add3A_592 = arith.addi %add3A_579, %squeeze3A_384 : i32
      %swap3A_593 = arith.index_cast %add3A_592 : i32 to index
      %swap3A_594 = tpu.vector_load %arg8[%swap3A_593] masked %ge3A_394 {strides = array<i32>} : memref<24592xi32, #tpu.memory_space<vmem>>, vector<16xi32>, vector<16xi1>
      tpu.vector_store %arg8[%swap3A_593], %get3A_392 masked %ge3A_394 {strides = array<i32>} : memref<24592xi32, #tpu.memory_space<vmem>>, vector<16xi32>, vector<16xi1>
      %mul3A_595 = arith.constant 16 : i32
      %mul3A_596 = arith.muli %scan3A_219, %mul3A_595 : i32
      %add3A_597 = arith.constant 13 : i32
      %add3A_598 = arith.addi %mul3A_596, %add3A_597 : i32
      %mul3A_599 = arith.constant 16 : i32
      %mul3A_600 = arith.muli %add3A_598, %mul3A_599 : i32
      %add3A_601 = vector.broadcast %mul3A_600 : i32 to vector<16xi32>
      %add3A_602 = arith.addi %iota3A, %add3A_601 : vector<16xi32>
      %swap3A_603 = arith.index_cast %add3A_592 : i32 to index
      %swap3A_604 = tpu.vector_load %arg9[%swap3A_603] masked %ge3A_394 {strides = array<i32>} : memref<24592xi32, #tpu.memory_space<vmem>>, vector<16xi32>, vector<16xi1>
      tpu.vector_store %arg9[%swap3A_603], %add3A_602 masked %ge3A_394 {strides = array<i32>} : memref<24592xi32, #tpu.memory_space<vmem>>, vector<16xi32>, vector<16xi1>
      %add3A_605 = arith.addi %add3A_592, %squeeze3A_397 : i32
      %swap3A_606 = arith.index_cast %add3A_605 : i32 to index
      %swap3A_607 = tpu.vector_load %arg8[%swap3A_606] masked %ge3A_407 {strides = array<i32>} : memref<24592xi32, #tpu.memory_space<vmem>>, vector<16xi32>, vector<16xi1>
      tpu.vector_store %arg8[%swap3A_606], %get3A_405 masked %ge3A_407 {strides = array<i32>} : memref<24592xi32, #tpu.memory_space<vmem>>, vector<16xi32>, vector<16xi1>
      %mul3A_608 = arith.constant 16 : i32
      %mul3A_609 = arith.muli %scan3A_219, %mul3A_608 : i32
      %add3A_610 = arith.constant 14 : i32
      %add3A_611 = arith.addi %mul3A_609, %add3A_610 : i32
      %mul3A_612 = arith.constant 16 : i32
      %mul3A_613 = arith.muli %add3A_611, %mul3A_612 : i32
      %add3A_614 = vector.broadcast %mul3A_613 : i32 to vector<16xi32>
      %add3A_615 = arith.addi %iota3A, %add3A_614 : vector<16xi32>
      %swap3A_616 = arith.index_cast %add3A_605 : i32 to index
      %swap3A_617 = tpu.vector_load %arg9[%swap3A_616] masked %ge3A_407 {strides = array<i32>} : memref<24592xi32, #tpu.memory_space<vmem>>, vector<16xi32>, vector<16xi1>
      tpu.vector_store %arg9[%swap3A_616], %add3A_615 masked %ge3A_407 {strides = array<i32>} : memref<24592xi32, #tpu.memory_space<vmem>>, vector<16xi32>, vector<16xi1>
      %add3A_618 = arith.addi %add3A_605, %squeeze3A_410 : i32
      %swap3A_619 = arith.index_cast %add3A_618 : i32 to index
      %swap3A_620 = tpu.vector_load %arg8[%swap3A_619] masked %ge3A_420 {strides = array<i32>} : memref<24592xi32, #tpu.memory_space<vmem>>, vector<16xi32>, vector<16xi1>
      tpu.vector_store %arg8[%swap3A_619], %get3A_418 masked %ge3A_420 {strides = array<i32>} : memref<24592xi32, #tpu.memory_space<vmem>>, vector<16xi32>, vector<16xi1>
      %mul3A_621 = arith.constant 16 : i32
      %mul3A_622 = arith.muli %scan3A_219, %mul3A_621 : i32
      %add3A_623 = arith.constant 15 : i32
      %add3A_624 = arith.addi %mul3A_622, %add3A_623 : i32
      %mul3A_625 = arith.constant 16 : i32
      %mul3A_626 = arith.muli %add3A_624, %mul3A_625 : i32
      %add3A_627 = vector.broadcast %mul3A_626 : i32 to vector<16xi32>
      %add3A_628 = arith.addi %iota3A, %add3A_627 : vector<16xi32>
      %swap3A_629 = arith.index_cast %add3A_618 : i32 to index
      %swap3A_630 = tpu.vector_load %arg9[%swap3A_629] masked %ge3A_420 {strides = array<i32>} : memref<24592xi32, #tpu.memory_space<vmem>>, vector<16xi32>, vector<16xi1>
      tpu.vector_store %arg9[%swap3A_629], %add3A_628 masked %ge3A_420 {strides = array<i32>} : memref<24592xi32, #tpu.memory_space<vmem>>, vector<16xi32>, vector<16xi1>
      %add3A_631 = arith.addi %add3A_618, %squeeze3A_423 : i32
      scf.yield %add3A_631 : i32
    }
    %scan3A_40 = arith.constant 96 : i32
    %broadcast_in_dim3A = arith.constant 0 : i32
    %broadcast_in_dim3A_41 = vector.broadcast %broadcast_in_dim3A : i32 to vector<16xi32>
    %swap3A = arith.index_cast %scan3A_39 : i32 to index
    %swap3A_42 = tpu.vector_load %arg8[%swap3A] {strides = array<i32>} : memref<24592xi32, #tpu.memory_space<vmem>>, vector<16xi32>,
    tpu.vector_store %arg8[%swap3A], %broadcast_in_dim3A_41 {strides = array<i32>} : memref<24592xi32, #tpu.memory_space<vmem>>, vector<16xi32>,
    %broadcast_in_dim3A_43 = arith.constant 24576 : i32
    %broadcast_in_dim3A_44 = vector.broadcast %broadcast_in_dim3A_43 : i32 to vector<16xi32>
    %swap3A_45 = arith.index_cast %scan3A_39 : i32 to index
    %swap3A_46 = tpu.vector_load %arg9[%swap3A_45] {strides = array<i32>} : memref<24592xi32, #tpu.memory_space<vmem>>, vector<16xi32>,
    tpu.vector_store %arg9[%swap3A_45], %broadcast_in_dim3A_44 {strides = array<i32>} : memref<24592xi32, #tpu.memory_space<vmem>>, vector<16xi32>,
    %add3A_47 = arith.constant 15 : i32
    %add3A_48 = arith.addi %scan3A_39, %add3A_47 : i32
    %jit3A = arith.constant 16 : i32
    %div3A = arith.divsi %add3A_48, %jit3A : i32
    %sign3A = arith.constant 0 : i32
    %sign3A_49 = arith.cmpi sgt, %add3A_48, %sign3A : i32
    %sign3A_50 = arith.extui %sign3A_49 : i1 to i32
    %sign3A_51 = arith.constant 0 : i32
    %sign3A_52 = arith.cmpi slt, %add3A_48, %sign3A_51 : i32
    %sign3A_53 = arith.extui %sign3A_52 : i1 to i32
    %sign3A_54 = arith.subi %sign3A_50, %sign3A_53 : i32
    %sign3A_55 = arith.constant 0 : i32
    %sign3A_56 = arith.cmpi sgt, %jit3A, %sign3A_55 : i32
    %sign3A_57 = arith.extui %sign3A_56 : i1 to i32
    %sign3A_58 = arith.constant 0 : i32
    %sign3A_59 = arith.cmpi slt, %jit3A, %sign3A_58 : i32
    %sign3A_60 = arith.extui %sign3A_59 : i1 to i32
    %sign3A_61 = arith.subi %sign3A_57, %sign3A_60 : i32
    %ne3A = arith.cmpi ne, %sign3A_54, %sign3A_61 : i32
    %rem3A = arith.remsi %add3A_48, %jit3A : i32
    %ne3A_62 = arith.constant 0 : i32
    %ne3A_63 = arith.cmpi ne, %rem3A, %ne3A_62 : i32
    %and3A = arith.andi %ne3A, %ne3A_63 : i1
    %sub3A = arith.constant 1 : i32
    %sub3A_64 = arith.subi %div3A, %sub3A : i32
    %select_n3A = arith.select %and3A, %sub3A_64, %div3A : i32
    %scan3A_65 = arith.constant 0 : i32
    %scan3A_66 = arith.constant 0 : i32
    %scan3A_67 = arith.constant 32 : i32
    %scan3A_68 = arith.addi %scan3A_66, %scan3A_67 : i32
    %scan3A_69 = arith.constant 1 : i32
    %scan3A_70 = scf.for %scan3A_219 = %scan3A_66 to %scan3A_68 step %scan3A_69 iter_args(%scan3A_220 = %scan3A_65) -> (i32)  : i32 {
      %sub3A_221 = arith.constant 31 : i32
      %sub3A_222 = arith.subi %sub3A_221, %scan3A_219 : i32
      %shift_left3A = arith.constant 1 : i32
      %shift_left3A_223 = arith.shli %shift_left3A, %sub3A_222 : i32
      %or3A = arith.ori %scan3A_220, %shift_left3A_223 : i32
      %broadcast_in_dim3A_224 = arith.constant 0 : i32
      %broadcast_in_dim3A_225 = vector.broadcast %broadcast_in_dim3A_224 : i32 to vector<16xi32>
      %while3A_226 = arith.constant 0 : i32
      %while3A_227 = arith.subi %select_n3A, %while3A_226 : i32
      %while3A_228 = arith.addi %while3A_226, %while3A_227 : i32
      %while3A_229 = arith.constant 1 : i32
      %while3A_230 = arith.divsi %while3A_227, %while3A_229 : i32
      %while3A_231 = arith.muli %while3A_230, %while3A_229 : i32
      %while3A_232 = arith.addi %while3A_226, %while3A_231 : i32
      %while3A_233 = arith.constant 1 : i32
      %while3A_234 = scf.for %while3A_243 = %while3A_226 to %while3A_232 step %while3A_233 iter_args(%while3A_244 = %broadcast_in_dim3A_225) -> (vector<16xi32>)  : i32 {
        %mul3A_245 = arith.constant 16 : i32
        %mul3A_246 = arith.muli %while3A_243, %mul3A_245 : i32
        %get3A = arith.index_cast %mul3A_246 : i32 to index
        %get3A_247 = tpu.vector_load %arg8[%get3A] {strides = array<i32>} : memref<24592xi32, #tpu.memory_space<vmem>>, vector<16xi32>,
        %ge3A_248 = vector.broadcast %or3A : i32 to vector<16xi32>
        %ge3A_249 = arith.cmpi uge, %get3A_247, %ge3A_248 : vector<16xi32>
        %convert_element_type3A = arith.extui %ge3A_249 : vector<16xi1> to vector<16xi32>
        %add3A_250 = arith.addi %while3A_244, %convert_element_type3A : vector<16xi32>
        scf.yield %add3A_250 : vector<16xi32>
      }
      %while3A_235 = arith.constant 1 : i32
      %while3A_236 = scf.for %while3A_243 = %while3A_232 to %while3A_228 step %while3A_235 iter_args(%while3A_244 = %while3A_234) -> (vector<16xi32>)  : i32 {
        %mul3A_245 = arith.constant 16 : i32
        %mul3A_246 = arith.muli %while3A_243, %mul3A_245 : i32
        %get3A = arith.index_cast %mul3A_246 : i32 to index
        %get3A_247 = tpu.vector_load %arg8[%get3A] {strides = array<i32>} : memref<24592xi32, #tpu.memory_space<vmem>>, vector<16xi32>,
        %ge3A_248 = vector.broadcast %or3A : i32 to vector<16xi32>
        %ge3A_249 = arith.cmpi uge, %get3A_247, %ge3A_248 : vector<16xi32>
        %convert_element_type3A = arith.extui %ge3A_249 : vector<16xi1> to vector<16xi32>
        %add3A_250 = arith.addi %while3A_244, %convert_element_type3A : vector<16xi32>
        scf.yield %add3A_250 : vector<16xi32>
      }
      %reduce_sum3A_237 = arith.constant true
      %reduce_sum3A_238 = vector.broadcast %reduce_sum3A_237 : i1 to vector<16xi1>
      %reduce_sum3A_239 = tpu.scan <sum>, %while3A_236 masked %reduce_sum3A_238 : vector<16xi32>, vector<16xi1> -> vector<16xi32>
      %reduce_sum3A_240 = vector.extract %reduce_sum3A_239[15] : i32 from vector<16xi32>
      %ge3A = arith.constant 64 : i32
      %ge3A_241 = arith.cmpi sge, %reduce_sum3A_240, %ge3A : i32
      %select_n3A_242 = arith.select %ge3A_241, %or3A, %scan3A_220 : i32
      scf.yield %select_n3A_242 : i32
    }
    %scan3A_71 = arith.constant 32 : i32
    %broadcast_in_dim3A_72 = arith.constant 0 : i32
    %broadcast_in_dim3A_73 = vector.broadcast %broadcast_in_dim3A_72 : i32 to vector<16xi32>
    %while3A = arith.constant 0 : i32
    %while3A_74 = arith.subi %select_n3A, %while3A : i32
    %while3A_75 = arith.addi %while3A, %while3A_74 : i32
    %while3A_76 = arith.constant 1 : i32
    %while3A_77 = arith.divsi %while3A_74, %while3A_76 : i32
    %while3A_78 = arith.muli %while3A_77, %while3A_76 : i32
    %while3A_79 = arith.addi %while3A, %while3A_78 : i32
    %while3A_80 = arith.constant 1 : i32
    %while3A_81 = scf.for %while3A_219 = %while3A to %while3A_79 step %while3A_80 iter_args(%while3A_220 = %broadcast_in_dim3A_73) -> (vector<16xi32>)  : i32 {
      %mul3A_221 = arith.constant 16 : i32
      %mul3A_222 = arith.muli %while3A_219, %mul3A_221 : i32
      %get3A = arith.index_cast %mul3A_222 : i32 to index
      %get3A_223 = tpu.vector_load %arg8[%get3A] {strides = array<i32>} : memref<24592xi32, #tpu.memory_space<vmem>>, vector<16xi32>,
      %gt3A = vector.broadcast %scan3A_70 : i32 to vector<16xi32>
      %gt3A_224 = arith.cmpi ugt, %get3A_223, %gt3A : vector<16xi32>
      %convert_element_type3A = arith.extui %gt3A_224 : vector<16xi1> to vector<16xi32>
      %add3A_225 = arith.addi %while3A_220, %convert_element_type3A : vector<16xi32>
      scf.yield %add3A_225 : vector<16xi32>
    }
    %while3A_82 = arith.constant 1 : i32
    %while3A_83 = scf.for %while3A_219 = %while3A_79 to %while3A_75 step %while3A_82 iter_args(%while3A_220 = %while3A_81) -> (vector<16xi32>)  : i32 {
      %mul3A_221 = arith.constant 16 : i32
      %mul3A_222 = arith.muli %while3A_219, %mul3A_221 : i32
      %get3A = arith.index_cast %mul3A_222 : i32 to index
      %get3A_223 = tpu.vector_load %arg8[%get3A] {strides = array<i32>} : memref<24592xi32, #tpu.memory_space<vmem>>, vector<16xi32>,
      %gt3A = vector.broadcast %scan3A_70 : i32 to vector<16xi32>
      %gt3A_224 = arith.cmpi ugt, %get3A_223, %gt3A : vector<16xi32>
      %convert_element_type3A = arith.extui %gt3A_224 : vector<16xi1> to vector<16xi32>
      %add3A_225 = arith.addi %while3A_220, %convert_element_type3A : vector<16xi32>
      scf.yield %add3A_225 : vector<16xi32>
    }
    %reduce_sum3A = arith.constant true
    %reduce_sum3A_84 = vector.broadcast %reduce_sum3A : i1 to vector<16xi1>
    %reduce_sum3A_85 = tpu.scan <sum>, %while3A_83 masked %reduce_sum3A_84 : vector<16xi32>, vector<16xi1> -> vector<16xi32>
    %reduce_sum3A_86 = vector.extract %reduce_sum3A_85[15] : i32 from vector<16xi32>
    %sub3A_87 = arith.constant 64 : i32
    %sub3A_88 = arith.subi %sub3A_87, %reduce_sum3A_86 : i32
    %while3A_89 = arith.constant 0 : i32
    %while3A_90 = arith.constant 0 : i32
    %while3A_91 = arith.constant 0 : i32
    %while3A_92 = arith.subi %select_n3A, %while3A_89 : i32
    %while3A_93 = arith.addi %while3A_89, %while3A_92 : i32
    %while3A_94 = arith.constant 1 : i32
    %while3A_95 = arith.divsi %while3A_92, %while3A_94 : i32
    %while3A_96 = arith.muli %while3A_95, %while3A_94 : i32
    %while3A_97 = arith.addi %while3A_89, %while3A_96 : i32
    %while3A_98 = arith.constant 1 : i32
    %while3A_99:2 = scf.for %while3A_219 = %while3A_89 to %while3A_97 step %while3A_98 iter_args(%while3A_220 = %while3A_90, %while3A_221 = %while3A_91) -> (i32, i32)  : i32 {
      %mul3A_222 = arith.constant 16 : i32
      %mul3A_223 = arith.muli %while3A_219, %mul3A_222 : i32
      %get3A = arith.index_cast %mul3A_223 : i32 to index
      %get3A_224 = tpu.vector_load %arg8[%get3A] {strides = array<i32>} : memref<24592xi32, #tpu.memory_space<vmem>>, vector<16xi32>,
      %eq3A = vector.broadcast %scan3A_70 : i32 to vector<16xi32>
      %eq3A_225 = arith.cmpi eq, %get3A_224, %eq3A : vector<16xi32>
      %convert_element_type3A = arith.extui %eq3A_225 : vector<16xi1> to vector<16xi32>
      %reduce_sum3A_226 = arith.constant true
      %reduce_sum3A_227 = vector.broadcast %reduce_sum3A_226 : i1 to vector<16xi1>
      %reduce_sum3A_228 = tpu.scan <sum>, %convert_element_type3A masked %reduce_sum3A_227 : vector<16xi32>, vector<16xi1> -> vector<16xi32>
      %reduce_sum3A_229 = vector.extract %reduce_sum3A_228[15] : i32 from vector<16xi32>
      %broadcast_in_dim3A_230 = arith.constant true
      %broadcast_in_dim3A_231 = vector.broadcast %broadcast_in_dim3A_230 : i1 to vector<16xi1>
      %masked_cumsum3A = tpu.scan <sum>, %convert_element_type3A masked %broadcast_in_dim3A_231 : vector<16xi32>, vector<16xi1> -> vector<16xi32>
      %sub3A_232 = arith.subi %sub3A_88, %while3A_220 : i32
      %eq3A_233 = vector.broadcast %sub3A_232 : i32 to vector<16xi32>
      %eq3A_234 = arith.cmpi eq, %masked_cumsum3A, %eq3A_233 : vector<16xi32>
      %and3A_235 = arith.andi %eq3A_225, %eq3A_234 : vector<16xi1>
      %jit3A_236 = arith.constant 16 : i32
      %broadcast_in_dim3A_237 = vector.broadcast %jit3A_236 : i32 to vector<16xi32>
      %select_n3A_238 = arith.select %and3A_235, %iota3A, %broadcast_in_dim3A_237 : vector<16xi1>, vector<16xi32>
      %reduce_min3A = arith.constant true
      %reduce_min3A_239 = vector.broadcast %reduce_min3A : i1 to vector<16xi1>
      %reduce_min3A_240 = arith.constant -2147483648 : i32
      %reduce_min3A_241 = vector.broadcast %reduce_min3A_240 : i32 to vector<16xi32>
      %reduce_min3A_242 = arith.xori %select_n3A_238, %reduce_min3A_241 : vector<16xi32>
      %reduce_min3A_243 = tpu.scan <min>, %reduce_min3A_242 masked %reduce_min3A_239 : vector<16xi32>, vector<16xi1> -> vector<16xi32>
      %reduce_min3A_244 = arith.xori %reduce_min3A_243, %reduce_min3A_241 : vector<16xi32>
      %reduce_min3A_245 = vector.extract %reduce_min3A_244[15] : i32 from vector<16xi32>
      %lt3A = arith.cmpi slt, %while3A_220, %sub3A_88 : i32
      %lt3A_246 = arith.constant 16 : i32
      %lt3A_247 = arith.cmpi slt, %reduce_min3A_245, %lt3A_246 : i32
      %and3A_248 = arith.andi %lt3A, %lt3A_247 : i1
      %eq3A_249 = vector.broadcast %reduce_min3A_245 : i32 to vector<16xi32>
      %eq3A_250 = arith.cmpi eq, %iota3A, %eq3A_249 : vector<16xi32>
      %mul3A_251 = arith.constant 16 : i32
      %mul3A_252 = arith.muli %while3A_219, %mul3A_251 : i32
      %get3A_253 = arith.index_cast %mul3A_252 : i32 to index
      %get3A_254 = tpu.vector_load %arg9[%get3A_253] {strides = array<i32>} : memref<24592xi32, #tpu.memory_space<vmem>>, vector<16xi32>,
      %jit3A_255 = arith.constant 0 : i32
      %broadcast_in_dim3A_256 = vector.broadcast %jit3A_255 : i32 to vector<16xi32>
      %select_n3A_257 = arith.select %eq3A_250, %get3A_254, %broadcast_in_dim3A_256 : vector<16xi1>, vector<16xi32>
      %reduce_sum3A_258 = arith.constant true
      %reduce_sum3A_259 = vector.broadcast %reduce_sum3A_258 : i1 to vector<16xi1>
      %reduce_sum3A_260 = tpu.scan <sum>, %select_n3A_257 masked %reduce_sum3A_259 : vector<16xi32>, vector<16xi1> -> vector<16xi32>
      %reduce_sum3A_261 = vector.extract %reduce_sum3A_260[15] : i32 from vector<16xi32>
      %add3A_262 = arith.constant 1 : i32
      %add3A_263 = arith.addi %reduce_sum3A_261, %add3A_262 : i32
      %select_n3A_264 = arith.select %and3A_248, %add3A_263, %while3A_221 : i32
      %add3A_265 = arith.addi %while3A_220, %reduce_sum3A_229 : i32
      scf.yield %add3A_265, %select_n3A_264 : i32, i32
    }
    %while3A_100 = arith.constant 1 : i32
    %while3A_101:2 = scf.for %while3A_219 = %while3A_97 to %while3A_93 step %while3A_100 iter_args(%while3A_220 = %while3A_99#0, %while3A_221 = %while3A_99#1) -> (i32, i32)  : i32 {
      %mul3A_222 = arith.constant 16 : i32
      %mul3A_223 = arith.muli %while3A_219, %mul3A_222 : i32
      %get3A = arith.index_cast %mul3A_223 : i32 to index
      %get3A_224 = tpu.vector_load %arg8[%get3A] {strides = array<i32>} : memref<24592xi32, #tpu.memory_space<vmem>>, vector<16xi32>,
      %eq3A = vector.broadcast %scan3A_70 : i32 to vector<16xi32>
      %eq3A_225 = arith.cmpi eq, %get3A_224, %eq3A : vector<16xi32>
      %convert_element_type3A = arith.extui %eq3A_225 : vector<16xi1> to vector<16xi32>
      %reduce_sum3A_226 = arith.constant true
      %reduce_sum3A_227 = vector.broadcast %reduce_sum3A_226 : i1 to vector<16xi1>
      %reduce_sum3A_228 = tpu.scan <sum>, %convert_element_type3A masked %reduce_sum3A_227 : vector<16xi32>, vector<16xi1> -> vector<16xi32>
      %reduce_sum3A_229 = vector.extract %reduce_sum3A_228[15] : i32 from vector<16xi32>
      %broadcast_in_dim3A_230 = arith.constant true
      %broadcast_in_dim3A_231 = vector.broadcast %broadcast_in_dim3A_230 : i1 to vector<16xi1>
      %masked_cumsum3A = tpu.scan <sum>, %convert_element_type3A masked %broadcast_in_dim3A_231 : vector<16xi32>, vector<16xi1> -> vector<16xi32>
      %sub3A_232 = arith.subi %sub3A_88, %while3A_220 : i32
      %eq3A_233 = vector.broadcast %sub3A_232 : i32 to vector<16xi32>
      %eq3A_234 = arith.cmpi eq, %masked_cumsum3A, %eq3A_233 : vector<16xi32>
      %and3A_235 = arith.andi %eq3A_225, %eq3A_234 : vector<16xi1>
      %jit3A_236 = arith.constant 16 : i32
      %broadcast_in_dim3A_237 = vector.broadcast %jit3A_236 : i32 to vector<16xi32>
      %select_n3A_238 = arith.select %and3A_235, %iota3A, %broadcast_in_dim3A_237 : vector<16xi1>, vector<16xi32>
      %reduce_min3A = arith.constant true
      %reduce_min3A_239 = vector.broadcast %reduce_min3A : i1 to vector<16xi1>
      %reduce_min3A_240 = arith.constant -2147483648 : i32
      %reduce_min3A_241 = vector.broadcast %reduce_min3A_240 : i32 to vector<16xi32>
      %reduce_min3A_242 = arith.xori %select_n3A_238, %reduce_min3A_241 : vector<16xi32>
      %reduce_min3A_243 = tpu.scan <min>, %reduce_min3A_242 masked %reduce_min3A_239 : vector<16xi32>, vector<16xi1> -> vector<16xi32>
      %reduce_min3A_244 = arith.xori %reduce_min3A_243, %reduce_min3A_241 : vector<16xi32>
      %reduce_min3A_245 = vector.extract %reduce_min3A_244[15] : i32 from vector<16xi32>
      %lt3A = arith.cmpi slt, %while3A_220, %sub3A_88 : i32
      %lt3A_246 = arith.constant 16 : i32
      %lt3A_247 = arith.cmpi slt, %reduce_min3A_245, %lt3A_246 : i32
      %and3A_248 = arith.andi %lt3A, %lt3A_247 : i1
      %eq3A_249 = vector.broadcast %reduce_min3A_245 : i32 to vector<16xi32>
      %eq3A_250 = arith.cmpi eq, %iota3A, %eq3A_249 : vector<16xi32>
      %mul3A_251 = arith.constant 16 : i32
      %mul3A_252 = arith.muli %while3A_219, %mul3A_251 : i32
      %get3A_253 = arith.index_cast %mul3A_252 : i32 to index
      %get3A_254 = tpu.vector_load %arg9[%get3A_253] {strides = array<i32>} : memref<24592xi32, #tpu.memory_space<vmem>>, vector<16xi32>,
      %jit3A_255 = arith.constant 0 : i32
      %broadcast_in_dim3A_256 = vector.broadcast %jit3A_255 : i32 to vector<16xi32>
      %select_n3A_257 = arith.select %eq3A_250, %get3A_254, %broadcast_in_dim3A_256 : vector<16xi1>, vector<16xi32>
      %reduce_sum3A_258 = arith.constant true
      %reduce_sum3A_259 = vector.broadcast %reduce_sum3A_258 : i1 to vector<16xi1>
      %reduce_sum3A_260 = tpu.scan <sum>, %select_n3A_257 masked %reduce_sum3A_259 : vector<16xi32>, vector<16xi1> -> vector<16xi32>
      %reduce_sum3A_261 = vector.extract %reduce_sum3A_260[15] : i32 from vector<16xi32>
      %add3A_262 = arith.constant 1 : i32
      %add3A_263 = arith.addi %reduce_sum3A_261, %add3A_262 : i32
      %select_n3A_264 = arith.select %and3A_248, %add3A_263, %while3A_221 : i32
      %add3A_265 = arith.addi %while3A_220, %reduce_sum3A_229 : i32
      scf.yield %add3A_265, %select_n3A_264 : i32, i32
    }
    %bitcast_convert_type3A = arith.bitcast %scan3A_70 : i32 to i32
    %broadcast_in_dim3A_102 = vector.broadcast %bitcast_convert_type3A : i32 to vector<16xi32>
    %swap3A_103 = arith.constant 0 : index
    %swap3A_104 = tpu.vector_load %arg10[%swap3A_103] {strides = array<i32>} : memref<16xi32, #tpu.memory_space<vmem>>, vector<16xi32>,
    tpu.vector_store %arg10[%swap3A_103], %broadcast_in_dim3A_102 {strides = array<i32>} : memref<16xi32, #tpu.memory_space<vmem>>, vector<16xi32>,
    %broadcast_in_dim3A_105 = vector.broadcast %while3A_101#1 : i32 to vector<16xi32>
    %swap3A_106 = arith.constant 0 : index
    %swap3A_107 = tpu.vector_load %arg11[%swap3A_106] {strides = array<i32>} : memref<16xi32, #tpu.memory_space<vmem>>, vector<16xi32>,
    tpu.vector_store %arg11[%swap3A_106], %broadcast_in_dim3A_105 {strides = array<i32>} : memref<16xi32, #tpu.memory_space<vmem>>, vector<16xi32>,
    "tpu.region"() ({
      %run_scoped3A = tpu.sem_alloc : memref<!tpu.dma_semaphore, #tpu.memory_space<semaphore_mem>>
      %dma_start3A_219 = arith.constant 0 : i32
      %dma_start3A_220 = tpu.memref_slice %arg3[%mul3A_2, %dma_start3A_219] : memref<64x16xi32, #tpu.memory_space<hbm>> -> memref<1x16xi32, #tpu.memory_space<hbm>>
      %dma_start3A_221 = tpu.memref_squeeze %dma_start3A_220 : memref<1x16xi32, #tpu.memory_space<hbm>> -> memref<16xi32, #tpu.memory_space<hbm>>
      %dma_start3A_222 = arith.constant 0 : i32
      %dma_start3A_223 = tpu.memref_slice %arg3[%mul3A_2, %dma_start3A_222] : memref<64x16xi32, #tpu.memory_space<hbm>> -> memref<1x16xi32, #tpu.memory_space<hbm>>
      %dma_start3A_224 = tpu.memref_squeeze %dma_start3A_223 : memref<1x16xi32, #tpu.memory_space<hbm>> -> memref<16xi32, #tpu.memory_space<hbm>>
      tpu.enqueue_dma source(%arg10 : memref<16xi32, #tpu.memory_space<vmem>>) target(%dma_start3A_224 : memref<16xi32, #tpu.memory_space<hbm>>) target_semaphore(%run_scoped3A : memref<!tpu.dma_semaphore, #tpu.memory_space<semaphore_mem>>)
      %dma_wait3A_225 = arith.constant 0 : i32
      %dma_wait3A_226 = tpu.memref_slice %arg3[%mul3A_2, %dma_wait3A_225] : memref<64x16xi32, #tpu.memory_space<hbm>> -> memref<1x16xi32, #tpu.memory_space<hbm>>
      %dma_wait3A_227 = tpu.memref_squeeze %dma_wait3A_226 : memref<1x16xi32, #tpu.memory_space<hbm>> -> memref<16xi32, #tpu.memory_space<hbm>>
      %dma_wait3A_228 = arith.constant 0 : i32
      %dma_wait3A_229 = tpu.memref_slice %arg3[%mul3A_2, %dma_wait3A_228] : memref<64x16xi32, #tpu.memory_space<hbm>> -> memref<1x16xi32, #tpu.memory_space<hbm>>
      %dma_wait3A_230 = tpu.memref_squeeze %dma_wait3A_229 : memref<1x16xi32, #tpu.memory_space<hbm>> -> memref<16xi32, #tpu.memory_space<hbm>>
      tpu.wait_dma2 semaphore(%run_scoped3A : memref<!tpu.dma_semaphore, #tpu.memory_space<semaphore_mem>>) src(%arg10 : memref<16xi32, #tpu.memory_space<vmem>>) dst(%dma_wait3A_230 : memref<16xi32, #tpu.memory_space<hbm>>)
      tpu.yield
    }) : () -> ()
    "tpu.region"() ({
      %run_scoped3A = tpu.sem_alloc : memref<!tpu.dma_semaphore, #tpu.memory_space<semaphore_mem>>
      %dma_start3A_219 = arith.constant 0 : i32
      %dma_start3A_220 = tpu.memref_slice %arg4[%mul3A_2, %dma_start3A_219] : memref<64x16xi32, #tpu.memory_space<hbm>> -> memref<1x16xi32, #tpu.memory_space<hbm>>
      %dma_start3A_221 = tpu.memref_squeeze %dma_start3A_220 : memref<1x16xi32, #tpu.memory_space<hbm>> -> memref<16xi32, #tpu.memory_space<hbm>>
      %dma_start3A_222 = arith.constant 0 : i32
      %dma_start3A_223 = tpu.memref_slice %arg4[%mul3A_2, %dma_start3A_222] : memref<64x16xi32, #tpu.memory_space<hbm>> -> memref<1x16xi32, #tpu.memory_space<hbm>>
      %dma_start3A_224 = tpu.memref_squeeze %dma_start3A_223 : memref<1x16xi32, #tpu.memory_space<hbm>> -> memref<16xi32, #tpu.memory_space<hbm>>
      tpu.enqueue_dma source(%arg11 : memref<16xi32, #tpu.memory_space<vmem>>) target(%dma_start3A_224 : memref<16xi32, #tpu.memory_space<hbm>>) target_semaphore(%run_scoped3A : memref<!tpu.dma_semaphore, #tpu.memory_space<semaphore_mem>>)
      %dma_wait3A_225 = arith.constant 0 : i32
      %dma_wait3A_226 = tpu.memref_slice %arg4[%mul3A_2, %dma_wait3A_225] : memref<64x16xi32, #tpu.memory_space<hbm>> -> memref<1x16xi32, #tpu.memory_space<hbm>>
      %dma_wait3A_227 = tpu.memref_squeeze %dma_wait3A_226 : memref<1x16xi32, #tpu.memory_space<hbm>> -> memref<16xi32, #tpu.memory_space<hbm>>
      %dma_wait3A_228 = arith.constant 0 : i32
      %dma_wait3A_229 = tpu.memref_slice %arg4[%mul3A_2, %dma_wait3A_228] : memref<64x16xi32, #tpu.memory_space<hbm>> -> memref<1x16xi32, #tpu.memory_space<hbm>>
      %dma_wait3A_230 = tpu.memref_squeeze %dma_wait3A_229 : memref<1x16xi32, #tpu.memory_space<hbm>> -> memref<16xi32, #tpu.memory_space<hbm>>
      tpu.wait_dma2 semaphore(%run_scoped3A : memref<!tpu.dma_semaphore, #tpu.memory_space<semaphore_mem>>) src(%arg11 : memref<16xi32, #tpu.memory_space<vmem>>) dst(%dma_wait3A_230 : memref<16xi32, #tpu.memory_space<hbm>>)
      tpu.yield
    }) : () -> ()
    %dma_wait3A_108 = arith.constant 0 : i32
    %dma_wait3A_109 = tpu.memref_slice %arg2[%add3A_14, %dma_wait3A_108] : memref<64x24576xf32, #tpu.memory_space<hbm>> -> memref<1x24576xf32, #tpu.memory_space<hbm>>
    %dma_wait3A_110 = tpu.memref_squeeze %dma_wait3A_109 : memref<1x24576xf32, #tpu.memory_space<hbm>> -> memref<24576xf32, #tpu.memory_space<hbm>>
    %dma_wait3A_111 = arith.constant 0 : i32
    %dma_wait3A_112 = tpu.memref_slice %arg2[%add3A_14, %dma_wait3A_111] : memref<64x24576xf32, #tpu.memory_space<hbm>> -> memref<1x24576xf32, #tpu.memory_space<hbm>>
    %dma_wait3A_113 = tpu.memref_squeeze %dma_wait3A_112 : memref<1x24576xf32, #tpu.memory_space<hbm>> -> memref<24576xf32, #tpu.memory_space<hbm>>
    tpu.wait_dma2 semaphore(%arg12 : memref<!tpu.dma_semaphore, #tpu.memory_space<semaphore_mem>>) src(%dma_wait3A_113 : memref<24576xf32, #tpu.memory_space<hbm>>) dst(%arg5 : memref<24576xf32, #tpu.memory_space<vmem>>)
    %add3A_114 = arith.constant 1 : i32
    %add3A_115 = arith.addi %mul3A_2, %add3A_114 : i32
    %add3A_116 = arith.constant 1 : i32
    %add3A_117 = arith.addi %mul3A_2, %add3A_116 : i32
    %scan3A_118 = arith.constant 0 : i32
    %scan3A_119 = arith.constant 0 : i32
    %scan3A_120 = arith.constant 16 : i32
    %scan3A_121 = arith.addi %scan3A_119, %scan3A_120 : i32
    %scan3A_122 = arith.constant 1 : i32
    %scan3A_123 = scf.for %scan3A_219 = %scan3A_119 to %scan3A_121 step %scan3A_122 iter_args(%scan3A_220 = %scan3A_118) -> (i32)  : i32 {
      %broadcast_in_dim3A_221 = arith.constant 0 : i32
      %broadcast_in_dim3A_222 = vector.broadcast %broadcast_in_dim3A_221 : i32 to vector<16xi32>
      %scan3A_223 = arith.constant 0 : i32
      %scan3A_224 = arith.constant 48 : i32
      %scan3A_225 = arith.addi %scan3A_223, %scan3A_224 : i32
      %scan3A_226 = arith.constant 4 : i32
      %scan3A_227:2 = scf.for %scan3A_234 = %scan3A_223 to %scan3A_225 step %scan3A_226 iter_args(%scan3A_235 = %broadcast_in_dim3A_222, %scan3A_236 = %broadcast_in_dim3A_222) -> (vector<16xi32>, vector<16xi32>)  : i32 {
        %mul3A_237 = arith.constant 96 : i32
        %mul3A_238 = arith.muli %scan3A_219, %mul3A_237 : i32
        %mul3A_239 = arith.constant 2 : i32
        %mul3A_240 = arith.muli %scan3A_234, %mul3A_239 : i32
        %add3A_241 = arith.addi %mul3A_238, %mul3A_240 : i32
        %mul3A_242 = arith.constant 16 : i32
        %mul3A_243 = arith.muli %add3A_241, %mul3A_242 : i32
        %get3A = arith.index_cast %mul3A_243 : i32 to index
        %get3A_244 = tpu.vector_load %arg5[%get3A] {strides = array<i32>} : memref<24576xf32, #tpu.memory_space<vmem>>, vector<16xf32>,
        %bitcast_convert_type3A_245 = tpu.bitcast %get3A_244 : vector<16xf32> -> vector<16xi32>
        %shift_right_logical3A = arith.constant 31 : i32
        %shift_right_logical3A_246 = vector.broadcast %shift_right_logical3A : i32 to vector<16xi32>
        %shift_right_logical3A_247 = arith.shrui %bitcast_convert_type3A_245, %shift_right_logical3A_246 : vector<16xi32>
        %eq3A = arith.constant 1 : i32
        %eq3A_248 = vector.broadcast %eq3A : i32 to vector<16xi32>
        %eq3A_249 = arith.cmpi eq, %shift_right_logical3A_247, %eq3A_248 : vector<16xi32>
        %not3A = arith.constant dense<-1> : vector<16xi32>
        %not3A_250 = arith.xori %bitcast_convert_type3A_245, %not3A : vector<16xi32>
        %or3A = arith.constant -2147483648 : i32
        %or3A_251 = vector.broadcast %or3A : i32 to vector<16xi32>
        %or3A_252 = arith.ori %bitcast_convert_type3A_245, %or3A_251 : vector<16xi32>
        %select_n3A_253 = arith.select %eq3A_249, %not3A_250, %or3A_252 : vector<16xi1>, vector<16xi32>
        %add3A_254 = arith.constant 1 : i32
        %add3A_255 = arith.addi %add3A_241, %add3A_254 : i32
        %mul3A_256 = arith.constant 16 : i32
        %mul3A_257 = arith.muli %add3A_255, %mul3A_256 : i32
        %get3A_258 = arith.index_cast %mul3A_257 : i32 to index
        %get3A_259 = tpu.vector_load %arg5[%get3A_258] {strides = array<i32>} : memref<24576xf32, #tpu.memory_space<vmem>>, vector<16xf32>,
        %bitcast_convert_type3A_260 = tpu.bitcast %get3A_259 : vector<16xf32> -> vector<16xi32>
        %shift_right_logical3A_261 = arith.constant 31 : i32
        %shift_right_logical3A_262 = vector.broadcast %shift_right_logical3A_261 : i32 to vector<16xi32>
        %shift_right_logical3A_263 = arith.shrui %bitcast_convert_type3A_260, %shift_right_logical3A_262 : vector<16xi32>
        %eq3A_264 = arith.constant 1 : i32
        %eq3A_265 = vector.broadcast %eq3A_264 : i32 to vector<16xi32>
        %eq3A_266 = arith.cmpi eq, %shift_right_logical3A_263, %eq3A_265 : vector<16xi32>
        %not3A_267 = arith.constant dense<-1> : vector<16xi32>
        %not3A_268 = arith.xori %bitcast_convert_type3A_260, %not3A_267 : vector<16xi32>
        %or3A_269 = arith.constant -2147483648 : i32
        %or3A_270 = vector.broadcast %or3A_269 : i32 to vector<16xi32>
        %or3A_271 = arith.ori %bitcast_convert_type3A_260, %or3A_270 : vector<16xi32>
        %select_n3A_272 = arith.select %eq3A_266, %not3A_268, %or3A_271 : vector<16xi1>, vector<16xi32>
        %mul3A_273 = arith.constant 16 : i32
        %mul3A_274 = arith.muli %add3A_241, %mul3A_273 : i32
        %swap3A_275 = arith.index_cast %mul3A_274 : i32 to index
        %swap3A_276 = tpu.vector_load %arg6[%swap3A_275] {strides = array<i32>} : memref<24576xi32, #tpu.memory_space<vmem>>, vector<16xi32>,
        tpu.vector_store %arg6[%swap3A_275], %select_n3A_253 {strides = array<i32>} : memref<24576xi32, #tpu.memory_space<vmem>>, vector<16xi32>,
        %add3A_277 = arith.constant 1 : i32
        %add3A_278 = arith.addi %add3A_241, %add3A_277 : i32
        %mul3A_279 = arith.constant 16 : i32
        %mul3A_280 = arith.muli %add3A_278, %mul3A_279 : i32
        %swap3A_281 = arith.index_cast %mul3A_280 : i32 to index
        %swap3A_282 = tpu.vector_load %arg6[%swap3A_281] {strides = array<i32>} : memref<24576xi32, #tpu.memory_space<vmem>>, vector<16xi32>,
        tpu.vector_store %arg6[%swap3A_281], %select_n3A_272 {strides = array<i32>} : memref<24576xi32, #tpu.memory_space<vmem>>, vector<16xi32>,
        %max3A_283 = arith.maxui %scan3A_235, %select_n3A_253 : vector<16xi32>
        %max3A_284 = arith.maxui %scan3A_236, %select_n3A_272 : vector<16xi32>
        %scan3A_285 = arith.constant 1 : i32
        %scan3A_286 = arith.addi %scan3A_234, %scan3A_285 : i32
        %mul3A_287 = arith.constant 96 : i32
        %mul3A_288 = arith.muli %scan3A_219, %mul3A_287 : i32
        %mul3A_289 = arith.constant 2 : i32
        %mul3A_290 = arith.muli %scan3A_286, %mul3A_289 : i32
        %add3A_291 = arith.addi %mul3A_288, %mul3A_290 : i32
        %mul3A_292 = arith.constant 16 : i32
        %mul3A_293 = arith.muli %add3A_291, %mul3A_292 : i32
        %get3A_294 = arith.index_cast %mul3A_293 : i32 to index
        %get3A_295 = tpu.vector_load %arg5[%get3A_294] {strides = array<i32>} : memref<24576xf32, #tpu.memory_space<vmem>>, vector<16xf32>,
        %bitcast_convert_type3A_296 = tpu.bitcast %get3A_295 : vector<16xf32> -> vector<16xi32>
        %shift_right_logical3A_297 = arith.constant 31 : i32
        %shift_right_logical3A_298 = vector.broadcast %shift_right_logical3A_297 : i32 to vector<16xi32>
        %shift_right_logical3A_299 = arith.shrui %bitcast_convert_type3A_296, %shift_right_logical3A_298 : vector<16xi32>
        %eq3A_300 = arith.constant 1 : i32
        %eq3A_301 = vector.broadcast %eq3A_300 : i32 to vector<16xi32>
        %eq3A_302 = arith.cmpi eq, %shift_right_logical3A_299, %eq3A_301 : vector<16xi32>
        %not3A_303 = arith.constant dense<-1> : vector<16xi32>
        %not3A_304 = arith.xori %bitcast_convert_type3A_296, %not3A_303 : vector<16xi32>
        %or3A_305 = arith.constant -2147483648 : i32
        %or3A_306 = vector.broadcast %or3A_305 : i32 to vector<16xi32>
        %or3A_307 = arith.ori %bitcast_convert_type3A_296, %or3A_306 : vector<16xi32>
        %select_n3A_308 = arith.select %eq3A_302, %not3A_304, %or3A_307 : vector<16xi1>, vector<16xi32>
        %add3A_309 = arith.constant 1 : i32
        %add3A_310 = arith.addi %add3A_291, %add3A_309 : i32
        %mul3A_311 = arith.constant 16 : i32
        %mul3A_312 = arith.muli %add3A_310, %mul3A_311 : i32
        %get3A_313 = arith.index_cast %mul3A_312 : i32 to index
        %get3A_314 = tpu.vector_load %arg5[%get3A_313] {strides = array<i32>} : memref<24576xf32, #tpu.memory_space<vmem>>, vector<16xf32>,
        %bitcast_convert_type3A_315 = tpu.bitcast %get3A_314 : vector<16xf32> -> vector<16xi32>
        %shift_right_logical3A_316 = arith.constant 31 : i32
        %shift_right_logical3A_317 = vector.broadcast %shift_right_logical3A_316 : i32 to vector<16xi32>
        %shift_right_logical3A_318 = arith.shrui %bitcast_convert_type3A_315, %shift_right_logical3A_317 : vector<16xi32>
        %eq3A_319 = arith.constant 1 : i32
        %eq3A_320 = vector.broadcast %eq3A_319 : i32 to vector<16xi32>
        %eq3A_321 = arith.cmpi eq, %shift_right_logical3A_318, %eq3A_320 : vector<16xi32>
        %not3A_322 = arith.constant dense<-1> : vector<16xi32>
        %not3A_323 = arith.xori %bitcast_convert_type3A_315, %not3A_322 : vector<16xi32>
        %or3A_324 = arith.constant -2147483648 : i32
        %or3A_325 = vector.broadcast %or3A_324 : i32 to vector<16xi32>
        %or3A_326 = arith.ori %bitcast_convert_type3A_315, %or3A_325 : vector<16xi32>
        %select_n3A_327 = arith.select %eq3A_321, %not3A_323, %or3A_326 : vector<16xi1>, vector<16xi32>
        %mul3A_328 = arith.constant 16 : i32
        %mul3A_329 = arith.muli %add3A_291, %mul3A_328 : i32
        %swap3A_330 = arith.index_cast %mul3A_329 : i32 to index
        %swap3A_331 = tpu.vector_load %arg6[%swap3A_330] {strides = array<i32>} : memref<24576xi32, #tpu.memory_space<vmem>>, vector<16xi32>,
        tpu.vector_store %arg6[%swap3A_330], %select_n3A_308 {strides = array<i32>} : memref<24576xi32, #tpu.memory_space<vmem>>, vector<16xi32>,
        %add3A_332 = arith.constant 1 : i32
        %add3A_333 = arith.addi %add3A_291, %add3A_332 : i32
        %mul3A_334 = arith.constant 16 : i32
        %mul3A_335 = arith.muli %add3A_333, %mul3A_334 : i32
        %swap3A_336 = arith.index_cast %mul3A_335 : i32 to index
        %swap3A_337 = tpu.vector_load %arg6[%swap3A_336] {strides = array<i32>} : memref<24576xi32, #tpu.memory_space<vmem>>, vector<16xi32>,
        tpu.vector_store %arg6[%swap3A_336], %select_n3A_327 {strides = array<i32>} : memref<24576xi32, #tpu.memory_space<vmem>>, vector<16xi32>,
        %max3A_338 = arith.maxui %max3A_283, %select_n3A_308 : vector<16xi32>
        %max3A_339 = arith.maxui %max3A_284, %select_n3A_327 : vector<16xi32>
        %scan3A_340 = arith.constant 2 : i32
        %scan3A_341 = arith.addi %scan3A_234, %scan3A_340 : i32
        %mul3A_342 = arith.constant 96 : i32
        %mul3A_343 = arith.muli %scan3A_219, %mul3A_342 : i32
        %mul3A_344 = arith.constant 2 : i32
        %mul3A_345 = arith.muli %scan3A_341, %mul3A_344 : i32
        %add3A_346 = arith.addi %mul3A_343, %mul3A_345 : i32
        %mul3A_347 = arith.constant 16 : i32
        %mul3A_348 = arith.muli %add3A_346, %mul3A_347 : i32
        %get3A_349 = arith.index_cast %mul3A_348 : i32 to index
        %get3A_350 = tpu.vector_load %arg5[%get3A_349] {strides = array<i32>} : memref<24576xf32, #tpu.memory_space<vmem>>, vector<16xf32>,
        %bitcast_convert_type3A_351 = tpu.bitcast %get3A_350 : vector<16xf32> -> vector<16xi32>
        %shift_right_logical3A_352 = arith.constant 31 : i32
        %shift_right_logical3A_353 = vector.broadcast %shift_right_logical3A_352 : i32 to vector<16xi32>
        %shift_right_logical3A_354 = arith.shrui %bitcast_convert_type3A_351, %shift_right_logical3A_353 : vector<16xi32>
        %eq3A_355 = arith.constant 1 : i32
        %eq3A_356 = vector.broadcast %eq3A_355 : i32 to vector<16xi32>
        %eq3A_357 = arith.cmpi eq, %shift_right_logical3A_354, %eq3A_356 : vector<16xi32>
        %not3A_358 = arith.constant dense<-1> : vector<16xi32>
        %not3A_359 = arith.xori %bitcast_convert_type3A_351, %not3A_358 : vector<16xi32>
        %or3A_360 = arith.constant -2147483648 : i32
        %or3A_361 = vector.broadcast %or3A_360 : i32 to vector<16xi32>
        %or3A_362 = arith.ori %bitcast_convert_type3A_351, %or3A_361 : vector<16xi32>
        %select_n3A_363 = arith.select %eq3A_357, %not3A_359, %or3A_362 : vector<16xi1>, vector<16xi32>
        %add3A_364 = arith.constant 1 : i32
        %add3A_365 = arith.addi %add3A_346, %add3A_364 : i32
        %mul3A_366 = arith.constant 16 : i32
        %mul3A_367 = arith.muli %add3A_365, %mul3A_366 : i32
        %get3A_368 = arith.index_cast %mul3A_367 : i32 to index
        %get3A_369 = tpu.vector_load %arg5[%get3A_368] {strides = array<i32>} : memref<24576xf32, #tpu.memory_space<vmem>>, vector<16xf32>,
        %bitcast_convert_type3A_370 = tpu.bitcast %get3A_369 : vector<16xf32> -> vector<16xi32>
        %shift_right_logical3A_371 = arith.constant 31 : i32
        %shift_right_logical3A_372 = vector.broadcast %shift_right_logical3A_371 : i32 to vector<16xi32>
        %shift_right_logical3A_373 = arith.shrui %bitcast_convert_type3A_370, %shift_right_logical3A_372 : vector<16xi32>
        %eq3A_374 = arith.constant 1 : i32
        %eq3A_375 = vector.broadcast %eq3A_374 : i32 to vector<16xi32>
        %eq3A_376 = arith.cmpi eq, %shift_right_logical3A_373, %eq3A_375 : vector<16xi32>
        %not3A_377 = arith.constant dense<-1> : vector<16xi32>
        %not3A_378 = arith.xori %bitcast_convert_type3A_370, %not3A_377 : vector<16xi32>
        %or3A_379 = arith.constant -2147483648 : i32
        %or3A_380 = vector.broadcast %or3A_379 : i32 to vector<16xi32>
        %or3A_381 = arith.ori %bitcast_convert_type3A_370, %or3A_380 : vector<16xi32>
        %select_n3A_382 = arith.select %eq3A_376, %not3A_378, %or3A_381 : vector<16xi1>, vector<16xi32>
        %mul3A_383 = arith.constant 16 : i32
        %mul3A_384 = arith.muli %add3A_346, %mul3A_383 : i32
        %swap3A_385 = arith.index_cast %mul3A_384 : i32 to index
        %swap3A_386 = tpu.vector_load %arg6[%swap3A_385] {strides = array<i32>} : memref<24576xi32, #tpu.memory_space<vmem>>, vector<16xi32>,
        tpu.vector_store %arg6[%swap3A_385], %select_n3A_363 {strides = array<i32>} : memref<24576xi32, #tpu.memory_space<vmem>>, vector<16xi32>,
        %add3A_387 = arith.constant 1 : i32
        %add3A_388 = arith.addi %add3A_346, %add3A_387 : i32
        %mul3A_389 = arith.constant 16 : i32
        %mul3A_390 = arith.muli %add3A_388, %mul3A_389 : i32
        %swap3A_391 = arith.index_cast %mul3A_390 : i32 to index
        %swap3A_392 = tpu.vector_load %arg6[%swap3A_391] {strides = array<i32>} : memref<24576xi32, #tpu.memory_space<vmem>>, vector<16xi32>,
        tpu.vector_store %arg6[%swap3A_391], %select_n3A_382 {strides = array<i32>} : memref<24576xi32, #tpu.memory_space<vmem>>, vector<16xi32>,
        %max3A_393 = arith.maxui %max3A_338, %select_n3A_363 : vector<16xi32>
        %max3A_394 = arith.maxui %max3A_339, %select_n3A_382 : vector<16xi32>
        %scan3A_395 = arith.constant 3 : i32
        %scan3A_396 = arith.addi %scan3A_234, %scan3A_395 : i32
        %mul3A_397 = arith.constant 96 : i32
        %mul3A_398 = arith.muli %scan3A_219, %mul3A_397 : i32
        %mul3A_399 = arith.constant 2 : i32
        %mul3A_400 = arith.muli %scan3A_396, %mul3A_399 : i32
        %add3A_401 = arith.addi %mul3A_398, %mul3A_400 : i32
        %mul3A_402 = arith.constant 16 : i32
        %mul3A_403 = arith.muli %add3A_401, %mul3A_402 : i32
        %get3A_404 = arith.index_cast %mul3A_403 : i32 to index
        %get3A_405 = tpu.vector_load %arg5[%get3A_404] {strides = array<i32>} : memref<24576xf32, #tpu.memory_space<vmem>>, vector<16xf32>,
        %bitcast_convert_type3A_406 = tpu.bitcast %get3A_405 : vector<16xf32> -> vector<16xi32>
        %shift_right_logical3A_407 = arith.constant 31 : i32
        %shift_right_logical3A_408 = vector.broadcast %shift_right_logical3A_407 : i32 to vector<16xi32>
        %shift_right_logical3A_409 = arith.shrui %bitcast_convert_type3A_406, %shift_right_logical3A_408 : vector<16xi32>
        %eq3A_410 = arith.constant 1 : i32
        %eq3A_411 = vector.broadcast %eq3A_410 : i32 to vector<16xi32>
        %eq3A_412 = arith.cmpi eq, %shift_right_logical3A_409, %eq3A_411 : vector<16xi32>
        %not3A_413 = arith.constant dense<-1> : vector<16xi32>
        %not3A_414 = arith.xori %bitcast_convert_type3A_406, %not3A_413 : vector<16xi32>
        %or3A_415 = arith.constant -2147483648 : i32
        %or3A_416 = vector.broadcast %or3A_415 : i32 to vector<16xi32>
        %or3A_417 = arith.ori %bitcast_convert_type3A_406, %or3A_416 : vector<16xi32>
        %select_n3A_418 = arith.select %eq3A_412, %not3A_414, %or3A_417 : vector<16xi1>, vector<16xi32>
        %add3A_419 = arith.constant 1 : i32
        %add3A_420 = arith.addi %add3A_401, %add3A_419 : i32
        %mul3A_421 = arith.constant 16 : i32
        %mul3A_422 = arith.muli %add3A_420, %mul3A_421 : i32
        %get3A_423 = arith.index_cast %mul3A_422 : i32 to index
        %get3A_424 = tpu.vector_load %arg5[%get3A_423] {strides = array<i32>} : memref<24576xf32, #tpu.memory_space<vmem>>, vector<16xf32>,
        %bitcast_convert_type3A_425 = tpu.bitcast %get3A_424 : vector<16xf32> -> vector<16xi32>
        %shift_right_logical3A_426 = arith.constant 31 : i32
        %shift_right_logical3A_427 = vector.broadcast %shift_right_logical3A_426 : i32 to vector<16xi32>
        %shift_right_logical3A_428 = arith.shrui %bitcast_convert_type3A_425, %shift_right_logical3A_427 : vector<16xi32>
        %eq3A_429 = arith.constant 1 : i32
        %eq3A_430 = vector.broadcast %eq3A_429 : i32 to vector<16xi32>
        %eq3A_431 = arith.cmpi eq, %shift_right_logical3A_428, %eq3A_430 : vector<16xi32>
        %not3A_432 = arith.constant dense<-1> : vector<16xi32>
        %not3A_433 = arith.xori %bitcast_convert_type3A_425, %not3A_432 : vector<16xi32>
        %or3A_434 = arith.constant -2147483648 : i32
        %or3A_435 = vector.broadcast %or3A_434 : i32 to vector<16xi32>
        %or3A_436 = arith.ori %bitcast_convert_type3A_425, %or3A_435 : vector<16xi32>
        %select_n3A_437 = arith.select %eq3A_431, %not3A_433, %or3A_436 : vector<16xi1>, vector<16xi32>
        %mul3A_438 = arith.constant 16 : i32
        %mul3A_439 = arith.muli %add3A_401, %mul3A_438 : i32
        %swap3A_440 = arith.index_cast %mul3A_439 : i32 to index
        %swap3A_441 = tpu.vector_load %arg6[%swap3A_440] {strides = array<i32>} : memref<24576xi32, #tpu.memory_space<vmem>>, vector<16xi32>,
        tpu.vector_store %arg6[%swap3A_440], %select_n3A_418 {strides = array<i32>} : memref<24576xi32, #tpu.memory_space<vmem>>, vector<16xi32>,
        %add3A_442 = arith.constant 1 : i32
        %add3A_443 = arith.addi %add3A_401, %add3A_442 : i32
        %mul3A_444 = arith.constant 16 : i32
        %mul3A_445 = arith.muli %add3A_443, %mul3A_444 : i32
        %swap3A_446 = arith.index_cast %mul3A_445 : i32 to index
        %swap3A_447 = tpu.vector_load %arg6[%swap3A_446] {strides = array<i32>} : memref<24576xi32, #tpu.memory_space<vmem>>, vector<16xi32>,
        tpu.vector_store %arg6[%swap3A_446], %select_n3A_437 {strides = array<i32>} : memref<24576xi32, #tpu.memory_space<vmem>>, vector<16xi32>,
        %max3A_448 = arith.maxui %max3A_393, %select_n3A_418 : vector<16xi32>
        %max3A_449 = arith.maxui %max3A_394, %select_n3A_437 : vector<16xi32>
        scf.yield %max3A_448, %max3A_449 : vector<16xi32>, vector<16xi32>
      }
      %scan3A_228 = arith.constant 48 : i32
      %max3A = arith.maxui %scan3A_227#0, %scan3A_227#1 : vector<16xi32>
      %mul3A_229 = arith.constant 16 : i32
      %mul3A_230 = arith.muli %scan3A_219, %mul3A_229 : i32
      %swap3A_231 = arith.index_cast %mul3A_230 : i32 to index
      %swap3A_232 = tpu.vector_load %arg7[%swap3A_231] {strides = array<i32>} : memref<256xi32, #tpu.memory_space<vmem>>, vector<16xi32>,
      tpu.vector_store %arg7[%swap3A_231], %max3A {strides = array<i32>} : memref<256xi32, #tpu.memory_space<vmem>>, vector<16xi32>,
      %scan3A_233 = arith.constant 0 : i32
      scf.yield %scan3A_233 : i32
    }
    %scan3A_124 = arith.constant 16 : i32
    %scan3A_125 = arith.constant 0 : i32
    %scan3A_126 = arith.constant 0 : i32
    %scan3A_127 = arith.constant 32 : i32
    %scan3A_128 = arith.addi %scan3A_126, %scan3A_127 : i32
    %scan3A_129 = arith.constant 1 : i32
    %scan3A_130 = scf.for %scan3A_219 = %scan3A_126 to %scan3A_128 step %scan3A_129 iter_args(%scan3A_220 = %scan3A_125) -> (i32)  : i32 {
      %sub3A_221 = arith.constant 31 : i32
      %sub3A_222 = arith.subi %sub3A_221, %scan3A_219 : i32
      %shift_left3A = arith.constant 1 : i32
      %shift_left3A_223 = arith.shli %shift_left3A, %sub3A_222 : i32
      %or3A = arith.ori %scan3A_220, %shift_left3A_223 : i32
      %broadcast_in_dim3A_224 = arith.constant 0 : i32
      %broadcast_in_dim3A_225 = vector.broadcast %broadcast_in_dim3A_224 : i32 to vector<16xi32>
      %scan3A_226 = arith.constant 0 : i32
      %scan3A_227 = arith.constant 16 : i32
      %scan3A_228 = arith.addi %scan3A_226, %scan3A_227 : i32
      %scan3A_229 = arith.constant 4 : i32
      %scan3A_230 = scf.for %scan3A_238 = %scan3A_226 to %scan3A_228 step %scan3A_229 iter_args(%scan3A_239 = %broadcast_in_dim3A_225) -> (vector<16xi32>)  : i32 {
        %mul3A_240 = arith.constant 16 : i32
        %mul3A_241 = arith.muli %scan3A_238, %mul3A_240 : i32
        %get3A = arith.index_cast %mul3A_241 : i32 to index
        %get3A_242 = tpu.vector_load %arg7[%get3A] {strides = array<i32>} : memref<256xi32, #tpu.memory_space<vmem>>, vector<16xi32>,
        %ge3A_243 = vector.broadcast %or3A : i32 to vector<16xi32>
        %ge3A_244 = arith.cmpi uge, %get3A_242, %ge3A_243 : vector<16xi32>
        %convert_element_type3A = arith.extui %ge3A_244 : vector<16xi1> to vector<16xi32>
        %add3A_245 = arith.addi %scan3A_239, %convert_element_type3A : vector<16xi32>
        %scan3A_246 = arith.constant 1 : i32
        %scan3A_247 = arith.addi %scan3A_238, %scan3A_246 : i32
        %mul3A_248 = arith.constant 16 : i32
        %mul3A_249 = arith.muli %scan3A_247, %mul3A_248 : i32
        %get3A_250 = arith.index_cast %mul3A_249 : i32 to index
        %get3A_251 = tpu.vector_load %arg7[%get3A_250] {strides = array<i32>} : memref<256xi32, #tpu.memory_space<vmem>>, vector<16xi32>,
        %ge3A_252 = vector.broadcast %or3A : i32 to vector<16xi32>
        %ge3A_253 = arith.cmpi uge, %get3A_251, %ge3A_252 : vector<16xi32>
        %convert_element_type3A_254 = arith.extui %ge3A_253 : vector<16xi1> to vector<16xi32>
        %add3A_255 = arith.addi %add3A_245, %convert_element_type3A_254 : vector<16xi32>
        %scan3A_256 = arith.constant 2 : i32
        %scan3A_257 = arith.addi %scan3A_238, %scan3A_256 : i32
        %mul3A_258 = arith.constant 16 : i32
        %mul3A_259 = arith.muli %scan3A_257, %mul3A_258 : i32
        %get3A_260 = arith.index_cast %mul3A_259 : i32 to index
        %get3A_261 = tpu.vector_load %arg7[%get3A_260] {strides = array<i32>} : memref<256xi32, #tpu.memory_space<vmem>>, vector<16xi32>,
        %ge3A_262 = vector.broadcast %or3A : i32 to vector<16xi32>
        %ge3A_263 = arith.cmpi uge, %get3A_261, %ge3A_262 : vector<16xi32>
        %convert_element_type3A_264 = arith.extui %ge3A_263 : vector<16xi1> to vector<16xi32>
        %add3A_265 = arith.addi %add3A_255, %convert_element_type3A_264 : vector<16xi32>
        %scan3A_266 = arith.constant 3 : i32
        %scan3A_267 = arith.addi %scan3A_238, %scan3A_266 : i32
        %mul3A_268 = arith.constant 16 : i32
        %mul3A_269 = arith.muli %scan3A_267, %mul3A_268 : i32
        %get3A_270 = arith.index_cast %mul3A_269 : i32 to index
        %get3A_271 = tpu.vector_load %arg7[%get3A_270] {strides = array<i32>} : memref<256xi32, #tpu.memory_space<vmem>>, vector<16xi32>,
        %ge3A_272 = vector.broadcast %or3A : i32 to vector<16xi32>
        %ge3A_273 = arith.cmpi uge, %get3A_271, %ge3A_272 : vector<16xi32>
        %convert_element_type3A_274 = arith.extui %ge3A_273 : vector<16xi1> to vector<16xi32>
        %add3A_275 = arith.addi %add3A_265, %convert_element_type3A_274 : vector<16xi32>
        scf.yield %add3A_275 : vector<16xi32>
      }
      %scan3A_231 = arith.constant 16 : i32
      %reduce_sum3A_232 = arith.constant true
      %reduce_sum3A_233 = vector.broadcast %reduce_sum3A_232 : i1 to vector<16xi1>
      %reduce_sum3A_234 = tpu.scan <sum>, %scan3A_230 masked %reduce_sum3A_233 : vector<16xi32>, vector<16xi1> -> vector<16xi32>
      %reduce_sum3A_235 = vector.extract %reduce_sum3A_234[15] : i32 from vector<16xi32>
      %ge3A = arith.constant 64 : i32
      %ge3A_236 = arith.cmpi sge, %reduce_sum3A_235, %ge3A : i32
      %select_n3A_237 = arith.select %ge3A_236, %or3A, %scan3A_220 : i32
      scf.yield %select_n3A_237 : i32
    }
    %scan3A_131 = arith.constant 32 : i32
    %scan3A_132 = arith.constant 0 : i32
    %scan3A_133 = arith.constant 0 : i32
    %scan3A_134 = arith.constant 96 : i32
    %scan3A_135 = arith.addi %scan3A_133, %scan3A_134 : i32
    %scan3A_136 = arith.constant 1 : i32
    %scan3A_137 = scf.for %scan3A_219 = %scan3A_133 to %scan3A_135 step %scan3A_136 iter_args(%scan3A_220 = %scan3A_132) -> (i32)  : i32 {
      %mul3A_221 = arith.constant 16 : i32
      %mul3A_222 = arith.muli %scan3A_219, %mul3A_221 : i32
      %add3A_223 = arith.constant 0 : i32
      %add3A_224 = arith.addi %mul3A_222, %add3A_223 : i32
      %mul3A_225 = arith.constant 16 : i32
      %mul3A_226 = arith.muli %add3A_224, %mul3A_225 : i32
      %get3A = arith.index_cast %mul3A_226 : i32 to index
      %get3A_227 = tpu.vector_load %arg6[%get3A] {strides = array<i32>} : memref<24576xi32, #tpu.memory_space<vmem>>, vector<16xi32>,
      %ge3A = vector.broadcast %scan3A_130 : i32 to vector<16xi32>
      %ge3A_228 = arith.cmpi uge, %get3A_227, %ge3A : vector<16xi32>
      %all_reduce_population_count3A = tpu.all_reduce %ge3A_228 {dim = 0 : i64, kind = #tpu.reduction_kind<sum>} : vector<16xi1> -> vector<16xi32>
      %slice3A = vector.extract_strided_slice %all_reduce_population_count3A {offsets = [0], sizes = [1], strides = [1]} : vector<16xi32> to vector<1xi32>
      %squeeze3A = vector.extract %slice3A[0] : i32 from vector<1xi32>
      %mul3A_229 = arith.constant 16 : i32
      %mul3A_230 = arith.muli %scan3A_219, %mul3A_229 : i32
      %add3A_231 = arith.constant 1 : i32
      %add3A_232 = arith.addi %mul3A_230, %add3A_231 : i32
      %mul3A_233 = arith.constant 16 : i32
      %mul3A_234 = arith.muli %add3A_232, %mul3A_233 : i32
      %get3A_235 = arith.index_cast %mul3A_234 : i32 to index
      %get3A_236 = tpu.vector_load %arg6[%get3A_235] {strides = array<i32>} : memref<24576xi32, #tpu.memory_space<vmem>>, vector<16xi32>,
      %ge3A_237 = vector.broadcast %scan3A_130 : i32 to vector<16xi32>
      %ge3A_238 = arith.cmpi uge, %get3A_236, %ge3A_237 : vector<16xi32>
      %all_reduce_population_count3A_239 = tpu.all_reduce %ge3A_238 {dim = 0 : i64, kind = #tpu.reduction_kind<sum>} : vector<16xi1> -> vector<16xi32>
      %slice3A_240 = vector.extract_strided_slice %all_reduce_population_count3A_239 {offsets = [0], sizes = [1], strides = [1]} : vector<16xi32> to vector<1xi32>
      %squeeze3A_241 = vector.extract %slice3A_240[0] : i32 from vector<1xi32>
      %mul3A_242 = arith.constant 16 : i32
      %mul3A_243 = arith.muli %scan3A_219, %mul3A_242 : i32
      %add3A_244 = arith.constant 2 : i32
      %add3A_245 = arith.addi %mul3A_243, %add3A_244 : i32
      %mul3A_246 = arith.constant 16 : i32
      %mul3A_247 = arith.muli %add3A_245, %mul3A_246 : i32
      %get3A_248 = arith.index_cast %mul3A_247 : i32 to index
      %get3A_249 = tpu.vector_load %arg6[%get3A_248] {strides = array<i32>} : memref<24576xi32, #tpu.memory_space<vmem>>, vector<16xi32>,
      %ge3A_250 = vector.broadcast %scan3A_130 : i32 to vector<16xi32>
      %ge3A_251 = arith.cmpi uge, %get3A_249, %ge3A_250 : vector<16xi32>
      %all_reduce_population_count3A_252 = tpu.all_reduce %ge3A_251 {dim = 0 : i64, kind = #tpu.reduction_kind<sum>} : vector<16xi1> -> vector<16xi32>
      %slice3A_253 = vector.extract_strided_slice %all_reduce_population_count3A_252 {offsets = [0], sizes = [1], strides = [1]} : vector<16xi32> to vector<1xi32>
      %squeeze3A_254 = vector.extract %slice3A_253[0] : i32 from vector<1xi32>
      %mul3A_255 = arith.constant 16 : i32
      %mul3A_256 = arith.muli %scan3A_219, %mul3A_255 : i32
      %add3A_257 = arith.constant 3 : i32
      %add3A_258 = arith.addi %mul3A_256, %add3A_257 : i32
      %mul3A_259 = arith.constant 16 : i32
      %mul3A_260 = arith.muli %add3A_258, %mul3A_259 : i32
      %get3A_261 = arith.index_cast %mul3A_260 : i32 to index
      %get3A_262 = tpu.vector_load %arg6[%get3A_261] {strides = array<i32>} : memref<24576xi32, #tpu.memory_space<vmem>>, vector<16xi32>,
      %ge3A_263 = vector.broadcast %scan3A_130 : i32 to vector<16xi32>
      %ge3A_264 = arith.cmpi uge, %get3A_262, %ge3A_263 : vector<16xi32>
      %all_reduce_population_count3A_265 = tpu.all_reduce %ge3A_264 {dim = 0 : i64, kind = #tpu.reduction_kind<sum>} : vector<16xi1> -> vector<16xi32>
      %slice3A_266 = vector.extract_strided_slice %all_reduce_population_count3A_265 {offsets = [0], sizes = [1], strides = [1]} : vector<16xi32> to vector<1xi32>
      %squeeze3A_267 = vector.extract %slice3A_266[0] : i32 from vector<1xi32>
      %mul3A_268 = arith.constant 16 : i32
      %mul3A_269 = arith.muli %scan3A_219, %mul3A_268 : i32
      %add3A_270 = arith.constant 4 : i32
      %add3A_271 = arith.addi %mul3A_269, %add3A_270 : i32
      %mul3A_272 = arith.constant 16 : i32
      %mul3A_273 = arith.muli %add3A_271, %mul3A_272 : i32
      %get3A_274 = arith.index_cast %mul3A_273 : i32 to index
      %get3A_275 = tpu.vector_load %arg6[%get3A_274] {strides = array<i32>} : memref<24576xi32, #tpu.memory_space<vmem>>, vector<16xi32>,
      %ge3A_276 = vector.broadcast %scan3A_130 : i32 to vector<16xi32>
      %ge3A_277 = arith.cmpi uge, %get3A_275, %ge3A_276 : vector<16xi32>
      %all_reduce_population_count3A_278 = tpu.all_reduce %ge3A_277 {dim = 0 : i64, kind = #tpu.reduction_kind<sum>} : vector<16xi1> -> vector<16xi32>
      %slice3A_279 = vector.extract_strided_slice %all_reduce_population_count3A_278 {offsets = [0], sizes = [1], strides = [1]} : vector<16xi32> to vector<1xi32>
      %squeeze3A_280 = vector.extract %slice3A_279[0] : i32 from vector<1xi32>
      %mul3A_281 = arith.constant 16 : i32
      %mul3A_282 = arith.muli %scan3A_219, %mul3A_281 : i32
      %add3A_283 = arith.constant 5 : i32
      %add3A_284 = arith.addi %mul3A_282, %add3A_283 : i32
      %mul3A_285 = arith.constant 16 : i32
      %mul3A_286 = arith.muli %add3A_284, %mul3A_285 : i32
      %get3A_287 = arith.index_cast %mul3A_286 : i32 to index
      %get3A_288 = tpu.vector_load %arg6[%get3A_287] {strides = array<i32>} : memref<24576xi32, #tpu.memory_space<vmem>>, vector<16xi32>,
      %ge3A_289 = vector.broadcast %scan3A_130 : i32 to vector<16xi32>
      %ge3A_290 = arith.cmpi uge, %get3A_288, %ge3A_289 : vector<16xi32>
      %all_reduce_population_count3A_291 = tpu.all_reduce %ge3A_290 {dim = 0 : i64, kind = #tpu.reduction_kind<sum>} : vector<16xi1> -> vector<16xi32>
      %slice3A_292 = vector.extract_strided_slice %all_reduce_population_count3A_291 {offsets = [0], sizes = [1], strides = [1]} : vector<16xi32> to vector<1xi32>
      %squeeze3A_293 = vector.extract %slice3A_292[0] : i32 from vector<1xi32>
      %mul3A_294 = arith.constant 16 : i32
      %mul3A_295 = arith.muli %scan3A_219, %mul3A_294 : i32
      %add3A_296 = arith.constant 6 : i32
      %add3A_297 = arith.addi %mul3A_295, %add3A_296 : i32
      %mul3A_298 = arith.constant 16 : i32
      %mul3A_299 = arith.muli %add3A_297, %mul3A_298 : i32
      %get3A_300 = arith.index_cast %mul3A_299 : i32 to index
      %get3A_301 = tpu.vector_load %arg6[%get3A_300] {strides = array<i32>} : memref<24576xi32, #tpu.memory_space<vmem>>, vector<16xi32>,
      %ge3A_302 = vector.broadcast %scan3A_130 : i32 to vector<16xi32>
      %ge3A_303 = arith.cmpi uge, %get3A_301, %ge3A_302 : vector<16xi32>
      %all_reduce_population_count3A_304 = tpu.all_reduce %ge3A_303 {dim = 0 : i64, kind = #tpu.reduction_kind<sum>} : vector<16xi1> -> vector<16xi32>
      %slice3A_305 = vector.extract_strided_slice %all_reduce_population_count3A_304 {offsets = [0], sizes = [1], strides = [1]} : vector<16xi32> to vector<1xi32>
      %squeeze3A_306 = vector.extract %slice3A_305[0] : i32 from vector<1xi32>
      %mul3A_307 = arith.constant 16 : i32
      %mul3A_308 = arith.muli %scan3A_219, %mul3A_307 : i32
      %add3A_309 = arith.constant 7 : i32
      %add3A_310 = arith.addi %mul3A_308, %add3A_309 : i32
      %mul3A_311 = arith.constant 16 : i32
      %mul3A_312 = arith.muli %add3A_310, %mul3A_311 : i32
      %get3A_313 = arith.index_cast %mul3A_312 : i32 to index
      %get3A_314 = tpu.vector_load %arg6[%get3A_313] {strides = array<i32>} : memref<24576xi32, #tpu.memory_space<vmem>>, vector<16xi32>,
      %ge3A_315 = vector.broadcast %scan3A_130 : i32 to vector<16xi32>
      %ge3A_316 = arith.cmpi uge, %get3A_314, %ge3A_315 : vector<16xi32>
      %all_reduce_population_count3A_317 = tpu.all_reduce %ge3A_316 {dim = 0 : i64, kind = #tpu.reduction_kind<sum>} : vector<16xi1> -> vector<16xi32>
      %slice3A_318 = vector.extract_strided_slice %all_reduce_population_count3A_317 {offsets = [0], sizes = [1], strides = [1]} : vector<16xi32> to vector<1xi32>
      %squeeze3A_319 = vector.extract %slice3A_318[0] : i32 from vector<1xi32>
      %mul3A_320 = arith.constant 16 : i32
      %mul3A_321 = arith.muli %scan3A_219, %mul3A_320 : i32
      %add3A_322 = arith.constant 8 : i32
      %add3A_323 = arith.addi %mul3A_321, %add3A_322 : i32
      %mul3A_324 = arith.constant 16 : i32
      %mul3A_325 = arith.muli %add3A_323, %mul3A_324 : i32
      %get3A_326 = arith.index_cast %mul3A_325 : i32 to index
      %get3A_327 = tpu.vector_load %arg6[%get3A_326] {strides = array<i32>} : memref<24576xi32, #tpu.memory_space<vmem>>, vector<16xi32>,
      %ge3A_328 = vector.broadcast %scan3A_130 : i32 to vector<16xi32>
      %ge3A_329 = arith.cmpi uge, %get3A_327, %ge3A_328 : vector<16xi32>
      %all_reduce_population_count3A_330 = tpu.all_reduce %ge3A_329 {dim = 0 : i64, kind = #tpu.reduction_kind<sum>} : vector<16xi1> -> vector<16xi32>
      %slice3A_331 = vector.extract_strided_slice %all_reduce_population_count3A_330 {offsets = [0], sizes = [1], strides = [1]} : vector<16xi32> to vector<1xi32>
      %squeeze3A_332 = vector.extract %slice3A_331[0] : i32 from vector<1xi32>
      %mul3A_333 = arith.constant 16 : i32
      %mul3A_334 = arith.muli %scan3A_219, %mul3A_333 : i32
      %add3A_335 = arith.constant 9 : i32
      %add3A_336 = arith.addi %mul3A_334, %add3A_335 : i32
      %mul3A_337 = arith.constant 16 : i32
      %mul3A_338 = arith.muli %add3A_336, %mul3A_337 : i32
      %get3A_339 = arith.index_cast %mul3A_338 : i32 to index
      %get3A_340 = tpu.vector_load %arg6[%get3A_339] {strides = array<i32>} : memref<24576xi32, #tpu.memory_space<vmem>>, vector<16xi32>,
      %ge3A_341 = vector.broadcast %scan3A_130 : i32 to vector<16xi32>
      %ge3A_342 = arith.cmpi uge, %get3A_340, %ge3A_341 : vector<16xi32>
      %all_reduce_population_count3A_343 = tpu.all_reduce %ge3A_342 {dim = 0 : i64, kind = #tpu.reduction_kind<sum>} : vector<16xi1> -> vector<16xi32>
      %slice3A_344 = vector.extract_strided_slice %all_reduce_population_count3A_343 {offsets = [0], sizes = [1], strides = [1]} : vector<16xi32> to vector<1xi32>
      %squeeze3A_345 = vector.extract %slice3A_344[0] : i32 from vector<1xi32>
      %mul3A_346 = arith.constant 16 : i32
      %mul3A_347 = arith.muli %scan3A_219, %mul3A_346 : i32
      %add3A_348 = arith.constant 10 : i32
      %add3A_349 = arith.addi %mul3A_347, %add3A_348 : i32
      %mul3A_350 = arith.constant 16 : i32
      %mul3A_351 = arith.muli %add3A_349, %mul3A_350 : i32
      %get3A_352 = arith.index_cast %mul3A_351 : i32 to index
      %get3A_353 = tpu.vector_load %arg6[%get3A_352] {strides = array<i32>} : memref<24576xi32, #tpu.memory_space<vmem>>, vector<16xi32>,
      %ge3A_354 = vector.broadcast %scan3A_130 : i32 to vector<16xi32>
      %ge3A_355 = arith.cmpi uge, %get3A_353, %ge3A_354 : vector<16xi32>
      %all_reduce_population_count3A_356 = tpu.all_reduce %ge3A_355 {dim = 0 : i64, kind = #tpu.reduction_kind<sum>} : vector<16xi1> -> vector<16xi32>
      %slice3A_357 = vector.extract_strided_slice %all_reduce_population_count3A_356 {offsets = [0], sizes = [1], strides = [1]} : vector<16xi32> to vector<1xi32>
      %squeeze3A_358 = vector.extract %slice3A_357[0] : i32 from vector<1xi32>
      %mul3A_359 = arith.constant 16 : i32
      %mul3A_360 = arith.muli %scan3A_219, %mul3A_359 : i32
      %add3A_361 = arith.constant 11 : i32
      %add3A_362 = arith.addi %mul3A_360, %add3A_361 : i32
      %mul3A_363 = arith.constant 16 : i32
      %mul3A_364 = arith.muli %add3A_362, %mul3A_363 : i32
      %get3A_365 = arith.index_cast %mul3A_364 : i32 to index
      %get3A_366 = tpu.vector_load %arg6[%get3A_365] {strides = array<i32>} : memref<24576xi32, #tpu.memory_space<vmem>>, vector<16xi32>,
      %ge3A_367 = vector.broadcast %scan3A_130 : i32 to vector<16xi32>
      %ge3A_368 = arith.cmpi uge, %get3A_366, %ge3A_367 : vector<16xi32>
      %all_reduce_population_count3A_369 = tpu.all_reduce %ge3A_368 {dim = 0 : i64, kind = #tpu.reduction_kind<sum>} : vector<16xi1> -> vector<16xi32>
      %slice3A_370 = vector.extract_strided_slice %all_reduce_population_count3A_369 {offsets = [0], sizes = [1], strides = [1]} : vector<16xi32> to vector<1xi32>
      %squeeze3A_371 = vector.extract %slice3A_370[0] : i32 from vector<1xi32>
      %mul3A_372 = arith.constant 16 : i32
      %mul3A_373 = arith.muli %scan3A_219, %mul3A_372 : i32
      %add3A_374 = arith.constant 12 : i32
      %add3A_375 = arith.addi %mul3A_373, %add3A_374 : i32
      %mul3A_376 = arith.constant 16 : i32
      %mul3A_377 = arith.muli %add3A_375, %mul3A_376 : i32
      %get3A_378 = arith.index_cast %mul3A_377 : i32 to index
      %get3A_379 = tpu.vector_load %arg6[%get3A_378] {strides = array<i32>} : memref<24576xi32, #tpu.memory_space<vmem>>, vector<16xi32>,
      %ge3A_380 = vector.broadcast %scan3A_130 : i32 to vector<16xi32>
      %ge3A_381 = arith.cmpi uge, %get3A_379, %ge3A_380 : vector<16xi32>
      %all_reduce_population_count3A_382 = tpu.all_reduce %ge3A_381 {dim = 0 : i64, kind = #tpu.reduction_kind<sum>} : vector<16xi1> -> vector<16xi32>
      %slice3A_383 = vector.extract_strided_slice %all_reduce_population_count3A_382 {offsets = [0], sizes = [1], strides = [1]} : vector<16xi32> to vector<1xi32>
      %squeeze3A_384 = vector.extract %slice3A_383[0] : i32 from vector<1xi32>
      %mul3A_385 = arith.constant 16 : i32
      %mul3A_386 = arith.muli %scan3A_219, %mul3A_385 : i32
      %add3A_387 = arith.constant 13 : i32
      %add3A_388 = arith.addi %mul3A_386, %add3A_387 : i32
      %mul3A_389 = arith.constant 16 : i32
      %mul3A_390 = arith.muli %add3A_388, %mul3A_389 : i32
      %get3A_391 = arith.index_cast %mul3A_390 : i32 to index
      %get3A_392 = tpu.vector_load %arg6[%get3A_391] {strides = array<i32>} : memref<24576xi32, #tpu.memory_space<vmem>>, vector<16xi32>,
      %ge3A_393 = vector.broadcast %scan3A_130 : i32 to vector<16xi32>
      %ge3A_394 = arith.cmpi uge, %get3A_392, %ge3A_393 : vector<16xi32>
      %all_reduce_population_count3A_395 = tpu.all_reduce %ge3A_394 {dim = 0 : i64, kind = #tpu.reduction_kind<sum>} : vector<16xi1> -> vector<16xi32>
      %slice3A_396 = vector.extract_strided_slice %all_reduce_population_count3A_395 {offsets = [0], sizes = [1], strides = [1]} : vector<16xi32> to vector<1xi32>
      %squeeze3A_397 = vector.extract %slice3A_396[0] : i32 from vector<1xi32>
      %mul3A_398 = arith.constant 16 : i32
      %mul3A_399 = arith.muli %scan3A_219, %mul3A_398 : i32
      %add3A_400 = arith.constant 14 : i32
      %add3A_401 = arith.addi %mul3A_399, %add3A_400 : i32
      %mul3A_402 = arith.constant 16 : i32
      %mul3A_403 = arith.muli %add3A_401, %mul3A_402 : i32
      %get3A_404 = arith.index_cast %mul3A_403 : i32 to index
      %get3A_405 = tpu.vector_load %arg6[%get3A_404] {strides = array<i32>} : memref<24576xi32, #tpu.memory_space<vmem>>, vector<16xi32>,
      %ge3A_406 = vector.broadcast %scan3A_130 : i32 to vector<16xi32>
      %ge3A_407 = arith.cmpi uge, %get3A_405, %ge3A_406 : vector<16xi32>
      %all_reduce_population_count3A_408 = tpu.all_reduce %ge3A_407 {dim = 0 : i64, kind = #tpu.reduction_kind<sum>} : vector<16xi1> -> vector<16xi32>
      %slice3A_409 = vector.extract_strided_slice %all_reduce_population_count3A_408 {offsets = [0], sizes = [1], strides = [1]} : vector<16xi32> to vector<1xi32>
      %squeeze3A_410 = vector.extract %slice3A_409[0] : i32 from vector<1xi32>
      %mul3A_411 = arith.constant 16 : i32
      %mul3A_412 = arith.muli %scan3A_219, %mul3A_411 : i32
      %add3A_413 = arith.constant 15 : i32
      %add3A_414 = arith.addi %mul3A_412, %add3A_413 : i32
      %mul3A_415 = arith.constant 16 : i32
      %mul3A_416 = arith.muli %add3A_414, %mul3A_415 : i32
      %get3A_417 = arith.index_cast %mul3A_416 : i32 to index
      %get3A_418 = tpu.vector_load %arg6[%get3A_417] {strides = array<i32>} : memref<24576xi32, #tpu.memory_space<vmem>>, vector<16xi32>,
      %ge3A_419 = vector.broadcast %scan3A_130 : i32 to vector<16xi32>
      %ge3A_420 = arith.cmpi uge, %get3A_418, %ge3A_419 : vector<16xi32>
      %all_reduce_population_count3A_421 = tpu.all_reduce %ge3A_420 {dim = 0 : i64, kind = #tpu.reduction_kind<sum>} : vector<16xi1> -> vector<16xi32>
      %slice3A_422 = vector.extract_strided_slice %all_reduce_population_count3A_421 {offsets = [0], sizes = [1], strides = [1]} : vector<16xi32> to vector<1xi32>
      %squeeze3A_423 = vector.extract %slice3A_422[0] : i32 from vector<1xi32>
      %swap3A_424 = arith.index_cast %scan3A_220 : i32 to index
      %swap3A_425 = tpu.vector_load %arg8[%swap3A_424] masked %ge3A_228 {strides = array<i32>} : memref<24592xi32, #tpu.memory_space<vmem>>, vector<16xi32>, vector<16xi1>
      tpu.vector_store %arg8[%swap3A_424], %get3A_227 masked %ge3A_228 {strides = array<i32>} : memref<24592xi32, #tpu.memory_space<vmem>>, vector<16xi32>, vector<16xi1>
      %mul3A_426 = arith.constant 16 : i32
      %mul3A_427 = arith.muli %scan3A_219, %mul3A_426 : i32
      %add3A_428 = arith.constant 0 : i32
      %add3A_429 = arith.addi %mul3A_427, %add3A_428 : i32
      %mul3A_430 = arith.constant 16 : i32
      %mul3A_431 = arith.muli %add3A_429, %mul3A_430 : i32
      %add3A_432 = vector.broadcast %mul3A_431 : i32 to vector<16xi32>
      %add3A_433 = arith.addi %iota3A, %add3A_432 : vector<16xi32>
      %swap3A_434 = arith.index_cast %scan3A_220 : i32 to index
      %swap3A_435 = tpu.vector_load %arg9[%swap3A_434] masked %ge3A_228 {strides = array<i32>} : memref<24592xi32, #tpu.memory_space<vmem>>, vector<16xi32>, vector<16xi1>
      tpu.vector_store %arg9[%swap3A_434], %add3A_433 masked %ge3A_228 {strides = array<i32>} : memref<24592xi32, #tpu.memory_space<vmem>>, vector<16xi32>, vector<16xi1>
      %add3A_436 = arith.addi %scan3A_220, %squeeze3A : i32
      %swap3A_437 = arith.index_cast %add3A_436 : i32 to index
      %swap3A_438 = tpu.vector_load %arg8[%swap3A_437] masked %ge3A_238 {strides = array<i32>} : memref<24592xi32, #tpu.memory_space<vmem>>, vector<16xi32>, vector<16xi1>
      tpu.vector_store %arg8[%swap3A_437], %get3A_236 masked %ge3A_238 {strides = array<i32>} : memref<24592xi32, #tpu.memory_space<vmem>>, vector<16xi32>, vector<16xi1>
      %mul3A_439 = arith.constant 16 : i32
      %mul3A_440 = arith.muli %scan3A_219, %mul3A_439 : i32
      %add3A_441 = arith.constant 1 : i32
      %add3A_442 = arith.addi %mul3A_440, %add3A_441 : i32
      %mul3A_443 = arith.constant 16 : i32
      %mul3A_444 = arith.muli %add3A_442, %mul3A_443 : i32
      %add3A_445 = vector.broadcast %mul3A_444 : i32 to vector<16xi32>
      %add3A_446 = arith.addi %iota3A, %add3A_445 : vector<16xi32>
      %swap3A_447 = arith.index_cast %add3A_436 : i32 to index
      %swap3A_448 = tpu.vector_load %arg9[%swap3A_447] masked %ge3A_238 {strides = array<i32>} : memref<24592xi32, #tpu.memory_space<vmem>>, vector<16xi32>, vector<16xi1>
      tpu.vector_store %arg9[%swap3A_447], %add3A_446 masked %ge3A_238 {strides = array<i32>} : memref<24592xi32, #tpu.memory_space<vmem>>, vector<16xi32>, vector<16xi1>
      %add3A_449 = arith.addi %add3A_436, %squeeze3A_241 : i32
      %swap3A_450 = arith.index_cast %add3A_449 : i32 to index
      %swap3A_451 = tpu.vector_load %arg8[%swap3A_450] masked %ge3A_251 {strides = array<i32>} : memref<24592xi32, #tpu.memory_space<vmem>>, vector<16xi32>, vector<16xi1>
      tpu.vector_store %arg8[%swap3A_450], %get3A_249 masked %ge3A_251 {strides = array<i32>} : memref<24592xi32, #tpu.memory_space<vmem>>, vector<16xi32>, vector<16xi1>
      %mul3A_452 = arith.constant 16 : i32
      %mul3A_453 = arith.muli %scan3A_219, %mul3A_452 : i32
      %add3A_454 = arith.constant 2 : i32
      %add3A_455 = arith.addi %mul3A_453, %add3A_454 : i32
      %mul3A_456 = arith.constant 16 : i32
      %mul3A_457 = arith.muli %add3A_455, %mul3A_456 : i32
      %add3A_458 = vector.broadcast %mul3A_457 : i32 to vector<16xi32>
      %add3A_459 = arith.addi %iota3A, %add3A_458 : vector<16xi32>
      %swap3A_460 = arith.index_cast %add3A_449 : i32 to index
      %swap3A_461 = tpu.vector_load %arg9[%swap3A_460] masked %ge3A_251 {strides = array<i32>} : memref<24592xi32, #tpu.memory_space<vmem>>, vector<16xi32>, vector<16xi1>
      tpu.vector_store %arg9[%swap3A_460], %add3A_459 masked %ge3A_251 {strides = array<i32>} : memref<24592xi32, #tpu.memory_space<vmem>>, vector<16xi32>, vector<16xi1>
      %add3A_462 = arith.addi %add3A_449, %squeeze3A_254 : i32
      %swap3A_463 = arith.index_cast %add3A_462 : i32 to index
      %swap3A_464 = tpu.vector_load %arg8[%swap3A_463] masked %ge3A_264 {strides = array<i32>} : memref<24592xi32, #tpu.memory_space<vmem>>, vector<16xi32>, vector<16xi1>
      tpu.vector_store %arg8[%swap3A_463], %get3A_262 masked %ge3A_264 {strides = array<i32>} : memref<24592xi32, #tpu.memory_space<vmem>>, vector<16xi32>, vector<16xi1>
      %mul3A_465 = arith.constant 16 : i32
      %mul3A_466 = arith.muli %scan3A_219, %mul3A_465 : i32
      %add3A_467 = arith.constant 3 : i32
      %add3A_468 = arith.addi %mul3A_466, %add3A_467 : i32
      %mul3A_469 = arith.constant 16 : i32
      %mul3A_470 = arith.muli %add3A_468, %mul3A_469 : i32
      %add3A_471 = vector.broadcast %mul3A_470 : i32 to vector<16xi32>
      %add3A_472 = arith.addi %iota3A, %add3A_471 : vector<16xi32>
      %swap3A_473 = arith.index_cast %add3A_462 : i32 to index
      %swap3A_474 = tpu.vector_load %arg9[%swap3A_473] masked %ge3A_264 {strides = array<i32>} : memref<24592xi32, #tpu.memory_space<vmem>>, vector<16xi32>, vector<16xi1>
      tpu.vector_store %arg9[%swap3A_473], %add3A_472 masked %ge3A_264 {strides = array<i32>} : memref<24592xi32, #tpu.memory_space<vmem>>, vector<16xi32>, vector<16xi1>
      %add3A_475 = arith.addi %add3A_462, %squeeze3A_267 : i32
      %swap3A_476 = arith.index_cast %add3A_475 : i32 to index
      %swap3A_477 = tpu.vector_load %arg8[%swap3A_476] masked %ge3A_277 {strides = array<i32>} : memref<24592xi32, #tpu.memory_space<vmem>>, vector<16xi32>, vector<16xi1>
      tpu.vector_store %arg8[%swap3A_476], %get3A_275 masked %ge3A_277 {strides = array<i32>} : memref<24592xi32, #tpu.memory_space<vmem>>, vector<16xi32>, vector<16xi1>
      %mul3A_478 = arith.constant 16 : i32
      %mul3A_479 = arith.muli %scan3A_219, %mul3A_478 : i32
      %add3A_480 = arith.constant 4 : i32
      %add3A_481 = arith.addi %mul3A_479, %add3A_480 : i32
      %mul3A_482 = arith.constant 16 : i32
      %mul3A_483 = arith.muli %add3A_481, %mul3A_482 : i32
      %add3A_484 = vector.broadcast %mul3A_483 : i32 to vector<16xi32>
      %add3A_485 = arith.addi %iota3A, %add3A_484 : vector<16xi32>
      %swap3A_486 = arith.index_cast %add3A_475 : i32 to index
      %swap3A_487 = tpu.vector_load %arg9[%swap3A_486] masked %ge3A_277 {strides = array<i32>} : memref<24592xi32, #tpu.memory_space<vmem>>, vector<16xi32>, vector<16xi1>
      tpu.vector_store %arg9[%swap3A_486], %add3A_485 masked %ge3A_277 {strides = array<i32>} : memref<24592xi32, #tpu.memory_space<vmem>>, vector<16xi32>, vector<16xi1>
      %add3A_488 = arith.addi %add3A_475, %squeeze3A_280 : i32
      %swap3A_489 = arith.index_cast %add3A_488 : i32 to index
      %swap3A_490 = tpu.vector_load %arg8[%swap3A_489] masked %ge3A_290 {strides = array<i32>} : memref<24592xi32, #tpu.memory_space<vmem>>, vector<16xi32>, vector<16xi1>
      tpu.vector_store %arg8[%swap3A_489], %get3A_288 masked %ge3A_290 {strides = array<i32>} : memref<24592xi32, #tpu.memory_space<vmem>>, vector<16xi32>, vector<16xi1>
      %mul3A_491 = arith.constant 16 : i32
      %mul3A_492 = arith.muli %scan3A_219, %mul3A_491 : i32
      %add3A_493 = arith.constant 5 : i32
      %add3A_494 = arith.addi %mul3A_492, %add3A_493 : i32
      %mul3A_495 = arith.constant 16 : i32
      %mul3A_496 = arith.muli %add3A_494, %mul3A_495 : i32
      %add3A_497 = vector.broadcast %mul3A_496 : i32 to vector<16xi32>
      %add3A_498 = arith.addi %iota3A, %add3A_497 : vector<16xi32>
      %swap3A_499 = arith.index_cast %add3A_488 : i32 to index
      %swap3A_500 = tpu.vector_load %arg9[%swap3A_499] masked %ge3A_290 {strides = array<i32>} : memref<24592xi32, #tpu.memory_space<vmem>>, vector<16xi32>, vector<16xi1>
      tpu.vector_store %arg9[%swap3A_499], %add3A_498 masked %ge3A_290 {strides = array<i32>} : memref<24592xi32, #tpu.memory_space<vmem>>, vector<16xi32>, vector<16xi1>
      %add3A_501 = arith.addi %add3A_488, %squeeze3A_293 : i32
      %swap3A_502 = arith.index_cast %add3A_501 : i32 to index
      %swap3A_503 = tpu.vector_load %arg8[%swap3A_502] masked %ge3A_303 {strides = array<i32>} : memref<24592xi32, #tpu.memory_space<vmem>>, vector<16xi32>, vector<16xi1>
      tpu.vector_store %arg8[%swap3A_502], %get3A_301 masked %ge3A_303 {strides = array<i32>} : memref<24592xi32, #tpu.memory_space<vmem>>, vector<16xi32>, vector<16xi1>
      %mul3A_504 = arith.constant 16 : i32
      %mul3A_505 = arith.muli %scan3A_219, %mul3A_504 : i32
      %add3A_506 = arith.constant 6 : i32
      %add3A_507 = arith.addi %mul3A_505, %add3A_506 : i32
      %mul3A_508 = arith.constant 16 : i32
      %mul3A_509 = arith.muli %add3A_507, %mul3A_508 : i32
      %add3A_510 = vector.broadcast %mul3A_509 : i32 to vector<16xi32>
      %add3A_511 = arith.addi %iota3A, %add3A_510 : vector<16xi32>
      %swap3A_512 = arith.index_cast %add3A_501 : i32 to index
      %swap3A_513 = tpu.vector_load %arg9[%swap3A_512] masked %ge3A_303 {strides = array<i32>} : memref<24592xi32, #tpu.memory_space<vmem>>, vector<16xi32>, vector<16xi1>
      tpu.vector_store %arg9[%swap3A_512], %add3A_511 masked %ge3A_303 {strides = array<i32>} : memref<24592xi32, #tpu.memory_space<vmem>>, vector<16xi32>, vector<16xi1>
      %add3A_514 = arith.addi %add3A_501, %squeeze3A_306 : i32
      %swap3A_515 = arith.index_cast %add3A_514 : i32 to index
      %swap3A_516 = tpu.vector_load %arg8[%swap3A_515] masked %ge3A_316 {strides = array<i32>} : memref<24592xi32, #tpu.memory_space<vmem>>, vector<16xi32>, vector<16xi1>
      tpu.vector_store %arg8[%swap3A_515], %get3A_314 masked %ge3A_316 {strides = array<i32>} : memref<24592xi32, #tpu.memory_space<vmem>>, vector<16xi32>, vector<16xi1>
      %mul3A_517 = arith.constant 16 : i32
      %mul3A_518 = arith.muli %scan3A_219, %mul3A_517 : i32
      %add3A_519 = arith.constant 7 : i32
      %add3A_520 = arith.addi %mul3A_518, %add3A_519 : i32
      %mul3A_521 = arith.constant 16 : i32
      %mul3A_522 = arith.muli %add3A_520, %mul3A_521 : i32
      %add3A_523 = vector.broadcast %mul3A_522 : i32 to vector<16xi32>
      %add3A_524 = arith.addi %iota3A, %add3A_523 : vector<16xi32>
      %swap3A_525 = arith.index_cast %add3A_514 : i32 to index
      %swap3A_526 = tpu.vector_load %arg9[%swap3A_525] masked %ge3A_316 {strides = array<i32>} : memref<24592xi32, #tpu.memory_space<vmem>>, vector<16xi32>, vector<16xi1>
      tpu.vector_store %arg9[%swap3A_525], %add3A_524 masked %ge3A_316 {strides = array<i32>} : memref<24592xi32, #tpu.memory_space<vmem>>, vector<16xi32>, vector<16xi1>
      %add3A_527 = arith.addi %add3A_514, %squeeze3A_319 : i32
      %swap3A_528 = arith.index_cast %add3A_527 : i32 to index
      %swap3A_529 = tpu.vector_load %arg8[%swap3A_528] masked %ge3A_329 {strides = array<i32>} : memref<24592xi32, #tpu.memory_space<vmem>>, vector<16xi32>, vector<16xi1>
      tpu.vector_store %arg8[%swap3A_528], %get3A_327 masked %ge3A_329 {strides = array<i32>} : memref<24592xi32, #tpu.memory_space<vmem>>, vector<16xi32>, vector<16xi1>
      %mul3A_530 = arith.constant 16 : i32
      %mul3A_531 = arith.muli %scan3A_219, %mul3A_530 : i32
      %add3A_532 = arith.constant 8 : i32
      %add3A_533 = arith.addi %mul3A_531, %add3A_532 : i32
      %mul3A_534 = arith.constant 16 : i32
      %mul3A_535 = arith.muli %add3A_533, %mul3A_534 : i32
      %add3A_536 = vector.broadcast %mul3A_535 : i32 to vector<16xi32>
      %add3A_537 = arith.addi %iota3A, %add3A_536 : vector<16xi32>
      %swap3A_538 = arith.index_cast %add3A_527 : i32 to index
      %swap3A_539 = tpu.vector_load %arg9[%swap3A_538] masked %ge3A_329 {strides = array<i32>} : memref<24592xi32, #tpu.memory_space<vmem>>, vector<16xi32>, vector<16xi1>
      tpu.vector_store %arg9[%swap3A_538], %add3A_537 masked %ge3A_329 {strides = array<i32>} : memref<24592xi32, #tpu.memory_space<vmem>>, vector<16xi32>, vector<16xi1>
      %add3A_540 = arith.addi %add3A_527, %squeeze3A_332 : i32
      %swap3A_541 = arith.index_cast %add3A_540 : i32 to index
      %swap3A_542 = tpu.vector_load %arg8[%swap3A_541] masked %ge3A_342 {strides = array<i32>} : memref<24592xi32, #tpu.memory_space<vmem>>, vector<16xi32>, vector<16xi1>
      tpu.vector_store %arg8[%swap3A_541], %get3A_340 masked %ge3A_342 {strides = array<i32>} : memref<24592xi32, #tpu.memory_space<vmem>>, vector<16xi32>, vector<16xi1>
      %mul3A_543 = arith.constant 16 : i32
      %mul3A_544 = arith.muli %scan3A_219, %mul3A_543 : i32
      %add3A_545 = arith.constant 9 : i32
      %add3A_546 = arith.addi %mul3A_544, %add3A_545 : i32
      %mul3A_547 = arith.constant 16 : i32
      %mul3A_548 = arith.muli %add3A_546, %mul3A_547 : i32
      %add3A_549 = vector.broadcast %mul3A_548 : i32 to vector<16xi32>
      %add3A_550 = arith.addi %iota3A, %add3A_549 : vector<16xi32>
      %swap3A_551 = arith.index_cast %add3A_540 : i32 to index
      %swap3A_552 = tpu.vector_load %arg9[%swap3A_551] masked %ge3A_342 {strides = array<i32>} : memref<24592xi32, #tpu.memory_space<vmem>>, vector<16xi32>, vector<16xi1>
      tpu.vector_store %arg9[%swap3A_551], %add3A_550 masked %ge3A_342 {strides = array<i32>} : memref<24592xi32, #tpu.memory_space<vmem>>, vector<16xi32>, vector<16xi1>
      %add3A_553 = arith.addi %add3A_540, %squeeze3A_345 : i32
      %swap3A_554 = arith.index_cast %add3A_553 : i32 to index
      %swap3A_555 = tpu.vector_load %arg8[%swap3A_554] masked %ge3A_355 {strides = array<i32>} : memref<24592xi32, #tpu.memory_space<vmem>>, vector<16xi32>, vector<16xi1>
      tpu.vector_store %arg8[%swap3A_554], %get3A_353 masked %ge3A_355 {strides = array<i32>} : memref<24592xi32, #tpu.memory_space<vmem>>, vector<16xi32>, vector<16xi1>
      %mul3A_556 = arith.constant 16 : i32
      %mul3A_557 = arith.muli %scan3A_219, %mul3A_556 : i32
      %add3A_558 = arith.constant 10 : i32
      %add3A_559 = arith.addi %mul3A_557, %add3A_558 : i32
      %mul3A_560 = arith.constant 16 : i32
      %mul3A_561 = arith.muli %add3A_559, %mul3A_560 : i32
      %add3A_562 = vector.broadcast %mul3A_561 : i32 to vector<16xi32>
      %add3A_563 = arith.addi %iota3A, %add3A_562 : vector<16xi32>
      %swap3A_564 = arith.index_cast %add3A_553 : i32 to index
      %swap3A_565 = tpu.vector_load %arg9[%swap3A_564] masked %ge3A_355 {strides = array<i32>} : memref<24592xi32, #tpu.memory_space<vmem>>, vector<16xi32>, vector<16xi1>
      tpu.vector_store %arg9[%swap3A_564], %add3A_563 masked %ge3A_355 {strides = array<i32>} : memref<24592xi32, #tpu.memory_space<vmem>>, vector<16xi32>, vector<16xi1>
      %add3A_566 = arith.addi %add3A_553, %squeeze3A_358 : i32
      %swap3A_567 = arith.index_cast %add3A_566 : i32 to index
      %swap3A_568 = tpu.vector_load %arg8[%swap3A_567] masked %ge3A_368 {strides = array<i32>} : memref<24592xi32, #tpu.memory_space<vmem>>, vector<16xi32>, vector<16xi1>
      tpu.vector_store %arg8[%swap3A_567], %get3A_366 masked %ge3A_368 {strides = array<i32>} : memref<24592xi32, #tpu.memory_space<vmem>>, vector<16xi32>, vector<16xi1>
      %mul3A_569 = arith.constant 16 : i32
      %mul3A_570 = arith.muli %scan3A_219, %mul3A_569 : i32
      %add3A_571 = arith.constant 11 : i32
      %add3A_572 = arith.addi %mul3A_570, %add3A_571 : i32
      %mul3A_573 = arith.constant 16 : i32
      %mul3A_574 = arith.muli %add3A_572, %mul3A_573 : i32
      %add3A_575 = vector.broadcast %mul3A_574 : i32 to vector<16xi32>
      %add3A_576 = arith.addi %iota3A, %add3A_575 : vector<16xi32>
      %swap3A_577 = arith.index_cast %add3A_566 : i32 to index
      %swap3A_578 = tpu.vector_load %arg9[%swap3A_577] masked %ge3A_368 {strides = array<i32>} : memref<24592xi32, #tpu.memory_space<vmem>>, vector<16xi32>, vector<16xi1>
      tpu.vector_store %arg9[%swap3A_577], %add3A_576 masked %ge3A_368 {strides = array<i32>} : memref<24592xi32, #tpu.memory_space<vmem>>, vector<16xi32>, vector<16xi1>
      %add3A_579 = arith.addi %add3A_566, %squeeze3A_371 : i32
      %swap3A_580 = arith.index_cast %add3A_579 : i32 to index
      %swap3A_581 = tpu.vector_load %arg8[%swap3A_580] masked %ge3A_381 {strides = array<i32>} : memref<24592xi32, #tpu.memory_space<vmem>>, vector<16xi32>, vector<16xi1>
      tpu.vector_store %arg8[%swap3A_580], %get3A_379 masked %ge3A_381 {strides = array<i32>} : memref<24592xi32, #tpu.memory_space<vmem>>, vector<16xi32>, vector<16xi1>
      %mul3A_582 = arith.constant 16 : i32
      %mul3A_583 = arith.muli %scan3A_219, %mul3A_582 : i32
      %add3A_584 = arith.constant 12 : i32
      %add3A_585 = arith.addi %mul3A_583, %add3A_584 : i32
      %mul3A_586 = arith.constant 16 : i32
      %mul3A_587 = arith.muli %add3A_585, %mul3A_586 : i32
      %add3A_588 = vector.broadcast %mul3A_587 : i32 to vector<16xi32>
      %add3A_589 = arith.addi %iota3A, %add3A_588 : vector<16xi32>
      %swap3A_590 = arith.index_cast %add3A_579 : i32 to index
      %swap3A_591 = tpu.vector_load %arg9[%swap3A_590] masked %ge3A_381 {strides = array<i32>} : memref<24592xi32, #tpu.memory_space<vmem>>, vector<16xi32>, vector<16xi1>
      tpu.vector_store %arg9[%swap3A_590], %add3A_589 masked %ge3A_381 {strides = array<i32>} : memref<24592xi32, #tpu.memory_space<vmem>>, vector<16xi32>, vector<16xi1>
      %add3A_592 = arith.addi %add3A_579, %squeeze3A_384 : i32
      %swap3A_593 = arith.index_cast %add3A_592 : i32 to index
      %swap3A_594 = tpu.vector_load %arg8[%swap3A_593] masked %ge3A_394 {strides = array<i32>} : memref<24592xi32, #tpu.memory_space<vmem>>, vector<16xi32>, vector<16xi1>
      tpu.vector_store %arg8[%swap3A_593], %get3A_392 masked %ge3A_394 {strides = array<i32>} : memref<24592xi32, #tpu.memory_space<vmem>>, vector<16xi32>, vector<16xi1>
      %mul3A_595 = arith.constant 16 : i32
      %mul3A_596 = arith.muli %scan3A_219, %mul3A_595 : i32
      %add3A_597 = arith.constant 13 : i32
      %add3A_598 = arith.addi %mul3A_596, %add3A_597 : i32
      %mul3A_599 = arith.constant 16 : i32
      %mul3A_600 = arith.muli %add3A_598, %mul3A_599 : i32
      %add3A_601 = vector.broadcast %mul3A_600 : i32 to vector<16xi32>
      %add3A_602 = arith.addi %iota3A, %add3A_601 : vector<16xi32>
      %swap3A_603 = arith.index_cast %add3A_592 : i32 to index
      %swap3A_604 = tpu.vector_load %arg9[%swap3A_603] masked %ge3A_394 {strides = array<i32>} : memref<24592xi32, #tpu.memory_space<vmem>>, vector<16xi32>, vector<16xi1>
      tpu.vector_store %arg9[%swap3A_603], %add3A_602 masked %ge3A_394 {strides = array<i32>} : memref<24592xi32, #tpu.memory_space<vmem>>, vector<16xi32>, vector<16xi1>
      %add3A_605 = arith.addi %add3A_592, %squeeze3A_397 : i32
      %swap3A_606 = arith.index_cast %add3A_605 : i32 to index
      %swap3A_607 = tpu.vector_load %arg8[%swap3A_606] masked %ge3A_407 {strides = array<i32>} : memref<24592xi32, #tpu.memory_space<vmem>>, vector<16xi32>, vector<16xi1>
      tpu.vector_store %arg8[%swap3A_606], %get3A_405 masked %ge3A_407 {strides = array<i32>} : memref<24592xi32, #tpu.memory_space<vmem>>, vector<16xi32>, vector<16xi1>
      %mul3A_608 = arith.constant 16 : i32
      %mul3A_609 = arith.muli %scan3A_219, %mul3A_608 : i32
      %add3A_610 = arith.constant 14 : i32
      %add3A_611 = arith.addi %mul3A_609, %add3A_610 : i32
      %mul3A_612 = arith.constant 16 : i32
      %mul3A_613 = arith.muli %add3A_611, %mul3A_612 : i32
      %add3A_614 = vector.broadcast %mul3A_613 : i32 to vector<16xi32>
      %add3A_615 = arith.addi %iota3A, %add3A_614 : vector<16xi32>
      %swap3A_616 = arith.index_cast %add3A_605 : i32 to index
      %swap3A_617 = tpu.vector_load %arg9[%swap3A_616] masked %ge3A_407 {strides = array<i32>} : memref<24592xi32, #tpu.memory_space<vmem>>, vector<16xi32>, vector<16xi1>
      tpu.vector_store %arg9[%swap3A_616], %add3A_615 masked %ge3A_407 {strides = array<i32>} : memref<24592xi32, #tpu.memory_space<vmem>>, vector<16xi32>, vector<16xi1>
      %add3A_618 = arith.addi %add3A_605, %squeeze3A_410 : i32
      %swap3A_619 = arith.index_cast %add3A_618 : i32 to index
      %swap3A_620 = tpu.vector_load %arg8[%swap3A_619] masked %ge3A_420 {strides = array<i32>} : memref<24592xi32, #tpu.memory_space<vmem>>, vector<16xi32>, vector<16xi1>
      tpu.vector_store %arg8[%swap3A_619], %get3A_418 masked %ge3A_420 {strides = array<i32>} : memref<24592xi32, #tpu.memory_space<vmem>>, vector<16xi32>, vector<16xi1>
      %mul3A_621 = arith.constant 16 : i32
      %mul3A_622 = arith.muli %scan3A_219, %mul3A_621 : i32
      %add3A_623 = arith.constant 15 : i32
      %add3A_624 = arith.addi %mul3A_622, %add3A_623 : i32
      %mul3A_625 = arith.constant 16 : i32
      %mul3A_626 = arith.muli %add3A_624, %mul3A_625 : i32
      %add3A_627 = vector.broadcast %mul3A_626 : i32 to vector<16xi32>
      %add3A_628 = arith.addi %iota3A, %add3A_627 : vector<16xi32>
      %swap3A_629 = arith.index_cast %add3A_618 : i32 to index
      %swap3A_630 = tpu.vector_load %arg9[%swap3A_629] masked %ge3A_420 {strides = array<i32>} : memref<24592xi32, #tpu.memory_space<vmem>>, vector<16xi32>, vector<16xi1>
      tpu.vector_store %arg9[%swap3A_629], %add3A_628 masked %ge3A_420 {strides = array<i32>} : memref<24592xi32, #tpu.memory_space<vmem>>, vector<16xi32>, vector<16xi1>
      %add3A_631 = arith.addi %add3A_618, %squeeze3A_423 : i32
      scf.yield %add3A_631 : i32
    }
    %scan3A_138 = arith.constant 96 : i32
    %broadcast_in_dim3A_139 = arith.constant 0 : i32
    %broadcast_in_dim3A_140 = vector.broadcast %broadcast_in_dim3A_139 : i32 to vector<16xi32>
    %swap3A_141 = arith.index_cast %scan3A_137 : i32 to index
    %swap3A_142 = tpu.vector_load %arg8[%swap3A_141] {strides = array<i32>} : memref<24592xi32, #tpu.memory_space<vmem>>, vector<16xi32>,
    tpu.vector_store %arg8[%swap3A_141], %broadcast_in_dim3A_140 {strides = array<i32>} : memref<24592xi32, #tpu.memory_space<vmem>>, vector<16xi32>,
    %broadcast_in_dim3A_143 = arith.constant 24576 : i32
    %broadcast_in_dim3A_144 = vector.broadcast %broadcast_in_dim3A_143 : i32 to vector<16xi32>
    %swap3A_145 = arith.index_cast %scan3A_137 : i32 to index
    %swap3A_146 = tpu.vector_load %arg9[%swap3A_145] {strides = array<i32>} : memref<24592xi32, #tpu.memory_space<vmem>>, vector<16xi32>,
    tpu.vector_store %arg9[%swap3A_145], %broadcast_in_dim3A_144 {strides = array<i32>} : memref<24592xi32, #tpu.memory_space<vmem>>, vector<16xi32>,
    %add3A_147 = arith.constant 15 : i32
    %add3A_148 = arith.addi %scan3A_137, %add3A_147 : i32
    %jit3A_149 = arith.constant 16 : i32
    %div3A_150 = arith.divsi %add3A_148, %jit3A_149 : i32
    %sign3A_151 = arith.constant 0 : i32
    %sign3A_152 = arith.cmpi sgt, %add3A_148, %sign3A_151 : i32
    %sign3A_153 = arith.extui %sign3A_152 : i1 to i32
    %sign3A_154 = arith.constant 0 : i32
    %sign3A_155 = arith.cmpi slt, %add3A_148, %sign3A_154 : i32
    %sign3A_156 = arith.extui %sign3A_155 : i1 to i32
    %sign3A_157 = arith.subi %sign3A_153, %sign3A_156 : i32
    %sign3A_158 = arith.constant 0 : i32
    %sign3A_159 = arith.cmpi sgt, %jit3A_149, %sign3A_158 : i32
    %sign3A_160 = arith.extui %sign3A_159 : i1 to i32
    %sign3A_161 = arith.constant 0 : i32
    %sign3A_162 = arith.cmpi slt, %jit3A_149, %sign3A_161 : i32
    %sign3A_163 = arith.extui %sign3A_162 : i1 to i32
    %sign3A_164 = arith.subi %sign3A_160, %sign3A_163 : i32
    %ne3A_165 = arith.cmpi ne, %sign3A_157, %sign3A_164 : i32
    %rem3A_166 = arith.remsi %add3A_148, %jit3A_149 : i32
    %ne3A_167 = arith.constant 0 : i32
    %ne3A_168 = arith.cmpi ne, %rem3A_166, %ne3A_167 : i32
    %and3A_169 = arith.andi %ne3A_165, %ne3A_168 : i1
    %sub3A_170 = arith.constant 1 : i32
    %sub3A_171 = arith.subi %div3A_150, %sub3A_170 : i32
    %select_n3A_172 = arith.select %and3A_169, %sub3A_171, %div3A_150 : i32
    %scan3A_173 = arith.constant 0 : i32
    %scan3A_174 = arith.constant 0 : i32
    %scan3A_175 = arith.constant 32 : i32
    %scan3A_176 = arith.addi %scan3A_174, %scan3A_175 : i32
    %scan3A_177 = arith.constant 1 : i32
    %scan3A_178 = scf.for %scan3A_219 = %scan3A_174 to %scan3A_176 step %scan3A_177 iter_args(%scan3A_220 = %scan3A_173) -> (i32)  : i32 {
      %sub3A_221 = arith.constant 31 : i32
      %sub3A_222 = arith.subi %sub3A_221, %scan3A_219 : i32
      %shift_left3A = arith.constant 1 : i32
      %shift_left3A_223 = arith.shli %shift_left3A, %sub3A_222 : i32
      %or3A = arith.ori %scan3A_220, %shift_left3A_223 : i32
      %broadcast_in_dim3A_224 = arith.constant 0 : i32
      %broadcast_in_dim3A_225 = vector.broadcast %broadcast_in_dim3A_224 : i32 to vector<16xi32>
      %while3A_226 = arith.constant 0 : i32
      %while3A_227 = arith.subi %select_n3A_172, %while3A_226 : i32
      %while3A_228 = arith.addi %while3A_226, %while3A_227 : i32
      %while3A_229 = arith.constant 1 : i32
      %while3A_230 = arith.divsi %while3A_227, %while3A_229 : i32
      %while3A_231 = arith.muli %while3A_230, %while3A_229 : i32
      %while3A_232 = arith.addi %while3A_226, %while3A_231 : i32
      %while3A_233 = arith.constant 1 : i32
      %while3A_234 = scf.for %while3A_243 = %while3A_226 to %while3A_232 step %while3A_233 iter_args(%while3A_244 = %broadcast_in_dim3A_225) -> (vector<16xi32>)  : i32 {
        %mul3A_245 = arith.constant 16 : i32
        %mul3A_246 = arith.muli %while3A_243, %mul3A_245 : i32
        %get3A = arith.index_cast %mul3A_246 : i32 to index
        %get3A_247 = tpu.vector_load %arg8[%get3A] {strides = array<i32>} : memref<24592xi32, #tpu.memory_space<vmem>>, vector<16xi32>,
        %ge3A_248 = vector.broadcast %or3A : i32 to vector<16xi32>
        %ge3A_249 = arith.cmpi uge, %get3A_247, %ge3A_248 : vector<16xi32>
        %convert_element_type3A = arith.extui %ge3A_249 : vector<16xi1> to vector<16xi32>
        %add3A_250 = arith.addi %while3A_244, %convert_element_type3A : vector<16xi32>
        scf.yield %add3A_250 : vector<16xi32>
      }
      %while3A_235 = arith.constant 1 : i32
      %while3A_236 = scf.for %while3A_243 = %while3A_232 to %while3A_228 step %while3A_235 iter_args(%while3A_244 = %while3A_234) -> (vector<16xi32>)  : i32 {
        %mul3A_245 = arith.constant 16 : i32
        %mul3A_246 = arith.muli %while3A_243, %mul3A_245 : i32
        %get3A = arith.index_cast %mul3A_246 : i32 to index
        %get3A_247 = tpu.vector_load %arg8[%get3A] {strides = array<i32>} : memref<24592xi32, #tpu.memory_space<vmem>>, vector<16xi32>,
        %ge3A_248 = vector.broadcast %or3A : i32 to vector<16xi32>
        %ge3A_249 = arith.cmpi uge, %get3A_247, %ge3A_248 : vector<16xi32>
        %convert_element_type3A = arith.extui %ge3A_249 : vector<16xi1> to vector<16xi32>
        %add3A_250 = arith.addi %while3A_244, %convert_element_type3A : vector<16xi32>
        scf.yield %add3A_250 : vector<16xi32>
      }
      %reduce_sum3A_237 = arith.constant true
      %reduce_sum3A_238 = vector.broadcast %reduce_sum3A_237 : i1 to vector<16xi1>
      %reduce_sum3A_239 = tpu.scan <sum>, %while3A_236 masked %reduce_sum3A_238 : vector<16xi32>, vector<16xi1> -> vector<16xi32>
      %reduce_sum3A_240 = vector.extract %reduce_sum3A_239[15] : i32 from vector<16xi32>
      %ge3A = arith.constant 64 : i32
      %ge3A_241 = arith.cmpi sge, %reduce_sum3A_240, %ge3A : i32
      %select_n3A_242 = arith.select %ge3A_241, %or3A, %scan3A_220 : i32
      scf.yield %select_n3A_242 : i32
    }
    %scan3A_179 = arith.constant 32 : i32
    %broadcast_in_dim3A_180 = arith.constant 0 : i32
    %broadcast_in_dim3A_181 = vector.broadcast %broadcast_in_dim3A_180 : i32 to vector<16xi32>
    %while3A_182 = arith.constant 0 : i32
    %while3A_183 = arith.subi %select_n3A_172, %while3A_182 : i32
    %while3A_184 = arith.addi %while3A_182, %while3A_183 : i32
    %while3A_185 = arith.constant 1 : i32
    %while3A_186 = arith.divsi %while3A_183, %while3A_185 : i32
    %while3A_187 = arith.muli %while3A_186, %while3A_185 : i32
    %while3A_188 = arith.addi %while3A_182, %while3A_187 : i32
    %while3A_189 = arith.constant 1 : i32
    %while3A_190 = scf.for %while3A_219 = %while3A_182 to %while3A_188 step %while3A_189 iter_args(%while3A_220 = %broadcast_in_dim3A_181) -> (vector<16xi32>)  : i32 {
      %mul3A_221 = arith.constant 16 : i32
      %mul3A_222 = arith.muli %while3A_219, %mul3A_221 : i32
      %get3A = arith.index_cast %mul3A_222 : i32 to index
      %get3A_223 = tpu.vector_load %arg8[%get3A] {strides = array<i32>} : memref<24592xi32, #tpu.memory_space<vmem>>, vector<16xi32>,
      %gt3A = vector.broadcast %scan3A_178 : i32 to vector<16xi32>
      %gt3A_224 = arith.cmpi ugt, %get3A_223, %gt3A : vector<16xi32>
      %convert_element_type3A = arith.extui %gt3A_224 : vector<16xi1> to vector<16xi32>
      %add3A_225 = arith.addi %while3A_220, %convert_element_type3A : vector<16xi32>
      scf.yield %add3A_225 : vector<16xi32>
    }
    %while3A_191 = arith.constant 1 : i32
    %while3A_192 = scf.for %while3A_219 = %while3A_188 to %while3A_184 step %while3A_191 iter_args(%while3A_220 = %while3A_190) -> (vector<16xi32>)  : i32 {
      %mul3A_221 = arith.constant 16 : i32
      %mul3A_222 = arith.muli %while3A_219, %mul3A_221 : i32
      %get3A = arith.index_cast %mul3A_222 : i32 to index
      %get3A_223 = tpu.vector_load %arg8[%get3A] {strides = array<i32>} : memref<24592xi32, #tpu.memory_space<vmem>>, vector<16xi32>,
      %gt3A = vector.broadcast %scan3A_178 : i32 to vector<16xi32>
      %gt3A_224 = arith.cmpi ugt, %get3A_223, %gt3A : vector<16xi32>
      %convert_element_type3A = arith.extui %gt3A_224 : vector<16xi1> to vector<16xi32>
      %add3A_225 = arith.addi %while3A_220, %convert_element_type3A : vector<16xi32>
      scf.yield %add3A_225 : vector<16xi32>
    }
    %reduce_sum3A_193 = arith.constant true
    %reduce_sum3A_194 = vector.broadcast %reduce_sum3A_193 : i1 to vector<16xi1>
    %reduce_sum3A_195 = tpu.scan <sum>, %while3A_192 masked %reduce_sum3A_194 : vector<16xi32>, vector<16xi1> -> vector<16xi32>
    %reduce_sum3A_196 = vector.extract %reduce_sum3A_195[15] : i32 from vector<16xi32>
    %sub3A_197 = arith.constant 64 : i32
    %sub3A_198 = arith.subi %sub3A_197, %reduce_sum3A_196 : i32
    %while3A_199 = arith.constant 0 : i32
    %while3A_200 = arith.constant 0 : i32
    %while3A_201 = arith.constant 0 : i32
    %while3A_202 = arith.subi %select_n3A_172, %while3A_199 : i32
    %while3A_203 = arith.addi %while3A_199, %while3A_202 : i32
    %while3A_204 = arith.constant 1 : i32
    %while3A_205 = arith.divsi %while3A_202, %while3A_204 : i32
    %while3A_206 = arith.muli %while3A_205, %while3A_204 : i32
    %while3A_207 = arith.addi %while3A_199, %while3A_206 : i32
    %while3A_208 = arith.constant 1 : i32
    %while3A_209:2 = scf.for %while3A_219 = %while3A_199 to %while3A_207 step %while3A_208 iter_args(%while3A_220 = %while3A_200, %while3A_221 = %while3A_201) -> (i32, i32)  : i32 {
      %mul3A_222 = arith.constant 16 : i32
      %mul3A_223 = arith.muli %while3A_219, %mul3A_222 : i32
      %get3A = arith.index_cast %mul3A_223 : i32 to index
      %get3A_224 = tpu.vector_load %arg8[%get3A] {strides = array<i32>} : memref<24592xi32, #tpu.memory_space<vmem>>, vector<16xi32>,
      %eq3A = vector.broadcast %scan3A_178 : i32 to vector<16xi32>
      %eq3A_225 = arith.cmpi eq, %get3A_224, %eq3A : vector<16xi32>
      %convert_element_type3A = arith.extui %eq3A_225 : vector<16xi1> to vector<16xi32>
      %reduce_sum3A_226 = arith.constant true
      %reduce_sum3A_227 = vector.broadcast %reduce_sum3A_226 : i1 to vector<16xi1>
      %reduce_sum3A_228 = tpu.scan <sum>, %convert_element_type3A masked %reduce_sum3A_227 : vector<16xi32>, vector<16xi1> -> vector<16xi32>
      %reduce_sum3A_229 = vector.extract %reduce_sum3A_228[15] : i32 from vector<16xi32>
      %broadcast_in_dim3A_230 = arith.constant true
      %broadcast_in_dim3A_231 = vector.broadcast %broadcast_in_dim3A_230 : i1 to vector<16xi1>
      %masked_cumsum3A = tpu.scan <sum>, %convert_element_type3A masked %broadcast_in_dim3A_231 : vector<16xi32>, vector<16xi1> -> vector<16xi32>
      %sub3A_232 = arith.subi %sub3A_198, %while3A_220 : i32
      %eq3A_233 = vector.broadcast %sub3A_232 : i32 to vector<16xi32>
      %eq3A_234 = arith.cmpi eq, %masked_cumsum3A, %eq3A_233 : vector<16xi32>
      %and3A_235 = arith.andi %eq3A_225, %eq3A_234 : vector<16xi1>
      %jit3A_236 = arith.constant 16 : i32
      %broadcast_in_dim3A_237 = vector.broadcast %jit3A_236 : i32 to vector<16xi32>
      %select_n3A_238 = arith.select %and3A_235, %iota3A, %broadcast_in_dim3A_237 : vector<16xi1>, vector<16xi32>
      %reduce_min3A = arith.constant true
      %reduce_min3A_239 = vector.broadcast %reduce_min3A : i1 to vector<16xi1>
      %reduce_min3A_240 = arith.constant -2147483648 : i32
      %reduce_min3A_241 = vector.broadcast %reduce_min3A_240 : i32 to vector<16xi32>
      %reduce_min3A_242 = arith.xori %select_n3A_238, %reduce_min3A_241 : vector<16xi32>
      %reduce_min3A_243 = tpu.scan <min>, %reduce_min3A_242 masked %reduce_min3A_239 : vector<16xi32>, vector<16xi1> -> vector<16xi32>
      %reduce_min3A_244 = arith.xori %reduce_min3A_243, %reduce_min3A_241 : vector<16xi32>
      %reduce_min3A_245 = vector.extract %reduce_min3A_244[15] : i32 from vector<16xi32>
      %lt3A = arith.cmpi slt, %while3A_220, %sub3A_198 : i32
      %lt3A_246 = arith.constant 16 : i32
      %lt3A_247 = arith.cmpi slt, %reduce_min3A_245, %lt3A_246 : i32
      %and3A_248 = arith.andi %lt3A, %lt3A_247 : i1
      %eq3A_249 = vector.broadcast %reduce_min3A_245 : i32 to vector<16xi32>
      %eq3A_250 = arith.cmpi eq, %iota3A, %eq3A_249 : vector<16xi32>
      %mul3A_251 = arith.constant 16 : i32
      %mul3A_252 = arith.muli %while3A_219, %mul3A_251 : i32
      %get3A_253 = arith.index_cast %mul3A_252 : i32 to index
      %get3A_254 = tpu.vector_load %arg9[%get3A_253] {strides = array<i32>} : memref<24592xi32, #tpu.memory_space<vmem>>, vector<16xi32>,
      %jit3A_255 = arith.constant 0 : i32
      %broadcast_in_dim3A_256 = vector.broadcast %jit3A_255 : i32 to vector<16xi32>
      %select_n3A_257 = arith.select %eq3A_250, %get3A_254, %broadcast_in_dim3A_256 : vector<16xi1>, vector<16xi32>
      %reduce_sum3A_258 = arith.constant true
      %reduce_sum3A_259 = vector.broadcast %reduce_sum3A_258 : i1 to vector<16xi1>
      %reduce_sum3A_260 = tpu.scan <sum>, %select_n3A_257 masked %reduce_sum3A_259 : vector<16xi32>, vector<16xi1> -> vector<16xi32>
      %reduce_sum3A_261 = vector.extract %reduce_sum3A_260[15] : i32 from vector<16xi32>
      %add3A_262 = arith.constant 1 : i32
      %add3A_263 = arith.addi %reduce_sum3A_261, %add3A_262 : i32
      %select_n3A_264 = arith.select %and3A_248, %add3A_263, %while3A_221 : i32
      %add3A_265 = arith.addi %while3A_220, %reduce_sum3A_229 : i32
      scf.yield %add3A_265, %select_n3A_264 : i32, i32
    }
    %while3A_210 = arith.constant 1 : i32
    %while3A_211:2 = scf.for %while3A_219 = %while3A_207 to %while3A_203 step %while3A_210 iter_args(%while3A_220 = %while3A_209#0, %while3A_221 = %while3A_209#1) -> (i32, i32)  : i32 {
      %mul3A_222 = arith.constant 16 : i32
      %mul3A_223 = arith.muli %while3A_219, %mul3A_222 : i32
      %get3A = arith.index_cast %mul3A_223 : i32 to index
      %get3A_224 = tpu.vector_load %arg8[%get3A] {strides = array<i32>} : memref<24592xi32, #tpu.memory_space<vmem>>, vector<16xi32>,
      %eq3A = vector.broadcast %scan3A_178 : i32 to vector<16xi32>
      %eq3A_225 = arith.cmpi eq, %get3A_224, %eq3A : vector<16xi32>
      %convert_element_type3A = arith.extui %eq3A_225 : vector<16xi1> to vector<16xi32>
      %reduce_sum3A_226 = arith.constant true
      %reduce_sum3A_227 = vector.broadcast %reduce_sum3A_226 : i1 to vector<16xi1>
      %reduce_sum3A_228 = tpu.scan <sum>, %convert_element_type3A masked %reduce_sum3A_227 : vector<16xi32>, vector<16xi1> -> vector<16xi32>
      %reduce_sum3A_229 = vector.extract %reduce_sum3A_228[15] : i32 from vector<16xi32>
      %broadcast_in_dim3A_230 = arith.constant true
      %broadcast_in_dim3A_231 = vector.broadcast %broadcast_in_dim3A_230 : i1 to vector<16xi1>
      %masked_cumsum3A = tpu.scan <sum>, %convert_element_type3A masked %broadcast_in_dim3A_231 : vector<16xi32>, vector<16xi1> -> vector<16xi32>
      %sub3A_232 = arith.subi %sub3A_198, %while3A_220 : i32
      %eq3A_233 = vector.broadcast %sub3A_232 : i32 to vector<16xi32>
      %eq3A_234 = arith.cmpi eq, %masked_cumsum3A, %eq3A_233 : vector<16xi32>
      %and3A_235 = arith.andi %eq3A_225, %eq3A_234 : vector<16xi1>
      %jit3A_236 = arith.constant 16 : i32
      %broadcast_in_dim3A_237 = vector.broadcast %jit3A_236 : i32 to vector<16xi32>
      %select_n3A_238 = arith.select %and3A_235, %iota3A, %broadcast_in_dim3A_237 : vector<16xi1>, vector<16xi32>
      %reduce_min3A = arith.constant true
      %reduce_min3A_239 = vector.broadcast %reduce_min3A : i1 to vector<16xi1>
      %reduce_min3A_240 = arith.constant -2147483648 : i32
      %reduce_min3A_241 = vector.broadcast %reduce_min3A_240 : i32 to vector<16xi32>
      %reduce_min3A_242 = arith.xori %select_n3A_238, %reduce_min3A_241 : vector<16xi32>
      %reduce_min3A_243 = tpu.scan <min>, %reduce_min3A_242 masked %reduce_min3A_239 : vector<16xi32>, vector<16xi1> -> vector<16xi32>
      %reduce_min3A_244 = arith.xori %reduce_min3A_243, %reduce_min3A_241 : vector<16xi32>
      %reduce_min3A_245 = vector.extract %reduce_min3A_244[15] : i32 from vector<16xi32>
      %lt3A = arith.cmpi slt, %while3A_220, %sub3A_198 : i32
      %lt3A_246 = arith.constant 16 : i32
      %lt3A_247 = arith.cmpi slt, %reduce_min3A_245, %lt3A_246 : i32
      %and3A_248 = arith.andi %lt3A, %lt3A_247 : i1
      %eq3A_249 = vector.broadcast %reduce_min3A_245 : i32 to vector<16xi32>
      %eq3A_250 = arith.cmpi eq, %iota3A, %eq3A_249 : vector<16xi32>
      %mul3A_251 = arith.constant 16 : i32
      %mul3A_252 = arith.muli %while3A_219, %mul3A_251 : i32
      %get3A_253 = arith.index_cast %mul3A_252 : i32 to index
      %get3A_254 = tpu.vector_load %arg9[%get3A_253] {strides = array<i32>} : memref<24592xi32, #tpu.memory_space<vmem>>, vector<16xi32>,
      %jit3A_255 = arith.constant 0 : i32
      %broadcast_in_dim3A_256 = vector.broadcast %jit3A_255 : i32 to vector<16xi32>
      %select_n3A_257 = arith.select %eq3A_250, %get3A_254, %broadcast_in_dim3A_256 : vector<16xi1>, vector<16xi32>
      %reduce_sum3A_258 = arith.constant true
      %reduce_sum3A_259 = vector.broadcast %reduce_sum3A_258 : i1 to vector<16xi1>
      %reduce_sum3A_260 = tpu.scan <sum>, %select_n3A_257 masked %reduce_sum3A_259 : vector<16xi32>, vector<16xi1> -> vector<16xi32>
      %reduce_sum3A_261 = vector.extract %reduce_sum3A_260[15] : i32 from vector<16xi32>
      %add3A_262 = arith.constant 1 : i32
      %add3A_263 = arith.addi %reduce_sum3A_261, %add3A_262 : i32
      %select_n3A_264 = arith.select %and3A_248, %add3A_263, %while3A_221 : i32
      %add3A_265 = arith.addi %while3A_220, %reduce_sum3A_229 : i32
      scf.yield %add3A_265, %select_n3A_264 : i32, i32
    }
    %bitcast_convert_type3A_212 = arith.bitcast %scan3A_178 : i32 to i32
    %broadcast_in_dim3A_213 = vector.broadcast %bitcast_convert_type3A_212 : i32 to vector<16xi32>
    %swap3A_214 = arith.constant 0 : index
    %swap3A_215 = tpu.vector_load %arg10[%swap3A_214] {strides = array<i32>} : memref<16xi32, #tpu.memory_space<vmem>>, vector<16xi32>,
    tpu.vector_store %arg10[%swap3A_214], %broadcast_in_dim3A_213 {strides = array<i32>} : memref<16xi32, #tpu.memory_space<vmem>>, vector<16xi32>,
    %broadcast_in_dim3A_216 = vector.broadcast %while3A_211#1 : i32 to vector<16xi32>
    %swap3A_217 = arith.constant 0 : index
    %swap3A_218 = tpu.vector_load %arg11[%swap3A_217] {strides = array<i32>} : memref<16xi32, #tpu.memory_space<vmem>>, vector<16xi32>,
    tpu.vector_store %arg11[%swap3A_217], %broadcast_in_dim3A_216 {strides = array<i32>} : memref<16xi32, #tpu.memory_space<vmem>>, vector<16xi32>,
    "tpu.region"() ({
      %run_scoped3A = tpu.sem_alloc : memref<!tpu.dma_semaphore, #tpu.memory_space<semaphore_mem>>
      %dma_start3A_219 = arith.constant 0 : i32
      %dma_start3A_220 = tpu.memref_slice %arg3[%add3A_115, %dma_start3A_219] : memref<64x16xi32, #tpu.memory_space<hbm>> -> memref<1x16xi32, #tpu.memory_space<hbm>>
      %dma_start3A_221 = tpu.memref_squeeze %dma_start3A_220 : memref<1x16xi32, #tpu.memory_space<hbm>> -> memref<16xi32, #tpu.memory_space<hbm>>
      %dma_start3A_222 = arith.constant 0 : i32
      %dma_start3A_223 = tpu.memref_slice %arg3[%add3A_115, %dma_start3A_222] : memref<64x16xi32, #tpu.memory_space<hbm>> -> memref<1x16xi32, #tpu.memory_space<hbm>>
      %dma_start3A_224 = tpu.memref_squeeze %dma_start3A_223 : memref<1x16xi32, #tpu.memory_space<hbm>> -> memref<16xi32, #tpu.memory_space<hbm>>
      tpu.enqueue_dma source(%arg10 : memref<16xi32, #tpu.memory_space<vmem>>) target(%dma_start3A_224 : memref<16xi32, #tpu.memory_space<hbm>>) target_semaphore(%run_scoped3A : memref<!tpu.dma_semaphore, #tpu.memory_space<semaphore_mem>>)
      %dma_wait3A_225 = arith.constant 0 : i32
      %dma_wait3A_226 = tpu.memref_slice %arg3[%add3A_115, %dma_wait3A_225] : memref<64x16xi32, #tpu.memory_space<hbm>> -> memref<1x16xi32, #tpu.memory_space<hbm>>
      %dma_wait3A_227 = tpu.memref_squeeze %dma_wait3A_226 : memref<1x16xi32, #tpu.memory_space<hbm>> -> memref<16xi32, #tpu.memory_space<hbm>>
      %dma_wait3A_228 = arith.constant 0 : i32
      %dma_wait3A_229 = tpu.memref_slice %arg3[%add3A_115, %dma_wait3A_228] : memref<64x16xi32, #tpu.memory_space<hbm>> -> memref<1x16xi32, #tpu.memory_space<hbm>>
      %dma_wait3A_230 = tpu.memref_squeeze %dma_wait3A_229 : memref<1x16xi32, #tpu.memory_space<hbm>> -> memref<16xi32, #tpu.memory_space<hbm>>
      tpu.wait_dma2 semaphore(%run_scoped3A : memref<!tpu.dma_semaphore, #tpu.memory_space<semaphore_mem>>) src(%arg10 : memref<16xi32, #tpu.memory_space<vmem>>) dst(%dma_wait3A_230 : memref<16xi32, #tpu.memory_space<hbm>>)
      tpu.yield
    }) : () -> ()
    "tpu.region"() ({
      %run_scoped3A = tpu.sem_alloc : memref<!tpu.dma_semaphore, #tpu.memory_space<semaphore_mem>>
      %dma_start3A_219 = arith.constant 0 : i32
      %dma_start3A_220 = tpu.memref_slice %arg4[%add3A_115, %dma_start3A_219] : memref<64x16xi32, #tpu.memory_space<hbm>> -> memref<1x16xi32, #tpu.memory_space<hbm>>
      %dma_start3A_221 = tpu.memref_squeeze %dma_start3A_220 : memref<1x16xi32, #tpu.memory_space<hbm>> -> memref<16xi32, #tpu.memory_space<hbm>>
      %dma_start3A_222 = arith.constant 0 : i32
      %dma_start3A_223 = tpu.memref_slice %arg4[%add3A_115, %dma_start3A_222] : memref<64x16xi32, #tpu.memory_space<hbm>> -> memref<1x16xi32, #tpu.memory_space<hbm>>
      %dma_start3A_224 = tpu.memref_squeeze %dma_start3A_223 : memref<1x16xi32, #tpu.memory_space<hbm>> -> memref<16xi32, #tpu.memory_space<hbm>>
      tpu.enqueue_dma source(%arg11 : memref<16xi32, #tpu.memory_space<vmem>>) target(%dma_start3A_224 : memref<16xi32, #tpu.memory_space<hbm>>) target_semaphore(%run_scoped3A : memref<!tpu.dma_semaphore, #tpu.memory_space<semaphore_mem>>)
      %dma_wait3A_225 = arith.constant 0 : i32
      %dma_wait3A_226 = tpu.memref_slice %arg4[%add3A_115, %dma_wait3A_225] : memref<64x16xi32, #tpu.memory_space<hbm>> -> memref<1x16xi32, #tpu.memory_space<hbm>>
      %dma_wait3A_227 = tpu.memref_squeeze %dma_wait3A_226 : memref<1x16xi32, #tpu.memory_space<hbm>> -> memref<16xi32, #tpu.memory_space<hbm>>
      %dma_wait3A_228 = arith.constant 0 : i32
      %dma_wait3A_229 = tpu.memref_slice %arg4[%add3A_115, %dma_wait3A_228] : memref<64x16xi32, #tpu.memory_space<hbm>> -> memref<1x16xi32, #tpu.memory_space<hbm>>
      %dma_wait3A_230 = tpu.memref_squeeze %dma_wait3A_229 : memref<1x16xi32, #tpu.memory_space<hbm>> -> memref<16xi32, #tpu.memory_space<hbm>>
      tpu.wait_dma2 semaphore(%run_scoped3A : memref<!tpu.dma_semaphore, #tpu.memory_space<semaphore_mem>>) src(%arg11 : memref<16xi32, #tpu.memory_space<vmem>>) dst(%dma_wait3A_230 : memref<16xi32, #tpu.memory_space<hbm>>)
      tpu.yield
    }) : () -> ()
    return
  }
}

module attributes {stable_mosaic.version = 14 : i64} {
  func.func @_decode_body(%arg0: i32, %arg1: memref<64x4096xf32, #tpu.memory_space<vmem>>, %arg2: memref<768x4096xf32, #tpu.memory_space<vmem>>, %arg3: memref<64x16xi32, #tpu.memory_space<vmem>>, %arg4: memref<64x16xi32, #tpu.memory_space<vmem>>, %arg5: memref<1x768xf32, #tpu.memory_space<vmem>>, %arg6: memref<64x1x4096xf32, #tpu.memory_space<vmem>>, %arg7: memref<64x1x768xf32, #tpu.memory_space<vmem>>) attributes {dimension_semantics = [#tpu.dimension_semantics<arbitrary>], iteration_bounds = array<i64: 6>, scalar_prefetch = 0 : i64, scratch_operands = 0 : i64, tpu.core_type = #tpu.core_type<tc>, window_params = [{transform_indices = @transform_0, window_bounds = array<i64: 64, 4096>}, {transform_indices = @transform_1, window_bounds = array<i64: 768, 4096>}, {pipeline_mode = #tpu.pipeline_mode<synchronous>, transform_indices = @transform_2, window_bounds = array<i64: 64, 16>}, {pipeline_mode = #tpu.pipeline_mode<synchronous>, transform_indices = @transform_3, window_bounds = array<i64: 64, 16>}, {pipeline_mode = #tpu.pipeline_mode<synchronous>, transform_indices = @transform_4, window_bounds = array<i64: 1, 768>}, {transform_indices = @transform_5, window_bounds = array<i64: 64, 1, 4096>}, {pipeline_mode = #tpu.pipeline_mode<synchronous>, transform_indices = @transform_6, window_bounds = array<i64: 64, 1, 768>}]} {
    %get3A = arith.constant 0 : index
    %get3A_0 = arith.constant 0 : index
    %get3A_1 = vector.load %arg1[%get3A, %get3A_0] : memref<64x4096xf32, #tpu.memory_space<vmem>>, vector<64x4096xf32>
    %bitcast_convert_type3A = tpu.bitcast %get3A_1 : vector<64x4096xf32> -> vector<64x4096xi32>
    %shift_right_logical3A = arith.constant 31 : i32
    %shift_right_logical3A_2 = vector.broadcast %shift_right_logical3A : i32 to vector<64x4096xi32>
    %shift_right_logical3A_3 = arith.shrui %bitcast_convert_type3A, %shift_right_logical3A_2 : vector<64x4096xi32>
    %eq3A = arith.constant 1 : i32
    %eq3A_4 = vector.broadcast %eq3A : i32 to vector<64x4096xi32>
    %eq3A_5 = arith.cmpi eq, %shift_right_logical3A_3, %eq3A_4 : vector<64x4096xi32>
    %not3A = arith.constant dense<-1> : vector<64x4096xi32>
    %not3A_6 = arith.xori %bitcast_convert_type3A, %not3A : vector<64x4096xi32>
    %or3A = arith.constant -2147483648 : i32
    %or3A_7 = vector.broadcast %or3A : i32 to vector<64x4096xi32>
    %or3A_8 = arith.ori %bitcast_convert_type3A, %or3A_7 : vector<64x4096xi32>
    %select_n3A = arith.select %eq3A_5, %not3A_6, %or3A_8 : vector<64x4096xi1>, vector<64x4096xi32>
    %get3A_9 = arith.constant 0 : index
    %get3A_10 = arith.constant 0 : index
    %get3A_11 = vector.load %arg3[%get3A_9, %get3A_10] : memref<64x16xi32, #tpu.memory_space<vmem>>, vector<64x1xi32>
    %bitcast_convert_type3A_12 = tpu.bitcast %get3A_11 : vector<64x1xi32> -> vector<64x1xi32>
    %get3A_13 = arith.constant 0 : index
    %get3A_14 = arith.constant 0 : index
    %get3A_15 = vector.load %arg4[%get3A_13, %get3A_14] : memref<64x16xi32, #tpu.memory_space<vmem>>, vector<64x1xi32>
    %iota3A = tpu.iota {dimensions = array<i32: 1>} : vector<64x4096xi32>
    %mul3A = arith.constant 4096 : i32
    %mul3A_16 = arith.muli %arg0, %mul3A : i32
    %add3A = vector.broadcast %mul3A_16 : i32 to vector<64x4096xi32>
    %add3A_17 = arith.addi %iota3A, %add3A : vector<64x4096xi32>
    %gt3A = vector.broadcast %bitcast_convert_type3A_12 : vector<64x1xi32> to vector<64x4096xi32>
    %gt3A_18 = arith.cmpi ugt, %select_n3A, %gt3A : vector<64x4096xi32>
    %eq3A_19 = vector.broadcast %bitcast_convert_type3A_12 : vector<64x1xi32> to vector<64x4096xi32>
    %eq3A_20 = arith.cmpi eq, %select_n3A, %eq3A_19 : vector<64x4096xi32>
    %lt3A = vector.broadcast %get3A_15 : vector<64x1xi32> to vector<64x4096xi32>
    %lt3A_21 = arith.cmpi slt, %add3A_17, %lt3A : vector<64x4096xi32>
    %and3A = arith.andi %eq3A_20, %lt3A_21 : vector<64x4096xi1>
    %or3A_22 = arith.ori %gt3A_18, %and3A : vector<64x4096xi1>
    %jit3A = arith.constant 0.000000e+00 : f32
    %broadcast_in_dim3A = vector.broadcast %jit3A : f32 to vector<64x4096xf32>
    %select_n3A_23 = arith.select %or3A_22, %get3A_1, %broadcast_in_dim3A : vector<64x4096xi1>, vector<64x4096xf32>
    %swap3A = arith.constant 0 : index
    %swap3A_24 = arith.constant 0 : index
    %swap3A_25 = arith.constant 0 : index
    %swap3A_26 = vector.load %arg6[%swap3A, %swap3A_24, %swap3A_25] : memref<64x1x4096xf32, #tpu.memory_space<vmem>>, vector<64x1x4096xf32>
    %swap3A_27 = vector.shape_cast %swap3A_26 : vector<64x1x4096xf32> to vector<64x4096xf32>
    %swap3A_28 = vector.shape_cast %select_n3A_23 : vector<64x4096xf32> to vector<64x1x4096xf32>
    tpu.vector_store %arg6[%swap3A, %swap3A_24, %swap3A_25], %swap3A_28 {strides = array<i32>} : memref<64x1x4096xf32, #tpu.memory_space<vmem>>, vector<64x1x4096xf32>,
    %get3A_29 = arith.constant 0 : index
    %get3A_30 = arith.constant 0 : index
    %get3A_31 = vector.load %arg2[%get3A_29, %get3A_30] : memref<768x4096xf32, #tpu.memory_space<vmem>>, vector<768x4096xf32>
    %dot_general3A = arith.constant dense<0.000000e+00> : vector<64x768xf32>
    %dot_general3A_32 = tpu.matmul %select_n3A_23, %get3A_31, %dot_general3A {dimension_numbers = #tpu.dot_dimension_numbers<[1], [1], [0], [0], [0, 0, 1, 0], [], []>, transpose_lhs_hint = false} : vector<64x4096xf32>, vector<768x4096xf32>, vector<64x768xf32> -> vector<64x768xf32>
    %eq3A_33 = arith.constant 0 : i32
    %eq3A_34 = arith.cmpi eq, %arg0, %eq3A_33 : i32
    %convert_element_type3A = arith.extui %eq3A_34 : i1 to i32
    %cond3A = arith.constant 0 : i32
    %cond3A_35 = arith.cmpi ne, %convert_element_type3A, %cond3A : i32
    scf.if %cond3A_35 {
      %get3A_48 = arith.constant 0 : index
      %get3A_49 = arith.constant 0 : index
      %get3A_50 = vector.load %arg5[%get3A_48, %get3A_49] : memref<1x768xf32, #tpu.memory_space<vmem>>, vector<1x768xf32>
      %broadcast_in_dim3A_51 = vector.shape_cast %get3A_50 : vector<1x768xf32> to vector<1x768xf32>
      %broadcast_in_dim3A_52 = vector.broadcast %broadcast_in_dim3A_51 : vector<1x768xf32> to vector<64x768xf32>
      %swap3A_53 = arith.constant 0 : index
      %swap3A_54 = arith.constant 0 : index
      %swap3A_55 = arith.constant 0 : index
      %swap3A_56 = vector.load %arg7[%swap3A_53, %swap3A_54, %swap3A_55] : memref<64x1x768xf32, #tpu.memory_space<vmem>>, vector<64x1x768xf32>
      %swap3A_57 = vector.shape_cast %swap3A_56 : vector<64x1x768xf32> to vector<64x768xf32>
      %swap3A_58 = vector.shape_cast %broadcast_in_dim3A_52 : vector<64x768xf32> to vector<64x1x768xf32>
      tpu.vector_store %arg7[%swap3A_53, %swap3A_54, %swap3A_55], %swap3A_58 {strides = array<i32>} : memref<64x1x768xf32, #tpu.memory_space<vmem>>, vector<64x1x768xf32>,
    } else {
    }
    %get3A_36 = arith.constant 0 : index
    %get3A_37 = arith.constant 0 : index
    %get3A_38 = arith.constant 0 : index
    %get3A_39 = vector.load %arg7[%get3A_36, %get3A_37, %get3A_38] : memref<64x1x768xf32, #tpu.memory_space<vmem>>, vector<64x1x768xf32>
    %get3A_40 = vector.shape_cast %get3A_39 : vector<64x1x768xf32> to vector<64x768xf32>
    %add3A_41 = arith.addf %get3A_40, %dot_general3A_32 : vector<64x768xf32>
    %swap3A_42 = arith.constant 0 : index
    %swap3A_43 = arith.constant 0 : index
    %swap3A_44 = arith.constant 0 : index
    %swap3A_45 = vector.load %arg7[%swap3A_42, %swap3A_43, %swap3A_44] : memref<64x1x768xf32, #tpu.memory_space<vmem>>, vector<64x1x768xf32>
    %swap3A_46 = vector.shape_cast %swap3A_45 : vector<64x1x768xf32> to vector<64x768xf32>
    %swap3A_47 = vector.shape_cast %add3A_41 : vector<64x768xf32> to vector<64x1x768xf32>
    tpu.vector_store %arg7[%swap3A_42, %swap3A_43, %swap3A_44], %swap3A_47 {strides = array<i32>} : memref<64x1x768xf32, #tpu.memory_space<vmem>>, vector<64x1x768xf32>,
    return
  }
  func.func @transform_0(%arg0: i32) -> (i32, i32) {
    %c0_i32 = arith.constant 0 : i32
    %c0_i32_0 = arith.constant 0 : i32
    return %c0_i32, %arg0 : i32, i32
  }
  func.func @transform_1(%arg0: i32) -> (i32, i32) {
    %c0_i32 = arith.constant 0 : i32
    %c0_i32_0 = arith.constant 0 : i32
    return %c0_i32, %arg0 : i32, i32
  }
  func.func @transform_2(%arg0: i32) -> (i32, i32) {
    %c0_i32 = arith.constant 0 : i32
    %c0_i32_0 = arith.constant 0 : i32
    %c0_i32_1 = arith.constant 0 : i32
    return %c0_i32, %c0_i32_0 : i32, i32
  }
  func.func @transform_3(%arg0: i32) -> (i32, i32) {
    %c0_i32 = arith.constant 0 : i32
    %c0_i32_0 = arith.constant 0 : i32
    %c0_i32_1 = arith.constant 0 : i32
    return %c0_i32, %c0_i32_0 : i32, i32
  }
  func.func @transform_4(%arg0: i32) -> (i32, i32) {
    %c0_i32 = arith.constant 0 : i32
    %c0_i32_0 = arith.constant 0 : i32
    %c0_i32_1 = arith.constant 0 : i32
    return %c0_i32, %c0_i32_0 : i32, i32
  }
  func.func @transform_5(%arg0: i32) -> (i32, i32, i32) {
    %c0_i32 = arith.constant 0 : i32
    %c0_i32_0 = arith.constant 0 : i32
    %c0_i32_1 = arith.constant 0 : i32
    return %c0_i32, %c0_i32_0, %arg0 : i32, i32, i32
  }
  func.func @transform_6(%arg0: i32) -> (i32, i32, i32) {
    %c0_i32 = arith.constant 0 : i32
    %c0_i32_0 = arith.constant 0 : i32
    %c0_i32_1 = arith.constant 0 : i32
    %c0_i32_2 = arith.constant 0 : i32
    return %c0_i32, %c0_i32_0, %c0_i32_1 : i32, i32, i32
  }
}

module attributes {stable_mosaic.version = 14 : i64} {
  func.func @_encode_body(%arg0: i32, %arg1: memref<64x768xf32, #tpu.memory_space<vmem>>, %arg2: memref<1x768xf32, #tpu.memory_space<vmem>>, %arg3: memref<4096x768xf32, #tpu.memory_space<vmem>>, %arg4: memref<1x4096xf32, #tpu.memory_space<vmem>>, %arg5: memref<64x4096xf32, #tpu.memory_space<vmem>>) attributes {dimension_semantics = [#tpu.dimension_semantics<arbitrary>], iteration_bounds = array<i64: 6>, scalar_prefetch = 0 : i64, scratch_operands = 0 : i64, tpu.core_type = #tpu.core_type<tc>, window_params = [{pipeline_mode = #tpu.pipeline_mode<synchronous>, transform_indices = @transform_0, window_bounds = array<i64: 64, 768>}, {pipeline_mode = #tpu.pipeline_mode<synchronous>, transform_indices = @transform_1, window_bounds = array<i64: 1, 768>}, {transform_indices = @transform_2, window_bounds = array<i64: 4096, 768>}, {transform_indices = @transform_3, window_bounds = array<i64: 1, 4096>}, {transform_indices = @transform_4, window_bounds = array<i64: 64, 4096>}]} {
    %get3A = arith.constant 0 : index
    %get3A_0 = arith.constant 0 : index
    %get3A_1 = vector.load %arg1[%get3A, %get3A_0] : memref<64x768xf32, #tpu.memory_space<vmem>>, vector<64x768xf32>
    %get3A_2 = arith.constant 0 : index
    %get3A_3 = arith.constant 0 : index
    %get3A_4 = vector.load %arg2[%get3A_2, %get3A_3] : memref<1x768xf32, #tpu.memory_space<vmem>>, vector<1x768xf32>
    %sub3A = vector.broadcast %get3A_4 : vector<1x768xf32> to vector<64x768xf32>
    %sub3A_5 = arith.subf %get3A_1, %sub3A : vector<64x768xf32>
    %get3A_6 = arith.constant 0 : index
    %get3A_7 = arith.constant 0 : index
    %get3A_8 = vector.load %arg3[%get3A_6, %get3A_7] : memref<4096x768xf32, #tpu.memory_space<vmem>>, vector<4096x768xf32>
    %dot_general3A = arith.constant dense<0.000000e+00> : vector<64x4096xf32>
    %dot_general3A_9 = tpu.matmul %sub3A_5, %get3A_8, %dot_general3A {dimension_numbers = #tpu.dot_dimension_numbers<[1], [1], [0], [0], [0, 0, 1, 0], [], []>, transpose_lhs_hint = false} : vector<64x768xf32>, vector<4096x768xf32>, vector<64x4096xf32> -> vector<64x4096xf32>
    %get3A_10 = arith.constant 0 : index
    %get3A_11 = arith.constant 0 : index
    %get3A_12 = vector.load %arg4[%get3A_10, %get3A_11] : memref<1x4096xf32, #tpu.memory_space<vmem>>, vector<1x4096xf32>
    %add3A = vector.broadcast %get3A_12 : vector<1x4096xf32> to vector<64x4096xf32>
    %add3A_13 = arith.addf %dot_general3A_9, %add3A : vector<64x4096xf32>
    %swap3A = arith.constant 0 : index
    %swap3A_14 = arith.constant 0 : index
    %swap3A_15 = vector.load %arg5[%swap3A, %swap3A_14] : memref<64x4096xf32, #tpu.memory_space<vmem>>, vector<64x4096xf32>
    tpu.vector_store %arg5[%swap3A, %swap3A_14], %add3A_13 {strides = array<i32>} : memref<64x4096xf32, #tpu.memory_space<vmem>>, vector<64x4096xf32>,
    return
  }
  func.func @transform_0(%arg0: i32) -> (i32, i32) {
    %c0_i32 = arith.constant 0 : i32
    %c0_i32_0 = arith.constant 0 : i32
    %c0_i32_1 = arith.constant 0 : i32
    return %c0_i32, %c0_i32_0 : i32, i32
  }
  func.func @transform_1(%arg0: i32) -> (i32, i32) {
    %c0_i32 = arith.constant 0 : i32
    %c0_i32_0 = arith.constant 0 : i32
    %c0_i32_1 = arith.constant 0 : i32
    return %c0_i32, %c0_i32_0 : i32, i32
  }
  func.func @transform_2(%arg0: i32) -> (i32, i32) {
    %c0_i32 = arith.constant 0 : i32
    %c0_i32_0 = arith.constant 0 : i32
    return %arg0, %c0_i32 : i32, i32
  }
  func.func @transform_3(%arg0: i32) -> (i32, i32) {
    %c0_i32 = arith.constant 0 : i32
    %c0_i32_0 = arith.constant 0 : i32
    return %c0_i32, %arg0 : i32, i32
  }
  func.func @transform_4(%arg0: i32) -> (i32, i32) {
    %c0_i32 = arith.constant 0 : i32
    %c0_i32_0 = arith.constant 0 : i32
    return %c0_i32, %arg0 : i32, i32
  }
}

</mosaic_0001>

<sc_bundles>
// kernel: kernel.5.cloned.1.call-start
scs
__scs_entry_jumppad:
0x0: {  	(pc) =	sbr.rel $0x88, $3  }
0x1: {  	(tag) =	ssettag $0x0;
	lr =	simm.s32 $0x1  }
0x2: {  	[smem:$0x3F9C] =	sst lr;
	_ =	strace $0xD0000000  }
0x3: {  	_ = 	snop  }
0x4: {  	_ = 	snop  }
0x5: {  	_ = 	snop  }
0x6: {  	_ = 	snop  }
0x7: {  	_ = 	snop  }
__scs_overlays_trampoline_lowered:
0x8: {  	[smem:$0x3FAB] =	sst s0  }
0x9: {  	[smem:$0x3FAC] =	sst s1  }
0xa: {  	[smem:$0x3FAD] =	sst s2  }
0xb: {  	[smem:$0x3FAE] =	sst s3  }
0xc: {  	[smem:$0x3FAF] =	sst s4  }
0xd: {  	[smem:$0x3FB0] =	sst s5  }
0xe: {  	[smem:$0x3FB1] =	sst s6  }
0xf: {  	[smem:$0x3FB2] =	sst s7  }
0x10: {  	[smem:$0x3FB3] =	sst s8  }
0x11: {  	[smem:$0x3FB4] =	sst s9;
	s0 =	simm.s32 @!p0 $0x0  }
0x12: {  	s1 =	sld [smem:$0x3F9A];
	s0 =	simm.s32 @p0 $0x1  }
0x13: {  	[smem:$0x3FB5] =	sst s0;
	s0 =	simm.s32 @!p1 $0x0  }
0x14: {  	s2 =	sld [smem:$0x3F99];
	s0 =	simm.s32 @p1 $0x1  }
0x15: {  	[smem:$0x3FB6] =	sst s0;
	s0 =	simm.s32 @!p2 $0x0  }
0x16: {  	s3 =	sld [smem:$0x3FDB];
	s0 =	simm.s32 @p2 $0x1  }
0x17: {  	s4 =	simm.s32 $0x1BF5;
	[smem:$0x3FB8] =	sst s0  }
0x18: {  	s0 =	sld [smem:$0x3F9B];
	_ =	swait.ge [sflag:s4], $0x0  }
0x19: {  	s7 =	sld [smem:$0x3F9C]  }
0x1a: {  	s8 =	sadd.s32 $0xFFFFE003, lr  }
0x1b: {  	s9 =	sadd.s32 $0xFFFFFEF7, lr;
	s5 =	simm.s32 $0xFFFFFFFF;
	p2 =	slt.u32 s8, $0xFFFFF086  }
0x1c: {  	p1 =	slt.u32 s9, $0xF7A;
	s5 =	simm.s32 @!p2 $0x0  }
0x1d: {  	s5 =	simm.s32 @p1 $0x1;
	p0 =	seq.s32 s7, s2  }
0x1e: {  	s7 =	smul.u32 @!p0 $0xF7A, s2;
	p2 =	seq.s32 @!p0 s5, $0x0  }
0x1f: {  	s9 =	smul.u32 $0xF7A, s1;
	s8 =	simm.s32 @!p0 $0x1BF5;
	p2 =	por !p2, p0  }
0x20: {  	[sflag:s8] =	ssyncset.s32 @!p0 $0xFFFFF086;
	s6 =	sadd.s32 @!p0 s3, s7;
	s7 =	simm.s32 @!p0 $0x108  }
0x21: {  	s3 =	sadd.s32 s3, s9;
	s6 =	sadd.s32 @!p0 $0x88, s6;
	s7 =	simm.s32 @p2 $0x1082  }
0x22: {  	[simem:s7], [sflag:s8] =	dma.local @!p0 [hbm:s6], $0xF7A  }
0x23: {  	s9 =	sor.u32 $0xD0000000, s2;
	s6 =	simm.s32 $0x108;
	_ =	swait.ge @!p0 [sflag:s8], $0x0  }
0x24: {  	s3 =	sadd.s32 $0x88, s3;
	s6 =	simm.s32 @!p1 $0x1082;
	[sflag:s4] =	ssyncset.s32 $0xFFFFF086  }
0x25: {  	[simem:s6], [sflag:s4] =	dma.local [hbm:s3], $0xF7A  }
0x26: {  	[smem:$0x3F9C] =	sst s1;
	(tag) =	ssettag s2;
	_ =	strace s9  }
0x27: {  	s1 =	sld [smem:$0x3FAC]  }
0x28: {  	s2 =	sld [smem:$0x3FAD]  }
0x29: {  	s4 =	sld [smem:$0x3FAF]  }
0x2a: {  	p0 =	seq.s32 s5, $0x0;
	s5 =	sld [smem:$0x3FB0]  }
0x2b: {  	s6 =	sld [smem:$0x3FB1]  }
0x2c: {  	s7 =	sld [smem:$0x3FB2]  }
0x2d: {  	s3 =	simm.s32 $0x108;
	s8 =	sld [smem:$0x3FB3]  }
0x2e: {  	s3 =	simm.s32 @!p0 $0x1082;
	s9 =	sld [smem:$0x3FB4]  }
0x2f: {  	lr =	sadd.s32 s0, s3;
	s0 =	sld [smem:$0x3FAB]  }
0x30: {  	s3 =	sld [smem:$0x3FAE]  }
0x31: {  	[smem:$0x3FB7] =	sst s10  }
0x32: {  	s10 =	sld [smem:$0x3FB5];
	_ =	sdelay $0x3  }
0x33: {  	p0 =	seq.s32 s10, $0x1;
	s10 =	sld [smem:$0x3FB7];
	_ =	sdelay $0x3  }
0x34: {  	[smem:$0x3FB7] =	sst s10  }
0x35: {  	s10 =	sld [smem:$0x3FB6];
	_ =	sdelay $0x3  }
0x36: {  	p1 =	seq.s32 s10, $0x1;
	s10 =	sld [smem:$0x3FB7];
	_ =	sdelay $0x3  }
0x37: {  	[smem:$0x3FB7] =	sst s10  }
0x38: {  	s10 =	sld [smem:$0x3FB8]  }
0x39: {  	_ = 	snop;
	(pc) =	sbr.ind lr, $3  }
0x3a: {  	_ = 	snop  }
0x3b: {  	_ = 	snop  }
0x3c: {  	p2 =	seq.s32 s10, $0x1;
	s10 =	sld [smem:$0x3FB7]  }
0x3d: {  	_ =	shalt  }
0x3e: {  	_ =	shalt  }
0x3f: {  	_ =	shalt  }
0x40: {  	_ =	shalt  }
0x41: {  	_ =	shalt  }
0x42: {  	_ =	shalt  }
0x43: {  	_ =	shalt  }
0x44: {  	_ =	shalt  }
0x45: {  	_ =	shalt  }
0x46: {  	_ =	shalt  }
0x47: {  	_ =	shalt  }
0x48: {  	_ =	shalt  }
0x49: {  	_ =	shalt  }
0x4a: {  	_ =	shalt  }
0x4b: {  	_ =	shalt  }
0x4c: {  	_ =	shalt  }
0x4d: {  	_ =	shalt  }
0x4e: {  	_ =	shalt  }
0x4f: {  	_ =	shalt  }
0x50: {  	_ =	shalt  }
0x51: {  	_ =	shalt  }
0x52: {  	_ =	shalt  }
0x53: {  	_ =	shalt  }
0x54: {  	_ =	shalt  }
0x55: {  	_ =	shalt  }
0x56: {  	_ =	shalt  }
0x57: {  	_ =	shalt  }
0x58: {  	_ =	shalt  }
0x59: {  	_ =	shalt  }
0x5a: {  	_ =	shalt  }
0x5b: {  	_ =	shalt  }
0x5c: {  	_ =	shalt  }
0x5d: {  	_ =	shalt  }
0x5e: {  	_ =	shalt  }
0x5f: {  	_ =	shalt  }
0x60: {  	_ =	shalt  }
0x61: {  	_ =	shalt  }
0x62: {  	_ =	shalt  }
0x63: {  	_ =	shalt  }
0x64: {  	_ =	shalt  }
0x65: {  	_ =	shalt  }
0x66: {  	_ =	shalt  }
0x67: {  	_ =	shalt  }
0x68: {  	_ =	shalt  }
0x69: {  	_ =	shalt  }
0x6a: {  	_ =	shalt  }
0x6b: {  	_ =	shalt  }
0x6c: {  	_ =	shalt  }
0x6d: {  	_ =	shalt  }
0x6e: {  	_ =	shalt  }
0x6f: {  	_ =	shalt  }
0x70: {  	_ =	shalt  }
0x71: {  	_ =	shalt  }
0x72: {  	_ =	shalt  }
0x73: {  	_ =	shalt  }
0x74: {  	_ =	shalt  }
0x75: {  	_ =	shalt  }
0x76: {  	_ =	shalt  }
0x77: {  	_ =	shalt  }
0x78: {  	_ =	shalt  }
0x79: {  	_ =	shalt  }
0x7a: {  	_ =	shalt  }
0x7b: {  	_ =	shalt  }
0x7c: {  	_ =	shalt  }
0x7d: {  	_ =	shalt  }
0x7e: {  	_ =	shalt  }
0x7f: {  	_ =	shalt  }
0x80: {  	_ =	shalt  }
0x81: {  	_ =	shalt  }
0x82: {  	_ =	shalt  }
0x83: {  	_ =	shalt  }
0x84: {  	_ =	shalt  }
0x85: {  	_ =	shalt  }
0x86: {  	_ =	shalt  }
0x87: {  	_ =	shalt  }
.Lfunc_end0:
.L_simem_size_0:
called_computation_lowered:
.L_overlay_start_0:
0x88: {  	s2 =	sld [smem:$0x3FD9]  }
0x89: {  	s3 =	sld [smem:$0x3FFE];
	_ =	sdelay $0x1  }
0x8a: {  	s1 =	srdreg.scid  }
0x8b: {  	s0 =	sand.u32 $0x1, s1  }
0x8c: {  	s14 =	sshll.u32 s0, $0xA;
	s2 =	sadd.s32 s3, s2  }
0x8d: {  	s2 =	sadd.s32 s2, s14  }
0x8e: {  	[smem:$0x3FC3] =	sst s2  }
0x8f: {  	_ = 	snop  }
0x90: {  	s2 =	sld [smem:$0x3FD0];
	_ =	sdelay $0x2  }
0x91: {  	s15 =	simm.s32 $0xA;
	s4 =	simm.s32 $0x10  }
0x92: {  	[smem:s4], [sflag:s15] =	dma.local [hbm:s2], $0x1  }
0x93: {  	_ =	swait.eq [sflag:s15], $0x1  }
0x94: {  	[sflag:s15] =	ssyncset.done $0x0  }
0x95: {  	s16 =	sld [smem:$0x10];
	[sflag:s15] =	ssyncadd.s32 $0xFFFFFFFF  }
0x96: {  	s17 =	sld [smem:$0x11];
	(tm) =	ssettm $0x1  }
0x97: {  	s18 =	sld [smem:$0x3FFB];
	_ =	sdelay $0x3  }
0x98: {  	_ =	strace s18  }
0x99: {  	s4 =	sld [smem:$0x3FFC];
	_ =	sdelay $0x3  }
0x9a: {  	_ =	strace s4  }
0x9b: {  	s4 =	sld [smem:$0x3FFD];
	_ =	sdelay $0x3  }
0x9c: {  	_ =	strace s4  }
0x9d: {  	_ =	strace $0x8FFFFFFF  }
0x9e: {  	s19 =	sld [smem:$0x3FDB];
	_ =	sdelay $0x1  }
0x9f: {  	s5 =	simm.s32 $_scs_section_size  }
0xa0: {  	s6 =	simm.s32 $_size__tile_overlayer_lowered;
	s7 =	simm.s32 $_tile_overlayer_lowered  }
0xa1: {  	s22 =	simm.s32 $0x1BFF;
	s21 =	sshll.u32 s7, $0x1;
	s4 =	sadd.s32 s5, s19  }
0xa2: {  	s8 =	simm.s32 $0x0;
	s20 =	sshll.u32 s6, $0x1;
	s6 =	sadd.s32 s21, s4  }
0xa3: {  	[timem:s8], [sflag:s22] =	dma.local [hbm:s6], s20  }
0xa4: {  	_ =	swait.ge [sflag:s22], s20  }
0xa5: {  	s5 =	ssub.s32 $0x0, s20;
	[sflag:s22] =	ssyncset.done $0x0  }
0xa6: {  	[sflag:s22] =	ssyncadd.s32 s5;
	_ =	sdelay $0x1  }
0xa7: {  	s23 =	simm.s32 $0x1B8B  }
0xa8: {  	_ =	swait.ge [sflag:s23], $0x1  }
0xa9: {  	[sflag:s23] =	ssyncset.done $0x0  }
0xaa: {  	s25 =	simm.s32 $0x1B8E;
	s24 =	sld [smem:$0x3FFE];
	[sflag:s23] =	ssyncadd.s32 $0xFFFFFFFF  }
0xab: {  	s26 =	simm.s32 $execute0_lowered;
	[smem:$0x3FD2] =	sst s25  }
0xac: {  	s6 =	sshll.u32 s26, $0x1;
	_ =	strace $0x80000046;
	[dreg:$0x1] =	wrdreg $0xFFFFFFFF  }
0xad: {  	s28 =	simm.s32 $_size_execute0_lowered;
	s4 =	sadd.s32 s4, s6;
	[dreg:$0x0] =	wrdreg $0x0  }
0xae: {  	s6 =	sshll.u32 s28, $0x1;
	[dreg:$0x2] =	wrdreg s4  }
0xaf: {  	[dreg:$0x3] =	wrdreg s6  }
0xb0: {  	[dreg:$0x4] =	wrdreg $0xC0  }
0xb1: {  	_ =	task [dreg:s8], $0x5FFFF  }
0xb2: {  	[dreg:$0x1] =	wrdreg $0xFFFFFFFF  }
0xb3: {  	[dreg:$0x0] =	wrdreg $0x60  }
0xb4: {  	[dreg:$0x2] =	wrdreg s16  }
0xb5: {  	[dreg:$0x3] =	wrdreg s17  }
0xb6: {  	[dreg:$0x4] =	wrdreg s24  }
0xb7: {  	[dreg:$0x5] =	wrdreg $0x9  }
0xb8: {  	_ =	task.clear_ibuf [dreg:s8], $0x6FFFF;
	_ =	strace $0x90000046  }
0xb9: {  	s29 =	simm.s32 $0x9;
	_ =	strace $0x80000048  }
0xba: {  	_ =	swait.ge [sflag:s29], $0x1  }
0xbb: {  	[sflag:s29] =	ssyncadd.s32 $0xFFFFFFFF  }
0xbc: {  	_ =	strace $0x90000048  }
0xbd: {  	_ =	sfence  }
0xbe: {  	s30 =	sld [smem:$0x0];
	_ =	sdelay $0x2  }
0xbf: {  	s31 =	sshll.u32 s1, $0xD;
	s1 =	sshrl.u32 s1, $0x2  }
0xc0: {  	s3 =	sand.u32 $0x4000, s31;
	s1 =	sadd.s32 s1, s30  }
0xc1: {  	s0 =	sor.u32 s3, s0;
	s1 =	sshll.u32 s1, $0x11  }
0xc2: {  	s0 =	sor.u32 s1, s0  }
0xc3: {  	s0 =	sadd.s32 $0x8F2B, s0  }
0xc4: {  	[sflag:s0] =	ssyncadd.remote.s32 $0x1  }
0xc5: {  	_ =	sfence.sel $0xFFFF  }
0xc6: {  	[dreg:$0x0] =	wrdreg $0xFFFFFFFF;
	(pc) =	sbr.abs _section_cstart, $3  }
0xc7: {  	[dreg:$0x1] =	wrdreg $0xFFFFFFFF  }
0xc8: {  	_ =	task.clear_ibuf [dreg:s8], $0x2FFFF;
	_ =	strace $0x9FFFFFFF  }
0xc9: {  	(tm) =	ssettm $0x7FFFFFFF  }
tec
execute0_lowered:
.L_overlay_start_1:
0x0: {  	(tag) =	ssettag $0x1  }
0x1: {  	s0 =	rddreg [dreg:$0x0]  }
0x2: {  	s1 =	rddreg [dreg:$0x1]  }
0x3: {  	s2 =	rddreg [dreg:$0x2]  }
0x4: {  	s9 =	simm.s32 $0x0;
	s3 =	srdreg.scid;
	s6 =	stileid.u32  }
0x5: {  	[smem:$0x7FF] =	sst s9;
	s3 =	sand.u32 $0x1, s3;
	s5 =	sshll.u32 s6, $0x9  }
0x6: {  	s6 =	sshrl.u32 s6, $0x1;
	s2 =	sadd.s32 $0x1200, s2;
	s4 =	ssub.s32 $0x2, s3  }
0x7: {  	s3 =	sshll.u32 s3, $0x8;
	s5 =	sand.u32 $0x200, s5;
	s7 =	smul.u32 $0x30000, s6  }
0x8: {  	_ =	strace $0x80000047;
	s8 =	sshrl.u32 s4, $0x1;
	s3 =	sor.u32 s3, s5  }
0x9: {  	s6 =	sshll.u32 s6, $0xA;
	s4 =	ssub.s32 s4, s8;
	s5 =	sor.u32 s7, s3  }
0xa: {  	s26 =	sor.u32 $0x80, s3;
	s3 =	sor.u32 s6, s3;
	s5 =	sshrl.u32 s5, $0x3  }
0xb: {  	s28 =	sor.u32 s7, s26;
	s3 =	sshrl.u32 s3, $0x3;
	s31 =	smax.u32 s4, $0x1  }
0xc: {  	s6 =	sor.u32 s6, s26;
	s5 =	sadd.s32 s0, s5;
	[dreg:$0xa] =	wrdreg s31  }
0xd: {  	s29 =	sadd.s32 s1, s3;
	s30 =	sshrl.u32 s6, $0x3;
	[dreg:$0x4] =	wrdreg s5  }
.Ltmp0:
0xe: {  	s3 =	sadd.s32 s2, s3;
	[dreg:$0x6] =	wrdreg s29;
	(pc) =	sbr.rel .LBB2_1-.Ltmp0, $4  }
0xf: {  	s5 =	sshrl.u32 s28, $0x3;
	[dreg:$0x7] =	wrdreg s3;
	s1 =	sadd.s32 s1, s30  }
0x10: {  	s10 =	simm.s32 $0x80;
	s0 =	sadd.s32 s0, s5;
	[dreg:$0x8] =	wrdreg s1  }
0x11: {  	s11 =	simm.s32 $0x400;
	v0 =	vlaneseq.u32;
	[dreg:$0x5] =	wrdreg s0;
	s0 =	sadd.s32 s2, s30  }
0x12: {  	s13 =	simm.s32 $0x80000000;
	v1 =	vimm.s32 $0x0;
	v2 =	vimm.s32 $0x6000;
	v3 =	vor.u32 $0x80000000, v0;
	s3 =	simm.s32 $0x0;
	[dreg:$0x9] =	wrdreg s0  }
.LBB2_54:
0x13: {  	s18 =	simm.s32 $0x0;
	s3 =	rddreg [dreg:$0xb]  }
.LBB2_84:
0x14: {  	[tilespmem:$0x18200] =	vst v4;
	v4 =	vmov s18;
	s9 =	simm.s32 $0x0  }
0x15: {  	s0 =	rddreg [dreg:$0x8];
	s1 =	simm.s32 $0x18200;
	s29 =	simm.s32 $0x2;
	[tilespmem:$0x18280] =	vst v4  }
0x16: {  	[hbm4b:s0+s9] =	stream.linear.scatter [tilespmem:s1], [sflag:$0x2], $0x80, $0x38;
	[tilespmem:$0x18300] =	vst v63  }
0x17: {  	_ =	swait.ge [sflag:s29], $0x80  }
0x18: {  	[sflag:s29] =	ssyncset.done $0x0  }
0x19: {  	s2 =	simm.s32 $0x18280;
	s30 =	rddreg [dreg:$0x9];
	[sflag:s29] =	ssyncadd.s32 $0xFFFFFF80  }
0x1a: {  	[hbm4b:s30+s9] =	stream.linear.scatter [tilespmem:s2], [sflag:$0x2], $0x80, $0x38;
	[tilespmem:$0x18300] =	vst v63  }
0x1b: {  	_ =	swait.ge [sflag:s29], $0x80  }
0x1c: {  	s3 =	sadd.s32 $0x1, s3;
	s31 =	rddreg [dreg:$0xa]  }
0x1d: {  	p0 =	sne.s32 s3, s31  }
.Ltmp1:
0x1e: {  	_ = 	snop;
	(pc) =	sbr.rel @!p0 .LBB2_85-.Ltmp1, $3  }
0x1f: {  	_ =	sdelay $0x1  }
0x20: {  	[sflag:s29] =	ssyncset.done $0x0  }
0x21: {  	s10 =	simm.s32 $0x80;
	s11 =	simm.s32 $0x400;
	[sflag:s29] =	ssyncadd.s32 $0xFFFFFF80  }
.LBB2_1:
0x22: {  	[dreg:$0xb] =	wrdreg s3  }
0x23: {  	s0 =	rddreg [dreg:$0x4];
	s31 =	simm.s32 $0x1  }
0x24: {  	[tilespmem:s9], [sflag:$0x1] =	stream.strided.gather [hbm4b:s0+s10], $0x6000, s11, s10, $0x38;
	[tilespmem:$0x18300] =	vst v63  }
0x25: {  	_ =	swait.ge [sflag:s31], $0x6000  }
0x26: {  	s1 =	simm.s32 $0x6030;
	s2 =	simm.s32 $0x30;
	[sflag:s31] =	ssyncset.done $0x0  }
0x27: {  	s3 =	simm.s32 $0x0;
	s0 =	simm.s32 $0x60;
	[sflag:s31] =	ssyncadd.s32 $0xFFFFA000  }
.LBB2_2:
0x28: {  	v4 =	vld [tilespmem:s2+$0xFFFFFFD0]  }
0x29: {  	v5 =	vld [tilespmem:s2+$0xFFFFFFE0];
	_ =	sdelay $0x3  }
0x2a: {  	v6 =	vxor.u32 $0xFFFFFFFF, v4  }
0x2b: {  	v7 =	vxor.u32 $0xFFFFFFFF, v5;
	v8 =	vor.u32 $0x80000000, v5;
	vm0 =	vlt.s32 v5, $0x0  }
0x2c: {  	v5 =	vor.u32 $0x80000000, v4;
	vm1 =	vlt.s32 v4, $0x0;
	v4 =	vsel vm0, v7, v8  }
0x2d: {  	v7 =	vsel vm1, v6, v5;
	[tilespmem:s1+$0xFFFFFFE0] =	vst v4  }
0x2e: {  	[tilespmem:s1+$0xFFFFFFD0] =	vst v7  }
0x2f: {  	v5 =	vld [tilespmem:s2+$0xFFFFFFF0]  }
0x30: {  	v6 =	vld [tilespmem:s2+$0x0];
	_ =	sdelay $0x3  }
0x31: {  	v8 =	vxor.u32 $0xFFFFFFFF, v5  }
0x32: {  	v9 =	vor.u32 $0x80000000, v5;
	vm12 =	vlt.s32 v5, $0x0;
	v5 =	vxor.u32 $0xFFFFFFFF, v6  }
0x33: {  	vm13 =	vlt.s32 v6, $0x0;
	v9 =	vsel vm12, v8, v9;
	v8 =	vor.u32 $0x80000000, v6  }
0x34: {  	[tilespmem:s1+$0xFFFFFFF0] =	vst v9;
	v5 =	vsel vm13, v5, v8  }
0x35: {  	[tilespmem:s1+$0x0] =	vst v5  }
0x36: {  	v8 =	vld [tilespmem:s2+$0x10]  }
0x37: {  	v6 =	vld [tilespmem:s2+$0x20];
	_ =	sdelay $0x3  }
0x38: {  	v10 =	vxor.u32 $0xFFFFFFFF, v8  }
0x39: {  	v11 =	vxor.u32 $0xFFFFFFFF, v6;
	vm14 =	vlt.s32 v6, $0x0;
	v6 =	vor.u32 $0x80000000, v6  }
0x3a: {  	vm15 =	vlt.s32 v8, $0x0;
	v6 =	vsel vm14, v11, v6;
	v11 =	vor.u32 $0x80000000, v8  }
0x3b: {  	v8 =	vsel vm15, v10, v11;
	[tilespmem:s1+$0x20] =	vst v6  }
0x3c: {  	v11 =	vimm.s32 $0x0;
	[tilespmem:s1+$0x10] =	vst v8  }
0x3d: {  	s9 =	sor.u32 $0x70, s0;
	v7 =	vmax.u32 v11, v7;
	v10 =	vld [tilespmem:s2+$0x30]  }
0x3e: {  	s5 =	simm.s32 $0x0;
	s6 =	sadd.s32 $0x80, s2;
	v7 =	vmax.u32 v7, v9;
	v9 =	vld [tilespmem:s9+$0x0]  }
0x3f: {  	s7 =	smov.u32 s0;
	s8 =	smov.u32 s1;
	s4 =	smov.u32 s1;
	v4 =	vmax.u32 v11, v4  }
.LBB2_3:
0x40: {  	s5 =	sadd.s32 $0x4, s5;
	s7 =	sadd.s32 $0x80, s7;
	s8 =	sadd.s32 $0x80, s8  }
0x41: {  	v4 =	vmax.u32 v4, v5;
	v5 =	vmax.u32 v7, v8;
	p0 =	slt.u32 s5, $0x2C  }
0x42: {  	v7 =	vxor.u32 $0xFFFFFFFF, v10;
	v8 =	vor.u32 $0x80000000, v10;
	vm0 =	vlt.s32 v10, $0x0  }
0x43: {  	v7 =	vsel vm0, v7, v8;
	v8 =	vxor.u32 $0xFFFFFFFF, v9;
	v10 =	vor.u32 $0x80000000, v9  }
0x44: {  	v4 =	vmax.u32 v4, v6;
	vm0 =	vlt.s32 v9, $0x0;
	[tilespmem:s4+$0x30] =	vst v7;
	v5 =	vmax.u32 v5, v7;
	s4 =	smov.u32 s8  }
0x45: {  	v6 =	vsel vm0, v8, v10  }
0x46: {  	v4 =	vmax.u32 v4, v6;
	[tilespmem:s9+$0x6000] =	vst v6  }
0x47: {  	v6 =	vld [tilespmem:s6+$0xFFFFFFD0]  }
0x48: {  	v7 =	vld [tilespmem:s6+$0xFFFFFFE0];
	_ =	sdelay $0x3  }
0x49: {  	v8 =	vxor.u32 $0xFFFFFFFF, v6;
	v9 =	vor.u32 $0x80000000, v6;
	vm0 =	vlt.s32 v6, $0x0  }
0x4a: {  	v6 =	vxor.u32 $0xFFFFFFFF, v7;
	v10 =	vor.u32 $0x80000000, v7;
	vm1 =	vlt.s32 v7, $0x0  }
0x4b: {  	v7 =	vsel vm0, v8, v9;
	v6 =	vsel vm1, v6, v10  }
0x4c: {  	[tilespmem:s8+$0xFFFFFFE0] =	vst v6;
	v4 =	vmax.u32 v4, v6  }
0x4d: {  	[tilespmem:s8+$0xFFFFFFD0] =	vst v7  }
0x4e: {  	v6 =	vld [tilespmem:s6+$0xFFFFFFF0]  }
0x4f: {  	v8 =	vld [tilespmem:s6+$0x0];
	_ =	sdelay $0x2  }
0x50: {  	v5 =	vmax.u32 v5, v7  }
0x51: {  	v7 =	vxor.u32 $0xFFFFFFFF, v6;
	v9 =	vor.u32 $0x80000000, v6;
	vm0 =	vlt.s32 v6, $0x0  }
0x52: {  	v6 =	vsel vm0, v7, v9;
	v9 =	vxor.u32 $0xFFFFFFFF, v8;
	v10 =	vor.u32 $0x80000000, v8  }
0x53: {  	vm0 =	vlt.s32 v8, $0x0;
	[tilespmem:s8+$0xFFFFFFF0] =	vst v6;
	v7 =	vmax.u32 v5, v6  }
0x54: {  	v5 =	vsel vm0, v9, v10  }
0x55: {  	[tilespmem:s8+$0x0] =	vst v5  }
0x56: {  	v6 =	vld [tilespmem:s6+$0x10]  }
0x57: {  	v8 =	vld [tilespmem:s6+$0x20];
	_ =	sdelay $0x3  }
0x58: {  	v9 =	vxor.u32 $0xFFFFFFFF, v6;
	v10 =	vor.u32 $0x80000000, v6;
	vm0 =	vlt.s32 v6, $0x0  }
0x59: {  	v6 =	vxor.u32 $0xFFFFFFFF, v8;
	v11 =	vor.u32 $0x80000000, v8;
	vm1 =	vlt.s32 v8, $0x0  }
0x5a: {  	v8 =	vsel vm0, v9, v10;
	v6 =	vsel vm1, v6, v11  }
.Ltmp2:
0x5b: {  	[tilespmem:s8+$0x20] =	vst v6;
	(pc) =	sbr.rel @p0 .LBB2_3-.Ltmp2, $4  }
0x5c: {  	[tilespmem:s8+$0x10] =	vst v8  }
0x5d: {  	s9 =	sor.u32 $0x70, s7;
	v10 =	vld [tilespmem:s6+$0x30]  }
0x5e: {  	v9 =	vld [tilespmem:s9+$0x0]  }
0x5f: {  	s6 =	sadd.s32 $0x80, s6  }
0x60: {  	_ = 	snop  }
0x61: {  	v4 =	vmax.u32 v4, v5;
	v7 =	vmax.u32 v7, v8;
	s5 =	sshll.u32 s3, $0x4;
	s3 =	sadd.s32 $0x1, s3  }
0x62: {  	p0 =	sne.s32 s3, $0x10;
	v11 =	vxor.u32 $0xFFFFFFFF, v10;
	vm0 =	vlt.s32 v10, $0x0;
	v60 =	vor.u32 $0x80000000, v10  }
.Ltmp3:
0x63: {  	v61 =	vxor.u32 $0xFFFFFFFF, v9;
	vm15 =	vlt.s32 v9, $0x0;
	v62 =	vor.u32 $0x80000000, v9;
	(pc) =	sbr.rel @p0 .LBB2_2-.Ltmp3, $4  }
0x64: {  	v4 =	vmax.u32 v4, v6;
	v5 =	vsel vm0, v11, v60;
	v63 =	vsel vm15, v61, v62  }
0x65: {  	[tilespmem:s4+$0x30] =	vst v5;
	v5 =	vmax.u32 v7, v5;
	v4 =	vmax.u32 v4, v63  }
0x66: {  	s31 =	sand.u32 $0x3FFFFFF0, s5;
	[tilespmem:s9+$0x6000] =	vst v63;
	v4 =	vmax.u32 v5, v4  }
0x67: {  	s0 =	sadd.s32 $0x600, s0;
	s1 =	sadd.s32 $0x600, s1;
	s2 =	sadd.s32 $0x600, s2;
	[tilespmem:s31+$0xC000] =	vst v4  }
0x68: {  	s0 =	simm.s32 $0x0;
	s1 =	rddreg [dreg:$0x5]  }
0x69: {  	[tilespmem:s0], [sflag:$0x1] =	stream.strided.gather [hbm4b:s1+s10], $0x6000, s11, s10, $0x38;
	[tilespmem:$0x18300] =	vst v63  }
0x6a: {  	v18 =	vld [tilespmem:$0xC000]  }
0x6b: {  	v19 =	vld [tilespmem:$0xC010]  }
0x6c: {  	v17 =	vld [tilespmem:$0xC020]  }
0x6d: {  	v16 =	vld [tilespmem:$0xC030]  }
0x6e: {  	v15 =	vld [tilespmem:$0xC040]  }
0x6f: {  	v14 =	vld [tilespmem:$0xC050]  }
0x70: {  	v13 =	vld [tilespmem:$0xC060]  }
0x71: {  	v12 =	vld [tilespmem:$0xC070]  }
0x72: {  	v11 =	vld [tilespmem:$0xC080]  }
0x73: {  	v10 =	vld [tilespmem:$0xC090]  }
0x74: {  	v9 =	vld [tilespmem:$0xC0A0]  }
0x75: {  	v8 =	vld [tilespmem:$0xC0B0]  }
0x76: {  	v7 =	vld [tilespmem:$0xC0C0]  }
0x77: {  	v6 =	vld [tilespmem:$0xC0D0]  }
0x78: {  	v5 =	vld [tilespmem:$0xC0E0]  }
0x79: {  	s3 =	simm.s32 $0x80000000;
	s1 =	simm.s32 $0x1;
	v4 =	vld [tilespmem:$0xC0F0]  }
.LBB2_6:
0x7a: {  	p0 =	seq.s32 s1, $0x1F;
	s2 =	sor.u32 s3, s0  }
0x7b: {  	vm0 =	vge.u32 v18, s2;
	vm1 =	vge.u32 v19, s2  }
0x7c: {  	v20 =	vsel vm0, $0x1, v1;
	v21 =	vsel vm1, $0x1, v1;
	vm0 =	vge.u32 v17, s2  }
0x7d: {  	v20 =	vadd.s32 v21, v20;
	v21 =	vsel vm0, $0x1, v1;
	vm0 =	vge.u32 v16, s2  }
0x7e: {  	v20 =	vadd.s32 v21, v20;
	v21 =	vsel vm0, $0x1, v1;
	vm0 =	vge.u32 v15, s2  }
0x7f: {  	v20 =	vadd.s32 v21, v20;
	v21 =	vsel vm0, $0x1, v1;
	vm0 =	vge.u32 v14, s2  }
0x80: {  	v20 =	vadd.s32 v21, v20;
	v21 =	vsel vm0, $0x1, v1;
	vm0 =	vge.u32 v13, s2  }
0x81: {  	v20 =	vadd.s32 v21, v20;
	v21 =	vsel vm0, $0x1, v1;
	vm0 =	vge.u32 v12, s2  }
0x82: {  	v20 =	vadd.s32 v21, v20;
	v21 =	vsel vm0, $0x1, v1;
	vm0 =	vge.u32 v11, s2  }
0x83: {  	v20 =	vadd.s32 v21, v20;
	v21 =	vsel vm0, $0x1, v1;
	vm0 =	vge.u32 v10, s2  }
0x84: {  	v20 =	vadd.s32 v21, v20;
	v21 =	vsel vm0, $0x1, v1;
	vm0 =	vge.u32 v9, s2  }
0x85: {  	v20 =	vadd.s32 v21, v20;
	v21 =	vsel vm0, $0x1, v1;
	vm0 =	vge.u32 v8, s2  }
0x86: {  	v20 =	vadd.s32 v21, v20;
	v21 =	vsel vm0, $0x1, v1;
	vm0 =	vge.u32 v7, s2  }
0x87: {  	v20 =	vadd.s32 v21, v20;
	v21 =	vsel vm0, $0x1, v1;
	vm0 =	vge.u32 v6, s2  }
0x88: {  	v20 =	vadd.s32 v21, v20;
	v21 =	vsel vm0, $0x1, v1;
	vm0 =	vge.u32 v5, s2  }
0x89: {  	v20 =	vadd.s32 v21, v20;
	v21 =	vsel vm0, $0x1, v1;
	vm0 =	vge.u32 v4, s2  }
0x8a: {  	v20 =	vadd.s32 v21, v20;
	v21 =	vsel vm0, $0x1, v1  }
0x8b: {  	v20 =	vadd.s32 v21, v20  }
0x8c: {  	(xrf0) =	vadd.scan.msk.s32 $0xffff, v20;
	_ =	sdelay $0x5  }
0x8d: {  	v20, _, _ =	vpop (xrf0)  }
0x8e: {  	(v2sf) =	vpush v20, $0xF;
	_ =	sdelay $0xc  }
.Ltmp4:
0x8f: {  	(pc) =	sbr.rel @!p0 .LBB2_6-.Ltmp4, $4  }
0x90: {  	_ = 	snop  }
0x91: {  	s3 =	spop (v2sf)  }
0x92: {  	p1 =	sgt.s32 s3, $0x3F  }
0x93: {  	s3 =	sshrl.u32 s13, s1;
	s1 =	sadd.s32 $0x1, s1;
	s0 =	smov.u32 @p1 s2  }
0x94: {  	s1 =	sor.u32 s3, s0  }
0x95: {  	vm0 =	vge.u32 v18, s1;
	vm1 =	vge.u32 v19, s1  }
0x96: {  	v18 =	vsel vm0, $0x1, v1;
	v19 =	vsel vm1, $0x1, v1;
	vm0 =	vge.u32 v17, s1  }
0x97: {  	v22 =	vadd.s32 v19, v18;
	v23 =	vsel vm0, $0x1, v1;
	vm0 =	vge.u32 v16, s1  }
0x98: {  	v24 =	vadd.s32 v23, v22;
	v25 =	vsel vm0, $0x1, v1;
	vm0 =	vge.u32 v15, s1  }
0x99: {  	v26 =	vadd.s32 v25, v24;
	v27 =	vsel vm0, $0x1, v1;
	vm0 =	vge.u32 v14, s1  }
0x9a: {  	v28 =	vadd.s32 v27, v26;
	v29 =	vsel vm0, $0x1, v1;
	vm0 =	vge.u32 v13, s1  }
0x9b: {  	v30 =	vadd.s32 v29, v28;
	v31 =	vsel vm0, $0x1, v1;
	vm0 =	vge.u32 v12, s1  }
0x9c: {  	v32 =	vadd.s32 v31, v30;
	v33 =	vsel vm0, $0x1, v1;
	vm0 =	vge.u32 v11, s1  }
0x9d: {  	v34 =	vadd.s32 v33, v32;
	v35 =	vsel vm0, $0x1, v1;
	vm0 =	vge.u32 v10, s1  }
0x9e: {  	v36 =	vadd.s32 v35, v34;
	v37 =	vsel vm0, $0x1, v1;
	vm0 =	vge.u32 v9, s1  }
0x9f: {  	v38 =	vadd.s32 v37, v36;
	v39 =	vsel vm0, $0x1, v1;
	vm0 =	vge.u32 v8, s1  }
0xa0: {  	v40 =	vadd.s32 v39, v38;
	v41 =	vsel vm0, $0x1, v1;
	vm0 =	vge.u32 v7, s1  }
0xa1: {  	v7 =	vadd.s32 v41, v40;
	v42 =	vsel vm0, $0x1, v1;
	vm0 =	vge.u32 v6, s1  }
0xa2: {  	v6 =	vadd.s32 v42, v7;
	v7 =	vsel vm0, $0x1, v1;
	vm0 =	vge.u32 v5, s1  }
0xa3: {  	v5 =	vadd.s32 v7, v6;
	v6 =	vsel vm0, $0x1, v1;
	vm0 =	vge.u32 v4, s1  }
0xa4: {  	v4 =	vadd.s32 v6, v5;
	v5 =	vsel vm0, $0x1, v1  }
0xa5: {  	v4 =	vadd.s32 v5, v4  }
0xa6: {  	(xrf0) =	vadd.scan.msk.s32 $0xffff, v4;
	_ =	sdelay $0x5  }
0xa7: {  	v4, _, _ =	vpop (xrf0)  }
0xa8: {  	(v2sf) =	vpush v4, $0xF;
	_ =	sdelay $0xe  }
0xa9: {  	s2 =	spop (v2sf)  }
0xaa: {  	p0 =	sgt.s32 s2, $0x3F  }
0xab: {  	s0 =	smov.u32 @p0 s1  }
0xac: {  	v4 =	vmov s0;
	s0 =	simm.s32 $0x6080  }
0xad: {  	v6 =	vld [tilespmem:s0+$0xFFFFFF80];
	_ =	sdelay $0x1  }
0xae: {  	v7 =	vld [tilespmem:s0+$0xFFFFFF90];
	_ =	sdelay $0x1  }
0xaf: {  	v43 =	vld [tilespmem:s0+$0xFFFFFFA0]  }
0xb0: {  	vm4 =	vge.u32 v6, v4  }
0xb1: {  	v44 =	vld [tilespmem:s0+$0xFFFFFFB0];
	v5 =	vmpcnt.ones.xlane vm4  }
0xb2: {  	vm6 =	vge.u32 v7, v4  }
0xb3: {  	v46 =	vld [tilespmem:s0+$0xFFFFFFC0];
	v45 =	vmpcnt.ones.xlane vm6;
	(v2sf) =	vpush v5, $0x0  }
0xb4: {  	vm8 =	vge.u32 v43, v4  }
0xb5: {  	v47 =	vld [tilespmem:s0+$0xFFFFFFD0];
	v5 =	vmpcnt.ones.xlane vm8;
	(v2sf) =	vpush v45, $0x0  }
0xb6: {  	vm9 =	vge.u32 v44, v4  }
0xb7: {  	v49 =	vld [tilespmem:s0+$0xFFFFFFE0];
	v48 =	vmpcnt.ones.xlane vm9;
	(v2sf) =	vpush v5, $0x0  }
0xb8: {  	vm0 =	vge.u32 v46, v4  }
0xb9: {  	v51 =	vld [tilespmem:s0+$0xFFFFFFF0];
	v50 =	vmpcnt.ones.xlane vm0;
	(v2sf) =	vpush v48, $0x0  }
0xba: {  	vm7 =	vge.u32 v47, v4  }
0xbb: {  	v53 =	vld [tilespmem:s0+$0x0];
	v52 =	vmpcnt.ones.xlane vm7;
	(v2sf) =	vpush v50, $0x0  }
0xbc: {  	v54 =	vld [tilespmem:s0+$0x60];
	vm5 =	vge.u32 v49, v4  }
0xbd: {  	v56 =	vld [tilespmem:s0+$0x10];
	v55 =	vmpcnt.ones.xlane vm5;
	(v2sf) =	vpush v52, $0x0  }
0xbe: {  	v57 =	vld [tilespmem:s0+$0x50];
	vm3 =	vge.u32 v51, v4  }
0xbf: {  	v20 =	vld [tilespmem:s0+$0x20];
	v58 =	vmpcnt.ones.xlane vm3;
	(v2sf) =	vpush v55, $0x0  }
0xc0: {  	v59 =	vld [tilespmem:s0+$0x40];
	vm1 =	vge.u32 v53, v4  }
0xc1: {  	s25 =	simm.s32 $0x0;
	s26 =	simm.s32 $0x0;
	v22 =	vld [tilespmem:s0+$0x30];
	v21 =	vmpcnt.ones.xlane vm1;
	(v2sf) =	vpush v58, $0x0  }
0xc2: {  	vm2 =	vge.u32 v56, v4;
	v5 =	vld [tilespmem:s0+$0x70];
	[tilespmem:s25+$0xC100] =	vst.msk vm4, v6;
	v6 =	vor.u32 s26, v0;
	s28 =	spop (v2sf)  }
0xc3: {  	s4 =	simm.s32 $0x10;
	v60 =	vmpcnt.ones.xlane vm2;
	[tilespmem:s25+$0x12180] =	vst.msk vm4, v6;
	(v2sf) =	vpush v21, $0x0;
	s29 =	sadd.s32 $0x0, s28  }
0xc4: {  	vm12 =	vge.u32 v20, v4;
	v6 =	vor.u32 s4, v0;
	s30 =	spop (v2sf);
	[tilespmem:s29+$0xC100] =	vst.msk vm6, v7  }
0xc5: {  	s31 =	simm.s32 $0x20;
	(v2sf) =	vpush v60, $0x0;
	v7 =	vmpcnt.ones.xlane vm12;
	s1 =	sadd.s32 s29, s30;
	[tilespmem:s29+$0x12180] =	vst.msk vm6, v6  }
0xc6: {  	vm13 =	vge.u32 v22, v4;
	s4 =	spop (v2sf);
	v6 =	vor.u32 s31, v0;
	[tilespmem:s1+$0xC100] =	vst.msk vm8, v43  }
0xc7: {  	s5 =	simm.s32 $0x30;
	v61 =	vmpcnt.ones.xlane vm13;
	(v2sf) =	vpush v7, $0x0;
	[tilespmem:s1+$0x12180] =	vst.msk vm8, v6;
	s1 =	sadd.s32 s1, s4  }
0xc8: {  	vm14 =	vge.u32 v59, v4;
	s6 =	spop (v2sf);
	v6 =	vor.u32 s5, v0;
	[tilespmem:s1+$0xC100] =	vst.msk vm9, v44  }
0xc9: {  	s7 =	simm.s32 $0x40;
	v7 =	vmpcnt.ones.xlane vm14;
	(v2sf) =	vpush v61, $0x0;
	[tilespmem:s1+$0x12180] =	vst.msk vm9, v6;
	s1 =	sadd.s32 s1, s6  }
0xca: {  	vm15 =	vge.u32 v57, v4;
	s8 =	spop (v2sf);
	v6 =	vor.u32 s7, v0;
	[tilespmem:s1+$0xC100] =	vst.msk vm0, v46  }
0xcb: {  	s9 =	simm.s32 $0x50;
	v62 =	vmpcnt.ones.xlane vm15;
	(v2sf) =	vpush v7, $0x0;
	[tilespmem:s1+$0x12180] =	vst.msk vm0, v6;
	s1 =	sadd.s32 s1, s8  }
0xcc: {  	vm10 =	vge.u32 v54, v4;
	s10 =	spop (v2sf);
	v6 =	vor.u32 s9, v0;
	[tilespmem:s1+$0xC100] =	vst.msk vm7, v47  }
0xcd: {  	s11 =	simm.s32 $0x60;
	v7 =	vmpcnt.ones.xlane vm10;
	(v2sf) =	vpush v62, $0x0;
	vm0 =	vge.u32 v5, v4;
	[tilespmem:s1+$0x12180] =	vst.msk vm7, v6;
	s1 =	sadd.s32 s1, s10  }
0xce: {  	v63 =	vor.u32 s11, v0;
	s12 =	spop (v2sf);
	v6 =	vmpcnt.ones.xlane vm0;
	[tilespmem:s1+$0xC100] =	vst.msk vm5, v49  }
0xcf: {  	s14 =	simm.s32 $0x70;
	(v2sf) =	vpush v7, $0x0;
	[tilespmem:s1+$0x12180] =	vst.msk vm5, v63;
	s1 =	sadd.s32 s1, s12  }
0xd0: {  	s15 =	spop (v2sf);
	v7 =	vor.u32 s14, v0;
	(v2sf) =	vpush v6, $0x0;
	[tilespmem:s1+$0xC100] =	vst.msk vm3, v51  }
0xd1: {  	s16 =	simm.s32 $0x80;
	[tilespmem:s1+$0x12180] =	vst.msk vm3, v7;
	s1 =	sadd.s32 s1, s15  }
0xd2: {  	v6 =	vor.u32 s16, v0;
	s17 =	spop (v2sf);
	[tilespmem:s1+$0xC100] =	vst.msk vm1, v53  }
0xd3: {  	s18 =	simm.s32 $0x90;
	[tilespmem:s1+$0x12180] =	vst.msk vm1, v6;
	s1 =	sadd.s32 s1, s17  }
0xd4: {  	s19 =	spop (v2sf);
	v6 =	vor.u32 s18, v0;
	[tilespmem:s1+$0xC100] =	vst.msk vm2, v56  }
0xd5: {  	s20 =	simm.s32 $0xA0;
	[tilespmem:s1+$0x12180] =	vst.msk vm2, v6;
	s1 =	sadd.s32 s1, s19  }
0xd6: {  	v6 =	vor.u32 s20, v0;
	s21 =	spop (v2sf);
	[tilespmem:s1+$0xC100] =	vst.msk vm12, v20  }
0xd7: {  	s22 =	simm.s32 $0xB0;
	[tilespmem:s1+$0x12180] =	vst.msk vm12, v6;
	s1 =	sadd.s32 s1, s21  }
0xd8: {  	s23 =	spop (v2sf);
	v6 =	vor.u32 s22, v0;
	[tilespmem:s1+$0xC100] =	vst.msk vm13, v22  }
0xd9: {  	s24 =	simm.s32 $0xC0;
	[tilespmem:s1+$0x12180] =	vst.msk vm13, v6;
	s1 =	sadd.s32 s1, s23  }
0xda: {  	s25 =	spop (v2sf);
	v6 =	vor.u32 s24, v0;
	[tilespmem:s1+$0xC100] =	vst.msk vm14, v59  }
0xdb: {  	s26 =	simm.s32 $0xD0;
	[tilespmem:s1+$0x12180] =	vst.msk vm14, v6;
	s1 =	sadd.s32 s1, s25  }
0xdc: {  	s28 =	spop (v2sf);
	v6 =	vor.u32 s26, v0;
	[tilespmem:s1+$0xC100] =	vst.msk vm15, v57  }
0xdd: {  	s29 =	simm.s32 $0xE0;
	[tilespmem:s1+$0x12180] =	vst.msk vm15, v6;
	s1 =	sadd.s32 s1, s28  }
0xde: {  	s30 =	spop (v2sf);
	v6 =	vor.u32 s29, v0;
	[tilespmem:s1+$0xC100] =	vst.msk vm10, v54  }
0xdf: {  	s2 =	simm.s32 $0xF0;
	s4 =	sadd.s32 s1, s30;
	s31 =	spop (v2sf);
	[tilespmem:s1+$0x12180] =	vst.msk vm10, v6  }
0xe0: {  	s1 =	simm.s32 $0x1F0;
	s3 =	sadd.s32 s4, s31;
	[tilespmem:s4+$0xC100] =	vst.msk vm0, v5;
	v5 =	vor.u32 s2, v0  }
.LBB2_8:
0xe1: {  	p0 =	sne.s32 s1, $0x5FF0  }
0xe2: {  	[tilespmem:s4+$0x12180] =	vst.msk vm0, v5;
	s0 =	sadd.s32 $0x100, s0;
	s2 =	smov.u32 s1;
	s1 =	sadd.s32 $0x100, s1  }
0xe3: {  	v8 =	vld [tilespmem:s0+$0xFFFFFF80];
	_ =	sdelay $0x1  }
0xe4: {  	v9 =	vld [tilespmem:s0+$0xFFFFFF90];
	_ =	sdelay $0x1  }
0xe5: {  	v10 =	vld [tilespmem:s0+$0xFFFFFFA0]  }
0xe6: {  	vm4 =	vge.u32 v8, v4  }
0xe7: {  	v5 =	vmpcnt.ones.xlane vm4;
	v11 =	vld [tilespmem:s0+$0xFFFFFFB0]  }
0xe8: {  	vm6 =	vge.u32 v9, v4  }
0xe9: {  	v6 =	vmpcnt.ones.xlane vm6;
	v12 =	vld [tilespmem:s0+$0xFFFFFFC0];
	(v2sf) =	vpush v5, $0x0  }
0xea: {  	vm8 =	vge.u32 v10, v4  }
0xeb: {  	v5 =	vmpcnt.ones.xlane vm8;
	v13 =	vld [tilespmem:s0+$0xFFFFFFD0];
	(v2sf) =	vpush v6, $0x0  }
0xec: {  	vm9 =	vge.u32 v11, v4  }
0xed: {  	v6 =	vmpcnt.ones.xlane vm9;
	v14 =	vld [tilespmem:s0+$0xFFFFFFE0];
	(v2sf) =	vpush v5, $0x0  }
0xee: {  	vm0 =	vge.u32 v12, v4  }
0xef: {  	v7 =	vmpcnt.ones.xlane vm0;
	v15 =	vld [tilespmem:s0+$0xFFFFFFF0];
	(v2sf) =	vpush v6, $0x0  }
0xf0: {  	vm7 =	vge.u32 v13, v4;
	v5 =	vld [tilespmem:s0+$0x70]  }
0xf1: {  	v16 =	vmpcnt.ones.xlane vm7;
	v17 =	vld [tilespmem:s0+$0x0];
	(v2sf) =	vpush v7, $0x0  }
0xf2: {  	vm5 =	vge.u32 v14, v4;
	v6 =	vld [tilespmem:s0+$0x60]  }
0xf3: {  	v18 =	vmpcnt.ones.xlane vm5;
	v19 =	vld [tilespmem:s0+$0x10];
	(v2sf) =	vpush v16, $0x0  }
0xf4: {  	vm3 =	vge.u32 v15, v4;
	v7 =	vld [tilespmem:s0+$0x50]  }
0xf5: {  	v16 =	vmpcnt.ones.xlane vm3;
	v20 =	vld [tilespmem:s0+$0x20];
	(v2sf) =	vpush v18, $0x0  }
0xf6: {  	vm1 =	vge.u32 v17, v4;
	v18 =	vld [tilespmem:s0+$0x40]  }
0xf7: {  	s4 =	sadd.s32 $0xFFFFFF10, s2;
	v21 =	vmpcnt.ones.xlane vm1;
	v22 =	vld [tilespmem:s0+$0x30];
	(v2sf) =	vpush v16, $0x0  }
0xf8: {  	vm2 =	vge.u32 v19, v4;
	[tilespmem:s3+$0xC100] =	vst.msk vm4, v8;
	v8 =	vor.u32 s4, v0;
	s4 =	spop (v2sf)  }
0xf9: {  	s5 =	sadd.s32 $0xFFFFFF20, s2;
	v16 =	vmpcnt.ones.xlane vm2;
	[tilespmem:s3+$0x12180] =	vst.msk vm4, v8;
	s3 =	sadd.s32 s3, s4;
	(v2sf) =	vpush v21, $0x0  }
0xfa: {  	v8 =	vor.u32 s5, v0;
	vm4 =	vge.u32 v20, v4;
	[tilespmem:s3+$0xC100] =	vst.msk vm6, v9;
	s4 =	spop (v2sf)  }
0xfb: {  	s5 =	sadd.s32 $0xFFFFFF30, s2;
	v9 =	vmpcnt.ones.xlane vm4;
	[tilespmem:s3+$0x12180] =	vst.msk vm6, v8;
	s3 =	sadd.s32 s3, s4;
	(v2sf) =	vpush v16, $0x0  }
0xfc: {  	v8 =	vor.u32 s5, v0;
	vm6 =	vge.u32 v22, v4;
	[tilespmem:s3+$0xC100] =	vst.msk vm8, v10;
	s4 =	spop (v2sf)  }
0xfd: {  	s5 =	sadd.s32 $0xFFFFFF40, s2;
	v10 =	vmpcnt.ones.xlane vm6;
	[tilespmem:s3+$0x12180] =	vst.msk vm8, v8;
	s3 =	sadd.s32 s3, s4;
	(v2sf) =	vpush v9, $0x0  }
0xfe: {  	vm8 =	vge.u32 v18, v4;
	v8 =	vor.u32 s5, v0;
	[tilespmem:s3+$0xC100] =	vst.msk vm9, v11;
	s4 =	spop (v2sf)  }
0xff: {  	s5 =	sadd.s32 $0xFFFFFF50, s2;
	v9 =	vmpcnt.ones.xlane vm8;
	[tilespmem:s3+$0x12180] =	vst.msk vm9, v8;
	s3 =	sadd.s32 s3, s4;
	(v2sf) =	vpush v10, $0x0  }
0x100: {  	vm9 =	vge.u32 v7, v4;
	v8 =	vor.u32 s5, v0;
	[tilespmem:s3+$0xC100] =	vst.msk vm0, v12;
	s4 =	spop (v2sf)  }
0x101: {  	s5 =	sadd.s32 $0xFFFFFF60, s2;
	v10 =	vmpcnt.ones.xlane vm9;
	[tilespmem:s3+$0x12180] =	vst.msk vm0, v8;
	s3 =	sadd.s32 s3, s4;
	(v2sf) =	vpush v9, $0x0  }
0x102: {  	vm10 =	vge.u32 v6, v4;
	v8 =	vor.u32 s5, v0;
	[tilespmem:s3+$0xC100] =	vst.msk vm7, v13;
	s4 =	spop (v2sf)  }
0x103: {  	s5 =	sadd.s32 $0xFFFFFF70, s2;
	v9 =	vmpcnt.ones.xlane vm10;
	vm0 =	vge.u32 v5, v4;
	[tilespmem:s3+$0x12180] =	vst.msk vm7, v8;
	s3 =	sadd.s32 s3, s4;
	(v2sf) =	vpush v10, $0x0  }
0x104: {  	v8 =	vmpcnt.ones.xlane vm0;
	v10 =	vor.u32 s5, v0;
	[tilespmem:s3+$0xC100] =	vst.msk vm5, v14;
	s4 =	spop (v2sf)  }
0x105: {  	s5 =	sadd.s32 $0xFFFFFF80, s2;
	[tilespmem:s3+$0x12180] =	vst.msk vm5, v10;
	s3 =	sadd.s32 s3, s4;
	(v2sf) =	vpush v9, $0x0  }
0x106: {  	v9 =	vor.u32 s5, v0;
	[tilespmem:s3+$0xC100] =	vst.msk vm3, v15;
	s4 =	spop (v2sf);
	(v2sf) =	vpush v8, $0x0  }
0x107: {  	s5 =	sadd.s32 $0xFFFFFF90, s2;
	[tilespmem:s3+$0x12180] =	vst.msk vm3, v9;
	s3 =	sadd.s32 s3, s4  }
0x108: {  	v8 =	vor.u32 s5, v0;
	[tilespmem:s3+$0xC100] =	vst.msk vm1, v17;
	s4 =	spop (v2sf)  }
0x109: {  	s5 =	sadd.s32 $0xFFFFFFA0, s2;
	[tilespmem:s3+$0x12180] =	vst.msk vm1, v8;
	s3 =	sadd.s32 s3, s4  }
0x10a: {  	v8 =	vor.u32 s5, v0;
	[tilespmem:s3+$0xC100] =	vst.msk vm2, v19;
	s4 =	spop (v2sf)  }
0x10b: {  	s5 =	sadd.s32 $0xFFFFFFB0, s2;
	[tilespmem:s3+$0x12180] =	vst.msk vm2, v8;
	s3 =	sadd.s32 s3, s4  }
0x10c: {  	v8 =	vor.u32 s5, v0;
	[tilespmem:s3+$0xC100] =	vst.msk vm4, v20;
	s4 =	spop (v2sf)  }
0x10d: {  	s5 =	sadd.s32 $0xFFFFFFC0, s2;
	[tilespmem:s3+$0x12180] =	vst.msk vm4, v8;
	s3 =	sadd.s32 s3, s4  }
0x10e: {  	v8 =	vor.u32 s5, v0;
	[tilespmem:s3+$0xC100] =	vst.msk vm6, v22;
	s4 =	spop (v2sf)  }
0x10f: {  	s5 =	sadd.s32 $0xFFFFFFD0, s2;
	[tilespmem:s3+$0x12180] =	vst.msk vm6, v8;
	s3 =	sadd.s32 s3, s4  }
0x110: {  	v8 =	vor.u32 s5, v0;
	[tilespmem:s3+$0xC100] =	vst.msk vm8, v18;
	s4 =	spop (v2sf)  }
0x111: {  	s5 =	sadd.s32 $0xFFFFFFE0, s2;
	[tilespmem:s3+$0x12180] =	vst.msk vm8, v8;
	s3 =	sadd.s32 s3, s4  }
.Ltmp5:
0x112: {  	[tilespmem:s3+$0xC100] =	vst.msk vm9, v7;
	v7 =	vor.u32 s5, v0;
	s4 =	spop (v2sf);
	(pc) =	sbr.rel @p0 .LBB2_8-.Ltmp5, $4  }
0x113: {  	s5 =	sadd.s32 $0xFFFFFFF0, s2;
	[tilespmem:s3+$0x12180] =	vst.msk vm9, v7;
	s3 =	sadd.s32 s3, s4  }
0x114: {  	[tilespmem:s3+$0xC100] =	vst.msk vm10, v6;
	v6 =	vor.u32 s5, v0;
	s4 =	spop (v2sf)  }
0x115: {  	[tilespmem:s3+$0x12180] =	vst.msk vm10, v6;
	s4 =	sadd.s32 s3, s4;
	s3 =	spop (v2sf)  }
0x116: {  	[tilespmem:s4+$0xC100] =	vst.msk vm0, v5;
	v5 =	vor.u32 s2, v0;
	s3 =	sadd.s32 s4, s3  }
0x117: {  	s0 =	sadd.s32 $0xF, s3  }
0x118: {  	s1 =	sand.u32 $0xF, s0  }
0x119: {  	s31 =	sshra.s32 s0, $0x1F;
	p1 =	slt.s32 s0, $0x1;
	p0 =	sne.s32 s1, $0x0  }
.Ltmp6:
0x11a: {  	s1 =	sshrl.u32 s31, $0x1C;
	p0 =	por !p1, !p0;
	(pc) =	sbr.rel .LBB2_10-.Ltmp6, $4  }
0x11b: {  	s0 =	sadd.s32 s1, s0;
	s1 =	simm.s32 $0x1;
	p0 =	por !p0, !p0  }
0x11c: {  	[tilespmem:s4+$0x12180] =	vst.msk vm0, v5;
	s0 =	sshra.s32 s0, $0x4;
	s1 =	simm.s32 @!p0 $0x0  }
0x11d: {  	[tilespmem:s3+$0xC100] =	vst v1;
	s0 =	ssub.s32 s0, s1  }
0x11e: {  	s2 =	simm.s32 $0x0;
	[tilespmem:s3+$0x12180] =	vst v2;
	s1 =	simm.s32 $0x0;
	p0 =	slt.s32 s0, $0x1  }
.LBB2_11:
0x11f: {  	v4 =	vimm.s32 $0x0  }
.LBB2_20:
0x120: {  	(xrf0) =	vadd.scan.msk.s32 $0xffff, v4;
	_ =	sdelay $0x5  }
0x121: {  	v4, _, _ =	vpop (xrf0)  }
0x122: {  	(v2sf) =	vpush v4, $0xF;
	_ =	sdelay $0xa  }
0x123: {  	s2 =	sadd.s32 $0x1, s2  }
0x124: {  	p2 =	seq.s32 s2, $0x20  }
.Ltmp7:
0x125: {  	_ = 	snop;
	(pc) =	sbr.rel @p2 .LBB2_12-.Ltmp7, $4  }
0x126: {  	_ = 	snop  }
0x127: {  	s4 =	spop (v2sf)  }
0x128: {  	p1 =	sgt.s32 s4, $0x3F  }
0x129: {  	s1 =	smov.u32 @p1 s3  }
.LBB2_10:
.Ltmp8:
0x12a: {  	(pc) =	sbr.rel @p0 .LBB2_11-.Ltmp8, $3  }
0x12b: {  	_ =	sdelay $0x1  }
0x12c: {  	s3 =	sshrl.u32 s13, s2  }
0x12d: {  	s3 =	sor.u32 s3, s1  }
0x12e: {  	s4 =	simm.s32 $0xC100  }
0x12f: {  	p1 =	sne.s32 s0, $0x1;
	v6 =	vld [tilespmem:s4+$0x0]  }
.Ltmp9:
0x130: {  	_ = 	snop;
	(pc) =	sbr.rel @!p1 .LBB2_19-.Ltmp9, $3  }
0x131: {  	_ =	sdelay $0x1  }
0x132: {  	v5 =	vmov s3  }
0x133: {  	v4 =	vimm.s32 $0x0;
	s5 =	simm.s32 $0xC110;
	s4 =	sadd.s32 $0xFFFFFFFF, s0;
	vm0 =	vge.u32 v6, v5  }
.LBB2_18:
0x134: {  	v6 =	vld [tilespmem:s5+$0x0];
	p1 =	sne.s32 s4, $0x1;
	s4 =	sadd.s32 $0xFFFFFFFF, s4;
	v7 =	vsel vm0, $0x1, v1  }
.Ltmp10:
0x135: {  	v4 =	vadd.s32 v7, v4;
	(pc) =	sbr.rel @p1 .LBB2_18-.Ltmp10, $2  }
0x136: {  	_ =	sdelay $0x2  }
0x137: {  	s5 =	sadd.s32 $0x10, s5;
	vm0 =	vge.u32 v6, v5  }
.LBB2_19:
.Ltmp11:
0x138: {  	(pc) =	sbr.rel .LBB2_20-.Ltmp11, $3  }
0x139: {  	_ =	sdelay $0x1  }
0x13a: {  	v5 =	vsel vm0, $0x1, v1  }
0x13b: {  	v4 =	vadd.s32 v5, v4  }
.LBB2_12:
0x13c: {  	p0 =	sgt.s32 s0, $0x0  }
.Ltmp12:
0x13d: {  	_ = 	snop;
	(pc) =	sbr.rel @!p0 .LBB2_42-.Ltmp12, $2  }
0x13e: {  	_ =	sdelay $0x2  }
0x13f: {  	v4 =	vmov s1;
	s18 =	simm.s32 $0x0;
	s19 =	simm.s32 $0x0  }
0x140: {  	s1 =	simm.s32 $0xC100  }
0x141: {  	p6 =	sne.s32 s0, $0x1;
	v6 =	vld [tilespmem:s1+$0x0]  }
.Ltmp13:
0x142: {  	_ = 	snop;
	(pc) =	sbr.rel @!p6 .LBB2_15-.Ltmp13, $2  }
0x143: {  	_ =	sdelay $0x2  }
0x144: {  	v5 =	vimm.s32 $0x0;
	s2 =	simm.s32 $0xC110;
	s1 =	sadd.s32 $0xFFFFFFFF, s0;
	vm0 =	vgt.u32 v6, v4  }
.LBB2_14:
0x145: {  	v6 =	vld [tilespmem:s2+$0x0];
	p0 =	sne.s32 s1, $0x1;
	s1 =	sadd.s32 $0xFFFFFFFF, s1;
	v7 =	vsel vm0, $0x1, v1  }
.Ltmp14:
0x146: {  	v5 =	vadd.s32 v7, v5;
	(pc) =	sbr.rel @p0 .LBB2_14-.Ltmp14, $2  }
0x147: {  	_ =	sdelay $0x2  }
0x148: {  	s2 =	sadd.s32 $0x10, s2;
	vm0 =	vgt.u32 v6, v4  }
.LBB2_15:
0x149: {  	v6 =	vsel vm0, $0x1, v1  }
0x14a: {  	v5 =	vadd.s32 v6, v5  }
0x14b: {  	(xrf0) =	vadd.scan.msk.s32 $0xffff, v5;
	_ =	sdelay $0x5  }
0x14c: {  	v5, _, _ =	vpop (xrf0)  }
0x14d: {  	(v2sf) =	vpush v5, $0xF;
	_ =	sdelay $0x8  }
0x14e: {  	s1 =	simm.s32 $0xC100  }
0x14f: {  	v5 =	vld [tilespmem:s1+$0x0];
	_ =	sdelay $0x1  }
.Ltmp15:
0x150: {  	_ = 	snop;
	(pc) =	sbr.rel @!p6 .LBB2_16-.Ltmp15, $3  }
0x151: {  	_ =	sdelay $0x1  }
0x152: {  	s19 =	simm.s32 $0x0;
	vm0 =	veq.s32 v5, v4;
	s31 =	spop (v2sf)  }
0x153: {  	s30 =	simm.s32 $0x12180;
	s0 =	sadd.s32 $0xFFFFFFFF, s0;
	v6 =	vsel vm0, $0x1, v1;
	s20 =	ssub.s32 $0x40, s31  }
0x154: {  	s1 =	simm.s32 $0xC110;
	(xrf0) =	vadd.scan.msk.s32 $0xffff, v6  }
0x155: {  	v5 =	vld [tilespmem:s1+$0x0]  }
0x156: {  	p5 =	sne.s32 s0, $0x1  }
.Ltmp16:
0x157: {  	_ = 	snop;
	(pc) =	sbr.rel @!p5 .LBB2_22-.Ltmp16, $3  }
0x158: {  	_ =	sdelay $0x1  }
0x159: {  	vm1 =	vmmov vm0;
	vm0 =	veq.s32 v5, v4;
	v5, _, _ =	vpop (xrf0)  }
0x15a: {  	s0 =	sadd.s32 $0xFFFFFFFF, s0;
	v6 =	vsel vm0, $0x1, v1;
	(v2sf) =	vpush v5, $0xF  }
0x15b: {  	s1 =	simm.s32 $0xC120;
	(xrf0) =	vadd.scan.msk.s32 $0xffff, v6  }
0x15c: {  	v6 =	vld [tilespmem:s1+$0x0]  }
0x15d: {  	p5 =	sne.s32 s0, $0x1  }
.Ltmp17:
0x15e: {  	_ = 	snop;
	(pc) =	sbr.rel @!p5 .LBB2_24-.Ltmp17, $3  }
0x15f: {  	_ =	sdelay $0x1  }
0x160: {  	vm2 =	vmmov vm1;
	vm1 =	vmmov vm0;
	vm0 =	veq.s32 v6, v4;
	v7, _, _ =	vpop (xrf0)  }
0x161: {  	s0 =	sadd.s32 $0xFFFFFFFF, s0;
	v6 =	vsel vm0, $0x1, v1;
	(v2sf) =	vpush v7, $0xF  }
0x162: {  	s1 =	simm.s32 $0xC130;
	(xrf0) =	vadd.scan.msk.s32 $0xffff, v6  }
0x163: {  	v6 =	vld [tilespmem:s1+$0x0]  }
0x164: {  	p5 =	sne.s32 s0, $0x1  }
.Ltmp18:
0x165: {  	s2 =	ssub.s32 s20, s19;
	(pc) =	sbr.rel @!p5 .LBB2_26-.Ltmp18, $4  }
0x166: {  	vm3 =	veq.s32 v5, s2  }
0x167: {  	vm3 =	vmand vm2, vm3;
	vm2 =	vmmov vm1  }
0x168: {  	vm1 =	vmmov vm0;
	v8 =	vnsel vm3, $0x80000010, v3;
	vm0 =	veq.s32 v6, v4;
	v5, _, _ =	vpop (xrf0);
	s31 =	spop (v2sf)  }
0x169: {  	s0 =	sadd.s32 $0xFFFFFFFF, s0;
	(xrf0) =	vmin.scan.msk.u32 $0xffff, v8;
	v6 =	vsel vm0, $0x1, v1;
	(v2sf) =	vpush v5, $0xF;
	s15 =	sadd.s32 $0x0, s31  }
0x16a: {  	s1 =	simm.s32 $0xC140;
	(xrf0) =	vadd.scan.msk.s32 $0xffff, v6  }
0x16b: {  	v6 =	vld [tilespmem:s1+$0x0]  }
0x16c: {  	p5 =	sne.s32 s0, $0x1  }
.Ltmp19:
0x16d: {  	s2 =	ssub.s32 s20, s15;
	(pc) =	sbr.rel @!p5 .LBB2_28-.Ltmp19, $4  }
0x16e: {  	vm3 =	veq.s32 v7, s2  }
0x16f: {  	vm3 =	vmand vm2, vm3;
	vm2 =	vmmov vm1;
	vm1 =	vmmov vm0;
	v7, _, _ =	vpop (xrf0)  }
0x170: {  	v8 =	vnsel vm3, $0x80000010, v3;
	(v2sf) =	vpush v7, $0xF;
	vm0 =	veq.s32 v6, v4;
	v7, _, _ =	vpop (xrf0);
	s31 =	spop (v2sf)  }
0x171: {  	s0 =	sadd.s32 $0xFFFFFFFF, s0;
	(xrf0) =	vmin.scan.msk.u32 $0xffff, v8;
	v6 =	vsel vm0, $0x1, v1;
	(v2sf) =	vpush v7, $0xF;
	s12 =	sadd.s32 s15, s31  }
0x172: {  	s1 =	simm.s32 $0xC150;
	(xrf0) =	vadd.scan.msk.s32 $0xffff, v6  }
0x173: {  	v6 =	vld [tilespmem:s1+$0x0]  }
0x174: {  	p5 =	sne.s32 s0, $0x1  }
.Ltmp20:
0x175: {  	s2 =	ssub.s32 s20, s12;
	(pc) =	sbr.rel @!p5 .LBB2_30-.Ltmp20, $4  }
0x176: {  	vm3 =	veq.s32 v5, s2  }
0x177: {  	vm3 =	vmand vm2, vm3;
	vm2 =	vmmov vm1;
	vm1 =	vmmov vm0;
	v5, _, _ =	vpop (xrf0)  }
0x178: {  	v8 =	vnsel vm3, $0x80000010, v3;
	(v2sf) =	vpush v5, $0xF;
	vm0 =	veq.s32 v6, v4;
	v5, _, _ =	vpop (xrf0);
	s31 =	spop (v2sf)  }
0x179: {  	s0 =	sadd.s32 $0xFFFFFFFF, s0;
	(xrf0) =	vmin.scan.msk.u32 $0xffff, v8;
	v6 =	vsel vm0, $0x1, v1;
	(v2sf) =	vpush v5, $0xF;
	s7 =	sadd.s32 s12, s31  }
0x17a: {  	_ =	sdelay $0x2  }
0x17b: {  	s1 =	simm.s32 $0xC160;
	(xrf0) =	vadd.scan.msk.s32 $0xffff, v6;
	v6 =	vld [tilespmem:s30+$0x0]  }
0x17c: {  	v8 =	vld [tilespmem:s1+$0x0]  }
0x17d: {  	s2 =	ssub.s32 s20, s7;
	p5 =	sne.s32 s0, $0x1;
	s29 =	spop (v2sf)  }
.Ltmp21:
0x17e: {  	vm3 =	veq.s32 v7, s2;
	s16 =	sxor.u32 $0x80000000, s29;
	(pc) =	sbr.rel @!p5 .LBB2_32-.Ltmp21, $4  }
0x17f: {  	vm3 =	vmand vm2, vm3;
	vm2 =	vmmov vm1;
	v7 =	vmov s16  }
0x180: {  	vm1 =	vmmov vm0;
	v9, _, _ =	vpop (xrf0);
	vm4 =	veq.s32 v7, v0;
	v7 =	vnsel vm3, $0x80000010, v3  }
0x181: {  	s0 =	sadd.s32 $0xFFFFFFFF, s0;
	s3 =	simm.s32 $0x12190;
	(v2sf) =	vpush v9, $0xF;
	vm0 =	veq.s32 v8, v4;
	v9, _, _ =	vpop (xrf0);
	s31 =	spop (v2sf);
	(xrf0) =	vmin.scan.msk.u32 $0xffff, v7;
	v7 =	vnsel vm4, $0x0, v6  }
0x182: {  	p0 =	por $0x1, $0x1;
	[dreg:$0xc] =	wrdreg s3;
	(v2sf) =	vpush v9, $0xF;
	s9 =	sadd.s32 s7, s31;
	v6 =	vsel vm0, $0x1, v1;
	(xrf0) =	vadd.scan.msk.s32 $0xffff, v7  }
0x183: {  	s1 =	simm.s32 @!p0 $0x0  }
0x184: {  	p1 =	por $0x1, $0x1;
	s1 =	simm.s32 @p0 $0x1;
	p0 =	por $0x1, $0x1  }
0x185: {  	p2 =	por $0x1, $0x1;
	[smem:$0x7F8] =	sst s1;
	s1 =	simm.s32 @!p0 $0x0  }
0x186: {  	s28 =	simm.s32 $0xC170;
	(xrf0) =	vadd.scan.msk.s32 $0xffff, v6;
	v6 =	vld [tilespmem:s3+$0x0];
	s29 =	spop (v2sf);
	s1 =	simm.s32 @p0 $0x1  }
0x187: {  	v7 =	vld [tilespmem:s28+$0x0];
	s5 =	sxor.u32 $0x80000000, s29;
	[smem:$0x7F9] =	sst s1;
	s1 =	simm.s32 @!p1 $0x0  }
0x188: {  	s2 =	ssub.s32 s20, s9;
	p5 =	sne.s32 s0, $0x1;
	v8 =	vmov s5;
	s1 =	simm.s32 @p1 $0x1  }
.Ltmp22:
0x189: {  	vm3 =	veq.s32 v5, s2;
	[smem:$0x7FA] =	sst s1;
	s1 =	simm.s32 @!p2 $0x0;
	(pc) =	sbr.rel @!p5 .LBB2_34-.Ltmp22, $4  }
0x18a: {  	p3 =	por $0x1, $0x1;
	s0 =	sadd.s32 $0xFFFFFFFF, s0;
	vm3 =	vmand vm2, vm3;
	vm2 =	vmmov vm1;
	vm1 =	vmmov vm0;
	v5, _, _ =	vpop (xrf0);
	s1 =	simm.s32 @p2 $0x1  }
0x18b: {  	s11 =	simm.s32 $0x121A0;
	(v2sf) =	vpush v5, $0xF;
	v5 =	vnsel vm3, $0x80000010, v3;
	vm3 =	veq.s32 v8, v0;
	v8, _, _ =	vpop (xrf0);
	[smem:$0x7FB] =	sst s1;
	s1 =	simm.s32 @!p3 $0x0  }
0x18c: {  	p4 =	por $0x1, $0x1;
	s31 =	spop (v2sf);
	(xrf0) =	vmin.scan.msk.u32 $0xffff, v5;
	vm0 =	veq.s32 v7, v4;
	v5 =	vnsel vm3, $0x0, v6;
	v7, _, _ =	vpop (xrf0);
	(v2sf) =	vpush v8, $0xF;
	s1 =	simm.s32 @p3 $0x1  }
0x18d: {  	p0 =	por $0x1, $0x1;
	s8 =	sadd.s32 s9, s31;
	v6 =	vsel vm0, $0x1, v1;
	(xrf0) =	vadd.scan.msk.s32 $0xffff, v5;
	(v2sf) =	vpush v7, $0xF;
	[smem:$0x7FC] =	sst s1  }
0x18e: {  	_ =	sdelay $0x1  }
0x18f: {  	s28 =	simm.s32 $0xC180;
	(xrf0) =	vadd.scan.msk.s32 $0xffff, v6  }
0x190: {  	v5 =	vld [tilespmem:s28+$0x0]  }
0x191: {  	v8, _, _ =	vpop (xrf0)  }
0x192: {  	s2 =	spop (v2sf);
	(v2sf) =	vpush v8, $0xF;
	_ =	sdelay $0x1  }
0x193: {  	vm3 =	vmmov vm1;
	v63, _, _ =	vpop (xrf0)  }
0x194: {  	vm1 =	vmmov vm0;
	vm0 =	veq.s32 v5, v4;
	v5, _, _ =	vpop (xrf0);
	(v2sf) =	vpush v63, $0xF  }
0x195: {  	s31 =	spop (v2sf);
	(v2sf) =	vpush v5, $0xF  }
0x196: {  	v6 =	vld [tilespmem:s11+$0x0]  }
0x197: {  	s29 =	ssub.s32 s20, s8;
	p5 =	sne.s32 s0, $0x1  }
.Ltmp23:
0x198: {  	vm4 =	veq.s32 v9, s29;
	s6 =	sxor.u32 $0x80000000, s2;
	(pc) =	sbr.rel @!p5 .LBB2_36-.Ltmp23, $4  }
0x199: {  	s1 =	simm.s32 @!p4 $0x0;
	vm2 =	vmand vm2, vm4;
	v62 =	vmov s6  }
0x19a: {  	p1 =	por $0x1, $0x1;
	s1 =	simm.s32 @p4 $0x1;
	v8 =	vnsel vm2, $0x80000010, v3;
	vm2 =	veq.s32 v62, v0  }
0x19b: {  	[smem:$0x7FD] =	sst s1;
	s1 =	sadd.s32 $0xFFFFFFFF, s0;
	s0 =	simm.s32 $0x121B0;
	(xrf0) =	vmin.scan.msk.u32 $0xffff, v8;
	v8 =	vnsel vm2, $0x0, v6  }
0x19c: {  	p2 =	por $0x0, $0x0;
	[dreg:$0xd] =	wrdreg s0;
	s4 =	sadd.s32 s8, s31;
	v6 =	vsel vm0, $0x1, v1;
	(xrf0) =	vadd.scan.msk.s32 $0xffff, v8  }
0x19d: {  	_ =	sdelay $0x1  }
0x19e: {  	(xrf0) =	vadd.scan.msk.s32 $0xffff, v6;
	s2 =	ssub.s32 s20, s4;
	s3 =	spop (v2sf)  }
0x19f: {  	vm4 =	veq.s32 v7, s2;
	s23 =	sxor.u32 $0x80000000, s3  }
0x1a0: {  	vm4 =	vmand vm3, vm4;
	v10 =	vmov s23;
	v9, _, _ =	vpop (xrf0)  }
0x1a1: {  	(v2sf) =	vpush v9, $0xF;
	v9 =	vnsel vm4, $0x80000010, v3;
	_ =	sdelay $0x1  }
0x1a2: {  	vm4 =	veq.s32 v10, v0;
	v10, _, _ =	vpop (xrf0)  }
0x1a3: {  	s17 =	simm.s32 $0xC190;
	v6 =	vld [tilespmem:s0+$0x0];
	p5 =	sne.s32 s1, $0x1;
	(xrf0) =	vmin.scan.msk.u32 $0xffff, v9;
	(v2sf) =	vpush v10, $0xF;
	v9, _, _ =	vpop (xrf0)  }
0x1a4: {  	s21 =	sadd.s32 $0xFFFFFFFF, s1;
	p6 =	sgt.s32 s20, $0x0;
	p4 =	slt.s32 s16, $0x10;
	v8 =	vld [tilespmem:s17+$0x0];
	(v2sf) =	vpush v9, $0xF  }
0x1a5: {  	s1 =	simm.s32 $0x121C0;
	s14 =	simm.s32 $0x0;
	p2 =	por $0x1, $0x1  }
.Ltmp24:
0x1a6: {  	s28 =	smov.u32 s5;
	s24 =	smov.u32 s12;
	(pc) =	sbr.rel @!p5 .LBB2_38-.Ltmp24, $4  }
0x1a7: {  	s29 =	smov.u32 s7;
	s10 =	smov.u32 s9;
	s25 =	smov.u32 s8  }
0x1a8: {  	vm2 =	vmmov vm1;
	s22 =	smov.u32 s15;
	s26 =	spop (v2sf);
	s2 =	simm.s32 $0x0  }
0x1a9: {  	vm1 =	vmmov vm0;
	s30 =	spop (v2sf);
	s3 =	sadd.s32 $0x1, s26;
	s26 =	smov.u32 s4;
	vm0 =	veq.s32 v8, v4;
	v8 =	vnsel vm4, $0x0, v6  }
0x1aa: {  	s31 =	sadd.s32 s4, s30;
	s14 =	smov.u32 @p4 s3;
	s3 =	smov.u32 s6;
	v6 =	vsel vm0, $0x1, v1;
	(xrf0) =	vadd.scan.msk.s32 $0xffff, v8  }
.LBB2_39:
0x1ab: {  	s17 =	sadd.s32 $0x10, s17;
	s30 =	ssub.s32 s20, s31;
	s2 =	smov.u32 @p6 s14  }
0x1ac: {  	(xrf0) =	vadd.scan.msk.s32 $0xffff, v6;
	v6 =	vld [tilespmem:s1+$0x0];
	s14 =	smov.u32 s28;
	s28 =	smov.u32 s3;
	s3 =	smov.u32 s23  }
0x1ad: {  	p5 =	sne.s32 s21, $0x1;
	s21 =	sadd.s32 $0xFFFFFFFF, s21;
	v8 =	vld [tilespmem:s17+$0x0];
	vm4 =	veq.s32 v5, s30;
	v5 =	vmov v9;
	s30 =	smov.u32 s24  }
0x1ae: {  	s24 =	smov.u32 s29;
	s29 =	smov.u32 s10;
	vm4 =	vmand vm2, vm4;
	v9, _, _ =	vpop (xrf0);
	s23 =	spop (v2sf);
	vm2 =	vmmov vm1;
	vm1 =	vmmov vm0  }
.Ltmp25:
0x1af: {  	s10 =	smov.u32 s25;
	v11 =	vnsel vm4, $0x80000010, v3;
	(v2sf) =	vpush v9, $0xF;
	s23 =	sxor.u32 $0x80000000, s23;
	(pc) =	sbr.rel @p5 .LBB2_39-.Ltmp25, $4  }
0x1b0: {  	p6 =	sgt.s32 s20, s22;
	s25 =	smov.u32 s26;
	s26 =	smov.u32 s31;
	(xrf0) =	vmin.scan.msk.u32 $0xffff, v11;
	v11 =	vmov s23  }
0x1b1: {  	p4 =	slt.s32 s14, $0x10;
	s22 =	smov.u32 s30;
	vm4 =	veq.s32 v11, v0;
	v10, _, _ =	vpop (xrf0);
	s0 =	spop (v2sf)  }
0x1b2: {  	s14 =	smov.u32 s2;
	vm0 =	veq.s32 v8, v4;
	v9, _, _ =	vpop (xrf0);
	s30 =	spop (v2sf);
	v8 =	vnsel vm4, $0x0, v6;
	(v2sf) =	vpush v10, $0xF;
	s0 =	sadd.s32 $0x1, s0  }
0x1b3: {  	s1 =	sadd.s32 $0x10, s1;
	v6 =	vsel vm0, $0x1, v1;
	(v2sf) =	vpush v9, $0xF;
	s31 =	sadd.s32 s31, s30;
	(xrf0) =	vadd.scan.msk.s32 $0xffff, v8;
	s14 =	smov.u32 @p4 s0  }
0x1b4: {  	v8 =	vmov v5;
	v5 =	vmov v9;
	s30 =	simm.s32 $0x12180  }
.LBB2_41:
0x1b5: {  	p4 =	por !p6, !p2;
	s0 =	smov.u32 @p0 s3;
	s3 =	smov.u32 s16  }
0x1b6: {  	s17 =	sld [smem:$0x7FD];
	s21 =	smov.u32 s19;
	p3 =	por p0, p0  }
0x1b7: {  	s14 =	smov.u32 @p4 s2;
	s2 =	smov.u32 s19;
	s3 =	smov.u32 @p0 s0  }
0x1b8: {  	s0 =	smov.u32 @p1 s28;
	p4 =	sgt.s32 @p1 s20, s22;
	s22 =	sld [smem:$0x7F9]  }
0x1b9: {  	s28 =	sld [smem:$0x7FC];
	s2 =	smov.u32 @p2 s14;
	s14 =	smov.u32 @p0 s24  }
0x1ba: {  	p5 =	slt.s32 @p1 s0, $0x10;
	p4 =	por @!p1 p0, p0;
	p6 =	seq.s32 s17, $0x1  }
0x1bb: {  	s24 =	sld [smem:$0x7FB];
	s21 =	smov.u32 @p0 s14;
	s17 =	spop @p6 (v2sf)  }
0x1bc: {  	p5 =	por !p5, !p1;
	s14 =	simm.s32 @!p0 $0x0;
	s0 =	spop @p1 (v2sf)  }
0x1bd: {  	p4 =	por !p4, !p1;
	s14 =	simm.s32 @p0 $0x1;
	s0 =	sadd.s32 @p1 $0x1, s0  }
0x1be: {  	(xrf0) =	vadd.scan.msk.s32 $0xffff, v6;
	p0 =	seq.s32 s22, $0x1;
	v6 =	vld @p6 [tilespmem:s1+$0x0];
	s1 =	sadd.s32 @p6 $0x10, s1;
	s0 =	smov.u32 @p5 s2  }
0x1bf: {  	[smem:$0x7F7] =	sst s14;
	p2 =	seq.s32 s24, $0x1;
	s0 =	smov.u32 @p1 s0  }
0x1c0: {  	s24 =	rddreg [dreg:$0xd];
	s14 =	spop @p0 (v2sf);
	s0 =	smov.u32 @p4 s2  }
0x1c1: {  	s2 =	smov.u32 @p3 s3;
	s3 =	spop @p2 (v2sf);
	p4 =	sgt.s32 @p3 s20, s21  }
0x1c2: {  	s21 =	smov.u32 s19;
	p5 =	slt.s32 @p3 s2, $0x10;
	s2 =	spop @p3 (v2sf)  }
0x1c3: {  	s21 =	smov.u32 @p1 s0;
	s0 =	sadd.s32 @p3 $0x1, s2;
	s2 =	sld [smem:$0x7FA]  }
0x1c4: {  	s17 =	sxor.u32 @p6 $0x80000000, s17;
	s24 =	smov.u32 @p6 s1;
	s1 =	smov.u32 s5  }
0x1c5: {  	s22 =	smov.u32 @p2 s25;
	s14 =	sadd.s32 @p0 s31, s14;
	p5 =	por !p5, !p3  }
0x1c6: {  	p4 =	por @!p3 p0, p0;
	s0 =	smov.u32 @p5 s21;
	p1 =	seq.s32 s2, $0x1  }
0x1c7: {  	p4 =	por !p4, !p3;
	s2 =	smov.u32 @p3 s0;
	p3 =	seq.s32 s28, $0x1;
	v9, _, _ =	vpop @p1 (xrf0)  }
0x1c8: {  	s6 =	smov.u32 @p6 s17;
	s4 =	smov.u32 @p0 s14;
	s0 =	ssub.s32 @p0 s20, s31;
	(v2sf) =	vpush @p1 v9, $0xF;
	v9, _, _ =	vpop @p3 (xrf0)  }
0x1c9: {  	s28 =	sld [smem:$0x7F7];
	s2 =	smov.u32 @p4 s21;
	s14 =	smov.u32 @p3 s23;
	vm4 =	veq.s32 @p0 v8, s0;
	(v2sf) =	vpush @p3 v9, $0xF  }
0x1ca: {  	s0 =	smov.u32 @p3 s29;
	s23 =	smov.u32 @p0 s31;
	s31 =	sld [smem:$0x7F8];
	vm2 =	vmand @p0 vm2, vm4  }
0x1cb: {  	s21 =	smov.u32 @p6 s10;
	v8 =	vmov @p6 s17;
	s10 =	smov.u32 s15;
	s1 =	smov.u32 @p3 s14;
	v9 =	vnsel @p0 vm2, $0x80000010, v3;
	v63, _, _ =	vpop (xrf0)  }
0x1cc: {  	s14 =	smov.u32 @p1 s26;
	s10 =	smov.u32 @p3 s0;
	s0 =	smov.u32 s12;
	vm2 =	veq.s32 @p6 v8, v0;
	(xrf0) =	vmin.scan.msk.u32 @p0 $0xffff, v9;
	(v2sf) =	vpush v63, $0xF  }
0x1cd: {  	s0 =	smov.u32 @p6 s21;
	s21 =	smov.u32 s9;
	v6 =	vnsel @p6 vm2, $0x0, v6;
	p5 =	seq.s32 s31, $0x1  }
0x1ce: {  	s17 =	smov.u32 s7;
	s21 =	smov.u32 @p1 s14;
	(xrf0) =	vadd.scan.msk.s32 @p6 $0xffff, v6;
	vm1 =	vmmov @p5 vm1;
	v5 =	vpsel p5, v5, v7;
	s14 =	ssub.s32 @p5 s20, s4  }
0x1cf: {  	s3 =	sxor.u32 @p2 $0x80000000, s3;
	s17 =	smov.u32 @p2 s22;
	s22 =	smov.u32 s8;
	vm2 =	veq.s32 @p5 v5, s14;
	vm3 =	vmmov @p5 vm1  }
0x1d0: {  	s5 =	smov.u32 @p2 s3;
	s22 =	smov.u32 @p0 s23;
	s1 =	smov.u32 @p3 s1;
	vm1 =	vmand @p5 vm3, vm2  }
0x1d1: {  	p4 =	seq.s32 s28, $0x1;
	s10 =	smov.u32 @p3 s10;
	s23 =	spop @p5 (v2sf);
	v5 =	vld @p2 [tilespmem:s24+$0x0];
	v6 =	vnsel @p5 vm1, $0x80000010, v3  }
0x1d2: {  	v7 =	vmov @p2 s3;
	s3 =	smov.u32 s15;
	s9 =	smov.u32 @p5 s4;
	s14 =	sadd.s32 @p5 s4, s23;
	v9, _, _ =	vpop @p0 (xrf0);
	(xrf0) =	vmin.scan.msk.u32 @p5 $0xffff, v6  }
0x1d3: {  	vm0 =	vmmov vm0;
	s23 =	sadd.s32 @p2 $0x10, s24;
	s3 =	smov.u32 @p2 s17;
	s8 =	smov.u32 @p5 s14  }
0x1d4: {  	vm0 =	vmmov vm0;
	s17 =	smov.u32 @p0 s22;
	s4 =	smov.u32 s19;
	s26 =	ssub.s32 s20, s8;
	(v2sf) =	vpush @p0 v9, $0xF;
	v6, _, _ =	vpop @p6 (xrf0)  }
0x1d5: {  	s11 =	smov.u32 @p2 s23;
	s14 =	smov.u32 s16;
	vm2 =	veq.s32 @p2 v7, v0;
	s7 =	smov.u32 @p0 s17;
	vm14 =	veq.s32 v63, s26;
	(v2sf) =	vpush @p6 v6, $0xF  }
0x1d6: {  	s4 =	smov.u32 @p4 s2;
	p4 =	slt.s32 @p3 s1, $0x10;
	s14 =	smov.u32 @p6 s6;
	vm0 =	vmand vm0, vm14;
	v5 =	vnsel @p2 vm2, $0x0, v5  }
0x1d7: {  	s6 =	smov.u32 s19;
	p4 =	por !p4, !p3;
	(xrf0) =	vadd.scan.msk.s32 @p2 $0xffff, v5;
	v5 =	vnsel vm0, $0x80000010, v3;
	s2 =	spop @p1 (v2sf)  }
0x1d8: {  	s6 =	smov.u32 @p6 s0;
	s0 =	smov.u32 s12;
	(xrf0) =	vmin.scan.msk.u32 $0xffff, v5;
	v6, _, _ =	vpop @p5 (xrf0);
	s1 =	spop @p3 (v2sf)  }
0x1d9: {  	s0 =	smov.u32 @p1 s21;
	(v2sf) =	vpush @p5 v6, $0xF;
	s2 =	sxor.u32 @p1 $0x80000000, s2;
	s17 =	sadd.s32 @p3 $0x1, s1  }
0x1da: {  	v5 =	vld @p1 [tilespmem:s11+$0x0];
	s1 =	sadd.s32 @p1 $0x10, s11;
	v6 =	vmov @p1 s2;
	s16 =	smov.u32 @p1 s2;
	s2 =	smov.u32 @p5 s9  }
0x1db: {  	s29 =	spop (v2sf);
	s17 =	smov.u32 @p4 s4;
	p4 =	sgt.s32 @p3 s20, s10  }
0x1dc: {  	s10 =	rddreg [dreg:$0xc];
	s12 =	smov.u32 @p5 s2;
	s2 =	smov.u32 @p6 s6  }
0x1dd: {  	v7, _, _ =	vpop @p2 (xrf0);
	s10 =	smov.u32 @p1 s1;
	s1 =	smov.u32 s19;
	p4 =	por @!p3 p0, p0  }
0x1de: {  	(v2sf) =	vpush @p2 v7, $0xF;
	vm0 =	veq.s32 @p1 v6, v0;
	s6 =	smov.u32 @p3 s17;
	s2 =	smov.u32 @p6 s2;
	s1 =	smov.u32 @p1 s0;
	v6, _, _ =	vpop (xrf0)  }
0x1df: {  	v5 =	vnsel @p1 vm0, $0x0, v5;
	s0 =	smov.u32 @p0 s7;
	p4 =	por !p4, !p3;
	s7 =	smov.u32 s19;
	(v2sf) =	vpush v6, $0xF  }
0x1e0: {  	(xrf0) =	vadd.scan.msk.s32 @p1 $0xffff, v5;
	s15 =	smov.u32 @p0 s0;
	s0 =	smov.u32 @p6 s14;
	s6 =	smov.u32 @p4 s4  }
0x1e1: {  	s9 =	smov.u32 @p5 s12;
	s0 =	smov.u32 @p6 s0;
	s7 =	smov.u32 @p3 s6  }
0x1e2: {  	s6 =	simm.s32 $0x12180;
	p4 =	slt.s32 @p6 s0, $0x10;
	s0 =	sadd.s32 @p0 $0x10, s10  }
0x1e3: {  	v5 =	vld @p0 [tilespmem:s10+$0x0];
	s4 =	spop @p0 (v2sf);
	s6 =	smov.u32 @p0 s0;
	s0 =	smov.u32 s19  }
0x1e4: {  	p3 =	sgt.s32 @p6 s20, s2;
	s0 =	smov.u32 @p5 s9;
	s9 =	spop @p6 (v2sf)  }
0x1e5: {  	p4 =	por !p4, !p6;
	s4 =	sxor.u32 @p0 $0x80000000, s4;
	s9 =	sadd.s32 @p6 $0x1, s9  }
0x1e6: {  	p3 =	por @!p6 p0, p0;
	v6, _, _ =	vpop @p1 (xrf0);
	v7 =	vmov @p0 s4;
	s9 =	smov.u32 @p4 s7  }
0x1e7: {  	s2 =	smov.u32 @p2 s5;
	(v2sf) =	vpush @p1 v6, $0xF;
	vm0 =	veq.s32 @p0 v7, v0;
	v6 =	vld @p5 [tilespmem:s6+$0x0];
	p4 =	por !p3, !p6;
	s5 =	smov.u32 @p6 s9  }
0x1e8: {  	v5 =	vnsel @p0 vm0, $0x0, v5;
	s5 =	smov.u32 @p4 s7;
	s7 =	spop @p5 (v2sf)  }
0x1e9: {  	s9 =	smov.u32 @p2 s3;
	(xrf0) =	vadd.scan.msk.s32 @p0 $0xffff, v5;
	s3 =	sxor.u32 @p5 $0x80000000, s7  }
0x1ea: {  	s7 =	smov.u32 s19;
	v5 =	vmov @p5 s3  }
0x1eb: {  	s2 =	smov.u32 @p2 s2;
	s7 =	smov.u32 @p6 s5;
	s5 =	sadd.s32 @p5 $0x10, s6;
	vm0 =	veq.s32 @p5 v5, v0  }
0x1ec: {  	p4 =	slt.s32 @p2 s2, $0x10;
	s2 =	smov.u32 @p2 s9;
	s30 =	smov.u32 @p5 s5;
	v6 =	vnsel @p5 vm0, $0x0, v6  }
0x1ed: {  	s2 =	smov.u32 @p2 s2;
	s5 =	spop @p2 (v2sf);
	v5 =	vld [tilespmem:s30+$0x0]  }
0x1ee: {  	p4 =	por !p4, !p2;
	s5 =	sadd.s32 @p2 $0x1, s5;
	s30 =	spop (v2sf)  }
0x1ef: {  	s5 =	smov.u32 @p4 s7;
	p4 =	sgt.s32 @p2 s20, s2;
	(xrf0) =	vadd.scan.msk.s32 @p5 $0xffff, v6;
	v6, _, _ =	vpop @p0 (xrf0);
	s2 =	sxor.u32 $0x80000000, s30  }
0x1f0: {  	(v2sf) =	vpush @p0 v6, $0xF;
	v6 =	vmov s2  }
0x1f1: {  	vm15 =	veq.s32 v6, v0  }
0x1f2: {  	v5 =	vnsel vm15, $0x0, v5;
	_ =	sdelay $0x1  }
0x1f3: {  	s4 =	smov.u32 @p0 s4;
	(xrf0) =	vadd.scan.msk.s32 $0xffff, v5  }
0x1f4: {  	s1 =	smov.u32 @p1 s1;
	s0 =	smov.u32 @p5 s0;
	s4 =	smov.u32 @p0 s4;
	v5, _, _ =	vpop @p5 (xrf0)  }
0x1f5: {  	s1 =	smov.u32 @p1 s1;
	s0 =	smov.u32 @p5 s0;
	s4 =	smov.u32 @p0 s4;
	(v2sf) =	vpush @p5 v5, $0xF  }
0x1f6: {  	s0 =	smov.u32 @p5 s0;
	s6 =	smov.u32 @p1 s16;
	p4 =	por @!p2 p0, p0  }
0x1f7: {  	s6 =	smov.u32 @p1 s6;
	s5 =	smov.u32 @p2 s5;
	p4 =	por !p4, !p2  }
0x1f8: {  	s3 =	smov.u32 @p5 s3;
	s6 =	smov.u32 @p1 s6;
	s5 =	smov.u32 @p4 s7  }
0x1f9: {  	s7 =	smov.u32 @p0 s15;
	p4 =	slt.s32 @p1 s6, $0x10;
	s6 =	smov.u32 s19;
	v5, _, _ =	vpop (xrf0)  }
0x1fa: {  	s7 =	smov.u32 @p0 s7;
	s6 =	smov.u32 @p2 s5;
	s5 =	spop @p1 (v2sf);
	(v2sf) =	vpush v5, $0xF  }
0x1fb: {  	p3 =	por !p4, !p1;
	p4 =	sgt.s32 @p1 s20, s1;
	s5 =	sadd.s32 @p1 $0x1, s5  }
0x1fc: {  	s7 =	smov.u32 @p0 s7;
	p4 =	por @!p1 p0, p0;
	s5 =	smov.u32 @p3 s6  }
0x1fd: {  	s1 =	smov.u32 @p0 s7;
	p3 =	por !p4, !p1;
	s5 =	smov.u32 @p1 s5  }
0x1fe: {  	p2 =	slt.s32 @p0 s4, $0x10;
	s1 =	smov.u32 @p0 s1;
	s5 =	smov.u32 @p3 s6  }
0x1ff: {  	p3 =	sgt.s32 @p0 s20, s1;
	s1 =	smov.u32 s19;
	s4 =	spop @p0 (v2sf)  }
0x200: {  	p2 =	por !p2, !p0;
	s1 =	smov.u32 @p1 s5;
	s4 =	sadd.s32 @p0 $0x1, s4  }
0x201: {  	s3 =	smov.u32 @p5 s3;
	p3 =	por @!p0 p0, p0;
	s4 =	smov.u32 @p2 s1  }
0x202: {  	s3 =	smov.u32 @p5 s3;
	p2 =	por !p3, !p0;
	s4 =	smov.u32 @p0 s4  }
0x203: {  	s4 =	smov.u32 @p2 s1;
	s1 =	smov.u32 @p5 s3;
	p2 =	sgt.s32 @p5 s20, s0  }
0x204: {  	p3 =	slt.s32 @p5 s1, $0x10;
	s1 =	smov.u32 s19;
	s0 =	spop @p5 (v2sf)  }
0x205: {  	s1 =	smov.u32 @p0 s4;
	p1 =	por !p3, !p5;
	s0 =	sadd.s32 @p5 $0x1, s0  }
0x206: {  	p2 =	por @!p5 p0, p0;
	s0 =	smov.u32 @p1 s1  }
0x207: {  	p1 =	por !p2, !p5;
	s0 =	smov.u32 @p5 s0  }
0x208: {  	s0 =	smov.u32 @p1 s1  }
0x209: {  	s31 =	spop (v2sf);
	s19 =	smov.u32 @p5 s0  }
0x20a: {  	p0 =	slt.s32 s2, $0x10;
	s0 =	sadd.s32 $0x1, s31;
	s1 =	smov.u32 s19  }
0x20b: {  	p1 =	sgt.s32 s20, s8;
	s1 =	smov.u32 @p0 s0  }
0x20c: {  	s19 =	smov.u32 @p1 s1  }
.LBB2_42:
0x20d: {  	[tilespmem:$0x18200] =	vst v4;
	v4 =	vmov s19  }
0x20e: {  	s0 =	rddreg [dreg:$0x6];
	s1 =	simm.s32 $0x18200;
	s29 =	simm.s32 $0x2;
	[tilespmem:$0x18280] =	vst v4  }
0x20f: {  	[hbm4b:s0+s18] =	stream.linear.scatter [tilespmem:s1], [sflag:$0x2], $0x80, $0x38;
	[tilespmem:$0x18300] =	vst v63  }
0x210: {  	_ =	swait.ge [sflag:s29], $0x80  }
0x211: {  	[sflag:s29] =	ssyncset.done $0x0  }
0x212: {  	s2 =	simm.s32 $0x18280;
	s30 =	rddreg [dreg:$0x7];
	[sflag:s29] =	ssyncadd.s32 $0xFFFFFF80  }
0x213: {  	[hbm4b:s30+s18] =	stream.linear.scatter [tilespmem:s2], [sflag:$0x2], $0x80, $0x38;
	[tilespmem:$0x18300] =	vst v63  }
0x214: {  	_ =	swait.ge [sflag:s29], $0x80  }
0x215: {  	[sflag:s29] =	ssyncset.done $0x0  }
0x216: {  	s31 =	simm.s32 $0x1;
	[sflag:s29] =	ssyncadd.s32 $0xFFFFFF80  }
0x217: {  	_ =	swait.ge [sflag:s31], $0x6000  }
0x218: {  	s0 =	simm.s32 $0x60;
	[sflag:s31] =	ssyncset.done $0x0  }
0x219: {  	s1 =	simm.s32 $0x6030;
	s2 =	simm.s32 $0x30;
	[sflag:s31] =	ssyncadd.s32 $0xFFFFA000  }
.LBB2_43:
0x21a: {  	v4 =	vld [tilespmem:s2+$0xFFFFFFD0]  }
0x21b: {  	v5 =	vld [tilespmem:s2+$0xFFFFFFE0];
	_ =	sdelay $0x3  }
0x21c: {  	v6 =	vxor.u32 $0xFFFFFFFF, v4  }
0x21d: {  	v7 =	vxor.u32 $0xFFFFFFFF, v5;
	v8 =	vor.u32 $0x80000000, v5;
	vm0 =	vlt.s32 v5, $0x0  }
0x21e: {  	v5 =	vor.u32 $0x80000000, v4;
	vm1 =	vlt.s32 v4, $0x0;
	v4 =	vsel vm0, v7, v8  }
0x21f: {  	v7 =	vsel vm1, v6, v5;
	[tilespmem:s1+$0xFFFFFFE0] =	vst v4  }
0x220: {  	[tilespmem:s1+$0xFFFFFFD0] =	vst v7  }
0x221: {  	v5 =	vld [tilespmem:s2+$0xFFFFFFF0]  }
0x222: {  	v6 =	vld [tilespmem:s2+$0x0];
	_ =	sdelay $0x3  }
0x223: {  	v8 =	vxor.u32 $0xFFFFFFFF, v5  }
0x224: {  	v9 =	vor.u32 $0x80000000, v5;
	vm12 =	vlt.s32 v5, $0x0;
	v5 =	vxor.u32 $0xFFFFFFFF, v6  }
0x225: {  	vm13 =	vlt.s32 v6, $0x0;
	v9 =	vsel vm12, v8, v9;
	v8 =	vor.u32 $0x80000000, v6  }
0x226: {  	[tilespmem:s1+$0xFFFFFFF0] =	vst v9;
	v5 =	vsel vm13, v5, v8  }
0x227: {  	[tilespmem:s1+$0x0] =	vst v5  }
0x228: {  	v8 =	vld [tilespmem:s2+$0x10]  }
0x229: {  	v6 =	vld [tilespmem:s2+$0x20];
	_ =	sdelay $0x3  }
0x22a: {  	v10 =	vxor.u32 $0xFFFFFFFF, v8  }
0x22b: {  	v11 =	vxor.u32 $0xFFFFFFFF, v6;
	vm14 =	vlt.s32 v6, $0x0;
	v6 =	vor.u32 $0x80000000, v6  }
0x22c: {  	vm15 =	vlt.s32 v8, $0x0;
	v6 =	vsel vm14, v11, v6;
	v11 =	vor.u32 $0x80000000, v8  }
0x22d: {  	v8 =	vsel vm15, v10, v11;
	[tilespmem:s1+$0x20] =	vst v6  }
0x22e: {  	v11 =	vimm.s32 $0x0;
	[tilespmem:s1+$0x10] =	vst v8  }
0x22f: {  	s8 =	sor.u32 $0x70, s0;
	v7 =	vmax.u32 v11, v7;
	v10 =	vld [tilespmem:s2+$0x30]  }
0x230: {  	s4 =	simm.s32 $0x0;
	s5 =	sadd.s32 $0x80, s2;
	v7 =	vmax.u32 v7, v9;
	v9 =	vld [tilespmem:s8+$0x0]  }
0x231: {  	s6 =	smov.u32 s0;
	s7 =	smov.u32 s1;
	s3 =	smov.u32 s1;
	v4 =	vmax.u32 v11, v4  }
.LBB2_44:
0x232: {  	s4 =	sadd.s32 $0x4, s4;
	s6 =	sadd.s32 $0x80, s6;
	s7 =	sadd.s32 $0x80, s7  }
0x233: {  	v4 =	vmax.u32 v4, v5;
	v5 =	vmax.u32 v7, v8;
	p0 =	slt.u32 s4, $0x2C  }
0x234: {  	v7 =	vxor.u32 $0xFFFFFFFF, v10;
	v8 =	vor.u32 $0x80000000, v10;
	vm0 =	vlt.s32 v10, $0x0  }
0x235: {  	v7 =	vsel vm0, v7, v8;
	v8 =	vxor.u32 $0xFFFFFFFF, v9;
	v10 =	vor.u32 $0x80000000, v9  }
0x236: {  	v4 =	vmax.u32 v4, v6;
	vm0 =	vlt.s32 v9, $0x0;
	[tilespmem:s3+$0x30] =	vst v7;
	v5 =	vmax.u32 v5, v7;
	s3 =	smov.u32 s7  }
0x237: {  	v6 =	vsel vm0, v8, v10  }
0x238: {  	v4 =	vmax.u32 v4, v6;
	[tilespmem:s8+$0x6000] =	vst v6  }
0x239: {  	v6 =	vld [tilespmem:s5+$0xFFFFFFD0]  }
0x23a: {  	v7 =	vld [tilespmem:s5+$0xFFFFFFE0];
	_ =	sdelay $0x3  }
0x23b: {  	v8 =	vxor.u32 $0xFFFFFFFF, v6;
	v9 =	vor.u32 $0x80000000, v6;
	vm0 =	vlt.s32 v6, $0x0  }
0x23c: {  	v6 =	vxor.u32 $0xFFFFFFFF, v7;
	v10 =	vor.u32 $0x80000000, v7;
	vm1 =	vlt.s32 v7, $0x0  }
0x23d: {  	v7 =	vsel vm0, v8, v9;
	v6 =	vsel vm1, v6, v10  }
0x23e: {  	[tilespmem:s7+$0xFFFFFFE0] =	vst v6;
	v4 =	vmax.u32 v4, v6  }
0x23f: {  	[tilespmem:s7+$0xFFFFFFD0] =	vst v7  }
0x240: {  	v6 =	vld [tilespmem:s5+$0xFFFFFFF0]  }
0x241: {  	v8 =	vld [tilespmem:s5+$0x0];
	_ =	sdelay $0x2  }
0x242: {  	v5 =	vmax.u32 v5, v7  }
0x243: {  	v7 =	vxor.u32 $0xFFFFFFFF, v6;
	v9 =	vor.u32 $0x80000000, v6;
	vm0 =	vlt.s32 v6, $0x0  }
0x244: {  	v6 =	vsel vm0, v7, v9;
	v9 =	vxor.u32 $0xFFFFFFFF, v8;
	v10 =	vor.u32 $0x80000000, v8  }
0x245: {  	vm0 =	vlt.s32 v8, $0x0;
	[tilespmem:s7+$0xFFFFFFF0] =	vst v6;
	v7 =	vmax.u32 v5, v6  }
0x246: {  	v5 =	vsel vm0, v9, v10  }
0x247: {  	[tilespmem:s7+$0x0] =	vst v5  }
0x248: {  	v6 =	vld [tilespmem:s5+$0x10]  }
0x249: {  	v8 =	vld [tilespmem:s5+$0x20];
	_ =	sdelay $0x3  }
0x24a: {  	v9 =	vxor.u32 $0xFFFFFFFF, v6;
	v10 =	vor.u32 $0x80000000, v6;
	vm0 =	vlt.s32 v6, $0x0  }
0x24b: {  	v6 =	vxor.u32 $0xFFFFFFFF, v8;
	v11 =	vor.u32 $0x80000000, v8;
	vm1 =	vlt.s32 v8, $0x0  }
0x24c: {  	v8 =	vsel vm0, v9, v10;
	v6 =	vsel vm1, v6, v11  }
.Ltmp26:
0x24d: {  	[tilespmem:s7+$0x20] =	vst v6;
	(pc) =	sbr.rel @p0 .LBB2_44-.Ltmp26, $4  }
0x24e: {  	[tilespmem:s7+$0x10] =	vst v8  }
0x24f: {  	s8 =	sor.u32 $0x70, s6;
	v10 =	vld [tilespmem:s5+$0x30]  }
0x250: {  	v9 =	vld [tilespmem:s8+$0x0]  }
0x251: {  	s5 =	sadd.s32 $0x80, s5  }
0x252: {  	_ = 	snop  }
0x253: {  	v4 =	vmax.u32 v4, v5;
	v7 =	vmax.u32 v7, v8;
	s4 =	sshll.u32 s18, $0x4;
	s18 =	sadd.s32 $0x1, s18  }
0x254: {  	p0 =	sne.s32 s18, $0x10;
	v11 =	vxor.u32 $0xFFFFFFFF, v10;
	vm0 =	vlt.s32 v10, $0x0;
	v60 =	vor.u32 $0x80000000, v10  }
.Ltmp27:
0x255: {  	v61 =	vxor.u32 $0xFFFFFFFF, v9;
	vm15 =	vlt.s32 v9, $0x0;
	v62 =	vor.u32 $0x80000000, v9;
	(pc) =	sbr.rel @p0 .LBB2_43-.Ltmp27, $4  }
0x256: {  	v4 =	vmax.u32 v4, v6;
	v5 =	vsel vm0, v11, v60;
	v63 =	vsel vm15, v61, v62  }
0x257: {  	[tilespmem:s3+$0x30] =	vst v5;
	v5 =	vmax.u32 v7, v5;
	v4 =	vmax.u32 v4, v63  }
0x258: {  	s31 =	sand.u32 $0x3FFFFFF0, s4;
	[tilespmem:s8+$0x6000] =	vst v63;
	v4 =	vmax.u32 v5, v4  }
0x259: {  	s0 =	sadd.s32 $0x600, s0;
	s1 =	sadd.s32 $0x600, s1;
	s2 =	sadd.s32 $0x600, s2;
	[tilespmem:s31+$0xC000] =	vst v4  }
0x25a: {  	v18 =	vld [tilespmem:$0xC000]  }
0x25b: {  	v19 =	vld [tilespmem:$0xC010]  }
0x25c: {  	v17 =	vld [tilespmem:$0xC020]  }
0x25d: {  	v16 =	vld [tilespmem:$0xC030]  }
0x25e: {  	v15 =	vld [tilespmem:$0xC040]  }
0x25f: {  	v14 =	vld [tilespmem:$0xC050]  }
0x260: {  	v13 =	vld [tilespmem:$0xC060]  }
0x261: {  	v12 =	vld [tilespmem:$0xC070]  }
0x262: {  	v11 =	vld [tilespmem:$0xC080]  }
0x263: {  	v10 =	vld [tilespmem:$0xC090]  }
0x264: {  	v9 =	vld [tilespmem:$0xC0A0]  }
0x265: {  	v8 =	vld [tilespmem:$0xC0B0]  }
0x266: {  	v7 =	vld [tilespmem:$0xC0C0]  }
0x267: {  	v6 =	vld [tilespmem:$0xC0D0]  }
0x268: {  	v5 =	vld [tilespmem:$0xC0E0]  }
0x269: {  	s0 =	simm.s32 $0x0;
	v4 =	vld [tilespmem:$0xC0F0];
	s3 =	simm.s32 $0x80000000;
	s1 =	simm.s32 $0x1  }
.LBB2_47:
0x26a: {  	p0 =	seq.s32 s1, $0x1F;
	s2 =	sor.u32 s3, s0  }
0x26b: {  	vm0 =	vge.u32 v18, s2;
	vm1 =	vge.u32 v19, s2  }
0x26c: {  	v20 =	vsel vm0, $0x1, v1;
	v21 =	vsel vm1, $0x1, v1;
	vm0 =	vge.u32 v17, s2  }
0x26d: {  	v20 =	vadd.s32 v21, v20;
	v21 =	vsel vm0, $0x1, v1;
	vm0 =	vge.u32 v16, s2  }
0x26e: {  	v20 =	vadd.s32 v21, v20;
	v21 =	vsel vm0, $0x1, v1;
	vm0 =	vge.u32 v15, s2  }
0x26f: {  	v20 =	vadd.s32 v21, v20;
	v21 =	vsel vm0, $0x1, v1;
	vm0 =	vge.u32 v14, s2  }
0x270: {  	v20 =	vadd.s32 v21, v20;
	v21 =	vsel vm0, $0x1, v1;
	vm0 =	vge.u32 v13, s2  }
0x271: {  	v20 =	vadd.s32 v21, v20;
	v21 =	vsel vm0, $0x1, v1;
	vm0 =	vge.u32 v12, s2  }
0x272: {  	v20 =	vadd.s32 v21, v20;
	v21 =	vsel vm0, $0x1, v1;
	vm0 =	vge.u32 v11, s2  }
0x273: {  	v20 =	vadd.s32 v21, v20;
	v21 =	vsel vm0, $0x1, v1;
	vm0 =	vge.u32 v10, s2  }
0x274: {  	v20 =	vadd.s32 v21, v20;
	v21 =	vsel vm0, $0x1, v1;
	vm0 =	vge.u32 v9, s2  }
0x275: {  	v20 =	vadd.s32 v21, v20;
	v21 =	vsel vm0, $0x1, v1;
	vm0 =	vge.u32 v8, s2  }
0x276: {  	v20 =	vadd.s32 v21, v20;
	v21 =	vsel vm0, $0x1, v1;
	vm0 =	vge.u32 v7, s2  }
0x277: {  	v20 =	vadd.s32 v21, v20;
	v21 =	vsel vm0, $0x1, v1;
	vm0 =	vge.u32 v6, s2  }
0x278: {  	v20 =	vadd.s32 v21, v20;
	v21 =	vsel vm0, $0x1, v1;
	vm0 =	vge.u32 v5, s2  }
0x279: {  	v20 =	vadd.s32 v21, v20;
	v21 =	vsel vm0, $0x1, v1;
	vm0 =	vge.u32 v4, s2  }
0x27a: {  	v20 =	vadd.s32 v21, v20;
	v21 =	vsel vm0, $0x1, v1  }
0x27b: {  	v20 =	vadd.s32 v21, v20  }
0x27c: {  	(xrf0) =	vadd.scan.msk.s32 $0xffff, v20;
	_ =	sdelay $0x5  }
0x27d: {  	v20, _, _ =	vpop (xrf0)  }
0x27e: {  	(v2sf) =	vpush v20, $0xF;
	_ =	sdelay $0xc  }
.Ltmp28:
0x27f: {  	(pc) =	sbr.rel @!p0 .LBB2_47-.Ltmp28, $4  }
0x280: {  	_ = 	snop  }
0x281: {  	s3 =	spop (v2sf)  }
0x282: {  	p1 =	sgt.s32 s3, $0x3F  }
0x283: {  	s3 =	sshrl.u32 s13, s1;
	s1 =	sadd.s32 $0x1, s1;
	s0 =	smov.u32 @p1 s2  }
0x284: {  	s1 =	sor.u32 s3, s0  }
0x285: {  	vm0 =	vge.u32 v18, s1;
	vm1 =	vge.u32 v19, s1  }
0x286: {  	v18 =	vsel vm0, $0x1, v1;
	v19 =	vsel vm1, $0x1, v1;
	vm0 =	vge.u32 v17, s1  }
0x287: {  	v22 =	vadd.s32 v19, v18;
	v23 =	vsel vm0, $0x1, v1;
	vm0 =	vge.u32 v16, s1  }
0x288: {  	v24 =	vadd.s32 v23, v22;
	v25 =	vsel vm0, $0x1, v1;
	vm0 =	vge.u32 v15, s1  }
0x289: {  	v26 =	vadd.s32 v25, v24;
	v27 =	vsel vm0, $0x1, v1;
	vm0 =	vge.u32 v14, s1  }
0x28a: {  	v28 =	vadd.s32 v27, v26;
	v29 =	vsel vm0, $0x1, v1;
	vm0 =	vge.u32 v13, s1  }
0x28b: {  	v30 =	vadd.s32 v29, v28;
	v31 =	vsel vm0, $0x1, v1;
	vm0 =	vge.u32 v12, s1  }
0x28c: {  	v32 =	vadd.s32 v31, v30;
	v33 =	vsel vm0, $0x1, v1;
	vm0 =	vge.u32 v11, s1  }
0x28d: {  	v34 =	vadd.s32 v33, v32;
	v35 =	vsel vm0, $0x1, v1;
	vm0 =	vge.u32 v10, s1  }
0x28e: {  	v36 =	vadd.s32 v35, v34;
	v37 =	vsel vm0, $0x1, v1;
	vm0 =	vge.u32 v9, s1  }
0x28f: {  	v38 =	vadd.s32 v37, v36;
	v39 =	vsel vm0, $0x1, v1;
	vm0 =	vge.u32 v8, s1  }
0x290: {  	v40 =	vadd.s32 v39, v38;
	v41 =	vsel vm0, $0x1, v1;
	vm0 =	vge.u32 v7, s1  }
0x291: {  	v7 =	vadd.s32 v41, v40;
	v42 =	vsel vm0, $0x1, v1;
	vm0 =	vge.u32 v6, s1  }
0x292: {  	v6 =	vadd.s32 v42, v7;
	v7 =	vsel vm0, $0x1, v1;
	vm0 =	vge.u32 v5, s1  }
0x293: {  	v5 =	vadd.s32 v7, v6;
	v6 =	vsel vm0, $0x1, v1;
	vm0 =	vge.u32 v4, s1  }
0x294: {  	v4 =	vadd.s32 v6, v5;
	v5 =	vsel vm0, $0x1, v1  }
0x295: {  	v4 =	vadd.s32 v5, v4  }
0x296: {  	(xrf0) =	vadd.scan.msk.s32 $0xffff, v4;
	_ =	sdelay $0x5  }
0x297: {  	v4, _, _ =	vpop (xrf0)  }
0x298: {  	(v2sf) =	vpush v4, $0xF;
	_ =	sdelay $0xe  }
0x299: {  	s2 =	spop (v2sf)  }
0x29a: {  	p0 =	sgt.s32 s2, $0x3F  }
0x29b: {  	s0 =	smov.u32 @p0 s1  }
0x29c: {  	v4 =	vmov s0;
	s0 =	simm.s32 $0x6080  }
0x29d: {  	v6 =	vld [tilespmem:s0+$0xFFFFFF80];
	_ =	sdelay $0x1  }
0x29e: {  	v7 =	vld [tilespmem:s0+$0xFFFFFF90];
	_ =	sdelay $0x1  }
0x29f: {  	v43 =	vld [tilespmem:s0+$0xFFFFFFA0]  }
0x2a0: {  	vm4 =	vge.u32 v6, v4  }
0x2a1: {  	v44 =	vld [tilespmem:s0+$0xFFFFFFB0];
	v5 =	vmpcnt.ones.xlane vm4  }
0x2a2: {  	vm6 =	vge.u32 v7, v4  }
0x2a3: {  	v46 =	vld [tilespmem:s0+$0xFFFFFFC0];
	v45 =	vmpcnt.ones.xlane vm6;
	(v2sf) =	vpush v5, $0x0  }
0x2a4: {  	vm8 =	vge.u32 v43, v4  }
0x2a5: {  	v47 =	vld [tilespmem:s0+$0xFFFFFFD0];
	v5 =	vmpcnt.ones.xlane vm8;
	(v2sf) =	vpush v45, $0x0  }
0x2a6: {  	vm9 =	vge.u32 v44, v4  }
0x2a7: {  	v49 =	vld [tilespmem:s0+$0xFFFFFFE0];
	v48 =	vmpcnt.ones.xlane vm9;
	(v2sf) =	vpush v5, $0x0  }
0x2a8: {  	vm0 =	vge.u32 v46, v4  }
0x2a9: {  	v51 =	vld [tilespmem:s0+$0xFFFFFFF0];
	v50 =	vmpcnt.ones.xlane vm0;
	(v2sf) =	vpush v48, $0x0  }
0x2aa: {  	vm7 =	vge.u32 v47, v4  }
0x2ab: {  	v53 =	vld [tilespmem:s0+$0x0];
	v52 =	vmpcnt.ones.xlane vm7;
	(v2sf) =	vpush v50, $0x0  }
0x2ac: {  	v54 =	vld [tilespmem:s0+$0x60];
	vm5 =	vge.u32 v49, v4  }
0x2ad: {  	v56 =	vld [tilespmem:s0+$0x10];
	v55 =	vmpcnt.ones.xlane vm5;
	(v2sf) =	vpush v52, $0x0  }
0x2ae: {  	v57 =	vld [tilespmem:s0+$0x50];
	vm3 =	vge.u32 v51, v4  }
0x2af: {  	v20 =	vld [tilespmem:s0+$0x20];
	v58 =	vmpcnt.ones.xlane vm3;
	(v2sf) =	vpush v55, $0x0  }
0x2b0: {  	v59 =	vld [tilespmem:s0+$0x40];
	vm1 =	vge.u32 v53, v4  }
0x2b1: {  	s25 =	simm.s32 $0x0;
	s26 =	simm.s32 $0x0;
	v22 =	vld [tilespmem:s0+$0x30];
	v21 =	vmpcnt.ones.xlane vm1;
	(v2sf) =	vpush v58, $0x0  }
0x2b2: {  	vm2 =	vge.u32 v56, v4;
	v5 =	vld [tilespmem:s0+$0x70];
	[tilespmem:s25+$0xC100] =	vst.msk vm4, v6;
	v6 =	vor.u32 s26, v0;
	s28 =	spop (v2sf)  }
0x2b3: {  	s4 =	simm.s32 $0x10;
	v60 =	vmpcnt.ones.xlane vm2;
	[tilespmem:s25+$0x12180] =	vst.msk vm4, v6;
	(v2sf) =	vpush v21, $0x0;
	s29 =	sadd.s32 $0x0, s28  }
0x2b4: {  	vm12 =	vge.u32 v20, v4;
	v6 =	vor.u32 s4, v0;
	s30 =	spop (v2sf);
	[tilespmem:s29+$0xC100] =	vst.msk vm6, v7  }
0x2b5: {  	s31 =	simm.s32 $0x20;
	(v2sf) =	vpush v60, $0x0;
	v7 =	vmpcnt.ones.xlane vm12;
	s1 =	sadd.s32 s29, s30;
	[tilespmem:s29+$0x12180] =	vst.msk vm6, v6  }
0x2b6: {  	vm13 =	vge.u32 v22, v4;
	s4 =	spop (v2sf);
	v6 =	vor.u32 s31, v0;
	[tilespmem:s1+$0xC100] =	vst.msk vm8, v43  }
0x2b7: {  	s5 =	simm.s32 $0x30;
	v61 =	vmpcnt.ones.xlane vm13;
	(v2sf) =	vpush v7, $0x0;
	[tilespmem:s1+$0x12180] =	vst.msk vm8, v6;
	s1 =	sadd.s32 s1, s4  }
0x2b8: {  	vm14 =	vge.u32 v59, v4;
	s6 =	spop (v2sf);
	v6 =	vor.u32 s5, v0;
	[tilespmem:s1+$0xC100] =	vst.msk vm9, v44  }
0x2b9: {  	s7 =	simm.s32 $0x40;
	v7 =	vmpcnt.ones.xlane vm14;
	(v2sf) =	vpush v61, $0x0;
	[tilespmem:s1+$0x12180] =	vst.msk vm9, v6;
	s1 =	sadd.s32 s1, s6  }
0x2ba: {  	vm15 =	vge.u32 v57, v4;
	s8 =	spop (v2sf);
	v6 =	vor.u32 s7, v0;
	[tilespmem:s1+$0xC100] =	vst.msk vm0, v46  }
0x2bb: {  	s9 =	simm.s32 $0x50;
	v62 =	vmpcnt.ones.xlane vm15;
	(v2sf) =	vpush v7, $0x0;
	[tilespmem:s1+$0x12180] =	vst.msk vm0, v6;
	s1 =	sadd.s32 s1, s8  }
0x2bc: {  	vm10 =	vge.u32 v54, v4;
	s10 =	spop (v2sf);
	v6 =	vor.u32 s9, v0;
	[tilespmem:s1+$0xC100] =	vst.msk vm7, v47  }
0x2bd: {  	s11 =	simm.s32 $0x60;
	v7 =	vmpcnt.ones.xlane vm10;
	(v2sf) =	vpush v62, $0x0;
	vm0 =	vge.u32 v5, v4;
	[tilespmem:s1+$0x12180] =	vst.msk vm7, v6;
	s1 =	sadd.s32 s1, s10  }
0x2be: {  	v63 =	vor.u32 s11, v0;
	s12 =	spop (v2sf);
	v6 =	vmpcnt.ones.xlane vm0;
	[tilespmem:s1+$0xC100] =	vst.msk vm5, v49  }
0x2bf: {  	s14 =	simm.s32 $0x70;
	(v2sf) =	vpush v7, $0x0;
	[tilespmem:s1+$0x12180] =	vst.msk vm5, v63;
	s1 =	sadd.s32 s1, s12  }
0x2c0: {  	s15 =	spop (v2sf);
	v7 =	vor.u32 s14, v0;
	(v2sf) =	vpush v6, $0x0;
	[tilespmem:s1+$0xC100] =	vst.msk vm3, v51  }
0x2c1: {  	s16 =	simm.s32 $0x80;
	[tilespmem:s1+$0x12180] =	vst.msk vm3, v7;
	s1 =	sadd.s32 s1, s15  }
0x2c2: {  	v6 =	vor.u32 s16, v0;
	s17 =	spop (v2sf);
	[tilespmem:s1+$0xC100] =	vst.msk vm1, v53  }
0x2c3: {  	s18 =	simm.s32 $0x90;
	[tilespmem:s1+$0x12180] =	vst.msk vm1, v6;
	s1 =	sadd.s32 s1, s17  }
0x2c4: {  	s19 =	spop (v2sf);
	v6 =	vor.u32 s18, v0;
	[tilespmem:s1+$0xC100] =	vst.msk vm2, v56  }
0x2c5: {  	s20 =	simm.s32 $0xA0;
	[tilespmem:s1+$0x12180] =	vst.msk vm2, v6;
	s1 =	sadd.s32 s1, s19  }
0x2c6: {  	v6 =	vor.u32 s20, v0;
	s21 =	spop (v2sf);
	[tilespmem:s1+$0xC100] =	vst.msk vm12, v20  }
0x2c7: {  	s22 =	simm.s32 $0xB0;
	[tilespmem:s1+$0x12180] =	vst.msk vm12, v6;
	s1 =	sadd.s32 s1, s21  }
0x2c8: {  	s23 =	spop (v2sf);
	v6 =	vor.u32 s22, v0;
	[tilespmem:s1+$0xC100] =	vst.msk vm13, v22  }
0x2c9: {  	s24 =	simm.s32 $0xC0;
	[tilespmem:s1+$0x12180] =	vst.msk vm13, v6;
	s1 =	sadd.s32 s1, s23  }
0x2ca: {  	s25 =	spop (v2sf);
	v6 =	vor.u32 s24, v0;
	[tilespmem:s1+$0xC100] =	vst.msk vm14, v59  }
0x2cb: {  	s26 =	simm.s32 $0xD0;
	[tilespmem:s1+$0x12180] =	vst.msk vm14, v6;
	s1 =	sadd.s32 s1, s25  }
0x2cc: {  	s28 =	spop (v2sf);
	v6 =	vor.u32 s26, v0;
	[tilespmem:s1+$0xC100] =	vst.msk vm15, v57  }
0x2cd: {  	s29 =	simm.s32 $0xE0;
	[tilespmem:s1+$0x12180] =	vst.msk vm15, v6;
	s1 =	sadd.s32 s1, s28  }
0x2ce: {  	s30 =	spop (v2sf);
	v6 =	vor.u32 s29, v0;
	[tilespmem:s1+$0xC100] =	vst.msk vm10, v54  }
0x2cf: {  	s2 =	simm.s32 $0xF0;
	s4 =	sadd.s32 s1, s30;
	s31 =	spop (v2sf);
	[tilespmem:s1+$0x12180] =	vst.msk vm10, v6  }
0x2d0: {  	s1 =	simm.s32 $0x1F0;
	s3 =	sadd.s32 s4, s31;
	[tilespmem:s4+$0xC100] =	vst.msk vm0, v5;
	v5 =	vor.u32 s2, v0  }
.LBB2_49:
0x2d1: {  	p0 =	sne.s32 s1, $0x5FF0  }
0x2d2: {  	[tilespmem:s4+$0x12180] =	vst.msk vm0, v5;
	s0 =	sadd.s32 $0x100, s0;
	s2 =	smov.u32 s1;
	s1 =	sadd.s32 $0x100, s1  }
0x2d3: {  	v8 =	vld [tilespmem:s0+$0xFFFFFF80];
	_ =	sdelay $0x1  }
0x2d4: {  	v9 =	vld [tilespmem:s0+$0xFFFFFF90];
	_ =	sdelay $0x1  }
0x2d5: {  	v10 =	vld [tilespmem:s0+$0xFFFFFFA0]  }
0x2d6: {  	vm4 =	vge.u32 v8, v4  }
0x2d7: {  	v5 =	vmpcnt.ones.xlane vm4;
	v11 =	vld [tilespmem:s0+$0xFFFFFFB0]  }
0x2d8: {  	vm6 =	vge.u32 v9, v4  }
0x2d9: {  	v6 =	vmpcnt.ones.xlane vm6;
	v12 =	vld [tilespmem:s0+$0xFFFFFFC0];
	(v2sf) =	vpush v5, $0x0  }
0x2da: {  	vm8 =	vge.u32 v10, v4  }
0x2db: {  	v5 =	vmpcnt.ones.xlane vm8;
	v13 =	vld [tilespmem:s0+$0xFFFFFFD0];
	(v2sf) =	vpush v6, $0x0  }
0x2dc: {  	vm9 =	vge.u32 v11, v4  }
0x2dd: {  	v6 =	vmpcnt.ones.xlane vm9;
	v14 =	vld [tilespmem:s0+$0xFFFFFFE0];
	(v2sf) =	vpush v5, $0x0  }
0x2de: {  	vm0 =	vge.u32 v12, v4  }
0x2df: {  	v7 =	vmpcnt.ones.xlane vm0;
	v15 =	vld [tilespmem:s0+$0xFFFFFFF0];
	(v2sf) =	vpush v6, $0x0  }
0x2e0: {  	vm7 =	vge.u32 v13, v4;
	v5 =	vld [tilespmem:s0+$0x70]  }
0x2e1: {  	v16 =	vmpcnt.ones.xlane vm7;
	v17 =	vld [tilespmem:s0+$0x0];
	(v2sf) =	vpush v7, $0x0  }
0x2e2: {  	vm5 =	vge.u32 v14, v4;
	v6 =	vld [tilespmem:s0+$0x60]  }
0x2e3: {  	v18 =	vmpcnt.ones.xlane vm5;
	v19 =	vld [tilespmem:s0+$0x10];
	(v2sf) =	vpush v16, $0x0  }
0x2e4: {  	vm3 =	vge.u32 v15, v4;
	v7 =	vld [tilespmem:s0+$0x50]  }
0x2e5: {  	v16 =	vmpcnt.ones.xlane vm3;
	v20 =	vld [tilespmem:s0+$0x20];
	(v2sf) =	vpush v18, $0x0  }
0x2e6: {  	vm1 =	vge.u32 v17, v4;
	v18 =	vld [tilespmem:s0+$0x40]  }
0x2e7: {  	s4 =	sadd.s32 $0xFFFFFF10, s2;
	v21 =	vmpcnt.ones.xlane vm1;
	v22 =	vld [tilespmem:s0+$0x30];
	(v2sf) =	vpush v16, $0x0  }
0x2e8: {  	vm2 =	vge.u32 v19, v4;
	[tilespmem:s3+$0xC100] =	vst.msk vm4, v8;
	v8 =	vor.u32 s4, v0;
	s4 =	spop (v2sf)  }
0x2e9: {  	s5 =	sadd.s32 $0xFFFFFF20, s2;
	v16 =	vmpcnt.ones.xlane vm2;
	[tilespmem:s3+$0x12180] =	vst.msk vm4, v8;
	s3 =	sadd.s32 s3, s4;
	(v2sf) =	vpush v21, $0x0  }
0x2ea: {  	v8 =	vor.u32 s5, v0;
	vm4 =	vge.u32 v20, v4;
	[tilespmem:s3+$0xC100] =	vst.msk vm6, v9;
	s4 =	spop (v2sf)  }
0x2eb: {  	s5 =	sadd.s32 $0xFFFFFF30, s2;
	v9 =	vmpcnt.ones.xlane vm4;
	[tilespmem:s3+$0x12180] =	vst.msk vm6, v8;
	s3 =	sadd.s32 s3, s4;
	(v2sf) =	vpush v16, $0x0  }
0x2ec: {  	v8 =	vor.u32 s5, v0;
	vm6 =	vge.u32 v22, v4;
	[tilespmem:s3+$0xC100] =	vst.msk vm8, v10;
	s4 =	spop (v2sf)  }
0x2ed: {  	s5 =	sadd.s32 $0xFFFFFF40, s2;
	v10 =	vmpcnt.ones.xlane vm6;
	[tilespmem:s3+$0x12180] =	vst.msk vm8, v8;
	s3 =	sadd.s32 s3, s4;
	(v2sf) =	vpush v9, $0x0  }
0x2ee: {  	vm8 =	vge.u32 v18, v4;
	v8 =	vor.u32 s5, v0;
	[tilespmem:s3+$0xC100] =	vst.msk vm9, v11;
	s4 =	spop (v2sf)  }
0x2ef: {  	s5 =	sadd.s32 $0xFFFFFF50, s2;
	v9 =	vmpcnt.ones.xlane vm8;
	[tilespmem:s3+$0x12180] =	vst.msk vm9, v8;
	s3 =	sadd.s32 s3, s4;
	(v2sf) =	vpush v10, $0x0  }
0x2f0: {  	vm9 =	vge.u32 v7, v4;
	v8 =	vor.u32 s5, v0;
	[tilespmem:s3+$0xC100] =	vst.msk vm0, v12;
	s4 =	spop (v2sf)  }
0x2f1: {  	s5 =	sadd.s32 $0xFFFFFF60, s2;
	v10 =	vmpcnt.ones.xlane vm9;
	[tilespmem:s3+$0x12180] =	vst.msk vm0, v8;
	s3 =	sadd.s32 s3, s4;
	(v2sf) =	vpush v9, $0x0  }
0x2f2: {  	vm10 =	vge.u32 v6, v4;
	v8 =	vor.u32 s5, v0;
	[tilespmem:s3+$0xC100] =	vst.msk vm7, v13;
	s4 =	spop (v2sf)  }
0x2f3: {  	s5 =	sadd.s32 $0xFFFFFF70, s2;
	v9 =	vmpcnt.ones.xlane vm10;
	vm0 =	vge.u32 v5, v4;
	[tilespmem:s3+$0x12180] =	vst.msk vm7, v8;
	s3 =	sadd.s32 s3, s4;
	(v2sf) =	vpush v10, $0x0  }
0x2f4: {  	v8 =	vmpcnt.ones.xlane vm0;
	v10 =	vor.u32 s5, v0;
	[tilespmem:s3+$0xC100] =	vst.msk vm5, v14;
	s4 =	spop (v2sf)  }
0x2f5: {  	s5 =	sadd.s32 $0xFFFFFF80, s2;
	[tilespmem:s3+$0x12180] =	vst.msk vm5, v10;
	s3 =	sadd.s32 s3, s4;
	(v2sf) =	vpush v9, $0x0  }
0x2f6: {  	v9 =	vor.u32 s5, v0;
	[tilespmem:s3+$0xC100] =	vst.msk vm3, v15;
	s4 =	spop (v2sf);
	(v2sf) =	vpush v8, $0x0  }
0x2f7: {  	s5 =	sadd.s32 $0xFFFFFF90, s2;
	[tilespmem:s3+$0x12180] =	vst.msk vm3, v9;
	s3 =	sadd.s32 s3, s4  }
0x2f8: {  	v8 =	vor.u32 s5, v0;
	[tilespmem:s3+$0xC100] =	vst.msk vm1, v17;
	s4 =	spop (v2sf)  }
0x2f9: {  	s5 =	sadd.s32 $0xFFFFFFA0, s2;
	[tilespmem:s3+$0x12180] =	vst.msk vm1, v8;
	s3 =	sadd.s32 s3, s4  }
0x2fa: {  	v8 =	vor.u32 s5, v0;
	[tilespmem:s3+$0xC100] =	vst.msk vm2, v19;
	s4 =	spop (v2sf)  }
0x2fb: {  	s5 =	sadd.s32 $0xFFFFFFB0, s2;
	[tilespmem:s3+$0x12180] =	vst.msk vm2, v8;
	s3 =	sadd.s32 s3, s4  }
0x2fc: {  	v8 =	vor.u32 s5, v0;
	[tilespmem:s3+$0xC100] =	vst.msk vm4, v20;
	s4 =	spop (v2sf)  }
0x2fd: {  	s5 =	sadd.s32 $0xFFFFFFC0, s2;
	[tilespmem:s3+$0x12180] =	vst.msk vm4, v8;
	s3 =	sadd.s32 s3, s4  }
0x2fe: {  	v8 =	vor.u32 s5, v0;
	[tilespmem:s3+$0xC100] =	vst.msk vm6, v22;
	s4 =	spop (v2sf)  }
0x2ff: {  	s5 =	sadd.s32 $0xFFFFFFD0, s2;
	[tilespmem:s3+$0x12180] =	vst.msk vm6, v8;
	s3 =	sadd.s32 s3, s4  }
0x300: {  	v8 =	vor.u32 s5, v0;
	[tilespmem:s3+$0xC100] =	vst.msk vm8, v18;
	s4 =	spop (v2sf)  }
0x301: {  	s5 =	sadd.s32 $0xFFFFFFE0, s2;
	[tilespmem:s3+$0x12180] =	vst.msk vm8, v8;
	s3 =	sadd.s32 s3, s4  }
.Ltmp29:
0x302: {  	[tilespmem:s3+$0xC100] =	vst.msk vm9, v7;
	v7 =	vor.u32 s5, v0;
	s4 =	spop (v2sf);
	(pc) =	sbr.rel @p0 .LBB2_49-.Ltmp29, $4  }
0x303: {  	s5 =	sadd.s32 $0xFFFFFFF0, s2;
	[tilespmem:s3+$0x12180] =	vst.msk vm9, v7;
	s3 =	sadd.s32 s3, s4  }
0x304: {  	[tilespmem:s3+$0xC100] =	vst.msk vm10, v6;
	v6 =	vor.u32 s5, v0;
	s4 =	spop (v2sf)  }
0x305: {  	[tilespmem:s3+$0x12180] =	vst.msk vm10, v6;
	s4 =	sadd.s32 s3, s4;
	s3 =	spop (v2sf)  }
0x306: {  	[tilespmem:s4+$0xC100] =	vst.msk vm0, v5;
	v5 =	vor.u32 s2, v0;
	s3 =	sadd.s32 s4, s3  }
0x307: {  	s0 =	sadd.s32 $0xF, s3  }
0x308: {  	s1 =	sand.u32 $0xF, s0  }
0x309: {  	s31 =	sshra.s32 s0, $0x1F;
	p1 =	slt.s32 s0, $0x1;
	p0 =	sne.s32 s1, $0x0  }
.Ltmp30:
0x30a: {  	s1 =	sshrl.u32 s31, $0x1C;
	p0 =	por !p1, !p0;
	(pc) =	sbr.rel .LBB2_51-.Ltmp30, $4  }
0x30b: {  	s0 =	sadd.s32 s1, s0;
	s1 =	simm.s32 $0x1;
	p0 =	por !p0, !p0  }
0x30c: {  	[tilespmem:s4+$0x12180] =	vst.msk vm0, v5;
	s0 =	sshra.s32 s0, $0x4;
	s1 =	simm.s32 @!p0 $0x0  }
0x30d: {  	[tilespmem:s3+$0xC100] =	vst v1;
	s0 =	ssub.s32 s0, s1  }
0x30e: {  	s2 =	simm.s32 $0x0;
	[tilespmem:s3+$0x12180] =	vst v2;
	s1 =	simm.s32 $0x0;
	p0 =	slt.s32 s0, $0x1  }
.LBB2_52:
0x30f: {  	v4 =	vimm.s32 $0x0  }
.LBB2_58:
0x310: {  	(xrf0) =	vadd.scan.msk.s32 $0xffff, v4;
	_ =	sdelay $0x5  }
0x311: {  	v4, _, _ =	vpop (xrf0)  }
0x312: {  	(v2sf) =	vpush v4, $0xF;
	_ =	sdelay $0xa  }
0x313: {  	s2 =	sadd.s32 $0x1, s2  }
0x314: {  	p2 =	seq.s32 s2, $0x20  }
.Ltmp31:
0x315: {  	_ = 	snop;
	(pc) =	sbr.rel @p2 .LBB2_53-.Ltmp31, $4  }
0x316: {  	_ = 	snop  }
0x317: {  	s4 =	spop (v2sf)  }
0x318: {  	p1 =	sgt.s32 s4, $0x3F  }
0x319: {  	s1 =	smov.u32 @p1 s3  }
.LBB2_51:
.Ltmp32:
0x31a: {  	(pc) =	sbr.rel @p0 .LBB2_52-.Ltmp32, $3  }
0x31b: {  	_ =	sdelay $0x1  }
0x31c: {  	s3 =	sshrl.u32 s13, s2  }
0x31d: {  	s3 =	sor.u32 s3, s1  }
0x31e: {  	s4 =	simm.s32 $0xC100  }
0x31f: {  	p1 =	sne.s32 s0, $0x1;
	v6 =	vld [tilespmem:s4+$0x0]  }
.Ltmp33:
0x320: {  	_ = 	snop;
	(pc) =	sbr.rel @!p1 .LBB2_57-.Ltmp33, $3  }
0x321: {  	_ =	sdelay $0x1  }
0x322: {  	v5 =	vmov s3  }
0x323: {  	v4 =	vimm.s32 $0x0;
	s5 =	simm.s32 $0xC110;
	s4 =	sadd.s32 $0xFFFFFFFF, s0;
	vm0 =	vge.u32 v6, v5  }
.LBB2_56:
0x324: {  	v6 =	vld [tilespmem:s5+$0x0];
	p1 =	sne.s32 s4, $0x1;
	s4 =	sadd.s32 $0xFFFFFFFF, s4;
	v7 =	vsel vm0, $0x1, v1  }
.Ltmp34:
0x325: {  	v4 =	vadd.s32 v7, v4;
	(pc) =	sbr.rel @p1 .LBB2_56-.Ltmp34, $2  }
0x326: {  	_ =	sdelay $0x2  }
0x327: {  	s5 =	sadd.s32 $0x10, s5;
	vm0 =	vge.u32 v6, v5  }
.LBB2_57:
.Ltmp35:
0x328: {  	(pc) =	sbr.rel .LBB2_58-.Ltmp35, $3  }
0x329: {  	_ =	sdelay $0x1  }
0x32a: {  	v5 =	vsel vm0, $0x1, v1  }
0x32b: {  	v4 =	vadd.s32 v5, v4  }
.LBB2_53:
0x32c: {  	p0 =	sgt.s32 s0, $0x0  }
.Ltmp36:
0x32d: {  	_ = 	snop;
	(pc) =	sbr.rel @!p0 .LBB2_54-.Ltmp36, $2  }
0x32e: {  	_ =	sdelay $0x2  }
0x32f: {  	v4 =	vmov s1  }
0x330: {  	s1 =	simm.s32 $0xC100  }
0x331: {  	p6 =	sne.s32 s0, $0x1;
	v6 =	vld [tilespmem:s1+$0x0]  }
.Ltmp37:
0x332: {  	_ = 	snop;
	(pc) =	sbr.rel @!p6 .LBB2_61-.Ltmp37, $2  }
0x333: {  	_ =	sdelay $0x2  }
0x334: {  	v5 =	vimm.s32 $0x0;
	s2 =	simm.s32 $0xC110;
	s1 =	sadd.s32 $0xFFFFFFFF, s0;
	vm0 =	vgt.u32 v6, v4  }
.LBB2_60:
0x335: {  	v6 =	vld [tilespmem:s2+$0x0];
	p0 =	sne.s32 s1, $0x1;
	s1 =	sadd.s32 $0xFFFFFFFF, s1;
	v7 =	vsel vm0, $0x1, v1  }
.Ltmp38:
0x336: {  	v5 =	vadd.s32 v7, v5;
	(pc) =	sbr.rel @p0 .LBB2_60-.Ltmp38, $2  }
0x337: {  	_ =	sdelay $0x2  }
0x338: {  	s2 =	sadd.s32 $0x10, s2;
	vm0 =	vgt.u32 v6, v4  }
.LBB2_61:
0x339: {  	v6 =	vsel vm0, $0x1, v1  }
0x33a: {  	v5 =	vadd.s32 v6, v5  }
0x33b: {  	(xrf0) =	vadd.scan.msk.s32 $0xffff, v5;
	_ =	sdelay $0x5  }
0x33c: {  	v5, _, _ =	vpop (xrf0)  }
0x33d: {  	(v2sf) =	vpush v5, $0xF;
	_ =	sdelay $0x8  }
0x33e: {  	s1 =	simm.s32 $0xC100  }
0x33f: {  	v5 =	vld [tilespmem:s1+$0x0];
	_ =	sdelay $0x1  }
.Ltmp39:
0x340: {  	_ = 	snop;
	(pc) =	sbr.rel @!p6 .LBB2_62-.Ltmp39, $3  }
0x341: {  	_ =	sdelay $0x1  }
0x342: {  	s18 =	simm.s32 $0x0;
	vm0 =	veq.s32 v5, v4;
	s31 =	spop (v2sf)  }
0x343: {  	s20 =	simm.s32 $0x12180;
	s0 =	sadd.s32 $0xFFFFFFFF, s0;
	v6 =	vsel vm0, $0x1, v1;
	s19 =	ssub.s32 $0x40, s31  }
0x344: {  	s1 =	simm.s32 $0xC110;
	(xrf0) =	vadd.scan.msk.s32 $0xffff, v6  }
0x345: {  	v5 =	vld [tilespmem:s1+$0x0]  }
0x346: {  	p5 =	sne.s32 s0, $0x1  }
.Ltmp40:
0x347: {  	_ = 	snop;
	(pc) =	sbr.rel @!p5 .LBB2_64-.Ltmp40, $3  }
0x348: {  	_ =	sdelay $0x1  }
0x349: {  	vm1 =	vmmov vm0;
	vm0 =	veq.s32 v5, v4;
	v5, _, _ =	vpop (xrf0)  }
0x34a: {  	s0 =	sadd.s32 $0xFFFFFFFF, s0;
	v6 =	vsel vm0, $0x1, v1;
	(v2sf) =	vpush v5, $0xF  }
0x34b: {  	s1 =	simm.s32 $0xC120;
	(xrf0) =	vadd.scan.msk.s32 $0xffff, v6  }
0x34c: {  	v6 =	vld [tilespmem:s1+$0x0]  }
0x34d: {  	p5 =	sne.s32 s0, $0x1  }
.Ltmp41:
0x34e: {  	_ = 	snop;
	(pc) =	sbr.rel @!p5 .LBB2_66-.Ltmp41, $3  }
0x34f: {  	_ =	sdelay $0x1  }
0x350: {  	vm2 =	vmmov vm1;
	vm1 =	vmmov vm0;
	vm0 =	veq.s32 v6, v4;
	v7, _, _ =	vpop (xrf0)  }
0x351: {  	s0 =	sadd.s32 $0xFFFFFFFF, s0;
	v6 =	vsel vm0, $0x1, v1;
	(v2sf) =	vpush v7, $0xF  }
0x352: {  	s1 =	simm.s32 $0xC130;
	(xrf0) =	vadd.scan.msk.s32 $0xffff, v6  }
0x353: {  	v6 =	vld [tilespmem:s1+$0x0]  }
0x354: {  	p5 =	sne.s32 s0, $0x1  }
.Ltmp42:
0x355: {  	s2 =	ssub.s32 s19, s18;
	(pc) =	sbr.rel @!p5 .LBB2_68-.Ltmp42, $4  }
0x356: {  	vm3 =	veq.s32 v5, s2  }
0x357: {  	vm3 =	vmand vm2, vm3;
	vm2 =	vmmov vm1  }
0x358: {  	vm1 =	vmmov vm0;
	v8 =	vnsel vm3, $0x80000010, v3;
	vm0 =	veq.s32 v6, v4;
	v5, _, _ =	vpop (xrf0);
	s31 =	spop (v2sf)  }
0x359: {  	s0 =	sadd.s32 $0xFFFFFFFF, s0;
	(xrf0) =	vmin.scan.msk.u32 $0xffff, v8;
	v6 =	vsel vm0, $0x1, v1;
	(v2sf) =	vpush v5, $0xF;
	s21 =	sadd.s32 $0x0, s31  }
0x35a: {  	s1 =	simm.s32 $0xC140;
	(xrf0) =	vadd.scan.msk.s32 $0xffff, v6  }
0x35b: {  	v6 =	vld [tilespmem:s1+$0x0]  }
0x35c: {  	p5 =	sne.s32 s0, $0x1  }
.Ltmp43:
0x35d: {  	s2 =	ssub.s32 s19, s21;
	(pc) =	sbr.rel @!p5 .LBB2_70-.Ltmp43, $4  }
0x35e: {  	vm3 =	veq.s32 v7, s2  }
0x35f: {  	vm3 =	vmand vm2, vm3;
	vm2 =	vmmov vm1;
	vm1 =	vmmov vm0;
	v7, _, _ =	vpop (xrf0)  }
0x360: {  	v8 =	vnsel vm3, $0x80000010, v3;
	(v2sf) =	vpush v7, $0xF;
	vm0 =	veq.s32 v6, v4;
	v7, _, _ =	vpop (xrf0);
	s31 =	spop (v2sf)  }
0x361: {  	s0 =	sadd.s32 $0xFFFFFFFF, s0;
	(xrf0) =	vmin.scan.msk.u32 $0xffff, v8;
	v6 =	vsel vm0, $0x1, v1;
	(v2sf) =	vpush v7, $0xF;
	s23 =	sadd.s32 s21, s31  }
0x362: {  	s1 =	simm.s32 $0xC150;
	(xrf0) =	vadd.scan.msk.s32 $0xffff, v6  }
0x363: {  	v6 =	vld [tilespmem:s1+$0x0]  }
0x364: {  	p5 =	sne.s32 s0, $0x1  }
.Ltmp44:
0x365: {  	s2 =	ssub.s32 s19, s23;
	(pc) =	sbr.rel @!p5 .LBB2_72-.Ltmp44, $4  }
0x366: {  	vm3 =	veq.s32 v5, s2  }
0x367: {  	vm3 =	vmand vm2, vm3;
	vm2 =	vmmov vm1;
	vm1 =	vmmov vm0;
	v5, _, _ =	vpop (xrf0)  }
0x368: {  	v8 =	vnsel vm3, $0x80000010, v3;
	(v2sf) =	vpush v5, $0xF;
	vm0 =	veq.s32 v6, v4;
	v5, _, _ =	vpop (xrf0);
	s31 =	spop (v2sf)  }
0x369: {  	s0 =	sadd.s32 $0xFFFFFFFF, s0;
	(xrf0) =	vmin.scan.msk.u32 $0xffff, v8;
	v6 =	vsel vm0, $0x1, v1;
	(v2sf) =	vpush v5, $0xF;
	s28 =	sadd.s32 s23, s31  }
0x36a: {  	_ =	sdelay $0x2  }
0x36b: {  	s1 =	simm.s32 $0xC160;
	(xrf0) =	vadd.scan.msk.s32 $0xffff, v6;
	v6 =	vld [tilespmem:s20+$0x0]  }
0x36c: {  	v8 =	vld [tilespmem:s1+$0x0]  }
0x36d: {  	s2 =	ssub.s32 s19, s28;
	p5 =	sne.s32 s0, $0x1;
	s30 =	spop (v2sf)  }
.Ltmp45:
0x36e: {  	vm3 =	veq.s32 v7, s2;
	s22 =	sxor.u32 $0x80000000, s30;
	(pc) =	sbr.rel @!p5 .LBB2_74-.Ltmp45, $4  }
0x36f: {  	vm3 =	vmand vm2, vm3;
	vm2 =	vmmov vm1;
	v7 =	vmov s22  }
0x370: {  	vm1 =	vmmov vm0;
	v9, _, _ =	vpop (xrf0);
	vm4 =	veq.s32 v7, v0;
	v7 =	vnsel vm3, $0x80000010, v3  }
0x371: {  	s0 =	sadd.s32 $0xFFFFFFFF, s0;
	(v2sf) =	vpush v9, $0xF;
	vm0 =	veq.s32 v8, v4;
	v9, _, _ =	vpop (xrf0);
	s31 =	spop (v2sf);
	(xrf0) =	vmin.scan.msk.u32 $0xffff, v7;
	v7 =	vnsel vm4, $0x0, v6  }
0x372: {  	s29 =	simm.s32 $0x12190;
	p0 =	por $0x1, $0x1;
	(v2sf) =	vpush v9, $0xF;
	s10 =	sadd.s32 s28, s31;
	v6 =	vsel vm0, $0x1, v1;
	(xrf0) =	vadd.scan.msk.s32 $0xffff, v7  }
0x373: {  	s1 =	simm.s32 @!p0 $0x0  }
0x374: {  	p1 =	por $0x1, $0x1;
	s1 =	simm.s32 @p0 $0x1;
	p0 =	por $0x1, $0x1  }
0x375: {  	p2 =	por $0x1, $0x1;
	[smem:$0x7F1] =	sst s1;
	s1 =	simm.s32 @!p0 $0x0  }
0x376: {  	s26 =	simm.s32 $0xC170;
	(xrf0) =	vadd.scan.msk.s32 $0xffff, v6;
	v6 =	vld [tilespmem:s29+$0x0];
	s30 =	spop (v2sf);
	s1 =	simm.s32 @p0 $0x1  }
0x377: {  	v7 =	vld [tilespmem:s26+$0x0];
	s26 =	sxor.u32 $0x80000000, s30;
	[smem:$0x7F2] =	sst s1;
	s1 =	simm.s32 @!p1 $0x0  }
0x378: {  	s2 =	ssub.s32 s19, s10;
	p5 =	sne.s32 s0, $0x1;
	v8 =	vmov s26;
	s1 =	simm.s32 @p1 $0x1  }
.Ltmp46:
0x379: {  	vm3 =	veq.s32 v5, s2;
	[smem:$0x7F3] =	sst s1;
	s1 =	simm.s32 @!p2 $0x0;
	(pc) =	sbr.rel @!p5 .LBB2_76-.Ltmp46, $4  }
0x37a: {  	p3 =	por $0x1, $0x1;
	s0 =	sadd.s32 $0xFFFFFFFF, s0;
	vm3 =	vmand vm2, vm3;
	vm2 =	vmmov vm1;
	vm1 =	vmmov vm0;
	v5, _, _ =	vpop (xrf0);
	s1 =	simm.s32 @p2 $0x1  }
0x37b: {  	s11 =	simm.s32 $0x121A0;
	(v2sf) =	vpush v5, $0xF;
	v5 =	vnsel vm3, $0x80000010, v3;
	vm3 =	veq.s32 v8, v0;
	v8, _, _ =	vpop (xrf0);
	[smem:$0x7F4] =	sst s1;
	s1 =	simm.s32 @!p3 $0x0  }
0x37c: {  	p4 =	por $0x1, $0x1;
	s31 =	spop (v2sf);
	(xrf0) =	vmin.scan.msk.u32 $0xffff, v5;
	vm0 =	veq.s32 v7, v4;
	v5 =	vnsel vm3, $0x0, v6;
	v7, _, _ =	vpop (xrf0);
	(v2sf) =	vpush v8, $0xF;
	s1 =	simm.s32 @p3 $0x1  }
0x37d: {  	p0 =	por $0x1, $0x1;
	s24 =	sadd.s32 s10, s31;
	v6 =	vsel vm0, $0x1, v1;
	(xrf0) =	vadd.scan.msk.s32 $0xffff, v5;
	(v2sf) =	vpush v7, $0xF;
	[smem:$0x7F5] =	sst s1  }
0x37e: {  	_ =	sdelay $0x1  }
0x37f: {  	s25 =	simm.s32 $0xC180;
	(xrf0) =	vadd.scan.msk.s32 $0xffff, v6  }
0x380: {  	v5 =	vld [tilespmem:s25+$0x0]  }
0x381: {  	v8, _, _ =	vpop (xrf0)  }
0x382: {  	s2 =	spop (v2sf);
	(v2sf) =	vpush v8, $0xF;
	_ =	sdelay $0x1  }
0x383: {  	vm3 =	vmmov vm1;
	v63, _, _ =	vpop (xrf0)  }
0x384: {  	vm1 =	vmmov vm0;
	vm0 =	veq.s32 v5, v4;
	v5, _, _ =	vpop (xrf0);
	(v2sf) =	vpush v63, $0xF  }
0x385: {  	s31 =	spop (v2sf);
	(v2sf) =	vpush v5, $0xF  }
0x386: {  	v6 =	vld [tilespmem:s11+$0x0]  }
0x387: {  	s30 =	ssub.s32 s19, s24;
	p5 =	sne.s32 s0, $0x1  }
.Ltmp47:
0x388: {  	vm4 =	veq.s32 v9, s30;
	s3 =	sxor.u32 $0x80000000, s2;
	(pc) =	sbr.rel @!p5 .LBB2_78-.Ltmp47, $4  }
0x389: {  	s1 =	simm.s32 @!p4 $0x0;
	vm2 =	vmand vm2, vm4;
	v62 =	vmov s3  }
0x38a: {  	s1 =	simm.s32 @p4 $0x1;
	v8 =	vnsel vm2, $0x80000010, v3;
	vm2 =	veq.s32 v62, v0  }
0x38b: {  	p1 =	por $0x1, $0x1;
	p2 =	por $0x0, $0x0;
	[smem:$0x7F6] =	sst s1;
	(xrf0) =	vmin.scan.msk.u32 $0xffff, v8;
	v8 =	vnsel vm2, $0x0, v6  }
0x38c: {  	s1 =	sadd.s32 $0xFFFFFFFF, s0;
	s0 =	simm.s32 $0x121B0;
	s25 =	sadd.s32 s24, s31;
	v6 =	vsel vm0, $0x1, v1;
	(xrf0) =	vadd.scan.msk.s32 $0xffff, v8  }
0x38d: {  	_ =	sdelay $0x1  }
0x38e: {  	(xrf0) =	vadd.scan.msk.s32 $0xffff, v6;
	s2 =	ssub.s32 s19, s25;
	s4 =	spop (v2sf)  }
0x38f: {  	vm4 =	veq.s32 v7, s2;
	s16 =	sxor.u32 $0x80000000, s4  }
0x390: {  	vm4 =	vmand vm3, vm4;
	v10 =	vmov s16;
	v9, _, _ =	vpop (xrf0)  }
0x391: {  	(v2sf) =	vpush v9, $0xF;
	v9 =	vnsel vm4, $0x80000010, v3;
	_ =	sdelay $0x1  }
0x392: {  	vm4 =	veq.s32 v10, v0;
	v10, _, _ =	vpop (xrf0)  }
0x393: {  	s17 =	simm.s32 $0xC190;
	v6 =	vld [tilespmem:s0+$0x0];
	p5 =	sne.s32 s1, $0x1;
	(xrf0) =	vmin.scan.msk.u32 $0xffff, v9;
	(v2sf) =	vpush v10, $0xF;
	v9, _, _ =	vpop (xrf0)  }
0x394: {  	s31 =	sadd.s32 $0xFFFFFFFF, s1;
	p6 =	sgt.s32 s19, $0x0;
	p4 =	slt.s32 s22, $0x10;
	v8 =	vld [tilespmem:s17+$0x0];
	(v2sf) =	vpush v9, $0xF  }
0x395: {  	s1 =	simm.s32 $0x121C0;
	p2 =	por $0x1, $0x1;
	s14 =	simm.s32 $0x0  }
.Ltmp48:
0x396: {  	s5 =	smov.u32 s26;
	s6 =	smov.u32 s3;
	(pc) =	sbr.rel @!p5 .LBB2_80-.Ltmp48, $4  }
0x397: {  	s12 =	smov.u32 s23;
	s7 =	smov.u32 s28;
	s9 =	smov.u32 s10  }
0x398: {  	vm2 =	vmmov vm1;
	s8 =	smov.u32 s24;
	s15 =	smov.u32 s21;
	s20 =	spop (v2sf)  }
0x399: {  	vm1 =	vmmov vm0;
	s2 =	simm.s32 $0x0;
	s29 =	spop (v2sf);
	s4 =	sadd.s32 $0x1, s20;
	vm0 =	veq.s32 v8, v4;
	v8 =	vnsel vm4, $0x0, v6  }
0x39a: {  	s30 =	sadd.s32 s25, s29;
	s2 =	smov.u32 @p4 s4;
	s4 =	smov.u32 s25;
	v6 =	vsel vm0, $0x1, v1;
	(xrf0) =	vadd.scan.msk.s32 $0xffff, v8  }
.LBB2_81:
0x39b: {  	s17 =	sadd.s32 $0x10, s17;
	s20 =	ssub.s32 s19, s30;
	s14 =	smov.u32 @p6 s2  }
0x39c: {  	(xrf0) =	vadd.scan.msk.s32 $0xffff, v6;
	v6 =	vld [tilespmem:s1+$0x0];
	s2 =	smov.u32 s5;
	s5 =	smov.u32 s6;
	s6 =	smov.u32 s16  }
0x39d: {  	p5 =	sne.s32 s31, $0x1;
	s31 =	sadd.s32 $0xFFFFFFFF, s31;
	v8 =	vld [tilespmem:s17+$0x0];
	vm4 =	veq.s32 v5, s20;
	v5 =	vmov v9;
	s20 =	smov.u32 s12  }
0x39e: {  	s12 =	smov.u32 s7;
	s7 =	smov.u32 s9;
	vm4 =	vmand vm2, vm4;
	v9, _, _ =	vpop (xrf0);
	s16 =	spop (v2sf);
	vm2 =	vmmov vm1;
	vm1 =	vmmov vm0  }
.Ltmp49:
0x39f: {  	s9 =	smov.u32 s8;
	v11 =	vnsel vm4, $0x80000010, v3;
	(v2sf) =	vpush v9, $0xF;
	s16 =	sxor.u32 $0x80000000, s16;
	(pc) =	sbr.rel @p5 .LBB2_81-.Ltmp49, $4  }
0x3a0: {  	p6 =	sgt.s32 s19, s15;
	s8 =	smov.u32 s4;
	s4 =	smov.u32 s30;
	(xrf0) =	vmin.scan.msk.u32 $0xffff, v11;
	v11 =	vmov s16  }
0x3a1: {  	p4 =	slt.s32 s2, $0x10;
	s15 =	smov.u32 s20;
	vm4 =	veq.s32 v11, v0;
	v10, _, _ =	vpop (xrf0);
	s29 =	spop (v2sf)  }
0x3a2: {  	s2 =	smov.u32 s14;
	vm0 =	veq.s32 v8, v4;
	v9, _, _ =	vpop (xrf0);
	s20 =	spop (v2sf);
	v8 =	vnsel vm4, $0x0, v6;
	(v2sf) =	vpush v10, $0xF;
	s29 =	sadd.s32 $0x1, s29  }
0x3a3: {  	s1 =	sadd.s32 $0x10, s1;
	v6 =	vsel vm0, $0x1, v1;
	(v2sf) =	vpush v9, $0xF;
	s30 =	sadd.s32 s30, s20;
	(xrf0) =	vadd.scan.msk.s32 $0xffff, v8;
	s2 =	smov.u32 @p4 s29  }
0x3a4: {  	v8 =	vmov v5;
	v5 =	vmov v9;
	s20 =	simm.s32 $0x12180;
	s29 =	simm.s32 $0x12190  }
.LBB2_83:
0x3a5: {  	p4 =	por !p6, !p2  }
0x3a6: {  	s2 =	smov.u32 @p4 s14;
	s14 =	smov.u32 s18  }
0x3a7: {  	s14 =	smov.u32 @p2 s2  }
0x3a8: {  	s2 =	smov.u32 @p1 s5;
	s5 =	smov.u32 @p0 s12;
	s12 =	sld [smem:$0x7F6]  }
0x3a9: {  	s17 =	smov.u32 s22;
	p3 =	por p0, p0  }
0x3aa: {  	s31 =	sld [smem:$0x7F3];
	s17 =	smov.u32 @p0 s6;
	p4 =	sgt.s32 @p1 s19, s15  }
0x3ab: {  	s15 =	sld [smem:$0x7F2];
	p4 =	por @!p1 p0, p0;
	p6 =	seq.s32 s12, $0x1  }
0x3ac: {  	p5 =	slt.s32 @p1 s2, $0x10;
	p4 =	por !p4, !p1;
	s6 =	spop @p6 (v2sf)  }
0x3ad: {  	p5 =	por !p5, !p1;
	s12 =	smov.u32 s18;
	s2 =	spop @p1 (v2sf)  }
0x3ae: {  	s12 =	smov.u32 @p0 s5;
	s5 =	simm.s32 @!p0 $0x0;
	s2 =	sadd.s32 @p1 $0x1, s2  }
0x3af: {  	(xrf0) =	vadd.scan.msk.s32 $0xffff, v6;
	v6 =	vld @p6 [tilespmem:s1+$0x0];
	s1 =	sadd.s32 @p6 $0x10, s1;
	s5 =	simm.s32 @p0 $0x1;
	s2 =	smov.u32 @p5 s14  }
0x3b0: {  	p0 =	seq.s32 s15, $0x1;
	s0 =	smov.u32 @p6 s1;
	s2 =	smov.u32 @p1 s2  }
0x3b1: {  	s2 =	smov.u32 @p4 s14;
	s14 =	smov.u32 @p3 s17;
	s17 =	sld [smem:$0x7F4]  }
0x3b2: {  	s1 =	smov.u32 s26;
	[smem:$0x7F0] =	sst s5;
	s15 =	spop @p0 (v2sf)  }
0x3b3: {  	p4 =	sgt.s32 @p3 s19, s12;
	p5 =	slt.s32 @p3 s14, $0x10;
	s14 =	smov.u32 s18  }
0x3b4: {  	p4 =	por @!p3 p0, p0;
	s14 =	smov.u32 @p1 s2;
	p2 =	seq.s32 s17, $0x1  }
0x3b5: {  	p5 =	por !p5, !p3;
	p1 =	seq.s32 s31, $0x1;
	s5 =	spop @p2 (v2sf)  }
0x3b6: {  	p4 =	por !p4, !p3;
	s12 =	spop @p3 (v2sf);
	s5 =	sxor.u32 @p2 $0x80000000, s5  }
0x3b7: {  	s2 =	sadd.s32 @p3 $0x1, s12;
	s12 =	sadd.s32 @p0 s30, s15;
	s15 =	sld [smem:$0x7F5]  }
0x3b8: {  	s2 =	smov.u32 @p5 s14;
	s25 =	smov.u32 @p0 s12;
	s12 =	ssub.s32 @p0 s19, s30  }
0x3b9: {  	v9, _, _ =	vpop @p1 (xrf0);
	s26 =	smov.u32 @p2 s5;
	s2 =	smov.u32 @p3 s2;
	vm4 =	veq.s32 @p0 v8, s12;
	s12 =	sxor.u32 @p6 $0x80000000, s6  }
0x3ba: {  	(v2sf) =	vpush @p1 v9, $0xF;
	s6 =	smov.u32 s21;
	s2 =	smov.u32 @p4 s14;
	p3 =	seq.s32 s15, $0x1  }
0x3bb: {  	vm2 =	vmand @p0 vm2, vm4;
	s3 =	smov.u32 @p6 s12;
	v9, _, _ =	vpop @p3 (xrf0);
	s14 =	smov.u32 @p3 s16;
	s16 =	sld [smem:$0x7F1]  }
0x3bc: {  	v8 =	vmov @p6 s12;
	s12 =	smov.u32 s28;
	s6 =	smov.u32 @p3 s7;
	s7 =	smov.u32 s23;
	(v2sf) =	vpush @p3 v9, $0xF;
	v9 =	vnsel @p0 vm2, $0x80000010, v3  }
0x3bd: {  	s12 =	smov.u32 @p2 s8;
	s8 =	smov.u32 s10;
	s1 =	smov.u32 @p3 s14;
	vm2 =	veq.s32 @p6 v8, v0;
	v63, _, _ =	vpop (xrf0);
	(xrf0) =	vmin.scan.msk.u32 @p0 $0xffff, v9  }
0x3be: {  	s14 =	smov.u32 @p0 s30;
	s7 =	smov.u32 @p6 s9;
	v6 =	vnsel @p6 vm2, $0x0, v6;
	(v2sf) =	vpush v63, $0xF;
	p5 =	seq.s32 s16, $0x1  }
0x3bf: {  	s9 =	smov.u32 s24;
	s8 =	smov.u32 @p1 s4;
	(xrf0) =	vadd.scan.msk.s32 @p6 $0xffff, v6;
	vm1 =	vmmov @p5 vm1;
	v5 =	vpsel p5, v5, v7;
	s4 =	ssub.s32 @p5 s19, s25  }
0x3c0: {  	s9 =	smov.u32 @p0 s14;
	s14 =	spop @p5 (v2sf);
	v7 =	vmov @p2 s5;
	s5 =	smov.u32 @p2 s12;
	vm2 =	veq.s32 @p5 v5, s4;
	vm3 =	vmmov @p5 vm1  }
0x3c1: {  	v5 =	vld @p2 [tilespmem:s0+$0x0];
	s4 =	smov.u32 @p6 s7;
	s7 =	sadd.s32 @p5 s25, s14;
	s0 =	sadd.s32 @p2 $0x10, s0;
	vm1 =	vmand @p5 vm3, vm2  }
0x3c2: {  	s24 =	smov.u32 @p5 s7;
	s11 =	smov.u32 @p2 s0;
	s0 =	smov.u32 s22;
	v6 =	vnsel @p5 vm1, $0x80000010, v3  }
0x3c3: {  	s7 =	smov.u32 s18;
	s0 =	smov.u32 @p6 s3;
	s3 =	smov.u32 s21;
	v9, _, _ =	vpop @p0 (xrf0);
	(xrf0) =	vmin.scan.msk.u32 @p5 $0xffff, v6  }
0x3c4: {  	vm0 =	vmmov vm0;
	s17 =	ssub.s32 s19, s24;
	s3 =	smov.u32 @p2 s5;
	s5 =	smov.u32 @p0 s9  }
0x3c5: {  	vm0 =	vmmov vm0;
	(v2sf) =	vpush @p0 v9, $0xF;
	s28 =	smov.u32 @p0 s5;
	s5 =	smov.u32 @p5 s25;
	s25 =	sld [smem:$0x7F0];
	v6, _, _ =	vpop @p6 (xrf0)  }
0x3c6: {  	vm2 =	veq.s32 @p2 v7, v0;
	s7 =	smov.u32 @p6 s4;
	s4 =	smov.u32 s23;
	vm14 =	veq.s32 v63, s17;
	(v2sf) =	vpush @p6 v6, $0xF  }
0x3c7: {  	s6 =	smov.u32 @p3 s6;
	s1 =	smov.u32 @p3 s1;
	s4 =	smov.u32 @p1 s8;
	vm0 =	vmand vm0, vm14;
	v5 =	vnsel @p2 vm2, $0x0, v5  }
0x3c8: {  	s10 =	smov.u32 @p5 s5;
	s5 =	smov.u32 s18;
	(xrf0) =	vadd.scan.msk.s32 @p2 $0xffff, v5;
	v5 =	vnsel vm0, $0x80000010, v3;
	p4 =	seq.s32 s25, $0x1  }
0x3c9: {  	(xrf0) =	vmin.scan.msk.u32 $0xffff, v5;
	s5 =	smov.u32 @p4 s2;
	s2 =	spop @p1 (v2sf);
	p4 =	slt.s32 @p3 s1, $0x10;
	v6, _, _ =	vpop @p5 (xrf0)  }
0x3ca: {  	s0 =	smov.u32 @p6 s0;
	p4 =	por !p4, !p3;
	s2 =	sxor.u32 @p1 $0x80000000, s2;
	(v2sf) =	vpush @p5 v6, $0xF  }
0x3cb: {  	v5 =	vld @p1 [tilespmem:s11+$0x0];
	v6 =	vmov @p1 s2;
	s22 =	smov.u32 @p1 s2;
	s2 =	smov.u32 @p0 s28;
	s1 =	spop @p3 (v2sf)  }
0x3cc: {  	s21 =	smov.u32 @p0 s2;
	s2 =	smov.u32 @p5 s10;
	s8 =	sadd.s32 @p3 $0x1, s1  }
0x3cd: {  	s1 =	sadd.s32 @p1 $0x10, s11;
	s23 =	smov.u32 @p5 s2;
	s28 =	spop (v2sf)  }
0x3ce: {  	v7, _, _ =	vpop @p2 (xrf0);
	s8 =	smov.u32 @p4 s5;
	s29 =	smov.u32 @p1 s1;
	s1 =	smov.u32 s18  }
0x3cf: {  	vm0 =	veq.s32 @p1 v6, v0;
	p4 =	sgt.s32 @p3 s19, s6;
	(v2sf) =	vpush @p2 v7, $0xF;
	v6, _, _ =	vpop (xrf0);
	s6 =	simm.s32 $0x12180;
	s1 =	smov.u32 @p1 s4  }
0x3d0: {  	v5 =	vnsel @p1 vm0, $0x0, v5;
	s4 =	smov.u32 @p6 s7;
	p4 =	por @!p3 p0, p0;
	(v2sf) =	vpush v6, $0xF;
	s7 =	smov.u32 @p5 s23  }
0x3d1: {  	(xrf0) =	vadd.scan.msk.s32 @p1 $0xffff, v5;
	s2 =	smov.u32 @p6 s4;
	s4 =	smov.u32 @p3 s8;
	p4 =	por !p4, !p3  }
0x3d2: {  	s2 =	smov.u32 @p6 s2;
	s4 =	smov.u32 @p4 s5;
	s5 =	smov.u32 s18  }
0x3d3: {  	p4 =	slt.s32 @p6 s0, $0x10;
	s0 =	sadd.s32 @p0 $0x10, s29;
	s5 =	smov.u32 @p3 s4  }
0x3d4: {  	v5 =	vld @p0 [tilespmem:s29+$0x0];
	s6 =	smov.u32 @p0 s0;
	s0 =	smov.u32 s18;
	s4 =	spop @p0 (v2sf)  }
0x3d5: {  	p4 =	por !p4, !p6;
	s0 =	smov.u32 @p5 s7;
	s7 =	spop @p6 (v2sf)  }
0x3d6: {  	p3 =	sgt.s32 @p6 s19, s2;
	s4 =	sxor.u32 @p0 $0x80000000, s4;
	s7 =	sadd.s32 @p6 $0x1, s7  }
0x3d7: {  	p3 =	por @!p6 p0, p0;
	v6, _, _ =	vpop @p1 (xrf0);
	v7 =	vmov @p0 s4;
	s7 =	smov.u32 @p4 s5  }
0x3d8: {  	(v2sf) =	vpush @p1 v6, $0xF;
	v6 =	vld @p5 [tilespmem:s6+$0x0];
	vm0 =	veq.s32 @p0 v7, v0;
	p4 =	por !p3, !p6;
	s7 =	smov.u32 @p6 s7  }
0x3d9: {  	s8 =	smov.u32 @p2 s26;
	v5 =	vnsel @p0 vm0, $0x0, v5;
	s7 =	smov.u32 @p4 s5;
	s5 =	spop @p5 (v2sf)  }
0x3da: {  	s2 =	smov.u32 @p2 s8;
	s8 =	smov.u32 @p2 s3;
	(xrf0) =	vadd.scan.msk.s32 @p0 $0xffff, v5;
	s3 =	sxor.u32 @p5 $0x80000000, s5  }
0x3db: {  	s6 =	sadd.s32 @p5 $0x10, s6;
	v5 =	vmov @p5 s3  }
0x3dc: {  	s2 =	smov.u32 @p2 s2;
	s20 =	smov.u32 @p5 s6;
	vm0 =	veq.s32 @p5 v5, v0  }
0x3dd: {  	p4 =	slt.s32 @p2 s2, $0x10;
	s2 =	smov.u32 @p2 s8;
	s5 =	smov.u32 s18;
	v6 =	vnsel @p5 vm0, $0x0, v6  }
0x3de: {  	s2 =	smov.u32 @p2 s2;
	p4 =	por !p4, !p2;
	s6 =	spop @p2 (v2sf);
	v5 =	vld [tilespmem:s20+$0x0]  }
0x3df: {  	s5 =	smov.u32 @p6 s7;
	s6 =	sadd.s32 @p2 $0x1, s6;
	s30 =	spop (v2sf)  }
0x3e0: {  	s6 =	smov.u32 @p4 s5;
	p4 =	sgt.s32 @p2 s19, s2;
	(xrf0) =	vadd.scan.msk.s32 @p5 $0xffff, v6;
	s2 =	sxor.u32 $0x80000000, s30;
	v6, _, _ =	vpop @p0 (xrf0)  }
0x3e1: {  	(v2sf) =	vpush @p0 v6, $0xF;
	v6 =	vmov s2  }
0x3e2: {  	vm15 =	veq.s32 v6, v0  }
0x3e3: {  	v5 =	vnsel vm15, $0x0, v5;
	_ =	sdelay $0x1  }
0x3e4: {  	s0 =	smov.u32 @p5 s0;
	(xrf0) =	vadd.scan.msk.s32 $0xffff, v5  }
0x3e5: {  	s1 =	smov.u32 @p1 s1;
	s0 =	smov.u32 @p5 s0;
	s4 =	smov.u32 @p0 s4;
	v5, _, _ =	vpop @p5 (xrf0)  }
0x3e6: {  	s1 =	smov.u32 @p1 s1;
	s0 =	smov.u32 @p5 s0;
	s4 =	smov.u32 @p0 s4;
	(v2sf) =	vpush @p5 v5, $0xF  }
0x3e7: {  	s4 =	smov.u32 @p0 s4;
	s7 =	smov.u32 @p1 s22;
	p4 =	por @!p2 p0, p0  }
0x3e8: {  	s7 =	smov.u32 @p1 s7;
	s6 =	smov.u32 @p2 s6;
	p4 =	por !p4, !p2  }
0x3e9: {  	s3 =	smov.u32 @p5 s3;
	s7 =	smov.u32 @p1 s7;
	s6 =	smov.u32 @p4 s5  }
0x3ea: {  	s5 =	smov.u32 @p0 s21;
	p4 =	slt.s32 @p1 s7, $0x10;
	s7 =	smov.u32 s18;
	v5, _, _ =	vpop (xrf0)  }
0x3eb: {  	s5 =	smov.u32 @p0 s5;
	s7 =	smov.u32 @p2 s6;
	s6 =	spop @p1 (v2sf);
	(v2sf) =	vpush v5, $0xF  }
0x3ec: {  	p3 =	por !p4, !p1;
	p4 =	sgt.s32 @p1 s19, s1;
	s6 =	sadd.s32 @p1 $0x1, s6  }
0x3ed: {  	s5 =	smov.u32 @p0 s5;
	p4 =	por @!p1 p0, p0;
	s6 =	smov.u32 @p3 s7  }
0x3ee: {  	s1 =	smov.u32 @p0 s5;
	p3 =	por !p4, !p1;
	s5 =	smov.u32 @p1 s6  }
0x3ef: {  	p2 =	slt.s32 @p0 s4, $0x10;
	s1 =	smov.u32 @p0 s1;
	s5 =	smov.u32 @p3 s7  }
0x3f0: {  	p3 =	sgt.s32 @p0 s19, s1;
	s1 =	smov.u32 s18;
	s4 =	spop @p0 (v2sf)  }
0x3f1: {  	p2 =	por !p2, !p0;
	s1 =	smov.u32 @p1 s5;
	s4 =	sadd.s32 @p0 $0x1, s4  }
0x3f2: {  	s3 =	smov.u32 @p5 s3;
	p3 =	por @!p0 p0, p0;
	s4 =	smov.u32 @p2 s1  }
0x3f3: {  	s3 =	smov.u32 @p5 s3;
	p2 =	por !p3, !p0;
	s4 =	smov.u32 @p0 s4  }
0x3f4: {  	s4 =	smov.u32 @p2 s1;
	s1 =	smov.u32 @p5 s3;
	p2 =	sgt.s32 @p5 s19, s0  }
0x3f5: {  	p3 =	slt.s32 @p5 s1, $0x10;
	s1 =	smov.u32 s18;
	s0 =	spop @p5 (v2sf)  }
0x3f6: {  	s1 =	smov.u32 @p0 s4;
	p1 =	por !p3, !p5;
	s0 =	sadd.s32 @p5 $0x1, s0  }
0x3f7: {  	p2 =	por @!p5 p0, p0;
	s0 =	smov.u32 @p1 s1  }
0x3f8: {  	p1 =	por !p2, !p5;
	s0 =	smov.u32 @p5 s0  }
.Ltmp50:
0x3f9: {  	s0 =	smov.u32 @p1 s1;
	(pc) =	sbr.rel .LBB2_84-.Ltmp50, $4  }
0x3fa: {  	s31 =	spop (v2sf);
	s18 =	smov.u32 @p5 s0  }
0x3fb: {  	p0 =	slt.s32 s2, $0x10;
	s0 =	sadd.s32 $0x1, s31;
	s1 =	smov.u32 s18  }
0x3fc: {  	p1 =	sgt.s32 s19, s24;
	s1 =	smov.u32 @p0 s0  }
0x3fd: {  	s3 =	rddreg [dreg:$0xb];
	s18 =	smov.u32 @p1 s1  }
.LBB2_16:
0x3fe: {  	p0 =	por $0x0, $0x0  }
0x3ff: {  	s0 =	simm.s32 @!p0 $0x0  }
0x400: {  	p1 =	por $0x0, $0x0;
	s0 =	simm.s32 @p0 $0x1;
	p0 =	por $0x0, $0x0  }
0x401: {  	p2 =	por $0x0, $0x0;
	[smem:$0x7F8] =	sst s0;
	s0 =	simm.s32 @!p0 $0x0  }
0x402: {  	p3 =	por $0x0, $0x0;
	p4 =	por $0x0, $0x0;
	s0 =	simm.s32 @p0 $0x1  }
0x403: {  	s31 =	simm.s32 $0x0;
	[smem:$0x7F9] =	sst s0;
	s0 =	simm.s32 @!p1 $0x0  }
0x404: {  	s1 =	simm.s32 $0x12180;
	s2 =	simm.s32 $0x0;
	s0 =	simm.s32 @p1 $0x1  }
0x405: {  	s4 =	simm.s32 $0x0;
	[smem:$0x7FA] =	sst s0;
	s0 =	simm.s32 @!p2 $0x0  }
0x406: {  	s17 =	simm.s32 $0x12180;
	s8 =	simm.s32 $0x0;
	s0 =	simm.s32 @p2 $0x1  }
.Ltmp51:
0x407: {  	[smem:$0x7FB] =	sst s0;
	s0 =	simm.s32 @!p3 $0x0;
	(pc) =	sbr.rel .LBB2_41-.Ltmp51, $4  }
0x408: {  	s11 =	simm.s32 $0x12180;
	[dreg:$0xd] =	wrdreg s17;
	s0 =	simm.s32 @p3 $0x1  }
0x409: {  	s21 =	simm.s32 $0x12180;
	[smem:$0x7FC] =	sst s0;
	s0 =	simm.s32 @!p4 $0x0  }
0x40a: {  	[dreg:$0xc] =	wrdreg s21;
	p0 =	por $0x0, $0x0;
	s0 =	simm.s32 @p4 $0x1  }
0x40b: {  	p1 =	por $0x0, $0x0;
	p2 =	por $0x0, $0x0;
	[smem:$0x7FD] =	sst s0  }
.LBB2_62:
0x40c: {  	p0 =	por $0x0, $0x0  }
0x40d: {  	s0 =	simm.s32 @!p0 $0x0  }
0x40e: {  	s0 =	simm.s32 @p0 $0x1;
	p0 =	por $0x0, $0x0  }
0x40f: {  	[smem:$0x7F1] =	sst s0;
	s0 =	simm.s32 @!p0 $0x0  }
0x410: {  	p1 =	por $0x0, $0x0;
	p2 =	por $0x0, $0x0;
	s0 =	simm.s32 @p0 $0x1  }
0x411: {  	p3 =	por $0x0, $0x0;
	[smem:$0x7F2] =	sst s0;
	s0 =	simm.s32 @!p1 $0x0  }
0x412: {  	p4 =	por $0x0, $0x0;
	s30 =	simm.s32 $0x0;
	s0 =	simm.s32 @p1 $0x1  }
0x413: {  	s1 =	simm.s32 $0x12180;
	[smem:$0x7F3] =	sst s0;
	s0 =	simm.s32 @!p2 $0x0  }
0x414: {  	s14 =	simm.s32 $0x0;
	s25 =	simm.s32 $0x0;
	s0 =	simm.s32 @p2 $0x1  }
.Ltmp52:
0x415: {  	[smem:$0x7F4] =	sst s0;
	s0 =	simm.s32 @!p3 $0x0;
	(pc) =	sbr.rel .LBB2_83-.Ltmp52, $4  }
0x416: {  	s24 =	simm.s32 $0x0;
	s11 =	simm.s32 $0x12180;
	s0 =	simm.s32 @p3 $0x1  }
0x417: {  	s29 =	simm.s32 $0x12180;
	[smem:$0x7F5] =	sst s0;
	s0 =	simm.s32 @!p4 $0x0  }
0x418: {  	p0 =	por $0x0, $0x0;
	p1 =	por $0x0, $0x0;
	s0 =	simm.s32 @p4 $0x1  }
0x419: {  	p2 =	por $0x0, $0x0;
	[smem:$0x7F6] =	sst s0;
	s0 =	simm.s32 $0x12180  }
.LBB2_22:
0x41a: {  	p0 =	por $0x1, $0x1  }
0x41b: {  	s0 =	simm.s32 @!p0 $0x0  }
0x41c: {  	p1 =	por $0x0, $0x0;
	s0 =	simm.s32 @p0 $0x1;
	p0 =	por $0x0, $0x0  }
0x41d: {  	p2 =	por $0x0, $0x0;
	[smem:$0x7F8] =	sst s0;
	s0 =	simm.s32 @!p0 $0x0  }
0x41e: {  	p3 =	por $0x0, $0x0;
	p4 =	por $0x0, $0x0;
	s0 =	simm.s32 @p0 $0x1  }
0x41f: {  	s31 =	simm.s32 $0x0;
	[smem:$0x7F9] =	sst s0;
	s0 =	simm.s32 @!p1 $0x0  }
0x420: {  	s1 =	simm.s32 $0x12180;
	s2 =	simm.s32 $0x0;
	s0 =	simm.s32 @p1 $0x1  }
0x421: {  	s4 =	simm.s32 $0x0;
	[smem:$0x7FA] =	sst s0;
	s0 =	simm.s32 @!p2 $0x0  }
0x422: {  	s17 =	simm.s32 $0x12180;
	s8 =	simm.s32 $0x0;
	s0 =	simm.s32 @p2 $0x1  }
.Ltmp53:
0x423: {  	[smem:$0x7FB] =	sst s0;
	s0 =	simm.s32 @!p3 $0x0;
	(pc) =	sbr.rel .LBB2_41-.Ltmp53, $4  }
0x424: {  	s11 =	simm.s32 $0x12180;
	[dreg:$0xd] =	wrdreg s17;
	s0 =	simm.s32 @p3 $0x1  }
0x425: {  	s21 =	simm.s32 $0x12180;
	[smem:$0x7FC] =	sst s0;
	s0 =	simm.s32 @!p4 $0x0  }
0x426: {  	[dreg:$0xc] =	wrdreg s21;
	p0 =	por $0x0, $0x0;
	s0 =	simm.s32 @p4 $0x1  }
0x427: {  	p1 =	por $0x0, $0x0;
	p2 =	por $0x0, $0x0;
	[smem:$0x7FD] =	sst s0  }
.LBB2_64:
0x428: {  	p0 =	por $0x1, $0x1  }
0x429: {  	s0 =	simm.s32 @!p0 $0x0  }
0x42a: {  	s0 =	simm.s32 @p0 $0x1;
	p0 =	por $0x0, $0x0  }
0x42b: {  	[smem:$0x7F1] =	sst s0;
	s0 =	simm.s32 @!p0 $0x0  }
0x42c: {  	p1 =	por $0x0, $0x0;
	p2 =	por $0x0, $0x0;
	s0 =	simm.s32 @p0 $0x1  }
0x42d: {  	p3 =	por $0x0, $0x0;
	[smem:$0x7F2] =	sst s0;
	s0 =	simm.s32 @!p1 $0x0  }
0x42e: {  	p4 =	por $0x0, $0x0;
	s30 =	simm.s32 $0x0;
	s0 =	simm.s32 @p1 $0x1  }
0x42f: {  	s1 =	simm.s32 $0x12180;
	[smem:$0x7F3] =	sst s0;
	s0 =	simm.s32 @!p2 $0x0  }
0x430: {  	s14 =	simm.s32 $0x0;
	s25 =	simm.s32 $0x0;
	s0 =	simm.s32 @p2 $0x1  }
.Ltmp54:
0x431: {  	[smem:$0x7F4] =	sst s0;
	s0 =	simm.s32 @!p3 $0x0;
	(pc) =	sbr.rel .LBB2_83-.Ltmp54, $4  }
0x432: {  	s24 =	simm.s32 $0x0;
	s11 =	simm.s32 $0x12180;
	s0 =	simm.s32 @p3 $0x1  }
0x433: {  	s29 =	simm.s32 $0x12180;
	[smem:$0x7F5] =	sst s0;
	s0 =	simm.s32 @!p4 $0x0  }
0x434: {  	p0 =	por $0x0, $0x0;
	p1 =	por $0x0, $0x0;
	s0 =	simm.s32 @p4 $0x1  }
0x435: {  	p2 =	por $0x0, $0x0;
	[smem:$0x7F6] =	sst s0;
	s0 =	simm.s32 $0x12180  }
.LBB2_24:
0x436: {  	p0 =	por $0x1, $0x1  }
0x437: {  	s0 =	simm.s32 @!p0 $0x0  }
0x438: {  	p1 =	por $0x0, $0x0;
	s0 =	simm.s32 @p0 $0x1;
	p0 =	por $0x1, $0x1  }
0x439: {  	p2 =	por $0x0, $0x0;
	[smem:$0x7F8] =	sst s0;
	s0 =	simm.s32 @!p0 $0x0  }
0x43a: {  	p3 =	por $0x0, $0x0;
	p4 =	por $0x0, $0x0;
	s0 =	simm.s32 @p0 $0x1  }
0x43b: {  	s31 =	simm.s32 $0x0;
	[smem:$0x7F9] =	sst s0;
	s0 =	simm.s32 @!p1 $0x0  }
0x43c: {  	s1 =	simm.s32 $0x12180;
	s2 =	simm.s32 $0x0;
	s0 =	simm.s32 @p1 $0x1  }
0x43d: {  	s4 =	simm.s32 $0x0;
	[smem:$0x7FA] =	sst s0;
	s0 =	simm.s32 @!p2 $0x0  }
0x43e: {  	s17 =	simm.s32 $0x12180;
	s8 =	simm.s32 $0x0;
	s0 =	simm.s32 @p2 $0x1  }
.Ltmp55:
0x43f: {  	[smem:$0x7FB] =	sst s0;
	s0 =	simm.s32 @!p3 $0x0;
	(pc) =	sbr.rel .LBB2_41-.Ltmp55, $4  }
0x440: {  	s11 =	simm.s32 $0x12180;
	[dreg:$0xd] =	wrdreg s17;
	s0 =	simm.s32 @p3 $0x1  }
0x441: {  	s21 =	simm.s32 $0x12180;
	[smem:$0x7FC] =	sst s0;
	s0 =	simm.s32 @!p4 $0x0  }
0x442: {  	[dreg:$0xc] =	wrdreg s21;
	p0 =	por $0x0, $0x0;
	s0 =	simm.s32 @p4 $0x1  }
0x443: {  	v8 =	vmov v5;
	v5 =	vmov v7;
	p1 =	por $0x0, $0x0;
	p2 =	por $0x0, $0x0;
	[smem:$0x7FD] =	sst s0  }
.LBB2_66:
0x444: {  	p0 =	por $0x1, $0x1  }
0x445: {  	s0 =	simm.s32 @!p0 $0x0  }
0x446: {  	s0 =	simm.s32 @p0 $0x1;
	p0 =	por $0x1, $0x1  }
0x447: {  	[smem:$0x7F1] =	sst s0;
	s0 =	simm.s32 @!p0 $0x0  }
0x448: {  	p1 =	por $0x0, $0x0;
	p2 =	por $0x0, $0x0;
	s0 =	simm.s32 @p0 $0x1  }
0x449: {  	p3 =	por $0x0, $0x0;
	[smem:$0x7F2] =	sst s0;
	s0 =	simm.s32 @!p1 $0x0  }
0x44a: {  	p4 =	por $0x0, $0x0;
	s30 =	simm.s32 $0x0;
	s0 =	simm.s32 @p1 $0x1  }
0x44b: {  	s1 =	simm.s32 $0x12180;
	[smem:$0x7F3] =	sst s0;
	s0 =	simm.s32 @!p2 $0x0  }
0x44c: {  	s14 =	simm.s32 $0x0;
	s25 =	simm.s32 $0x0;
	s0 =	simm.s32 @p2 $0x1  }
.Ltmp56:
0x44d: {  	[smem:$0x7F4] =	sst s0;
	s0 =	simm.s32 @!p3 $0x0;
	(pc) =	sbr.rel .LBB2_83-.Ltmp56, $4  }
0x44e: {  	s24 =	simm.s32 $0x0;
	s11 =	simm.s32 $0x12180;
	s0 =	simm.s32 @p3 $0x1  }
0x44f: {  	s29 =	simm.s32 $0x12180;
	[smem:$0x7F5] =	sst s0;
	s0 =	simm.s32 @!p4 $0x0  }
0x450: {  	p0 =	por $0x0, $0x0;
	p1 =	por $0x0, $0x0;
	s0 =	simm.s32 @p4 $0x1  }
0x451: {  	v8 =	vmov v5;
	v5 =	vmov v7;
	p2 =	por $0x0, $0x0;
	[smem:$0x7F6] =	sst s0;
	s0 =	simm.s32 $0x12180  }
.LBB2_26:
0x452: {  	p0 =	por $0x1, $0x1  }
0x453: {  	p1 =	por $0x1, $0x1;
	s0 =	simm.s32 @!p0 $0x0  }
0x454: {  	p2 =	por $0x0, $0x0;
	s0 =	simm.s32 @p0 $0x1;
	p0 =	por $0x1, $0x1  }
0x455: {  	p3 =	por $0x0, $0x0;
	[smem:$0x7F8] =	sst s0;
	s0 =	simm.s32 @!p0 $0x0  }
0x456: {  	p4 =	por $0x0, $0x0;
	s1 =	simm.s32 $0x12180;
	s0 =	simm.s32 @p0 $0x1  }
0x457: {  	s2 =	simm.s32 $0x0;
	[smem:$0x7F9] =	sst s0;
	s0 =	simm.s32 @!p1 $0x0  }
0x458: {  	s31 =	smov.u32 s15;
	s26 =	simm.s32 $0x0;
	s0 =	simm.s32 @p1 $0x1  }
0x459: {  	s4 =	simm.s32 $0x0;
	[smem:$0x7FA] =	sst s0;
	s0 =	simm.s32 @!p2 $0x0  }
0x45a: {  	s17 =	simm.s32 $0x12180;
	s8 =	simm.s32 $0x0;
	s0 =	simm.s32 @p2 $0x1  }
.Ltmp57:
0x45b: {  	[smem:$0x7FB] =	sst s0;
	s0 =	simm.s32 @!p3 $0x0;
	(pc) =	sbr.rel .LBB2_41-.Ltmp57, $4  }
0x45c: {  	s11 =	simm.s32 $0x12180;
	[dreg:$0xd] =	wrdreg s17;
	s0 =	simm.s32 @p3 $0x1  }
0x45d: {  	s21 =	simm.s32 $0x12180;
	[smem:$0x7FC] =	sst s0;
	s0 =	simm.s32 @!p4 $0x0  }
0x45e: {  	[dreg:$0xc] =	wrdreg s21;
	p0 =	por $0x0, $0x0;
	s0 =	simm.s32 @p4 $0x1  }
0x45f: {  	v8 =	vmov v7;
	p1 =	por $0x0, $0x0;
	p2 =	por $0x0, $0x0;
	[smem:$0x7FD] =	sst s0  }
0x460: {  	_ = 	snop  }
.LBB2_68:
0x461: {  	p0 =	por $0x1, $0x1  }
0x462: {  	s0 =	simm.s32 @!p0 $0x0  }
0x463: {  	s0 =	simm.s32 @p0 $0x1;
	p0 =	por $0x1, $0x1  }
0x464: {  	p1 =	por $0x1, $0x1;
	[smem:$0x7F1] =	sst s0;
	s0 =	simm.s32 @!p0 $0x0  }
0x465: {  	p2 =	por $0x0, $0x0;
	p3 =	por $0x0, $0x0;
	s0 =	simm.s32 @p0 $0x1  }
0x466: {  	p4 =	por $0x0, $0x0;
	[smem:$0x7F2] =	sst s0;
	s0 =	simm.s32 @!p1 $0x0  }
0x467: {  	s1 =	simm.s32 $0x12180;
	s14 =	simm.s32 $0x0;
	s0 =	simm.s32 @p1 $0x1  }
0x468: {  	s30 =	smov.u32 s21;
	[smem:$0x7F3] =	sst s0;
	s0 =	simm.s32 @!p2 $0x0  }
0x469: {  	s4 =	simm.s32 $0x0;
	s25 =	simm.s32 $0x0;
	s0 =	simm.s32 @p2 $0x1  }
.Ltmp58:
0x46a: {  	[smem:$0x7F4] =	sst s0;
	s0 =	simm.s32 @!p3 $0x0;
	(pc) =	sbr.rel .LBB2_83-.Ltmp58, $4  }
0x46b: {  	s24 =	simm.s32 $0x0;
	s11 =	simm.s32 $0x12180;
	s0 =	simm.s32 @p3 $0x1  }
0x46c: {  	s29 =	simm.s32 $0x12180;
	[smem:$0x7F5] =	sst s0;
	s0 =	simm.s32 @!p4 $0x0  }
0x46d: {  	p0 =	por $0x0, $0x0;
	p1 =	por $0x0, $0x0;
	s0 =	simm.s32 @p4 $0x1  }
0x46e: {  	v8 =	vmov v7;
	p2 =	por $0x0, $0x0;
	[smem:$0x7F6] =	sst s0;
	s0 =	simm.s32 $0x12180  }
0x46f: {  	_ = 	snop  }
.LBB2_28:
0x470: {  	p0 =	por $0x1, $0x1  }
0x471: {  	p1 =	por $0x1, $0x1;
	p2 =	por $0x1, $0x1;
	s0 =	simm.s32 @!p0 $0x0  }
0x472: {  	p3 =	por $0x0, $0x0;
	s0 =	simm.s32 @p0 $0x1;
	p0 =	por $0x1, $0x1  }
0x473: {  	p4 =	por $0x0, $0x0;
	[smem:$0x7F8] =	sst s0;
	s0 =	simm.s32 @!p0 $0x0  }
0x474: {  	s1 =	simm.s32 $0x12180;
	s2 =	simm.s32 $0x0;
	s0 =	simm.s32 @p0 $0x1  }
0x475: {  	s31 =	smov.u32 s12;
	[smem:$0x7F9] =	sst s0;
	s0 =	simm.s32 @!p1 $0x0  }
0x476: {  	s25 =	simm.s32 $0x0;
	s26 =	smov.u32 s15;
	s0 =	simm.s32 @p1 $0x1  }
0x477: {  	s4 =	simm.s32 $0x0;
	[smem:$0x7FA] =	sst s0;
	s0 =	simm.s32 @!p2 $0x0  }
0x478: {  	s17 =	simm.s32 $0x12180;
	s8 =	simm.s32 $0x0;
	s0 =	simm.s32 @p2 $0x1  }
.Ltmp59:
0x479: {  	[smem:$0x7FB] =	sst s0;
	s0 =	simm.s32 @!p3 $0x0;
	(pc) =	sbr.rel .LBB2_41-.Ltmp59, $4  }
0x47a: {  	s11 =	simm.s32 $0x12180;
	[dreg:$0xd] =	wrdreg s17;
	s0 =	simm.s32 @p3 $0x1  }
0x47b: {  	s21 =	simm.s32 $0x12180;
	[smem:$0x7FC] =	sst s0;
	s0 =	simm.s32 @!p4 $0x0  }
0x47c: {  	[dreg:$0xc] =	wrdreg s21;
	p0 =	por $0x0, $0x0;
	s0 =	simm.s32 @p4 $0x1  }
0x47d: {  	v8 =	vmov v5;
	v5 =	vmov v7;
	p1 =	por $0x0, $0x0;
	p2 =	por $0x0, $0x0;
	[smem:$0x7FD] =	sst s0  }
.LBB2_70:
0x47e: {  	p0 =	por $0x1, $0x1  }
0x47f: {  	s0 =	simm.s32 @!p0 $0x0  }
0x480: {  	p1 =	por $0x1, $0x1;
	s0 =	simm.s32 @p0 $0x1;
	p0 =	por $0x1, $0x1  }
0x481: {  	p2 =	por $0x1, $0x1;
	[smem:$0x7F1] =	sst s0;
	s0 =	simm.s32 @!p0 $0x0  }
0x482: {  	p3 =	por $0x0, $0x0;
	p4 =	por $0x0, $0x0;
	s0 =	simm.s32 @p0 $0x1  }
0x483: {  	s1 =	simm.s32 $0x12180;
	[smem:$0x7F2] =	sst s0;
	s0 =	simm.s32 @!p1 $0x0  }
0x484: {  	s14 =	simm.s32 $0x0;
	s30 =	smov.u32 s23;
	s0 =	simm.s32 @p1 $0x1  }
0x485: {  	s8 =	simm.s32 $0x0;
	[smem:$0x7F3] =	sst s0;
	s0 =	simm.s32 @!p2 $0x0  }
0x486: {  	s4 =	smov.u32 s21;
	s25 =	simm.s32 $0x0;
	s0 =	simm.s32 @p2 $0x1  }
.Ltmp60:
0x487: {  	[smem:$0x7F4] =	sst s0;
	s0 =	simm.s32 @!p3 $0x0;
	(pc) =	sbr.rel .LBB2_83-.Ltmp60, $4  }
0x488: {  	s24 =	simm.s32 $0x0;
	s11 =	simm.s32 $0x12180;
	s0 =	simm.s32 @p3 $0x1  }
0x489: {  	s29 =	simm.s32 $0x12180;
	[smem:$0x7F5] =	sst s0;
	s0 =	simm.s32 @!p4 $0x0  }
0x48a: {  	p0 =	por $0x0, $0x0;
	p1 =	por $0x0, $0x0;
	s0 =	simm.s32 @p4 $0x1  }
0x48b: {  	v8 =	vmov v5;
	v5 =	vmov v7;
	p2 =	por $0x0, $0x0;
	[smem:$0x7F6] =	sst s0;
	s0 =	simm.s32 $0x12180  }
.LBB2_30:
0x48c: {  	p0 =	por $0x1, $0x1;
	p1 =	por $0x1, $0x1  }
0x48d: {  	p2 =	por $0x1, $0x1;
	p3 =	por $0x0, $0x0;
	s0 =	simm.s32 @!p0 $0x0  }
0x48e: {  	p4 =	por $0x1, $0x1;
	s0 =	simm.s32 @p0 $0x1;
	p0 =	por $0x1, $0x1  }
0x48f: {  	s1 =	simm.s32 $0x12180;
	[smem:$0x7F8] =	sst s0;
	s0 =	simm.s32 @!p0 $0x0  }
0x490: {  	s2 =	simm.s32 $0x0;
	s31 =	smov.u32 s7;
	s0 =	simm.s32 @p0 $0x1  }
0x491: {  	s10 =	simm.s32 $0x0;
	[smem:$0x7F9] =	sst s0;
	s0 =	simm.s32 @!p1 $0x0  }
0x492: {  	s25 =	smov.u32 s15;
	s26 =	smov.u32 s12;
	s0 =	simm.s32 @p1 $0x1  }
0x493: {  	s4 =	simm.s32 $0x0;
	[smem:$0x7FA] =	sst s0;
	s0 =	simm.s32 @!p2 $0x0  }
0x494: {  	s17 =	simm.s32 $0x12180;
	s8 =	simm.s32 $0x0;
	s0 =	simm.s32 @p2 $0x1  }
.Ltmp61:
0x495: {  	[smem:$0x7FB] =	sst s0;
	s0 =	simm.s32 @!p3 $0x0;
	(pc) =	sbr.rel .LBB2_41-.Ltmp61, $4  }
0x496: {  	s11 =	simm.s32 $0x12180;
	[dreg:$0xd] =	wrdreg s17;
	s0 =	simm.s32 @p3 $0x1  }
0x497: {  	s21 =	simm.s32 $0x12180;
	[smem:$0x7FC] =	sst s0;
	s0 =	simm.s32 @!p4 $0x0  }
0x498: {  	[dreg:$0xc] =	wrdreg s21;
	p0 =	por $0x0, $0x0;
	s0 =	simm.s32 @p4 $0x1  }
0x499: {  	v8 =	vmov v7;
	p1 =	por $0x0, $0x0;
	p2 =	por $0x0, $0x0;
	[smem:$0x7FD] =	sst s0  }
0x49a: {  	_ = 	snop  }
.LBB2_72:
0x49b: {  	p0 =	por $0x1, $0x1  }
0x49c: {  	p1 =	por $0x1, $0x1;
	s0 =	simm.s32 @!p0 $0x0  }
0x49d: {  	p2 =	por $0x1, $0x1;
	s0 =	simm.s32 @p0 $0x1;
	p0 =	por $0x1, $0x1  }
0x49e: {  	p3 =	por $0x0, $0x0;
	[smem:$0x7F1] =	sst s0;
	s0 =	simm.s32 @!p0 $0x0  }
0x49f: {  	p4 =	por $0x1, $0x1;
	s1 =	simm.s32 $0x12180;
	s0 =	simm.s32 @p0 $0x1  }
0x4a0: {  	s14 =	simm.s32 $0x0;
	[smem:$0x7F2] =	sst s0;
	s0 =	simm.s32 @!p1 $0x0  }
0x4a1: {  	s30 =	smov.u32 s28;
	s9 =	simm.s32 $0x0;
	s0 =	simm.s32 @p1 $0x1  }
0x4a2: {  	s8 =	smov.u32 s21;
	[smem:$0x7F3] =	sst s0;
	s0 =	simm.s32 @!p2 $0x0  }
0x4a3: {  	s4 =	smov.u32 s23;
	s25 =	simm.s32 $0x0;
	s0 =	simm.s32 @p2 $0x1  }
.Ltmp62:
0x4a4: {  	[smem:$0x7F4] =	sst s0;
	s0 =	simm.s32 @!p3 $0x0;
	(pc) =	sbr.rel .LBB2_83-.Ltmp62, $4  }
0x4a5: {  	s24 =	simm.s32 $0x0;
	s11 =	simm.s32 $0x12180;
	s0 =	simm.s32 @p3 $0x1  }
0x4a6: {  	s29 =	simm.s32 $0x12180;
	[smem:$0x7F5] =	sst s0;
	s0 =	simm.s32 @!p4 $0x0  }
0x4a7: {  	p0 =	por $0x0, $0x0;
	p1 =	por $0x0, $0x0;
	s0 =	simm.s32 @p4 $0x1  }
0x4a8: {  	v8 =	vmov v7;
	p2 =	por $0x0, $0x0;
	[smem:$0x7F6] =	sst s0;
	s0 =	simm.s32 $0x12180  }
0x4a9: {  	_ = 	snop  }
.LBB2_32:
0x4aa: {  	s0 =	simm.s32 @!p0 $0x0  }
0x4ab: {  	p1 =	por $0x1, $0x1;
	p2 =	por $0x1, $0x1;
	p3 =	por $0x1, $0x1  }
0x4ac: {  	p4 =	por $0x1, $0x1;
	s0 =	simm.s32 @p0 $0x1;
	p0 =	por $0x1, $0x1  }
0x4ad: {  	s1 =	simm.s32 $0x12190;
	[smem:$0x7F8] =	sst s0;
	s0 =	simm.s32 @!p0 $0x0  }
0x4ae: {  	s31 =	smov.u32 s9;
	s2 =	simm.s32 $0x0;
	s0 =	simm.s32 @p0 $0x1  }
0x4af: {  	s29 =	simm.s32 $0x0;
	[smem:$0x7F9] =	sst s0;
	s0 =	simm.s32 @!p1 $0x0  }
0x4b0: {  	s26 =	smov.u32 s7;
	s4 =	simm.s32 $0x0;
	s0 =	simm.s32 @p1 $0x1  }
0x4b1: {  	s23 =	smov.u32 s16;
	[smem:$0x7FA] =	sst s0;
	s0 =	simm.s32 @!p2 $0x0  }
0x4b2: {  	s10 =	smov.u32 s15;
	s25 =	smov.u32 s12;
	s0 =	simm.s32 @p2 $0x1  }
.Ltmp63:
0x4b3: {  	[smem:$0x7FB] =	sst s0;
	s0 =	simm.s32 @!p3 $0x0;
	(pc) =	sbr.rel .LBB2_41-.Ltmp63, $4  }
0x4b4: {  	s21 =	simm.s32 $0x12180;
	s8 =	simm.s32 $0x0;
	s0 =	simm.s32 @p3 $0x1  }
0x4b5: {  	s11 =	simm.s32 $0x12180;
	[smem:$0x7FC] =	sst s0;
	s0 =	simm.s32 @!p4 $0x0  }
0x4b6: {  	[dreg:$0xd] =	wrdreg s21;
	p0 =	por $0x0, $0x0;
	s0 =	simm.s32 @p4 $0x1  }
0x4b7: {  	v8 =	vmov v5;
	v5 =	vmov v9;
	p1 =	por $0x0, $0x0;
	p2 =	por $0x0, $0x0;
	[smem:$0x7FD] =	sst s0  }
.LBB2_74:
0x4b8: {  	s0 =	simm.s32 @!p0 $0x0;
	p1 =	por $0x1, $0x1;
	p2 =	por $0x1, $0x1  }
0x4b9: {  	p3 =	por $0x1, $0x1;
	s0 =	simm.s32 @p0 $0x1;
	p0 =	por $0x1, $0x1  }
0x4ba: {  	p4 =	por $0x1, $0x1;
	[smem:$0x7F1] =	sst s0;
	s0 =	simm.s32 @!p0 $0x0  }
0x4bb: {  	s1 =	simm.s32 $0x12190;
	s30 =	smov.u32 s10;
	s0 =	simm.s32 @p0 $0x1  }
0x4bc: {  	s14 =	simm.s32 $0x0;
	[smem:$0x7F2] =	sst s0;
	s0 =	simm.s32 @!p1 $0x0  }
0x4bd: {  	s7 =	simm.s32 $0x0;
	s4 =	smov.u32 s28;
	s0 =	simm.s32 @p1 $0x1  }
0x4be: {  	s25 =	simm.s32 $0x0;
	[smem:$0x7F3] =	sst s0;
	s0 =	simm.s32 @!p2 $0x0  }
0x4bf: {  	s16 =	smov.u32 s22;
	s9 =	smov.u32 s21;
	s0 =	simm.s32 @p2 $0x1  }
.Ltmp64:
0x4c0: {  	[smem:$0x7F4] =	sst s0;
	s0 =	simm.s32 @!p3 $0x0;
	(pc) =	sbr.rel .LBB2_83-.Ltmp64, $4  }
0x4c1: {  	s8 =	smov.u32 s23;
	s24 =	simm.s32 $0x0;
	s0 =	simm.s32 @p3 $0x1  }
0x4c2: {  	s11 =	simm.s32 $0x12180;
	[smem:$0x7F5] =	sst s0;
	s0 =	simm.s32 @!p4 $0x0  }
0x4c3: {  	p0 =	por $0x0, $0x0;
	p1 =	por $0x0, $0x0;
	s0 =	simm.s32 @p4 $0x1  }
0x4c4: {  	v8 =	vmov v5;
	v5 =	vmov v9;
	p2 =	por $0x0, $0x0;
	[smem:$0x7F6] =	sst s0;
	s0 =	simm.s32 $0x12180  }
.LBB2_34:
0x4c5: {  	s0 =	simm.s32 @!p4 $0x0  }
0x4c6: {  	s1 =	simm.s32 $0x121A0;
	s2 =	simm.s32 $0x0;
	s31 =	smov.u32 s8  }
.Ltmp65:
0x4c7: {  	s3 =	smov.u32 s16;
	s23 =	smov.u32 s5;
	(pc) =	sbr.rel .LBB2_41-.Ltmp65, $4  }
0x4c8: {  	s24 =	simm.s32 $0x0;
	s29 =	smov.u32 s15;
	s10 =	smov.u32 s12  }
0x4c9: {  	s25 =	smov.u32 s7;
	s26 =	smov.u32 s9;
	s21 =	simm.s32 $0x12180  }
0x4ca: {  	s4 =	simm.s32 $0x0;
	s0 =	simm.s32 @p4 $0x1;
	[dreg:$0xd] =	wrdreg s21  }
0x4cb: {  	v5 =	vmov v7;
	v8 =	vmov v9;
	p1 =	por $0x0, $0x0;
	p2 =	por $0x0, $0x0;
	[smem:$0x7FD] =	sst s0  }
0x4cc: {  	_ = 	snop  }
.LBB2_76:
0x4cd: {  	s0 =	simm.s32 @!p4 $0x0;
	s1 =	simm.s32 $0x121A0;
	s14 =	simm.s32 $0x0  }
.Ltmp66:
0x4ce: {  	s30 =	smov.u32 s24;
	s6 =	smov.u32 s22;
	(pc) =	sbr.rel .LBB2_83-.Ltmp66, $4  }
0x4cf: {  	s16 =	smov.u32 s26;
	s12 =	simm.s32 $0x0;
	s7 =	smov.u32 s21  }
0x4d0: {  	s9 =	smov.u32 s23;
	s8 =	smov.u32 s28;
	s4 =	smov.u32 s10  }
0x4d1: {  	s25 =	simm.s32 $0x0;
	p1 =	por $0x0, $0x0;
	s0 =	simm.s32 @p4 $0x1  }
0x4d2: {  	v5 =	vmov v7;
	v8 =	vmov v9;
	p2 =	por $0x0, $0x0;
	[smem:$0x7F6] =	sst s0;
	s0 =	simm.s32 $0x12180  }
0x4d3: {  	_ = 	snop  }
.LBB2_36:
.Ltmp67:
0x4d4: {  	(pc) =	sbr.rel .LBB2_41-.Ltmp67, $4  }
0x4d5: {  	s31 =	smov.u32 s4;
	s1 =	simm.s32 $0x121B0;
	s2 =	simm.s32 $0x0  }
0x4d6: {  	s28 =	smov.u32 s16;
	s3 =	smov.u32 s5;
	s23 =	smov.u32 s6  }
0x4d7: {  	s24 =	smov.u32 s15;
	s29 =	smov.u32 s12;
	s10 =	smov.u32 s7  }
0x4d8: {  	v8 =	vmov v7;
	vm2 =	vmmov vm3;
	s25 =	smov.u32 s9;
	s26 =	smov.u32 s8;
	s22 =	simm.s32 $0x0  }
.LBB2_78:
.Ltmp68:
0x4d9: {  	(pc) =	sbr.rel .LBB2_83-.Ltmp68, $4  }
0x4da: {  	s30 =	smov.u32 s25;
	s1 =	simm.s32 $0x121B0;
	s14 =	simm.s32 $0x0  }
0x4db: {  	s5 =	smov.u32 s22;
	s6 =	smov.u32 s26;
	s16 =	smov.u32 s3  }
0x4dc: {  	s12 =	smov.u32 s21;
	s7 =	smov.u32 s23;
	s9 =	smov.u32 s28  }
0x4dd: {  	v8 =	vmov v7;
	vm2 =	vmmov vm3;
	s8 =	smov.u32 s10;
	s4 =	smov.u32 s24;
	s15 =	simm.s32 $0x0  }
.LBB2_38:
.Ltmp69:
0x4de: {  	(pc) =	sbr.rel .LBB2_41-.Ltmp69, $4  }
0x4df: {  	s2 =	simm.s32 $0x0  }
0x4e0: {  	s28 =	smov.u32 s5;
	s3 =	smov.u32 s6;
	s24 =	smov.u32 s12  }
0x4e1: {  	s29 =	smov.u32 s7;
	s10 =	smov.u32 s9;
	s25 =	smov.u32 s8  }
0x4e2: {  	v8 =	vmov v5;
	v5 =	vmov v9;
	s26 =	smov.u32 s4;
	s22 =	smov.u32 s15;
	s30 =	simm.s32 $0x12180  }
.LBB2_80:
.Ltmp70:
0x4e3: {  	(pc) =	sbr.rel .LBB2_83-.Ltmp70, $4  }
0x4e4: {  	s14 =	simm.s32 $0x0;
	s5 =	smov.u32 s26  }
0x4e5: {  	s6 =	smov.u32 s3;
	s12 =	smov.u32 s23;
	s7 =	smov.u32 s28  }
0x4e6: {  	s9 =	smov.u32 s10;
	s8 =	smov.u32 s24;
	s4 =	smov.u32 s25  }
0x4e7: {  	v8 =	vmov v5;
	v5 =	vmov v9;
	s15 =	smov.u32 s21;
	s20 =	simm.s32 $0x12180;
	s29 =	simm.s32 $0x12190  }
.LBB2_85:
0x4e8: {  	_ =	sfence.sel $0x180000  }
0x4e9: {  	[bflag:$0x0] =	sbarrier.arrive $0xFFFF  }
0x4ea: {  	_ =	strace $0x90000047  }
0x4eb: {  	s0 =	stileid.u32;
	[bflag:$0x2] =	sbarrier.arrive $0xFFFF  }
0x4ec: {  	p0 =	sne.s32 s0, $0x0;
	s0 =	rddreg [dreg:$0x3]  }
0x4ed: {  	s0 =	sadd.s32 @!p0 $0x100000, s0  }
0x4ee: {  	[sflag:s0] =	ssyncadd.tile.s32 @!p0 $0x1;
	_ =	shalt  }
.Lfunc_end2:
_tile_overlayer_lowered:
.L_overlay_start_2:
0x4ef: {  	(tag) =	ssettag $0x2  }
0x4f0: {  	s0 =	rddreg [dreg:$0x0];
	s2 =	stileid.u32  }
0x4f1: {  	s1 =	rddreg [dreg:$0x1];
	p0 =	sne.s32 s2, $0x0  }
0x4f2: {  	s3 =	rddreg [dreg:$0x2];
	[bflag:$0x3] =	sbarrier.arrive $0xFFFF;
	s2 =	simm.s32 @!p0 $0x1C02  }
0x4f3: {  	[timem:s3], [sflag:s2] =	dma.local @!p0 [hbm:s0], s1  }
0x4f4: {  	s0 =	simm.s32 @!p0 $0x2  }
0x4f5: {  	_ =	swait.ge @!p0 [sflag:s0], s1  }
0x4f6: {  	s1 =	ssub.s32 @!p0 $0x0, s1;
	[sflag:s0] =	ssyncset.done @!p0 $0x0  }
0x4f7: {  	[sflag:s0] =	ssyncadd.s32 @!p0 s1  }
0x4f8: {  	[bflag:$0x3] =	sbarrier.arrive $0xFFFF  }
0x4f9: {  	_ =	shalt  }

</sc_bundles>
